<compile_context>
chip_gen: v7x
topology: tpu7x:2x2x1
jax: 0.10.2.dev20260603
libtpu: 0.0.44.dev20260713+nightly
codegen_flags: <defaults>
</compile_context>

<pallas_src>
import jax
import jax.numpy as jnp
from jax import lax
from jax.experimental import pallas as pl
from jax.experimental.pallas import tpu as pltpu
from jax.experimental.pallas import tpu_sc as plsc

G, S, D, E, C = 4, 8192, 768, 64, 256
BS = 512
SB = S // BS
NB = 1024
CAP = 272
NV_COL = S // 16


def _gates_body(x_ref, w_ref, out_ref):
    dn = (((1,), (0,)), ((), ()))
    l = lax.dot_general(
        x_ref[:, :512], w_ref[:512, :], dn,
        precision=lax.Precision.DEFAULT,
        preferred_element_type=jnp.float32)
    l = l + lax.dot_general(
        x_ref[:, 512:], w_ref[512:, :], dn,
        precision=lax.Precision.DEFAULT,
        preferred_element_type=jnp.float32)
    m = jnp.max(l, axis=-1, keepdims=True)
    e = jnp.exp(l - m)
    s = e
    for d in (32, 16, 8, 4, 2, 1):
        s = s[:, :d] + s[:, d:2 * d]
    g = e / s
    out_ref[...] = g.T[None]


_mesh = plsc.VectorSubcoreMesh(core_axis_name="c", subcore_axis_name="s")


@pl.kernel(
    out_type=[
        jax.ShapeDtypeStruct((G, E, C), jnp.float32),
        jax.ShapeDtypeStruct((G, E, C), jnp.int32),
        jax.ShapeDtypeStruct((G, 64, 128), jnp.float32),
        jax.ShapeDtypeStruct((G, 128), jnp.float32),
    ],
    mesh=_mesh,
    compiler_params=pltpu.CompilerParams(needs_layout_passes=False),
    scratch_types=[
        pltpu.VMEM((S,), jnp.float32),
        pltpu.VMEM((S,), jnp.int32),
        pltpu.VMEM((S,), jnp.int32),
        pltpu.VMEM((S,), jnp.int32),
        pltpu.VMEM((S,), jnp.int32),
        pltpu.VMEM((CAP,), jnp.int32),
        pltpu.VMEM((CAP,), jnp.int32),
        pltpu.VMEM((CAP,), jnp.int32),
        pltpu.VMEM((CAP,), jnp.int32),
        pltpu.VMEM((NB,), jnp.int32),
        pltpu.VMEM((NB + 16,), jnp.int32),
        pltpu.VMEM((32,), jnp.int32),
        pltpu.VMEM((32,), jnp.int32),
        pltpu.VMEM((C,), jnp.float32),
        pltpu.VMEM((64, 128), jnp.float32),
        pltpu.VMEM((64,), jnp.int32),
        pltpu.VMEM_SHARED((128, 128), jnp.float32),
    ],
)
def _route_kernel(gt, zin, tg, ti, ne, rp,
                  col, bk, bi, ck, ci, rk, ri, sk, si,
                  hist, suf, cnt32, base32, og, lh, idx64, shared):
    c = lax.axis_index("c")
    sid = lax.axis_index("s")
    g2 = sid // 8
    g = c * 2 + g2
    eb = (sid % 8) * 8

    iota16 = lax.iota(jnp.int32, 16)
    zi = jnp.full((16,), 0, jnp.int32)
    onesf = jnp.full((16,), 1.0, jnp.float32)

    pltpu.sync_copy(zin, lh)
    suf[pl.ds(NB, 16)] = zi

    @pl.when(sid % 8 == 0)
    def _():
        pltpu.sync_copy(lh, shared.at[pl.ds(g2 * 64, 64)])

    def mk_idx(k, _):
        idx64[pl.ds(k * 16, 16)] = iota16 + (g2 * 64 + k * 16)
        return 0
    lax.fori_loop(0, 4, mk_idx, 0)
    plsc.subcore_barrier()

    def zero_hist():
        @plsc.parallel_loop(0, NB // 16, unroll=4)
        def _zh(i):
            hist[pl.ds(i * 16, 16)] = zi

    def suffix_boundary(need):
        def sstep(j, carry):
            k = NB // 16 - 1 - j
            h = hist[pl.ds(k * 16, 16)]
            cs = plsc.cumsum(lax.rev(h, (0,))) + carry
            suf[pl.ds(k * 16, 16)] = lax.rev(cs, (0,))
            return jnp.max(cs, axis=0)
        plsc.parallel_loop(0, NB // 16, unroll=2,
                           carry=jnp.int32(0))(sstep)

        def fstep(k, best):
            v = suf[pl.ds(k * 16, 16)]
            cand = jnp.where(v >= need, iota16 + k * 16, -1)
            return jnp.maximum(best, jnp.max(cand, axis=0))
        b = plsc.parallel_loop(0, NB // 16, unroll=4,
                               carry=jnp.int32(-1))(fstep)
        nhi_v = plsc.load_gather(suf, [jnp.full((16,), b + 1, jnp.int32)])
        return b, jnp.max(nhi_v, axis=0)

    def level1():
        zero_hist()

        @plsc.parallel_loop(0, NV_COL, unroll=4)
        def _ha(i):
            k = plsc.bitcast(col[pl.ds(i * 16, 16)], jnp.int32)
            d = lax.shift_right_logical(k, 21) & (NB - 1)
            cnt, last = plsc.scan_count(d)
            plsc.addupdate_scatter(hist, [d], cnt, mask=last)
        b, n_hi = suffix_boundary(jnp.int32(C))

        def cp(i, carry):
            oh, oe = carry
            k = plsc.bitcast(col[pl.ds(i * 16, 16)], jnp.int32)
            ix = iota16 + i * 16
            d = lax.shift_right_logical(k, 21) & (NB - 1)
            mh = d > b
            me = d == b
            plsc.store_compressed(rk.at[pl.ds(oh, 16)], k, mask=mh)
            plsc.store_compressed(ri.at[pl.ds(oh, 16)], ix, mask=mh)
            plsc.store_compressed(bk.at[pl.ds(oe, 16)], k, mask=me)
            plsc.store_compressed(bi.at[pl.ds(oe, 16)], ix, mask=me)
            return (oh + jnp.sum(mh.astype(jnp.int32), axis=0),
                    oe + jnp.sum(me.astype(jnp.int32), axis=0))
        oh, oe = plsc.parallel_loop(
            0, NV_COL, unroll=4,
            carry=(jnp.int32(0), jnp.int32(0)))(cp)
        return oe, jnp.int32(C) - n_hi, oh

    def run_level(skr, sir, dkr, dir_, n, need, off, shift):
        nv = (n + 15) // 16
        zero_hist()

        def ha(i, _):
            k = skr[pl.ds(i * 16, 16)]
            d = lax.shift_right_logical(k, shift) & (NB - 1)
            valid = (iota16 + i * 16) < n
            cnt, last = plsc.scan_count(d, mask=valid)
            plsc.addupdate_scatter(hist, [d], cnt,
                                   mask=jnp.logical_and(last, valid))
            return 0
        plsc.parallel_loop(0, nv, unroll=2)(lambda i: ha(i, 0))
        b, n_hi = suffix_boundary(need)

        def cp(i, carry):
            oh, oe = carry
            k = skr[pl.ds(i * 16, 16)]
            ix = sir[pl.ds(i * 16, 16)]
            d = lax.shift_right_logical(k, shift) & (NB - 1)
            valid = (iota16 + i * 16) < n
            mh = jnp.logical_and(d > b, valid)
            me = jnp.logical_and(d == b, valid)
            plsc.store_compressed(rk.at[pl.ds(oh, 16)], k, mask=mh)
            plsc.store_compressed(ri.at[pl.ds(oh, 16)], ix, mask=mh)
            plsc.store_compressed(dkr.at[pl.ds(oe, 16)], k, mask=me)
            plsc.store_compressed(dir_.at[pl.ds(oe, 16)], ix, mask=me)
            return (oh + jnp.sum(mh.astype(jnp.int32), axis=0),
                    oe + jnp.sum(me.astype(jnp.int32), axis=0))
        oh, oe = plsc.parallel_loop(
            0, nv, unroll=2, carry=(off, jnp.int32(0)))(cp)
        return oe, need - n_hi, oh

    def column(j, _):
        e = eb + j
        pltpu.sync_copy(gt.at[g, e], col)

        n_eq, need, off = level1()
        n_eq, need, off = run_level(bk, bi, ck, ci, n_eq, need, off, 11)
        n_eq, need, off = run_level(ck, ci, bk, bi, n_eq, need, off, 1)
        n_eq, need, off = run_level(bk, bi, ck, ci, n_eq, need, off, 0)

        def fc(i, o):
            rk[pl.ds(o, 16)] = ck[pl.ds(i * 16, 16)]
            ri[pl.ds(o, 16)] = ci[pl.ds(i * 16, 16)]
            return o + 16
        lax.fori_loop(0, (need + 15) // 16, fc, off)

        bufs = ((rk, ri), (sk, si))
        for p, shift in enumerate((0, 5, 10, 15, 20, 25, 30)):
            skr, sir = bufs[p % 2]
            dkr, dir_ = bufs[(p + 1) % 2]
            cnt32[pl.ds(0, 16)] = zi
            cnt32[pl.ds(16, 16)] = zi

            def pa(i, skr=skr, shift=shift):
                k = skr[pl.ds(i * 16, 16)]
                d = 31 - (lax.shift_right_logical(k, shift) & 31)
                cnt, last = plsc.scan_count(d)
                plsc.addupdate_scatter(cnt32, [d], cnt, mask=last)
            plsc.parallel_loop(0, C // 16, unroll=4)(pa)

            v = cnt32[pl.ds(0, 16)]
            w = cnt32[pl.ds(16, 16)]
            cs1 = plsc.cumsum(v)
            cs2 = plsc.cumsum(w)
            base32[pl.ds(0, 16)] = cs1 - v
            base32[pl.ds(16, 16)] = cs2 - w + jnp.max(cs1, axis=0)

            def pb(i, _, skr=skr, sir=sir, dkr=dkr, dir_=dir_, shift=shift):
                k = skr[pl.ds(i * 16, 16)]
                ix = sir[pl.ds(i * 16, 16)]
                d = 31 - (lax.shift_right_logical(k, shift) & 31)
                cnt, last = plsc.scan_count(d)
                bsv = plsc.load_gather(base32, [d])
                pos = bsv + cnt - 1
                plsc.store_scatter(dkr, [pos], k)
                plsc.store_scatter(dir_, [pos], ix)
                plsc.store_scatter(base32, [d], bsv + cnt, mask=last)
                return 0
            lax.fori_loop(0, C // 16, pb, 0)

        @plsc.parallel_loop(0, C // 16, unroll=4)
        def _ob(i):
            og[pl.ds(i * 16, 16)] = plsc.bitcast(sk[pl.ds(i * 16, 16)],
                                                 jnp.float32)
            iv = si[pl.ds(i * 16, 16)]
            plsc.addupdate_scatter(
                lh, [lax.shift_right_logical(iv, 7), iv & 127], onesf)
        pltpu.sync_copy(og, tg.at[g, e])
        pltpu.sync_copy(si.at[pl.ds(0, C)], ti.at[g, e])
        return 0

    lax.fori_loop(0, 8, column, 0)

    pltpu.sync_copy(lh, shared.at[idx64], add=True)
    plsc.subcore_barrier()

    @pl.when(sid % 8 == 0)
    def _():
        pltpu.sync_copy(shared.at[pl.ds(g2 * 64, 64)], lh)
        pltpu.sync_copy(lh, ne.at[g])

        def rstep(r, acc):
            a = acc
            for cseg in range(8):
                x16 = plsc.load_gather(
                    lh, [jnp.full((16,), r, jnp.int32), iota16 + cseg * 16])
                a = a + jnp.where(x16 > 0.0, 1.0, 0.0)
            return a
        accv = lax.fori_loop(0, 64, rstep, jnp.full((16,), 0.0, jnp.float32))
        total = jnp.sum(accv, axis=0)
        rvec = jnp.full((16,), total * (1.0 / S), jnp.float32)

        def wr(k, _):
            og[pl.ds(k * 16, 16)] = rvec
            return 0
        lax.fori_loop(0, 8, wr, 0)
        pltpu.sync_copy(og.at[pl.ds(0, 128)], rp.at[g])


def kernel(inputs, W):
    x = inputs.reshape(G * S, D)
    gates_t = pl.pallas_call(
        _gates_body,
        grid=(G * SB,),
        in_specs=[pl.BlockSpec((BS, D), lambda i: (i, 0)),
                  pl.BlockSpec((D, E), lambda i: (0, 0))],
        out_specs=pl.BlockSpec((1, E, BS), lambda i: (i // SB, 0, i % SB)),
        out_shape=jax.ShapeDtypeStruct((G, E, S), jnp.float32),
    )(x, W)

    zin = jnp.zeros((64, 128), jnp.float32)
    tg, ti, ne, rp = jax.jit(_route_kernel)(gates_t, zin)
    return (tg, ti, ne.reshape(G, S), rp[:, 0],
            jnp.zeros((), jnp.float32))

# --- scband reference (transcript-rebuilt; emitter-appended) ---
"""Pipeline reference for scband-noisy-top-items-per-expert-router-62294205661771 (READ-ONLY COPY).

The authoritative reference and input builder live on the scoring server;
editing this copy changes nothing except your own understanding.
"""

import jax
import jax.numpy as jnp
import numpy as np

G, S, D, E, C = 4, 8192, 768, 64, 256
NOISE_STD = 1.0
DETERMINISTIC = True


def setup_inputs(seed: int = 0) -> dict:
    key = jax.random.key(seed)
    k1, k2 = jax.random.split(key)
    inputs = jax.random.normal(k1, (G, S, D), dtype=jnp.float32)
    # Dense(features=E, use_bias=False) kernel, lecun_normal-ish init
    W = jax.random.normal(k2, (D, E), dtype=jnp.float32) / np.sqrt(D)
    return {"inputs": inputs, "W": W}


def _top_items_per_expert(gates):
    # gates: [S, E] softmax gate probabilities for one group.
    # Experts-choice routing: each expert picks its top-C items.
    top_gates, top_idx = jax.lax.top_k(gates.T, C)  # [E, C], [E, C]
    # Metrics: how many experts each item was routed to (scatter-add histogram).
    num_experts_per_item = jnp.zeros((S,), dtype=gates.dtype).at[top_idx.reshape(-1)].add(1.0)
    ratio_processed_items = jnp.mean((num_experts_per_item > 0).astype(gates.dtype))
    return top_gates, top_idx, num_experts_per_item, ratio_processed_items


def reference(inputs, W):
    # gates_logits = nn.Dense(features=num_experts, use_bias=False)(inputs)
    gates_logits = jnp.einsum('gsd,de->gse', inputs, W)
    # deterministic=True -> no gating noise added
    gates_softmax = jax.nn.softmax(gates_logits, axis=-1)  # [G, S, E]
    # vmapped get_top_items_per_expert_dispatcher over groups
    top_gates, top_idx, num_experts_per_item, ratio_processed = jax.vmap(_top_items_per_expert)(gates_softmax)
    # dispatcher is characterized by (top_gates = combine weights, top_idx = dispatch indices)
    auxiliary_loss = jnp.zeros((), dtype=gates_softmax.dtype)
    return top_gates, top_idx, num_experts_per_item, ratio_processed, auxiliary_loss

if __name__ == "__main__":
    import jax
    _d = setup_inputs()
    print(jax.jit(kernel)(*tuple(_d.values())))

</pallas_src>

<mosaic_0001>
#map = affine_map<(d0, d1) -> (0, 0, 0)>
#map1 = affine_map<(d0, d1) -> (0, 0)>
module attributes {stable_mosaic.version = 14 : i64} {
  func.func @_route_kernel(%arg0: i32, %arg1: i32, %arg2: memref<4x64x8192xf32, #tpu.memory_space<hbm>>, %arg3: memref<64x128xf32, #tpu.memory_space<hbm>>, %arg4: memref<4x64x256xf32, #tpu.memory_space<hbm>>, %arg5: memref<4x64x256xi32, #tpu.memory_space<hbm>>, %arg6: memref<4x64x128xf32, #tpu.memory_space<hbm>>, %arg7: memref<4x128xf32, #tpu.memory_space<hbm>>, %arg8: memref<8192xf32, #tpu.memory_space<vmem>>, %arg9: memref<8192xi32, #tpu.memory_space<vmem>>, %arg10: memref<8192xi32, #tpu.memory_space<vmem>>, %arg11: memref<8192xi32, #tpu.memory_space<vmem>>, %arg12: memref<8192xi32, #tpu.memory_space<vmem>>, %arg13: memref<272xi32, #tpu.memory_space<vmem>>, %arg14: memref<272xi32, #tpu.memory_space<vmem>>, %arg15: memref<272xi32, #tpu.memory_space<vmem>>, %arg16: memref<272xi32, #tpu.memory_space<vmem>>, %arg17: memref<1024xi32, #tpu.memory_space<vmem>>, %arg18: memref<1040xi32, #tpu.memory_space<vmem>>, %arg19: memref<32xi32, #tpu.memory_space<vmem>>, %arg20: memref<32xi32, #tpu.memory_space<vmem>>, %arg21: memref<256xf32, #tpu.memory_space<vmem>>, %arg22: memref<64x128xf32, #tpu.memory_space<vmem>>, %arg23: memref<64xi32, #tpu.memory_space<vmem>>, %arg24: memref<128x128xf32, #tpu.memory_space<vmem_shared>>) attributes {dimension_semantics = [#tpu.dimension_semantics<core_parallel>, #tpu.dimension_semantics<subcore_parallel>], iteration_bounds = array<i64: 2, 16>, scalar_prefetch = 0 : i64, scratch_operands = 17 : i64, tpu.core_type = #tpu.core_type<sc_vector_subcore>, window_params = [{transform_indices = #map}, {transform_indices = #map1}, {transform_indices = #map}, {transform_indices = #map}, {transform_indices = #map}, {transform_indices = #map1}]} {
    %jit3A = arith.constant 8 : i32
    %div3A = arith.divsi %arg1, %jit3A : i32
    %sign3A = arith.constant 0 : i32
    %sign3A_0 = arith.cmpi sgt, %arg1, %sign3A : i32
    %sign3A_1 = arith.extui %sign3A_0 : i1 to i32
    %sign3A_2 = arith.constant 0 : i32
    %sign3A_3 = arith.cmpi slt, %arg1, %sign3A_2 : i32
    %sign3A_4 = arith.extui %sign3A_3 : i1 to i32
    %sign3A_5 = arith.subi %sign3A_1, %sign3A_4 : i32
    %sign3A_6 = arith.constant 0 : i32
    %sign3A_7 = arith.cmpi sgt, %jit3A, %sign3A_6 : i32
    %sign3A_8 = arith.extui %sign3A_7 : i1 to i32
    %sign3A_9 = arith.constant 0 : i32
    %sign3A_10 = arith.cmpi slt, %jit3A, %sign3A_9 : i32
    %sign3A_11 = arith.extui %sign3A_10 : i1 to i32
    %sign3A_12 = arith.subi %sign3A_8, %sign3A_11 : i32
    %ne3A = arith.cmpi ne, %sign3A_5, %sign3A_12 : i32
    %rem3A = arith.remsi %arg1, %jit3A : i32
    %ne3A_13 = arith.constant 0 : i32
    %ne3A_14 = arith.cmpi ne, %rem3A, %ne3A_13 : i32
    %and3A = arith.andi %ne3A, %ne3A_14 : i1
    %sub3A = arith.constant 1 : i32
    %sub3A_15 = arith.subi %div3A, %sub3A : i32
    %select_n3A = arith.select %and3A, %sub3A_15, %div3A : i32
    %mul3A = arith.constant 2 : i32
    %mul3A_16 = arith.muli %arg0, %mul3A : i32
    %add3A = arith.addi %mul3A_16, %select_n3A : i32
    %jit3A_17 = arith.constant 8 : i32
    %eq3A = arith.constant 0 : i32
    %eq3A_18 = arith.cmpi eq, %jit3A_17, %eq3A : i32
    %jit3A_19 = arith.constant 1 : i32
    %select_n3A_20 = arith.select %eq3A_18, %jit3A_19, %jit3A_17 : i32
    %rem3A_21 = arith.remsi %arg1, %select_n3A_20 : i32
    %ne3A_22 = arith.constant 0 : i32
    %ne3A_23 = arith.cmpi ne, %rem3A_21, %ne3A_22 : i32
    %lt3A = arith.constant 0 : i32
    %lt3A_24 = arith.cmpi slt, %rem3A_21, %lt3A : i32
    %lt3A_25 = arith.constant 0 : i32
    %lt3A_26 = arith.cmpi slt, %select_n3A_20, %lt3A_25 : i32
    %ne3A_27 = arith.xori %lt3A_24, %lt3A_26 : i1
    %and3A_28 = arith.andi %ne3A_27, %ne3A_23 : i1
    %add3A_29 = arith.addi %rem3A_21, %select_n3A_20 : i32
    %select_n3A_30 = arith.select %and3A_28, %add3A_29, %rem3A_21 : i32
    %mul3A_31 = arith.constant 8 : i32
    %mul3A_32 = arith.muli %select_n3A_30, %mul3A_31 : i32
    %iota3A = tpu.iota {dimensions = array<i32: 0>} : vector<16xi32>
    %broadcast_in_dim3A = arith.constant 0 : i32
    %broadcast_in_dim3A_33 = vector.broadcast %broadcast_in_dim3A : i32 to vector<16xi32>
    %broadcast_in_dim3A_34 = arith.constant 1.000000e+00 : f32
    %broadcast_in_dim3A_35 = vector.broadcast %broadcast_in_dim3A_34 : f32 to vector<16xf32>
    "tpu.region"() ({
      %run_scoped3A = tpu.sem_alloc : memref<!tpu.dma_semaphore, #tpu.memory_space<semaphore_mem>>
      tpu.enqueue_dma source(%arg3 : memref<64x128xf32, #tpu.memory_space<hbm>>) target(%arg22 : memref<64x128xf32, #tpu.memory_space<vmem>>) target_semaphore(%run_scoped3A : memref<!tpu.dma_semaphore, #tpu.memory_space<semaphore_mem>>)
      tpu.wait_dma2 semaphore(%run_scoped3A : memref<!tpu.dma_semaphore, #tpu.memory_space<semaphore_mem>>) src(%arg3 : memref<64x128xf32, #tpu.memory_space<hbm>>) dst(%arg22 : memref<64x128xf32, #tpu.memory_space<vmem>>)
      tpu.yield
    }) : () -> ()
    %swap3A = arith.constant 1024 : index
    %swap3A_36 = tpu.vector_load %arg18[%swap3A] {strides = array<i32>} : memref<1040xi32, #tpu.memory_space<vmem>>, vector<16xi32>,
    tpu.vector_store %arg18[%swap3A], %broadcast_in_dim3A_33 {strides = array<i32>} : memref<1040xi32, #tpu.memory_space<vmem>>, vector<16xi32>,
    %jit3A_37 = arith.constant 8 : i32
    %eq3A_38 = arith.constant 0 : i32
    %eq3A_39 = arith.cmpi eq, %jit3A_37, %eq3A_38 : i32
    %jit3A_40 = arith.constant 1 : i32
    %select_n3A_41 = arith.select %eq3A_39, %jit3A_40, %jit3A_37 : i32
    %rem3A_42 = arith.remsi %arg1, %select_n3A_41 : i32
    %ne3A_43 = arith.constant 0 : i32
    %ne3A_44 = arith.cmpi ne, %rem3A_42, %ne3A_43 : i32
    %lt3A_45 = arith.constant 0 : i32
    %lt3A_46 = arith.cmpi slt, %rem3A_42, %lt3A_45 : i32
    %lt3A_47 = arith.constant 0 : i32
    %lt3A_48 = arith.cmpi slt, %select_n3A_41, %lt3A_47 : i32
    %ne3A_49 = arith.xori %lt3A_46, %lt3A_48 : i1
    %and3A_50 = arith.andi %ne3A_49, %ne3A_44 : i1
    %add3A_51 = arith.addi %rem3A_42, %select_n3A_41 : i32
    %select_n3A_52 = arith.select %and3A_50, %add3A_51, %rem3A_42 : i32
    %eq3A_53 = arith.constant 0 : i32
    %eq3A_54 = arith.cmpi eq, %select_n3A_52, %eq3A_53 : i32
    %convert_element_type3A = arith.extui %eq3A_54 : i1 to i32
    %cond3A = arith.constant 0 : i32
    %cond3A_55 = arith.cmpi ne, %convert_element_type3A, %cond3A : i32
    scf.if %cond3A_55 {
      %mul3A_91 = arith.constant 64 : i32
      %mul3A_92 = arith.muli %select_n3A, %mul3A_91 : i32
      "tpu.region"() ({
        %run_scoped3A = tpu.sem_alloc : memref<!tpu.dma_semaphore, #tpu.memory_space<semaphore_mem>>
        %dma_start3A = arith.constant 0 : i32
        %dma_start3A_93 = tpu.memref_slice %arg24[%mul3A_92, %dma_start3A] : memref<128x128xf32, #tpu.memory_space<vmem_shared>> -> memref<64x128xf32, #tpu.memory_space<vmem_shared>>
        %dma_start3A_94 = arith.constant 0 : i32
        %dma_start3A_95 = tpu.memref_slice %arg24[%mul3A_92, %dma_start3A_94] : memref<128x128xf32, #tpu.memory_space<vmem_shared>> -> memref<64x128xf32, #tpu.memory_space<vmem_shared>>
        tpu.enqueue_dma source(%arg22 : memref<64x128xf32, #tpu.memory_space<vmem>>) target(%dma_start3A_95 : memref<64x128xf32, #tpu.memory_space<vmem_shared>>) target_semaphore(%run_scoped3A : memref<!tpu.dma_semaphore, #tpu.memory_space<semaphore_mem>>)
        %dma_wait3A = arith.constant 0 : i32
        %dma_wait3A_96 = tpu.memref_slice %arg24[%mul3A_92, %dma_wait3A] : memref<128x128xf32, #tpu.memory_space<vmem_shared>> -> memref<64x128xf32, #tpu.memory_space<vmem_shared>>
        %dma_wait3A_97 = arith.constant 0 : i32
        %dma_wait3A_98 = tpu.memref_slice %arg24[%mul3A_92, %dma_wait3A_97] : memref<128x128xf32, #tpu.memory_space<vmem_shared>> -> memref<64x128xf32, #tpu.memory_space<vmem_shared>>
        tpu.wait_dma2 semaphore(%run_scoped3A : memref<!tpu.dma_semaphore, #tpu.memory_space<semaphore_mem>>) src(%arg22 : memref<64x128xf32, #tpu.memory_space<vmem>>) dst(%dma_wait3A_98 : memref<64x128xf32, #tpu.memory_space<vmem_shared>>)
        tpu.yield
      }) : () -> ()
    } else {
    }
    %scan3A = arith.constant 0 : i32
    %scan3A_56 = arith.constant 0 : i32
    %scan3A_57 = arith.constant 4 : i32
    %scan3A_58 = arith.addi %scan3A_56, %scan3A_57 : i32
    %scan3A_59 = arith.constant 1 : i32
    %scan3A_60 = scf.for %scan3A_91 = %scan3A_56 to %scan3A_58 step %scan3A_59 iter_args(%scan3A_92 = %scan3A) -> (i32)  : i32 {
      %mul3A_93 = arith.constant 64 : i32
      %mul3A_94 = arith.muli %select_n3A, %mul3A_93 : i32
      %mul3A_95 = arith.constant 16 : i32
      %mul3A_96 = arith.muli %scan3A_91, %mul3A_95 : i32
      %add3A_97 = arith.addi %mul3A_94, %mul3A_96 : i32
      %add3A_98 = vector.broadcast %add3A_97 : i32 to vector<16xi32>
      %add3A_99 = arith.addi %iota3A, %add3A_98 : vector<16xi32>
      %mul3A_100 = arith.constant 16 : i32
      %mul3A_101 = arith.muli %scan3A_91, %mul3A_100 : i32
      %swap3A_102 = arith.index_cast %mul3A_101 : i32 to index
      %swap3A_103 = tpu.vector_load %arg23[%swap3A_102] {strides = array<i32>} : memref<64xi32, #tpu.memory_space<vmem>>, vector<16xi32>,
      tpu.vector_store %arg23[%swap3A_102], %add3A_99 {strides = array<i32>} : memref<64xi32, #tpu.memory_space<vmem>>, vector<16xi32>,
      %scan3A_104 = arith.constant 0 : i32
      scf.yield %scan3A_104 : i32
    }
    %scan3A_61 = arith.constant 4 : i32
    %barrier3A = arith.constant 0 : index
    tpu.barrier barrier_id(%barrier3A)
    %scan3A_62 = arith.constant 0 : i32
    %scan3A_63 = arith.constant 0 : i32
    %scan3A_64 = arith.constant 8 : i32
    %scan3A_65 = arith.addi %scan3A_63, %scan3A_64 : i32
    %scan3A_66 = arith.constant 1 : i32
    %scan3A_67 = scf.for %scan3A_91 = %scan3A_63 to %scan3A_65 step %scan3A_66 iter_args(%scan3A_92 = %scan3A_62) -> (i32)  : i32 {
      %add3A_93 = arith.addi %mul3A_32, %scan3A_91 : i32
      "tpu.region"() ({
        %run_scoped3A = tpu.sem_alloc : memref<!tpu.dma_semaphore, #tpu.memory_space<semaphore_mem>>
        %dma_start3A = arith.constant 0 : i32
        %dma_start3A_620 = tpu.memref_slice %arg2[%add3A, %add3A_93, %dma_start3A] : memref<4x64x8192xf32, #tpu.memory_space<hbm>> -> memref<1x1x8192xf32, #tpu.memory_space<hbm>>
        %dma_start3A_621 = tpu.memref_squeeze %dma_start3A_620 : memref<1x1x8192xf32, #tpu.memory_space<hbm>> -> memref<8192xf32, #tpu.memory_space<hbm>>
        %dma_start3A_622 = arith.constant 0 : i32
        %dma_start3A_623 = tpu.memref_slice %arg2[%add3A, %add3A_93, %dma_start3A_622] : memref<4x64x8192xf32, #tpu.memory_space<hbm>> -> memref<1x1x8192xf32, #tpu.memory_space<hbm>>
        %dma_start3A_624 = tpu.memref_squeeze %dma_start3A_623 : memref<1x1x8192xf32, #tpu.memory_space<hbm>> -> memref<8192xf32, #tpu.memory_space<hbm>>
        tpu.enqueue_dma source(%dma_start3A_624 : memref<8192xf32, #tpu.memory_space<hbm>>) target(%arg8 : memref<8192xf32, #tpu.memory_space<vmem>>) target_semaphore(%run_scoped3A : memref<!tpu.dma_semaphore, #tpu.memory_space<semaphore_mem>>)
        %dma_wait3A = arith.constant 0 : i32
        %dma_wait3A_625 = tpu.memref_slice %arg2[%add3A, %add3A_93, %dma_wait3A] : memref<4x64x8192xf32, #tpu.memory_space<hbm>> -> memref<1x1x8192xf32, #tpu.memory_space<hbm>>
        %dma_wait3A_626 = tpu.memref_squeeze %dma_wait3A_625 : memref<1x1x8192xf32, #tpu.memory_space<hbm>> -> memref<8192xf32, #tpu.memory_space<hbm>>
        %dma_wait3A_627 = arith.constant 0 : i32
        %dma_wait3A_628 = tpu.memref_slice %arg2[%add3A, %add3A_93, %dma_wait3A_627] : memref<4x64x8192xf32, #tpu.memory_space<hbm>> -> memref<1x1x8192xf32, #tpu.memory_space<hbm>>
        %dma_wait3A_629 = tpu.memref_squeeze %dma_wait3A_628 : memref<1x1x8192xf32, #tpu.memory_space<hbm>> -> memref<8192xf32, #tpu.memory_space<hbm>>
        tpu.wait_dma2 semaphore(%run_scoped3A : memref<!tpu.dma_semaphore, #tpu.memory_space<semaphore_mem>>) src(%dma_wait3A_629 : memref<8192xf32, #tpu.memory_space<hbm>>) dst(%arg8 : memref<8192xf32, #tpu.memory_space<vmem>>)
        tpu.yield
      }) : () -> ()
      %parallel_loop3A = arith.constant 0 : i32
      %parallel_loop3A_94 = arith.constant 64 : i32
      %parallel_loop3A_95 = arith.constant 1 : i32
      scf.for %parallel_loop3A_620 = %parallel_loop3A to %parallel_loop3A_94 step %parallel_loop3A_95  : i32 {
        %parallel_loop3A_621 = arith.constant 16 : i32
        %parallel_loop3A_622 = arith.muli %parallel_loop3A_620, %parallel_loop3A_621 : i32
        %parallel_loop3A_623 = arith.index_cast %parallel_loop3A_622 : i32 to index
        %parallel_loop3A_624 = tpu.vector_load %arg17[%parallel_loop3A_623] {strides = array<i32>} : memref<1024xi32, #tpu.memory_space<vmem>>, vector<16xi32>,
        tpu.vector_store %arg17[%parallel_loop3A_623], %broadcast_in_dim3A_33 {strides = array<i32>} : memref<1024xi32, #tpu.memory_space<vmem>>, vector<16xi32>,
      } {sc.loop_unroll_factor = 4 : i64, sc.parallel_access}
      %parallel_loop3A_96 = arith.constant 0 : i32
      %parallel_loop3A_97 = arith.constant 512 : i32
      %parallel_loop3A_98 = arith.constant 1 : i32
      scf.for %parallel_loop3A_620 = %parallel_loop3A_96 to %parallel_loop3A_97 step %parallel_loop3A_98  : i32 {
        %parallel_loop3A_621 = arith.constant 16 : i32
        %parallel_loop3A_622 = arith.muli %parallel_loop3A_620, %parallel_loop3A_621 : i32
        %parallel_loop3A_623 = arith.index_cast %parallel_loop3A_622 : i32 to index
        %parallel_loop3A_624 = tpu.vector_load %arg8[%parallel_loop3A_623] {strides = array<i32>} : memref<8192xf32, #tpu.memory_space<vmem>>, vector<16xf32>,
        %parallel_loop3A_625 = vector.bitcast %parallel_loop3A_624 : vector<16xf32> to vector<16xi32>
        %parallel_loop3A_626 = arith.constant 21 : i32
        %parallel_loop3A_627 = vector.broadcast %parallel_loop3A_626 : i32 to vector<16xi32>
        %parallel_loop3A_628 = arith.shrui %parallel_loop3A_625, %parallel_loop3A_627 : vector<16xi32>
        %parallel_loop3A_629 = arith.constant 1023 : i32
        %parallel_loop3A_630 = vector.broadcast %parallel_loop3A_629 : i32 to vector<16xi32>
        %parallel_loop3A_631 = arith.andi %parallel_loop3A_628, %parallel_loop3A_630 : vector<16xi32>
        %parallel_loop3A_632 = arith.constant true
        %parallel_loop3A_633 = vector.broadcast %parallel_loop3A_632 : i1 to vector<16xi1>
        %parallel_loop3A_634, %parallel_loop3A_635 = tpu.scan_count mask(%parallel_loop3A_633 : vector<16xi1>) value(%parallel_loop3A_631 : vector<16xi32>) : vector<16xi1>, vector<16xi32>
        tpu.vector_store_idx %arg17[%parallel_loop3A_631], %parallel_loop3A_635 masked %parallel_loop3A_634 {add = true} : memref<1024xi32, #tpu.memory_space<vmem>>[vector<16xi32>], vector<16xi32>, vector<16xi1>
      } {sc.loop_unroll_factor = 4 : i64, sc.parallel_access}
      %parallel_loop3A_99 = arith.constant 0 : i32
      %parallel_loop3A_100 = arith.constant 64 : i32
      %parallel_loop3A_101 = arith.constant 1 : i32
      %parallel_loop3A_102 = arith.constant 0 : i32
      %parallel_loop3A_103 = scf.for %parallel_loop3A_620 = %parallel_loop3A_99 to %parallel_loop3A_100 step %parallel_loop3A_101 iter_args(%parallel_loop3A_621 = %parallel_loop3A_102) -> (i32)  : i32 {
        %parallel_loop3A_622 = arith.constant 63 : i32
        %parallel_loop3A_623 = arith.subi %parallel_loop3A_622, %parallel_loop3A_620 : i32
        %parallel_loop3A_624 = arith.constant 16 : i32
        %parallel_loop3A_625 = arith.muli %parallel_loop3A_623, %parallel_loop3A_624 : i32
        %parallel_loop3A_626 = arith.index_cast %parallel_loop3A_625 : i32 to index
        %parallel_loop3A_627 = tpu.vector_load %arg17[%parallel_loop3A_626] {strides = array<i32>} : memref<1024xi32, #tpu.memory_space<vmem>>, vector<16xi32>,
        %parallel_loop3A_628 = arith.constant 15 : i32
        %parallel_loop3A_629 = vector.broadcast %parallel_loop3A_628 : i32 to vector<16xi32>
        %parallel_loop3A_630 = tpu.iota {dimensions = array<i32: 0>} : vector<16xi32>
        %parallel_loop3A_631 = arith.subi %parallel_loop3A_629, %parallel_loop3A_630 : vector<16xi32>
        %parallel_loop3A_632 = tpu.dynamic_gather %parallel_loop3A_627[%parallel_loop3A_631] in [0] : vector<16xi32>, vector<16xi32> -> vector<16xi32>
        %parallel_loop3A_633 = arith.constant true
        %parallel_loop3A_634 = vector.broadcast %parallel_loop3A_633 : i1 to vector<16xi1>
        %parallel_loop3A_635 = tpu.scan <sum>, %parallel_loop3A_632 masked %parallel_loop3A_634 : vector<16xi32>, vector<16xi1> -> vector<16xi32>
        %parallel_loop3A_636 = vector.broadcast %parallel_loop3A_621 : i32 to vector<16xi32>
        %parallel_loop3A_637 = arith.addi %parallel_loop3A_635, %parallel_loop3A_636 : vector<16xi32>
        %parallel_loop3A_638 = arith.constant 15 : i32
        %parallel_loop3A_639 = vector.broadcast %parallel_loop3A_638 : i32 to vector<16xi32>
        %parallel_loop3A_640 = tpu.iota {dimensions = array<i32: 0>} : vector<16xi32>
        %parallel_loop3A_641 = arith.subi %parallel_loop3A_639, %parallel_loop3A_640 : vector<16xi32>
        %parallel_loop3A_642 = tpu.dynamic_gather %parallel_loop3A_637[%parallel_loop3A_641] in [0] : vector<16xi32>, vector<16xi32> -> vector<16xi32>
        %parallel_loop3A_643 = arith.constant 16 : i32
        %parallel_loop3A_644 = arith.muli %parallel_loop3A_623, %parallel_loop3A_643 : i32
        %parallel_loop3A_645 = arith.index_cast %parallel_loop3A_644 : i32 to index
        %parallel_loop3A_646 = tpu.vector_load %arg18[%parallel_loop3A_645] {strides = array<i32>} : memref<1040xi32, #tpu.memory_space<vmem>>, vector<16xi32>,
        tpu.vector_store %arg18[%parallel_loop3A_645], %parallel_loop3A_642 {strides = array<i32>} : memref<1040xi32, #tpu.memory_space<vmem>>, vector<16xi32>,
        %parallel_loop3A_647 = arith.constant true
        %parallel_loop3A_648 = vector.broadcast %parallel_loop3A_647 : i1 to vector<16xi1>
        %parallel_loop3A_649 = arith.constant -2147483648 : i32
        %parallel_loop3A_650 = vector.broadcast %parallel_loop3A_649 : i32 to vector<16xi32>
        %parallel_loop3A_651 = arith.xori %parallel_loop3A_637, %parallel_loop3A_650 : vector<16xi32>
        %parallel_loop3A_652 = tpu.scan <max>, %parallel_loop3A_651 masked %parallel_loop3A_648 : vector<16xi32>, vector<16xi1> -> vector<16xi32>
        %parallel_loop3A_653 = arith.xori %parallel_loop3A_652, %parallel_loop3A_650 : vector<16xi32>
        %parallel_loop3A_654 = vector.extract %parallel_loop3A_653[15] : i32 from vector<16xi32>
        scf.yield %parallel_loop3A_654 : i32
      } {sc.loop_unroll_factor = 2 : i64, sc.parallel_access}
      %parallel_loop3A_104 = arith.constant 0 : i32
      %parallel_loop3A_105 = arith.constant 64 : i32
      %parallel_loop3A_106 = arith.constant 1 : i32
      %parallel_loop3A_107 = arith.constant 256 : i32
      %parallel_loop3A_108 = arith.constant -1 : i32
      %parallel_loop3A_109 = scf.for %parallel_loop3A_620 = %parallel_loop3A_104 to %parallel_loop3A_105 step %parallel_loop3A_106 iter_args(%parallel_loop3A_621 = %parallel_loop3A_108) -> (i32)  : i32 {
        %parallel_loop3A_622 = arith.constant 16 : i32
        %parallel_loop3A_623 = arith.muli %parallel_loop3A_620, %parallel_loop3A_622 : i32
        %parallel_loop3A_624 = arith.index_cast %parallel_loop3A_623 : i32 to index
        %parallel_loop3A_625 = tpu.vector_load %arg18[%parallel_loop3A_624] {strides = array<i32>} : memref<1040xi32, #tpu.memory_space<vmem>>, vector<16xi32>,
        %parallel_loop3A_626 = vector.broadcast %parallel_loop3A_107 : i32 to vector<16xi32>
        %parallel_loop3A_627 = arith.cmpi sge, %parallel_loop3A_625, %parallel_loop3A_626 : vector<16xi32>
        %parallel_loop3A_628 = arith.constant 16 : i32
        %parallel_loop3A_629 = arith.muli %parallel_loop3A_620, %parallel_loop3A_628 : i32
        %parallel_loop3A_630 = vector.broadcast %parallel_loop3A_629 : i32 to vector<16xi32>
        %parallel_loop3A_631 = arith.addi %iota3A, %parallel_loop3A_630 : vector<16xi32>
        %parallel_loop3A_632 = arith.constant -1 : i32
        %parallel_loop3A_633 = vector.broadcast %parallel_loop3A_632 : i32 to vector<16xi32>
        %parallel_loop3A_634 = arith.select %parallel_loop3A_627, %parallel_loop3A_631, %parallel_loop3A_633 : vector<16xi1>, vector<16xi32>
        %parallel_loop3A_635 = arith.constant true
        %parallel_loop3A_636 = vector.broadcast %parallel_loop3A_635 : i1 to vector<16xi1>
        %parallel_loop3A_637 = arith.constant -2147483648 : i32
        %parallel_loop3A_638 = vector.broadcast %parallel_loop3A_637 : i32 to vector<16xi32>
        %parallel_loop3A_639 = arith.xori %parallel_loop3A_634, %parallel_loop3A_638 : vector<16xi32>
        %parallel_loop3A_640 = tpu.scan <max>, %parallel_loop3A_639 masked %parallel_loop3A_636 : vector<16xi32>, vector<16xi1> -> vector<16xi32>
        %parallel_loop3A_641 = arith.xori %parallel_loop3A_640, %parallel_loop3A_638 : vector<16xi32>
        %parallel_loop3A_642 = vector.extract %parallel_loop3A_641[15] : i32 from vector<16xi32>
        %parallel_loop3A_643 = arith.maxsi %parallel_loop3A_621, %parallel_loop3A_642 : i32
        scf.yield %parallel_loop3A_643 : i32
      } {sc.loop_unroll_factor = 4 : i64, sc.parallel_access}
      %add3A_110 = arith.constant 1 : i32
      %add3A_111 = arith.addi %parallel_loop3A_109, %add3A_110 : i32
      %broadcast_in_dim3A_112 = vector.broadcast %add3A_111 : i32 to vector<16xi32>
      %gather3A = tpu.vector_load_idx %arg18[%broadcast_in_dim3A_112] : memref<1040xi32, #tpu.memory_space<vmem>>[vector<16xi32>], vector<16xi32>,
      %reduce_max3A = arith.constant true
      %reduce_max3A_113 = vector.broadcast %reduce_max3A : i1 to vector<16xi1>
      %reduce_max3A_114 = arith.constant -2147483648 : i32
      %reduce_max3A_115 = vector.broadcast %reduce_max3A_114 : i32 to vector<16xi32>
      %reduce_max3A_116 = arith.xori %gather3A, %reduce_max3A_115 : vector<16xi32>
      %reduce_max3A_117 = tpu.scan <max>, %reduce_max3A_116 masked %reduce_max3A_113 : vector<16xi32>, vector<16xi1> -> vector<16xi32>
      %reduce_max3A_118 = arith.xori %reduce_max3A_117, %reduce_max3A_115 : vector<16xi32>
      %reduce_max3A_119 = vector.extract %reduce_max3A_118[15] : i32 from vector<16xi32>
      %parallel_loop3A_120 = arith.constant 0 : i32
      %parallel_loop3A_121 = arith.constant 512 : i32
      %parallel_loop3A_122 = arith.constant 1 : i32
      %parallel_loop3A_123 = arith.constant 0 : i32
      %parallel_loop3A_124 = arith.constant 0 : i32
      %parallel_loop3A_125:2 = scf.for %parallel_loop3A_620 = %parallel_loop3A_120 to %parallel_loop3A_121 step %parallel_loop3A_122 iter_args(%parallel_loop3A_621 = %parallel_loop3A_123, %parallel_loop3A_622 = %parallel_loop3A_124) -> (i32, i32)  : i32 {
        %parallel_loop3A_623 = arith.constant 16 : i32
        %parallel_loop3A_624 = arith.muli %parallel_loop3A_620, %parallel_loop3A_623 : i32
        %parallel_loop3A_625 = arith.index_cast %parallel_loop3A_624 : i32 to index
        %parallel_loop3A_626 = tpu.vector_load %arg8[%parallel_loop3A_625] {strides = array<i32>} : memref<8192xf32, #tpu.memory_space<vmem>>, vector<16xf32>,
        %parallel_loop3A_627 = vector.bitcast %parallel_loop3A_626 : vector<16xf32> to vector<16xi32>
        %parallel_loop3A_628 = arith.constant 16 : i32
        %parallel_loop3A_629 = arith.muli %parallel_loop3A_620, %parallel_loop3A_628 : i32
        %parallel_loop3A_630 = vector.broadcast %parallel_loop3A_629 : i32 to vector<16xi32>
        %parallel_loop3A_631 = arith.addi %iota3A, %parallel_loop3A_630 : vector<16xi32>
        %parallel_loop3A_632 = arith.constant 21 : i32
        %parallel_loop3A_633 = vector.broadcast %parallel_loop3A_632 : i32 to vector<16xi32>
        %parallel_loop3A_634 = arith.shrui %parallel_loop3A_627, %parallel_loop3A_633 : vector<16xi32>
        %parallel_loop3A_635 = arith.constant 1023 : i32
        %parallel_loop3A_636 = vector.broadcast %parallel_loop3A_635 : i32 to vector<16xi32>
        %parallel_loop3A_637 = arith.andi %parallel_loop3A_634, %parallel_loop3A_636 : vector<16xi32>
        %parallel_loop3A_638 = vector.broadcast %parallel_loop3A_109 : i32 to vector<16xi32>
        %parallel_loop3A_639 = arith.cmpi sgt, %parallel_loop3A_637, %parallel_loop3A_638 : vector<16xi32>
        %parallel_loop3A_640 = vector.broadcast %parallel_loop3A_109 : i32 to vector<16xi32>
        %parallel_loop3A_641 = arith.cmpi eq, %parallel_loop3A_637, %parallel_loop3A_640 : vector<16xi32>
        %parallel_loop3A_642 = arith.index_cast %parallel_loop3A_621 : i32 to index
        %parallel_loop3A_643 = tpu.vector_load %arg13[%parallel_loop3A_642] masked %parallel_loop3A_639 {strides = array<i32>} : memref<272xi32, #tpu.memory_space<vmem>>, vector<16xi32>, vector<16xi1>
        tpu.vector_store %arg13[%parallel_loop3A_642], %parallel_loop3A_627 masked %parallel_loop3A_639 {strides = array<i32>} : memref<272xi32, #tpu.memory_space<vmem>>, vector<16xi32>, vector<16xi1>
        %parallel_loop3A_644 = arith.index_cast %parallel_loop3A_621 : i32 to index
        %parallel_loop3A_645 = tpu.vector_load %arg14[%parallel_loop3A_644] masked %parallel_loop3A_639 {strides = array<i32>} : memref<272xi32, #tpu.memory_space<vmem>>, vector<16xi32>, vector<16xi1>
        tpu.vector_store %arg14[%parallel_loop3A_644], %parallel_loop3A_631 masked %parallel_loop3A_639 {strides = array<i32>} : memref<272xi32, #tpu.memory_space<vmem>>, vector<16xi32>, vector<16xi1>
        %parallel_loop3A_646 = arith.index_cast %parallel_loop3A_622 : i32 to index
        %parallel_loop3A_647 = tpu.vector_load %arg9[%parallel_loop3A_646] masked %parallel_loop3A_641 {strides = array<i32>} : memref<8192xi32, #tpu.memory_space<vmem>>, vector<16xi32>, vector<16xi1>
        tpu.vector_store %arg9[%parallel_loop3A_646], %parallel_loop3A_627 masked %parallel_loop3A_641 {strides = array<i32>} : memref<8192xi32, #tpu.memory_space<vmem>>, vector<16xi32>, vector<16xi1>
        %parallel_loop3A_648 = arith.index_cast %parallel_loop3A_622 : i32 to index
        %parallel_loop3A_649 = tpu.vector_load %arg10[%parallel_loop3A_648] masked %parallel_loop3A_641 {strides = array<i32>} : memref<8192xi32, #tpu.memory_space<vmem>>, vector<16xi32>, vector<16xi1>
        tpu.vector_store %arg10[%parallel_loop3A_648], %parallel_loop3A_631 masked %parallel_loop3A_641 {strides = array<i32>} : memref<8192xi32, #tpu.memory_space<vmem>>, vector<16xi32>, vector<16xi1>
        %parallel_loop3A_650 = arith.extui %parallel_loop3A_639 : vector<16xi1> to vector<16xi32>
        %parallel_loop3A_651 = arith.constant true
        %parallel_loop3A_652 = vector.broadcast %parallel_loop3A_651 : i1 to vector<16xi1>
        %parallel_loop3A_653 = tpu.scan <sum>, %parallel_loop3A_650 masked %parallel_loop3A_652 : vector<16xi32>, vector<16xi1> -> vector<16xi32>
        %parallel_loop3A_654 = vector.extract %parallel_loop3A_653[15] : i32 from vector<16xi32>
        %parallel_loop3A_655 = arith.addi %parallel_loop3A_621, %parallel_loop3A_654 : i32
        %parallel_loop3A_656 = arith.extui %parallel_loop3A_641 : vector<16xi1> to vector<16xi32>
        %parallel_loop3A_657 = arith.constant true
        %parallel_loop3A_658 = vector.broadcast %parallel_loop3A_657 : i1 to vector<16xi1>
        %parallel_loop3A_659 = tpu.scan <sum>, %parallel_loop3A_656 masked %parallel_loop3A_658 : vector<16xi32>, vector<16xi1> -> vector<16xi32>
        %parallel_loop3A_660 = vector.extract %parallel_loop3A_659[15] : i32 from vector<16xi32>
        %parallel_loop3A_661 = arith.addi %parallel_loop3A_622, %parallel_loop3A_660 : i32
        scf.yield %parallel_loop3A_655, %parallel_loop3A_661 : i32, i32
      } {sc.loop_unroll_factor = 4 : i64, sc.parallel_access}
      %sub3A_126 = arith.constant 256 : i32
      %sub3A_127 = arith.subi %sub3A_126, %reduce_max3A_119 : i32
      %add3A_128 = arith.constant 15 : i32
      %add3A_129 = arith.addi %parallel_loop3A_125#1, %add3A_128 : i32
      %jit3A_130 = arith.constant 16 : i32
      %div3A_131 = arith.divsi %add3A_129, %jit3A_130 : i32
      %sign3A_132 = arith.constant 0 : i32
      %sign3A_133 = arith.cmpi sgt, %add3A_129, %sign3A_132 : i32
      %sign3A_134 = arith.extui %sign3A_133 : i1 to i32
      %sign3A_135 = arith.constant 0 : i32
      %sign3A_136 = arith.cmpi slt, %add3A_129, %sign3A_135 : i32
      %sign3A_137 = arith.extui %sign3A_136 : i1 to i32
      %sign3A_138 = arith.subi %sign3A_134, %sign3A_137 : i32
      %sign3A_139 = arith.constant 0 : i32
      %sign3A_140 = arith.cmpi sgt, %jit3A_130, %sign3A_139 : i32
      %sign3A_141 = arith.extui %sign3A_140 : i1 to i32
      %sign3A_142 = arith.constant 0 : i32
      %sign3A_143 = arith.cmpi slt, %jit3A_130, %sign3A_142 : i32
      %sign3A_144 = arith.extui %sign3A_143 : i1 to i32
      %sign3A_145 = arith.subi %sign3A_141, %sign3A_144 : i32
      %ne3A_146 = arith.cmpi ne, %sign3A_138, %sign3A_145 : i32
      %rem3A_147 = arith.remsi %add3A_129, %jit3A_130 : i32
      %ne3A_148 = arith.constant 0 : i32
      %ne3A_149 = arith.cmpi ne, %rem3A_147, %ne3A_148 : i32
      %and3A_150 = arith.andi %ne3A_146, %ne3A_149 : i1
      %sub3A_151 = arith.constant 1 : i32
      %sub3A_152 = arith.subi %div3A_131, %sub3A_151 : i32
      %select_n3A_153 = arith.select %and3A_150, %sub3A_152, %div3A_131 : i32
      %parallel_loop3A_154 = arith.constant 0 : i32
      %parallel_loop3A_155 = arith.constant 64 : i32
      %parallel_loop3A_156 = arith.constant 1 : i32
      scf.for %parallel_loop3A_620 = %parallel_loop3A_154 to %parallel_loop3A_155 step %parallel_loop3A_156  : i32 {
        %parallel_loop3A_621 = arith.constant 16 : i32
        %parallel_loop3A_622 = arith.muli %parallel_loop3A_620, %parallel_loop3A_621 : i32
        %parallel_loop3A_623 = arith.index_cast %parallel_loop3A_622 : i32 to index
        %parallel_loop3A_624 = tpu.vector_load %arg17[%parallel_loop3A_623] {strides = array<i32>} : memref<1024xi32, #tpu.memory_space<vmem>>, vector<16xi32>,
        tpu.vector_store %arg17[%parallel_loop3A_623], %broadcast_in_dim3A_33 {strides = array<i32>} : memref<1024xi32, #tpu.memory_space<vmem>>, vector<16xi32>,
      } {sc.loop_unroll_factor = 4 : i64, sc.parallel_access}
      %parallel_loop3A_157 = arith.constant 0 : i32
      %parallel_loop3A_158 = arith.constant 1 : i32
      scf.for %parallel_loop3A_620 = %parallel_loop3A_157 to %select_n3A_153 step %parallel_loop3A_158  : i32 {
        %parallel_loop3A_621 = arith.constant 16 : i32
        %parallel_loop3A_622 = arith.muli %parallel_loop3A_620, %parallel_loop3A_621 : i32
        %parallel_loop3A_623 = arith.index_cast %parallel_loop3A_622 : i32 to index
        %parallel_loop3A_624 = tpu.vector_load %arg9[%parallel_loop3A_623] {strides = array<i32>} : memref<8192xi32, #tpu.memory_space<vmem>>, vector<16xi32>,
        %parallel_loop3A_625 = arith.constant 11 : i32
        %parallel_loop3A_626 = vector.broadcast %parallel_loop3A_625 : i32 to vector<16xi32>
        %parallel_loop3A_627 = arith.shrui %parallel_loop3A_624, %parallel_loop3A_626 : vector<16xi32>
        %parallel_loop3A_628 = arith.constant 1023 : i32
        %parallel_loop3A_629 = vector.broadcast %parallel_loop3A_628 : i32 to vector<16xi32>
        %parallel_loop3A_630 = arith.andi %parallel_loop3A_627, %parallel_loop3A_629 : vector<16xi32>
        %parallel_loop3A_631 = arith.constant 16 : i32
        %parallel_loop3A_632 = arith.muli %parallel_loop3A_620, %parallel_loop3A_631 : i32
        %parallel_loop3A_633 = vector.broadcast %parallel_loop3A_632 : i32 to vector<16xi32>
        %parallel_loop3A_634 = arith.addi %iota3A, %parallel_loop3A_633 : vector<16xi32>
        %parallel_loop3A_635 = vector.broadcast %parallel_loop3A_125#1 : i32 to vector<16xi32>
        %parallel_loop3A_636 = arith.cmpi slt, %parallel_loop3A_634, %parallel_loop3A_635 : vector<16xi32>
        %parallel_loop3A_637, %parallel_loop3A_638 = tpu.scan_count mask(%parallel_loop3A_636 : vector<16xi1>) value(%parallel_loop3A_630 : vector<16xi32>) : vector<16xi1>, vector<16xi32>
        %parallel_loop3A_639 = arith.andi %parallel_loop3A_637, %parallel_loop3A_636 : vector<16xi1>
        tpu.vector_store_idx %arg17[%parallel_loop3A_630], %parallel_loop3A_638 masked %parallel_loop3A_639 {add = true} : memref<1024xi32, #tpu.memory_space<vmem>>[vector<16xi32>], vector<16xi32>, vector<16xi1>
      } {sc.loop_unroll_factor = 2 : i64, sc.parallel_access}
      %parallel_loop3A_159 = arith.constant 0 : i32
      %parallel_loop3A_160 = arith.constant 64 : i32
      %parallel_loop3A_161 = arith.constant 1 : i32
      %parallel_loop3A_162 = arith.constant 0 : i32
      %parallel_loop3A_163 = scf.for %parallel_loop3A_620 = %parallel_loop3A_159 to %parallel_loop3A_160 step %parallel_loop3A_161 iter_args(%parallel_loop3A_621 = %parallel_loop3A_162) -> (i32)  : i32 {
        %parallel_loop3A_622 = arith.constant 63 : i32
        %parallel_loop3A_623 = arith.subi %parallel_loop3A_622, %parallel_loop3A_620 : i32
        %parallel_loop3A_624 = arith.constant 16 : i32
        %parallel_loop3A_625 = arith.muli %parallel_loop3A_623, %parallel_loop3A_624 : i32
        %parallel_loop3A_626 = arith.index_cast %parallel_loop3A_625 : i32 to index
        %parallel_loop3A_627 = tpu.vector_load %arg17[%parallel_loop3A_626] {strides = array<i32>} : memref<1024xi32, #tpu.memory_space<vmem>>, vector<16xi32>,
        %parallel_loop3A_628 = arith.constant 15 : i32
        %parallel_loop3A_629 = vector.broadcast %parallel_loop3A_628 : i32 to vector<16xi32>
        %parallel_loop3A_630 = tpu.iota {dimensions = array<i32: 0>} : vector<16xi32>
        %parallel_loop3A_631 = arith.subi %parallel_loop3A_629, %parallel_loop3A_630 : vector<16xi32>
        %parallel_loop3A_632 = tpu.dynamic_gather %parallel_loop3A_627[%parallel_loop3A_631] in [0] : vector<16xi32>, vector<16xi32> -> vector<16xi32>
        %parallel_loop3A_633 = arith.constant true
        %parallel_loop3A_634 = vector.broadcast %parallel_loop3A_633 : i1 to vector<16xi1>
        %parallel_loop3A_635 = tpu.scan <sum>, %parallel_loop3A_632 masked %parallel_loop3A_634 : vector<16xi32>, vector<16xi1> -> vector<16xi32>
        %parallel_loop3A_636 = vector.broadcast %parallel_loop3A_621 : i32 to vector<16xi32>
        %parallel_loop3A_637 = arith.addi %parallel_loop3A_635, %parallel_loop3A_636 : vector<16xi32>
        %parallel_loop3A_638 = arith.constant 15 : i32
        %parallel_loop3A_639 = vector.broadcast %parallel_loop3A_638 : i32 to vector<16xi32>
        %parallel_loop3A_640 = tpu.iota {dimensions = array<i32: 0>} : vector<16xi32>
        %parallel_loop3A_641 = arith.subi %parallel_loop3A_639, %parallel_loop3A_640 : vector<16xi32>
        %parallel_loop3A_642 = tpu.dynamic_gather %parallel_loop3A_637[%parallel_loop3A_641] in [0] : vector<16xi32>, vector<16xi32> -> vector<16xi32>
        %parallel_loop3A_643 = arith.constant 16 : i32
        %parallel_loop3A_644 = arith.muli %parallel_loop3A_623, %parallel_loop3A_643 : i32
        %parallel_loop3A_645 = arith.index_cast %parallel_loop3A_644 : i32 to index
        %parallel_loop3A_646 = tpu.vector_load %arg18[%parallel_loop3A_645] {strides = array<i32>} : memref<1040xi32, #tpu.memory_space<vmem>>, vector<16xi32>,
        tpu.vector_store %arg18[%parallel_loop3A_645], %parallel_loop3A_642 {strides = array<i32>} : memref<1040xi32, #tpu.memory_space<vmem>>, vector<16xi32>,
        %parallel_loop3A_647 = arith.constant true
        %parallel_loop3A_648 = vector.broadcast %parallel_loop3A_647 : i1 to vector<16xi1>
        %parallel_loop3A_649 = arith.constant -2147483648 : i32
        %parallel_loop3A_650 = vector.broadcast %parallel_loop3A_649 : i32 to vector<16xi32>
        %parallel_loop3A_651 = arith.xori %parallel_loop3A_637, %parallel_loop3A_650 : vector<16xi32>
        %parallel_loop3A_652 = tpu.scan <max>, %parallel_loop3A_651 masked %parallel_loop3A_648 : vector<16xi32>, vector<16xi1> -> vector<16xi32>
        %parallel_loop3A_653 = arith.xori %parallel_loop3A_652, %parallel_loop3A_650 : vector<16xi32>
        %parallel_loop3A_654 = vector.extract %parallel_loop3A_653[15] : i32 from vector<16xi32>
        scf.yield %parallel_loop3A_654 : i32
      } {sc.loop_unroll_factor = 2 : i64, sc.parallel_access}
      %parallel_loop3A_164 = arith.constant 0 : i32
      %parallel_loop3A_165 = arith.constant 64 : i32
      %parallel_loop3A_166 = arith.constant 1 : i32
      %parallel_loop3A_167 = arith.constant -1 : i32
      %parallel_loop3A_168 = scf.for %parallel_loop3A_620 = %parallel_loop3A_164 to %parallel_loop3A_165 step %parallel_loop3A_166 iter_args(%parallel_loop3A_621 = %parallel_loop3A_167) -> (i32)  : i32 {
        %parallel_loop3A_622 = arith.constant 16 : i32
        %parallel_loop3A_623 = arith.muli %parallel_loop3A_620, %parallel_loop3A_622 : i32
        %parallel_loop3A_624 = arith.index_cast %parallel_loop3A_623 : i32 to index
        %parallel_loop3A_625 = tpu.vector_load %arg18[%parallel_loop3A_624] {strides = array<i32>} : memref<1040xi32, #tpu.memory_space<vmem>>, vector<16xi32>,
        %parallel_loop3A_626 = vector.broadcast %sub3A_127 : i32 to vector<16xi32>
        %parallel_loop3A_627 = arith.cmpi sge, %parallel_loop3A_625, %parallel_loop3A_626 : vector<16xi32>
        %parallel_loop3A_628 = arith.constant 16 : i32
        %parallel_loop3A_629 = arith.muli %parallel_loop3A_620, %parallel_loop3A_628 : i32
        %parallel_loop3A_630 = vector.broadcast %parallel_loop3A_629 : i32 to vector<16xi32>
        %parallel_loop3A_631 = arith.addi %iota3A, %parallel_loop3A_630 : vector<16xi32>
        %parallel_loop3A_632 = arith.constant -1 : i32
        %parallel_loop3A_633 = vector.broadcast %parallel_loop3A_632 : i32 to vector<16xi32>
        %parallel_loop3A_634 = arith.select %parallel_loop3A_627, %parallel_loop3A_631, %parallel_loop3A_633 : vector<16xi1>, vector<16xi32>
        %parallel_loop3A_635 = arith.constant true
        %parallel_loop3A_636 = vector.broadcast %parallel_loop3A_635 : i1 to vector<16xi1>
        %parallel_loop3A_637 = arith.constant -2147483648 : i32
        %parallel_loop3A_638 = vector.broadcast %parallel_loop3A_637 : i32 to vector<16xi32>
        %parallel_loop3A_639 = arith.xori %parallel_loop3A_634, %parallel_loop3A_638 : vector<16xi32>
        %parallel_loop3A_640 = tpu.scan <max>, %parallel_loop3A_639 masked %parallel_loop3A_636 : vector<16xi32>, vector<16xi1> -> vector<16xi32>
        %parallel_loop3A_641 = arith.xori %parallel_loop3A_640, %parallel_loop3A_638 : vector<16xi32>
        %parallel_loop3A_642 = vector.extract %parallel_loop3A_641[15] : i32 from vector<16xi32>
        %parallel_loop3A_643 = arith.maxsi %parallel_loop3A_621, %parallel_loop3A_642 : i32
        scf.yield %parallel_loop3A_643 : i32
      } {sc.loop_unroll_factor = 4 : i64, sc.parallel_access}
      %add3A_169 = arith.constant 1 : i32
      %add3A_170 = arith.addi %parallel_loop3A_168, %add3A_169 : i32
      %broadcast_in_dim3A_171 = vector.broadcast %add3A_170 : i32 to vector<16xi32>
      %gather3A_172 = tpu.vector_load_idx %arg18[%broadcast_in_dim3A_171] : memref<1040xi32, #tpu.memory_space<vmem>>[vector<16xi32>], vector<16xi32>,
      %reduce_max3A_173 = arith.constant true
      %reduce_max3A_174 = vector.broadcast %reduce_max3A_173 : i1 to vector<16xi1>
      %reduce_max3A_175 = arith.constant -2147483648 : i32
      %reduce_max3A_176 = vector.broadcast %reduce_max3A_175 : i32 to vector<16xi32>
      %reduce_max3A_177 = arith.xori %gather3A_172, %reduce_max3A_176 : vector<16xi32>
      %reduce_max3A_178 = tpu.scan <max>, %reduce_max3A_177 masked %reduce_max3A_174 : vector<16xi32>, vector<16xi1> -> vector<16xi32>
      %reduce_max3A_179 = arith.xori %reduce_max3A_178, %reduce_max3A_176 : vector<16xi32>
      %reduce_max3A_180 = vector.extract %reduce_max3A_179[15] : i32 from vector<16xi32>
      %parallel_loop3A_181 = arith.constant 0 : i32
      %parallel_loop3A_182 = arith.constant 1 : i32
      %parallel_loop3A_183 = arith.constant 0 : i32
      %parallel_loop3A_184:2 = scf.for %parallel_loop3A_620 = %parallel_loop3A_181 to %select_n3A_153 step %parallel_loop3A_182 iter_args(%parallel_loop3A_621 = %parallel_loop3A_125#0, %parallel_loop3A_622 = %parallel_loop3A_183) -> (i32, i32)  : i32 {
        %parallel_loop3A_623 = arith.constant 16 : i32
        %parallel_loop3A_624 = arith.muli %parallel_loop3A_620, %parallel_loop3A_623 : i32
        %parallel_loop3A_625 = arith.index_cast %parallel_loop3A_624 : i32 to index
        %parallel_loop3A_626 = tpu.vector_load %arg9[%parallel_loop3A_625] {strides = array<i32>} : memref<8192xi32, #tpu.memory_space<vmem>>, vector<16xi32>,
        %parallel_loop3A_627 = arith.constant 16 : i32
        %parallel_loop3A_628 = arith.muli %parallel_loop3A_620, %parallel_loop3A_627 : i32
        %parallel_loop3A_629 = arith.index_cast %parallel_loop3A_628 : i32 to index
        %parallel_loop3A_630 = tpu.vector_load %arg10[%parallel_loop3A_629] {strides = array<i32>} : memref<8192xi32, #tpu.memory_space<vmem>>, vector<16xi32>,
        %parallel_loop3A_631 = arith.constant 11 : i32
        %parallel_loop3A_632 = vector.broadcast %parallel_loop3A_631 : i32 to vector<16xi32>
        %parallel_loop3A_633 = arith.shrui %parallel_loop3A_626, %parallel_loop3A_632 : vector<16xi32>
        %parallel_loop3A_634 = arith.constant 1023 : i32
        %parallel_loop3A_635 = vector.broadcast %parallel_loop3A_634 : i32 to vector<16xi32>
        %parallel_loop3A_636 = arith.andi %parallel_loop3A_633, %parallel_loop3A_635 : vector<16xi32>
        %parallel_loop3A_637 = arith.constant 16 : i32
        %parallel_loop3A_638 = arith.muli %parallel_loop3A_620, %parallel_loop3A_637 : i32
        %parallel_loop3A_639 = vector.broadcast %parallel_loop3A_638 : i32 to vector<16xi32>
        %parallel_loop3A_640 = arith.addi %iota3A, %parallel_loop3A_639 : vector<16xi32>
        %parallel_loop3A_641 = vector.broadcast %parallel_loop3A_125#1 : i32 to vector<16xi32>
        %parallel_loop3A_642 = arith.cmpi slt, %parallel_loop3A_640, %parallel_loop3A_641 : vector<16xi32>
        %parallel_loop3A_643 = vector.broadcast %parallel_loop3A_168 : i32 to vector<16xi32>
        %parallel_loop3A_644 = arith.cmpi sgt, %parallel_loop3A_636, %parallel_loop3A_643 : vector<16xi32>
        %parallel_loop3A_645 = arith.andi %parallel_loop3A_644, %parallel_loop3A_642 : vector<16xi1>
        %parallel_loop3A_646 = vector.broadcast %parallel_loop3A_168 : i32 to vector<16xi32>
        %parallel_loop3A_647 = arith.cmpi eq, %parallel_loop3A_636, %parallel_loop3A_646 : vector<16xi32>
        %parallel_loop3A_648 = arith.andi %parallel_loop3A_647, %parallel_loop3A_642 : vector<16xi1>
        %parallel_loop3A_649 = arith.index_cast %parallel_loop3A_621 : i32 to index
        %parallel_loop3A_650 = tpu.vector_load %arg13[%parallel_loop3A_649] masked %parallel_loop3A_645 {strides = array<i32>} : memref<272xi32, #tpu.memory_space<vmem>>, vector<16xi32>, vector<16xi1>
        tpu.vector_store %arg13[%parallel_loop3A_649], %parallel_loop3A_626 masked %parallel_loop3A_645 {strides = array<i32>} : memref<272xi32, #tpu.memory_space<vmem>>, vector<16xi32>, vector<16xi1>
        %parallel_loop3A_651 = arith.index_cast %parallel_loop3A_621 : i32 to index
        %parallel_loop3A_652 = tpu.vector_load %arg14[%parallel_loop3A_651] masked %parallel_loop3A_645 {strides = array<i32>} : memref<272xi32, #tpu.memory_space<vmem>>, vector<16xi32>, vector<16xi1>
        tpu.vector_store %arg14[%parallel_loop3A_651], %parallel_loop3A_630 masked %parallel_loop3A_645 {strides = array<i32>} : memref<272xi32, #tpu.memory_space<vmem>>, vector<16xi32>, vector<16xi1>
        %parallel_loop3A_653 = arith.index_cast %parallel_loop3A_622 : i32 to index
        %parallel_loop3A_654 = tpu.vector_load %arg11[%parallel_loop3A_653] masked %parallel_loop3A_648 {strides = array<i32>} : memref<8192xi32, #tpu.memory_space<vmem>>, vector<16xi32>, vector<16xi1>
        tpu.vector_store %arg11[%parallel_loop3A_653], %parallel_loop3A_626 masked %parallel_loop3A_648 {strides = array<i32>} : memref<8192xi32, #tpu.memory_space<vmem>>, vector<16xi32>, vector<16xi1>
        %parallel_loop3A_655 = arith.index_cast %parallel_loop3A_622 : i32 to index
        %parallel_loop3A_656 = tpu.vector_load %arg12[%parallel_loop3A_655] masked %parallel_loop3A_648 {strides = array<i32>} : memref<8192xi32, #tpu.memory_space<vmem>>, vector<16xi32>, vector<16xi1>
        tpu.vector_store %arg12[%parallel_loop3A_655], %parallel_loop3A_630 masked %parallel_loop3A_648 {strides = array<i32>} : memref<8192xi32, #tpu.memory_space<vmem>>, vector<16xi32>, vector<16xi1>
        %parallel_loop3A_657 = arith.extui %parallel_loop3A_645 : vector<16xi1> to vector<16xi32>
        %parallel_loop3A_658 = arith.constant true
        %parallel_loop3A_659 = vector.broadcast %parallel_loop3A_658 : i1 to vector<16xi1>
        %parallel_loop3A_660 = tpu.scan <sum>, %parallel_loop3A_657 masked %parallel_loop3A_659 : vector<16xi32>, vector<16xi1> -> vector<16xi32>
        %parallel_loop3A_661 = vector.extract %parallel_loop3A_660[15] : i32 from vector<16xi32>
        %parallel_loop3A_662 = arith.addi %parallel_loop3A_621, %parallel_loop3A_661 : i32
        %parallel_loop3A_663 = arith.extui %parallel_loop3A_648 : vector<16xi1> to vector<16xi32>
        %parallel_loop3A_664 = arith.constant true
        %parallel_loop3A_665 = vector.broadcast %parallel_loop3A_664 : i1 to vector<16xi1>
        %parallel_loop3A_666 = tpu.scan <sum>, %parallel_loop3A_663 masked %parallel_loop3A_665 : vector<16xi32>, vector<16xi1> -> vector<16xi32>
        %parallel_loop3A_667 = vector.extract %parallel_loop3A_666[15] : i32 from vector<16xi32>
        %parallel_loop3A_668 = arith.addi %parallel_loop3A_622, %parallel_loop3A_667 : i32
        scf.yield %parallel_loop3A_662, %parallel_loop3A_668 : i32, i32
      } {sc.loop_unroll_factor = 2 : i64, sc.parallel_access}
      %sub3A_185 = arith.subi %sub3A_127, %reduce_max3A_180 : i32
      %add3A_186 = arith.constant 15 : i32
      %add3A_187 = arith.addi %parallel_loop3A_184#1, %add3A_186 : i32
      %jit3A_188 = arith.constant 16 : i32
      %div3A_189 = arith.divsi %add3A_187, %jit3A_188 : i32
      %sign3A_190 = arith.constant 0 : i32
      %sign3A_191 = arith.cmpi sgt, %add3A_187, %sign3A_190 : i32
      %sign3A_192 = arith.extui %sign3A_191 : i1 to i32
      %sign3A_193 = arith.constant 0 : i32
      %sign3A_194 = arith.cmpi slt, %add3A_187, %sign3A_193 : i32
      %sign3A_195 = arith.extui %sign3A_194 : i1 to i32
      %sign3A_196 = arith.subi %sign3A_192, %sign3A_195 : i32
      %sign3A_197 = arith.constant 0 : i32
      %sign3A_198 = arith.cmpi sgt, %jit3A_188, %sign3A_197 : i32
      %sign3A_199 = arith.extui %sign3A_198 : i1 to i32
      %sign3A_200 = arith.constant 0 : i32
      %sign3A_201 = arith.cmpi slt, %jit3A_188, %sign3A_200 : i32
      %sign3A_202 = arith.extui %sign3A_201 : i1 to i32
      %sign3A_203 = arith.subi %sign3A_199, %sign3A_202 : i32
      %ne3A_204 = arith.cmpi ne, %sign3A_196, %sign3A_203 : i32
      %rem3A_205 = arith.remsi %add3A_187, %jit3A_188 : i32
      %ne3A_206 = arith.constant 0 : i32
      %ne3A_207 = arith.cmpi ne, %rem3A_205, %ne3A_206 : i32
      %and3A_208 = arith.andi %ne3A_204, %ne3A_207 : i1
      %sub3A_209 = arith.constant 1 : i32
      %sub3A_210 = arith.subi %div3A_189, %sub3A_209 : i32
      %select_n3A_211 = arith.select %and3A_208, %sub3A_210, %div3A_189 : i32
      %parallel_loop3A_212 = arith.constant 0 : i32
      %parallel_loop3A_213 = arith.constant 64 : i32
      %parallel_loop3A_214 = arith.constant 1 : i32
      scf.for %parallel_loop3A_620 = %parallel_loop3A_212 to %parallel_loop3A_213 step %parallel_loop3A_214  : i32 {
        %parallel_loop3A_621 = arith.constant 16 : i32
        %parallel_loop3A_622 = arith.muli %parallel_loop3A_620, %parallel_loop3A_621 : i32
        %parallel_loop3A_623 = arith.index_cast %parallel_loop3A_622 : i32 to index
        %parallel_loop3A_624 = tpu.vector_load %arg17[%parallel_loop3A_623] {strides = array<i32>} : memref<1024xi32, #tpu.memory_space<vmem>>, vector<16xi32>,
        tpu.vector_store %arg17[%parallel_loop3A_623], %broadcast_in_dim3A_33 {strides = array<i32>} : memref<1024xi32, #tpu.memory_space<vmem>>, vector<16xi32>,
      } {sc.loop_unroll_factor = 4 : i64, sc.parallel_access}
      %parallel_loop3A_215 = arith.constant 0 : i32
      %parallel_loop3A_216 = arith.constant 1 : i32
      scf.for %parallel_loop3A_620 = %parallel_loop3A_215 to %select_n3A_211 step %parallel_loop3A_216  : i32 {
        %parallel_loop3A_621 = arith.constant 16 : i32
        %parallel_loop3A_622 = arith.muli %parallel_loop3A_620, %parallel_loop3A_621 : i32
        %parallel_loop3A_623 = arith.index_cast %parallel_loop3A_622 : i32 to index
        %parallel_loop3A_624 = tpu.vector_load %arg11[%parallel_loop3A_623] {strides = array<i32>} : memref<8192xi32, #tpu.memory_space<vmem>>, vector<16xi32>,
        %parallel_loop3A_625 = arith.constant 1 : i32
        %parallel_loop3A_626 = vector.broadcast %parallel_loop3A_625 : i32 to vector<16xi32>
        %parallel_loop3A_627 = arith.shrui %parallel_loop3A_624, %parallel_loop3A_626 : vector<16xi32>
        %parallel_loop3A_628 = arith.constant 1023 : i32
        %parallel_loop3A_629 = vector.broadcast %parallel_loop3A_628 : i32 to vector<16xi32>
        %parallel_loop3A_630 = arith.andi %parallel_loop3A_627, %parallel_loop3A_629 : vector<16xi32>
        %parallel_loop3A_631 = arith.constant 16 : i32
        %parallel_loop3A_632 = arith.muli %parallel_loop3A_620, %parallel_loop3A_631 : i32
        %parallel_loop3A_633 = vector.broadcast %parallel_loop3A_632 : i32 to vector<16xi32>
        %parallel_loop3A_634 = arith.addi %iota3A, %parallel_loop3A_633 : vector<16xi32>
        %parallel_loop3A_635 = vector.broadcast %parallel_loop3A_184#1 : i32 to vector<16xi32>
        %parallel_loop3A_636 = arith.cmpi slt, %parallel_loop3A_634, %parallel_loop3A_635 : vector<16xi32>
        %parallel_loop3A_637, %parallel_loop3A_638 = tpu.scan_count mask(%parallel_loop3A_636 : vector<16xi1>) value(%parallel_loop3A_630 : vector<16xi32>) : vector<16xi1>, vector<16xi32>
        %parallel_loop3A_639 = arith.andi %parallel_loop3A_637, %parallel_loop3A_636 : vector<16xi1>
        tpu.vector_store_idx %arg17[%parallel_loop3A_630], %parallel_loop3A_638 masked %parallel_loop3A_639 {add = true} : memref<1024xi32, #tpu.memory_space<vmem>>[vector<16xi32>], vector<16xi32>, vector<16xi1>
      } {sc.loop_unroll_factor = 2 : i64, sc.parallel_access}
      %parallel_loop3A_217 = arith.constant 0 : i32
      %parallel_loop3A_218 = arith.constant 64 : i32
      %parallel_loop3A_219 = arith.constant 1 : i32
      %parallel_loop3A_220 = arith.constant 0 : i32
      %parallel_loop3A_221 = scf.for %parallel_loop3A_620 = %parallel_loop3A_217 to %parallel_loop3A_218 step %parallel_loop3A_219 iter_args(%parallel_loop3A_621 = %parallel_loop3A_220) -> (i32)  : i32 {
        %parallel_loop3A_622 = arith.constant 63 : i32
        %parallel_loop3A_623 = arith.subi %parallel_loop3A_622, %parallel_loop3A_620 : i32
        %parallel_loop3A_624 = arith.constant 16 : i32
        %parallel_loop3A_625 = arith.muli %parallel_loop3A_623, %parallel_loop3A_624 : i32
        %parallel_loop3A_626 = arith.index_cast %parallel_loop3A_625 : i32 to index
        %parallel_loop3A_627 = tpu.vector_load %arg17[%parallel_loop3A_626] {strides = array<i32>} : memref<1024xi32, #tpu.memory_space<vmem>>, vector<16xi32>,
        %parallel_loop3A_628 = arith.constant 15 : i32
        %parallel_loop3A_629 = vector.broadcast %parallel_loop3A_628 : i32 to vector<16xi32>
        %parallel_loop3A_630 = tpu.iota {dimensions = array<i32: 0>} : vector<16xi32>
        %parallel_loop3A_631 = arith.subi %parallel_loop3A_629, %parallel_loop3A_630 : vector<16xi32>
        %parallel_loop3A_632 = tpu.dynamic_gather %parallel_loop3A_627[%parallel_loop3A_631] in [0] : vector<16xi32>, vector<16xi32> -> vector<16xi32>
        %parallel_loop3A_633 = arith.constant true
        %parallel_loop3A_634 = vector.broadcast %parallel_loop3A_633 : i1 to vector<16xi1>
        %parallel_loop3A_635 = tpu.scan <sum>, %parallel_loop3A_632 masked %parallel_loop3A_634 : vector<16xi32>, vector<16xi1> -> vector<16xi32>
        %parallel_loop3A_636 = vector.broadcast %parallel_loop3A_621 : i32 to vector<16xi32>
        %parallel_loop3A_637 = arith.addi %parallel_loop3A_635, %parallel_loop3A_636 : vector<16xi32>
        %parallel_loop3A_638 = arith.constant 15 : i32
        %parallel_loop3A_639 = vector.broadcast %parallel_loop3A_638 : i32 to vector<16xi32>
        %parallel_loop3A_640 = tpu.iota {dimensions = array<i32: 0>} : vector<16xi32>
        %parallel_loop3A_641 = arith.subi %parallel_loop3A_639, %parallel_loop3A_640 : vector<16xi32>
        %parallel_loop3A_642 = tpu.dynamic_gather %parallel_loop3A_637[%parallel_loop3A_641] in [0] : vector<16xi32>, vector<16xi32> -> vector<16xi32>
        %parallel_loop3A_643 = arith.constant 16 : i32
        %parallel_loop3A_644 = arith.muli %parallel_loop3A_623, %parallel_loop3A_643 : i32
        %parallel_loop3A_645 = arith.index_cast %parallel_loop3A_644 : i32 to index
        %parallel_loop3A_646 = tpu.vector_load %arg18[%parallel_loop3A_645] {strides = array<i32>} : memref<1040xi32, #tpu.memory_space<vmem>>, vector<16xi32>,
        tpu.vector_store %arg18[%parallel_loop3A_645], %parallel_loop3A_642 {strides = array<i32>} : memref<1040xi32, #tpu.memory_space<vmem>>, vector<16xi32>,
        %parallel_loop3A_647 = arith.constant true
        %parallel_loop3A_648 = vector.broadcast %parallel_loop3A_647 : i1 to vector<16xi1>
        %parallel_loop3A_649 = arith.constant -2147483648 : i32
        %parallel_loop3A_650 = vector.broadcast %parallel_loop3A_649 : i32 to vector<16xi32>
        %parallel_loop3A_651 = arith.xori %parallel_loop3A_637, %parallel_loop3A_650 : vector<16xi32>
        %parallel_loop3A_652 = tpu.scan <max>, %parallel_loop3A_651 masked %parallel_loop3A_648 : vector<16xi32>, vector<16xi1> -> vector<16xi32>
        %parallel_loop3A_653 = arith.xori %parallel_loop3A_652, %parallel_loop3A_650 : vector<16xi32>
        %parallel_loop3A_654 = vector.extract %parallel_loop3A_653[15] : i32 from vector<16xi32>
        scf.yield %parallel_loop3A_654 : i32
      } {sc.loop_unroll_factor = 2 : i64, sc.parallel_access}
      %parallel_loop3A_222 = arith.constant 0 : i32
      %parallel_loop3A_223 = arith.constant 64 : i32
      %parallel_loop3A_224 = arith.constant 1 : i32
      %parallel_loop3A_225 = arith.constant -1 : i32
      %parallel_loop3A_226 = scf.for %parallel_loop3A_620 = %parallel_loop3A_222 to %parallel_loop3A_223 step %parallel_loop3A_224 iter_args(%parallel_loop3A_621 = %parallel_loop3A_225) -> (i32)  : i32 {
        %parallel_loop3A_622 = arith.constant 16 : i32
        %parallel_loop3A_623 = arith.muli %parallel_loop3A_620, %parallel_loop3A_622 : i32
        %parallel_loop3A_624 = arith.index_cast %parallel_loop3A_623 : i32 to index
        %parallel_loop3A_625 = tpu.vector_load %arg18[%parallel_loop3A_624] {strides = array<i32>} : memref<1040xi32, #tpu.memory_space<vmem>>, vector<16xi32>,
        %parallel_loop3A_626 = vector.broadcast %sub3A_185 : i32 to vector<16xi32>
        %parallel_loop3A_627 = arith.cmpi sge, %parallel_loop3A_625, %parallel_loop3A_626 : vector<16xi32>
        %parallel_loop3A_628 = arith.constant 16 : i32
        %parallel_loop3A_629 = arith.muli %parallel_loop3A_620, %parallel_loop3A_628 : i32
        %parallel_loop3A_630 = vector.broadcast %parallel_loop3A_629 : i32 to vector<16xi32>
        %parallel_loop3A_631 = arith.addi %iota3A, %parallel_loop3A_630 : vector<16xi32>
        %parallel_loop3A_632 = arith.constant -1 : i32
        %parallel_loop3A_633 = vector.broadcast %parallel_loop3A_632 : i32 to vector<16xi32>
        %parallel_loop3A_634 = arith.select %parallel_loop3A_627, %parallel_loop3A_631, %parallel_loop3A_633 : vector<16xi1>, vector<16xi32>
        %parallel_loop3A_635 = arith.constant true
        %parallel_loop3A_636 = vector.broadcast %parallel_loop3A_635 : i1 to vector<16xi1>
        %parallel_loop3A_637 = arith.constant -2147483648 : i32
        %parallel_loop3A_638 = vector.broadcast %parallel_loop3A_637 : i32 to vector<16xi32>
        %parallel_loop3A_639 = arith.xori %parallel_loop3A_634, %parallel_loop3A_638 : vector<16xi32>
        %parallel_loop3A_640 = tpu.scan <max>, %parallel_loop3A_639 masked %parallel_loop3A_636 : vector<16xi32>, vector<16xi1> -> vector<16xi32>
        %parallel_loop3A_641 = arith.xori %parallel_loop3A_640, %parallel_loop3A_638 : vector<16xi32>
        %parallel_loop3A_642 = vector.extract %parallel_loop3A_641[15] : i32 from vector<16xi32>
        %parallel_loop3A_643 = arith.maxsi %parallel_loop3A_621, %parallel_loop3A_642 : i32
        scf.yield %parallel_loop3A_643 : i32
      } {sc.loop_unroll_factor = 4 : i64, sc.parallel_access}
      %add3A_227 = arith.constant 1 : i32
      %add3A_228 = arith.addi %parallel_loop3A_226, %add3A_227 : i32
      %broadcast_in_dim3A_229 = vector.broadcast %add3A_228 : i32 to vector<16xi32>
      %gather3A_230 = tpu.vector_load_idx %arg18[%broadcast_in_dim3A_229] : memref<1040xi32, #tpu.memory_space<vmem>>[vector<16xi32>], vector<16xi32>,
      %reduce_max3A_231 = arith.constant true
      %reduce_max3A_232 = vector.broadcast %reduce_max3A_231 : i1 to vector<16xi1>
      %reduce_max3A_233 = arith.constant -2147483648 : i32
      %reduce_max3A_234 = vector.broadcast %reduce_max3A_233 : i32 to vector<16xi32>
      %reduce_max3A_235 = arith.xori %gather3A_230, %reduce_max3A_234 : vector<16xi32>
      %reduce_max3A_236 = tpu.scan <max>, %reduce_max3A_235 masked %reduce_max3A_232 : vector<16xi32>, vector<16xi1> -> vector<16xi32>
      %reduce_max3A_237 = arith.xori %reduce_max3A_236, %reduce_max3A_234 : vector<16xi32>
      %reduce_max3A_238 = vector.extract %reduce_max3A_237[15] : i32 from vector<16xi32>
      %parallel_loop3A_239 = arith.constant 0 : i32
      %parallel_loop3A_240 = arith.constant 1 : i32
      %parallel_loop3A_241 = arith.constant 0 : i32
      %parallel_loop3A_242:2 = scf.for %parallel_loop3A_620 = %parallel_loop3A_239 to %select_n3A_211 step %parallel_loop3A_240 iter_args(%parallel_loop3A_621 = %parallel_loop3A_184#0, %parallel_loop3A_622 = %parallel_loop3A_241) -> (i32, i32)  : i32 {
        %parallel_loop3A_623 = arith.constant 16 : i32
        %parallel_loop3A_624 = arith.muli %parallel_loop3A_620, %parallel_loop3A_623 : i32
        %parallel_loop3A_625 = arith.index_cast %parallel_loop3A_624 : i32 to index
        %parallel_loop3A_626 = tpu.vector_load %arg11[%parallel_loop3A_625] {strides = array<i32>} : memref<8192xi32, #tpu.memory_space<vmem>>, vector<16xi32>,
        %parallel_loop3A_627 = arith.constant 16 : i32
        %parallel_loop3A_628 = arith.muli %parallel_loop3A_620, %parallel_loop3A_627 : i32
        %parallel_loop3A_629 = arith.index_cast %parallel_loop3A_628 : i32 to index
        %parallel_loop3A_630 = tpu.vector_load %arg12[%parallel_loop3A_629] {strides = array<i32>} : memref<8192xi32, #tpu.memory_space<vmem>>, vector<16xi32>,
        %parallel_loop3A_631 = arith.constant 1 : i32
        %parallel_loop3A_632 = vector.broadcast %parallel_loop3A_631 : i32 to vector<16xi32>
        %parallel_loop3A_633 = arith.shrui %parallel_loop3A_626, %parallel_loop3A_632 : vector<16xi32>
        %parallel_loop3A_634 = arith.constant 1023 : i32
        %parallel_loop3A_635 = vector.broadcast %parallel_loop3A_634 : i32 to vector<16xi32>
        %parallel_loop3A_636 = arith.andi %parallel_loop3A_633, %parallel_loop3A_635 : vector<16xi32>
        %parallel_loop3A_637 = arith.constant 16 : i32
        %parallel_loop3A_638 = arith.muli %parallel_loop3A_620, %parallel_loop3A_637 : i32
        %parallel_loop3A_639 = vector.broadcast %parallel_loop3A_638 : i32 to vector<16xi32>
        %parallel_loop3A_640 = arith.addi %iota3A, %parallel_loop3A_639 : vector<16xi32>
        %parallel_loop3A_641 = vector.broadcast %parallel_loop3A_184#1 : i32 to vector<16xi32>
        %parallel_loop3A_642 = arith.cmpi slt, %parallel_loop3A_640, %parallel_loop3A_641 : vector<16xi32>
        %parallel_loop3A_643 = vector.broadcast %parallel_loop3A_226 : i32 to vector<16xi32>
        %parallel_loop3A_644 = arith.cmpi sgt, %parallel_loop3A_636, %parallel_loop3A_643 : vector<16xi32>
        %parallel_loop3A_645 = arith.andi %parallel_loop3A_644, %parallel_loop3A_642 : vector<16xi1>
        %parallel_loop3A_646 = vector.broadcast %parallel_loop3A_226 : i32 to vector<16xi32>
        %parallel_loop3A_647 = arith.cmpi eq, %parallel_loop3A_636, %parallel_loop3A_646 : vector<16xi32>
        %parallel_loop3A_648 = arith.andi %parallel_loop3A_647, %parallel_loop3A_642 : vector<16xi1>
        %parallel_loop3A_649 = arith.index_cast %parallel_loop3A_621 : i32 to index
        %parallel_loop3A_650 = tpu.vector_load %arg13[%parallel_loop3A_649] masked %parallel_loop3A_645 {strides = array<i32>} : memref<272xi32, #tpu.memory_space<vmem>>, vector<16xi32>, vector<16xi1>
        tpu.vector_store %arg13[%parallel_loop3A_649], %parallel_loop3A_626 masked %parallel_loop3A_645 {strides = array<i32>} : memref<272xi32, #tpu.memory_space<vmem>>, vector<16xi32>, vector<16xi1>
        %parallel_loop3A_651 = arith.index_cast %parallel_loop3A_621 : i32 to index
        %parallel_loop3A_652 = tpu.vector_load %arg14[%parallel_loop3A_651] masked %parallel_loop3A_645 {strides = array<i32>} : memref<272xi32, #tpu.memory_space<vmem>>, vector<16xi32>, vector<16xi1>
        tpu.vector_store %arg14[%parallel_loop3A_651], %parallel_loop3A_630 masked %parallel_loop3A_645 {strides = array<i32>} : memref<272xi32, #tpu.memory_space<vmem>>, vector<16xi32>, vector<16xi1>
        %parallel_loop3A_653 = arith.index_cast %parallel_loop3A_622 : i32 to index
        %parallel_loop3A_654 = tpu.vector_load %arg9[%parallel_loop3A_653] masked %parallel_loop3A_648 {strides = array<i32>} : memref<8192xi32, #tpu.memory_space<vmem>>, vector<16xi32>, vector<16xi1>
        tpu.vector_store %arg9[%parallel_loop3A_653], %parallel_loop3A_626 masked %parallel_loop3A_648 {strides = array<i32>} : memref<8192xi32, #tpu.memory_space<vmem>>, vector<16xi32>, vector<16xi1>
        %parallel_loop3A_655 = arith.index_cast %parallel_loop3A_622 : i32 to index
        %parallel_loop3A_656 = tpu.vector_load %arg10[%parallel_loop3A_655] masked %parallel_loop3A_648 {strides = array<i32>} : memref<8192xi32, #tpu.memory_space<vmem>>, vector<16xi32>, vector<16xi1>
        tpu.vector_store %arg10[%parallel_loop3A_655], %parallel_loop3A_630 masked %parallel_loop3A_648 {strides = array<i32>} : memref<8192xi32, #tpu.memory_space<vmem>>, vector<16xi32>, vector<16xi1>
        %parallel_loop3A_657 = arith.extui %parallel_loop3A_645 : vector<16xi1> to vector<16xi32>
        %parallel_loop3A_658 = arith.constant true
        %parallel_loop3A_659 = vector.broadcast %parallel_loop3A_658 : i1 to vector<16xi1>
        %parallel_loop3A_660 = tpu.scan <sum>, %parallel_loop3A_657 masked %parallel_loop3A_659 : vector<16xi32>, vector<16xi1> -> vector<16xi32>
        %parallel_loop3A_661 = vector.extract %parallel_loop3A_660[15] : i32 from vector<16xi32>
        %parallel_loop3A_662 = arith.addi %parallel_loop3A_621, %parallel_loop3A_661 : i32
        %parallel_loop3A_663 = arith.extui %parallel_loop3A_648 : vector<16xi1> to vector<16xi32>
        %parallel_loop3A_664 = arith.constant true
        %parallel_loop3A_665 = vector.broadcast %parallel_loop3A_664 : i1 to vector<16xi1>
        %parallel_loop3A_666 = tpu.scan <sum>, %parallel_loop3A_663 masked %parallel_loop3A_665 : vector<16xi32>, vector<16xi1> -> vector<16xi32>
        %parallel_loop3A_667 = vector.extract %parallel_loop3A_666[15] : i32 from vector<16xi32>
        %parallel_loop3A_668 = arith.addi %parallel_loop3A_622, %parallel_loop3A_667 : i32
        scf.yield %parallel_loop3A_662, %parallel_loop3A_668 : i32, i32
      } {sc.loop_unroll_factor = 2 : i64, sc.parallel_access}
      %sub3A_243 = arith.subi %sub3A_185, %reduce_max3A_238 : i32
      %add3A_244 = arith.constant 15 : i32
      %add3A_245 = arith.addi %parallel_loop3A_242#1, %add3A_244 : i32
      %jit3A_246 = arith.constant 16 : i32
      %div3A_247 = arith.divsi %add3A_245, %jit3A_246 : i32
      %sign3A_248 = arith.constant 0 : i32
      %sign3A_249 = arith.cmpi sgt, %add3A_245, %sign3A_248 : i32
      %sign3A_250 = arith.extui %sign3A_249 : i1 to i32
      %sign3A_251 = arith.constant 0 : i32
      %sign3A_252 = arith.cmpi slt, %add3A_245, %sign3A_251 : i32
      %sign3A_253 = arith.extui %sign3A_252 : i1 to i32
      %sign3A_254 = arith.subi %sign3A_250, %sign3A_253 : i32
      %sign3A_255 = arith.constant 0 : i32
      %sign3A_256 = arith.cmpi sgt, %jit3A_246, %sign3A_255 : i32
      %sign3A_257 = arith.extui %sign3A_256 : i1 to i32
      %sign3A_258 = arith.constant 0 : i32
      %sign3A_259 = arith.cmpi slt, %jit3A_246, %sign3A_258 : i32
      %sign3A_260 = arith.extui %sign3A_259 : i1 to i32
      %sign3A_261 = arith.subi %sign3A_257, %sign3A_260 : i32
      %ne3A_262 = arith.cmpi ne, %sign3A_254, %sign3A_261 : i32
      %rem3A_263 = arith.remsi %add3A_245, %jit3A_246 : i32
      %ne3A_264 = arith.constant 0 : i32
      %ne3A_265 = arith.cmpi ne, %rem3A_263, %ne3A_264 : i32
      %and3A_266 = arith.andi %ne3A_262, %ne3A_265 : i1
      %sub3A_267 = arith.constant 1 : i32
      %sub3A_268 = arith.subi %div3A_247, %sub3A_267 : i32
      %select_n3A_269 = arith.select %and3A_266, %sub3A_268, %div3A_247 : i32
      %parallel_loop3A_270 = arith.constant 0 : i32
      %parallel_loop3A_271 = arith.constant 64 : i32
      %parallel_loop3A_272 = arith.constant 1 : i32
      scf.for %parallel_loop3A_620 = %parallel_loop3A_270 to %parallel_loop3A_271 step %parallel_loop3A_272  : i32 {
        %parallel_loop3A_621 = arith.constant 16 : i32
        %parallel_loop3A_622 = arith.muli %parallel_loop3A_620, %parallel_loop3A_621 : i32
        %parallel_loop3A_623 = arith.index_cast %parallel_loop3A_622 : i32 to index
        %parallel_loop3A_624 = tpu.vector_load %arg17[%parallel_loop3A_623] {strides = array<i32>} : memref<1024xi32, #tpu.memory_space<vmem>>, vector<16xi32>,
        tpu.vector_store %arg17[%parallel_loop3A_623], %broadcast_in_dim3A_33 {strides = array<i32>} : memref<1024xi32, #tpu.memory_space<vmem>>, vector<16xi32>,
      } {sc.loop_unroll_factor = 4 : i64, sc.parallel_access}
      %parallel_loop3A_273 = arith.constant 0 : i32
      %parallel_loop3A_274 = arith.constant 1 : i32
      scf.for %parallel_loop3A_620 = %parallel_loop3A_273 to %select_n3A_269 step %parallel_loop3A_274  : i32 {
        %parallel_loop3A_621 = arith.constant 16 : i32
        %parallel_loop3A_622 = arith.muli %parallel_loop3A_620, %parallel_loop3A_621 : i32
        %parallel_loop3A_623 = arith.index_cast %parallel_loop3A_622 : i32 to index
        %parallel_loop3A_624 = tpu.vector_load %arg9[%parallel_loop3A_623] {strides = array<i32>} : memref<8192xi32, #tpu.memory_space<vmem>>, vector<16xi32>,
        %parallel_loop3A_625 = arith.constant 0 : i32
        %parallel_loop3A_626 = vector.broadcast %parallel_loop3A_625 : i32 to vector<16xi32>
        %parallel_loop3A_627 = arith.shrui %parallel_loop3A_624, %parallel_loop3A_626 : vector<16xi32>
        %parallel_loop3A_628 = arith.constant 1023 : i32
        %parallel_loop3A_629 = vector.broadcast %parallel_loop3A_628 : i32 to vector<16xi32>
        %parallel_loop3A_630 = arith.andi %parallel_loop3A_627, %parallel_loop3A_629 : vector<16xi32>
        %parallel_loop3A_631 = arith.constant 16 : i32
        %parallel_loop3A_632 = arith.muli %parallel_loop3A_620, %parallel_loop3A_631 : i32
        %parallel_loop3A_633 = vector.broadcast %parallel_loop3A_632 : i32 to vector<16xi32>
        %parallel_loop3A_634 = arith.addi %iota3A, %parallel_loop3A_633 : vector<16xi32>
        %parallel_loop3A_635 = vector.broadcast %parallel_loop3A_242#1 : i32 to vector<16xi32>
        %parallel_loop3A_636 = arith.cmpi slt, %parallel_loop3A_634, %parallel_loop3A_635 : vector<16xi32>
        %parallel_loop3A_637, %parallel_loop3A_638 = tpu.scan_count mask(%parallel_loop3A_636 : vector<16xi1>) value(%parallel_loop3A_630 : vector<16xi32>) : vector<16xi1>, vector<16xi32>
        %parallel_loop3A_639 = arith.andi %parallel_loop3A_637, %parallel_loop3A_636 : vector<16xi1>
        tpu.vector_store_idx %arg17[%parallel_loop3A_630], %parallel_loop3A_638 masked %parallel_loop3A_639 {add = true} : memref<1024xi32, #tpu.memory_space<vmem>>[vector<16xi32>], vector<16xi32>, vector<16xi1>
      } {sc.loop_unroll_factor = 2 : i64, sc.parallel_access}
      %parallel_loop3A_275 = arith.constant 0 : i32
      %parallel_loop3A_276 = arith.constant 64 : i32
      %parallel_loop3A_277 = arith.constant 1 : i32
      %parallel_loop3A_278 = arith.constant 0 : i32
      %parallel_loop3A_279 = scf.for %parallel_loop3A_620 = %parallel_loop3A_275 to %parallel_loop3A_276 step %parallel_loop3A_277 iter_args(%parallel_loop3A_621 = %parallel_loop3A_278) -> (i32)  : i32 {
        %parallel_loop3A_622 = arith.constant 63 : i32
        %parallel_loop3A_623 = arith.subi %parallel_loop3A_622, %parallel_loop3A_620 : i32
        %parallel_loop3A_624 = arith.constant 16 : i32
        %parallel_loop3A_625 = arith.muli %parallel_loop3A_623, %parallel_loop3A_624 : i32
        %parallel_loop3A_626 = arith.index_cast %parallel_loop3A_625 : i32 to index
        %parallel_loop3A_627 = tpu.vector_load %arg17[%parallel_loop3A_626] {strides = array<i32>} : memref<1024xi32, #tpu.memory_space<vmem>>, vector<16xi32>,
        %parallel_loop3A_628 = arith.constant 15 : i32
        %parallel_loop3A_629 = vector.broadcast %parallel_loop3A_628 : i32 to vector<16xi32>
        %parallel_loop3A_630 = tpu.iota {dimensions = array<i32: 0>} : vector<16xi32>
        %parallel_loop3A_631 = arith.subi %parallel_loop3A_629, %parallel_loop3A_630 : vector<16xi32>
        %parallel_loop3A_632 = tpu.dynamic_gather %parallel_loop3A_627[%parallel_loop3A_631] in [0] : vector<16xi32>, vector<16xi32> -> vector<16xi32>
        %parallel_loop3A_633 = arith.constant true
        %parallel_loop3A_634 = vector.broadcast %parallel_loop3A_633 : i1 to vector<16xi1>
        %parallel_loop3A_635 = tpu.scan <sum>, %parallel_loop3A_632 masked %parallel_loop3A_634 : vector<16xi32>, vector<16xi1> -> vector<16xi32>
        %parallel_loop3A_636 = vector.broadcast %parallel_loop3A_621 : i32 to vector<16xi32>
        %parallel_loop3A_637 = arith.addi %parallel_loop3A_635, %parallel_loop3A_636 : vector<16xi32>
        %parallel_loop3A_638 = arith.constant 15 : i32
        %parallel_loop3A_639 = vector.broadcast %parallel_loop3A_638 : i32 to vector<16xi32>
        %parallel_loop3A_640 = tpu.iota {dimensions = array<i32: 0>} : vector<16xi32>
        %parallel_loop3A_641 = arith.subi %parallel_loop3A_639, %parallel_loop3A_640 : vector<16xi32>
        %parallel_loop3A_642 = tpu.dynamic_gather %parallel_loop3A_637[%parallel_loop3A_641] in [0] : vector<16xi32>, vector<16xi32> -> vector<16xi32>
        %parallel_loop3A_643 = arith.constant 16 : i32
        %parallel_loop3A_644 = arith.muli %parallel_loop3A_623, %parallel_loop3A_643 : i32
        %parallel_loop3A_645 = arith.index_cast %parallel_loop3A_644 : i32 to index
        %parallel_loop3A_646 = tpu.vector_load %arg18[%parallel_loop3A_645] {strides = array<i32>} : memref<1040xi32, #tpu.memory_space<vmem>>, vector<16xi32>,
        tpu.vector_store %arg18[%parallel_loop3A_645], %parallel_loop3A_642 {strides = array<i32>} : memref<1040xi32, #tpu.memory_space<vmem>>, vector<16xi32>,
        %parallel_loop3A_647 = arith.constant true
        %parallel_loop3A_648 = vector.broadcast %parallel_loop3A_647 : i1 to vector<16xi1>
        %parallel_loop3A_649 = arith.constant -2147483648 : i32
        %parallel_loop3A_650 = vector.broadcast %parallel_loop3A_649 : i32 to vector<16xi32>
        %parallel_loop3A_651 = arith.xori %parallel_loop3A_637, %parallel_loop3A_650 : vector<16xi32>
        %parallel_loop3A_652 = tpu.scan <max>, %parallel_loop3A_651 masked %parallel_loop3A_648 : vector<16xi32>, vector<16xi1> -> vector<16xi32>
        %parallel_loop3A_653 = arith.xori %parallel_loop3A_652, %parallel_loop3A_650 : vector<16xi32>
        %parallel_loop3A_654 = vector.extract %parallel_loop3A_653[15] : i32 from vector<16xi32>
        scf.yield %parallel_loop3A_654 : i32
      } {sc.loop_unroll_factor = 2 : i64, sc.parallel_access}
      %parallel_loop3A_280 = arith.constant 0 : i32
      %parallel_loop3A_281 = arith.constant 64 : i32
      %parallel_loop3A_282 = arith.constant 1 : i32
      %parallel_loop3A_283 = arith.constant -1 : i32
      %parallel_loop3A_284 = scf.for %parallel_loop3A_620 = %parallel_loop3A_280 to %parallel_loop3A_281 step %parallel_loop3A_282 iter_args(%parallel_loop3A_621 = %parallel_loop3A_283) -> (i32)  : i32 {
        %parallel_loop3A_622 = arith.constant 16 : i32
        %parallel_loop3A_623 = arith.muli %parallel_loop3A_620, %parallel_loop3A_622 : i32
        %parallel_loop3A_624 = arith.index_cast %parallel_loop3A_623 : i32 to index
        %parallel_loop3A_625 = tpu.vector_load %arg18[%parallel_loop3A_624] {strides = array<i32>} : memref<1040xi32, #tpu.memory_space<vmem>>, vector<16xi32>,
        %parallel_loop3A_626 = vector.broadcast %sub3A_243 : i32 to vector<16xi32>
        %parallel_loop3A_627 = arith.cmpi sge, %parallel_loop3A_625, %parallel_loop3A_626 : vector<16xi32>
        %parallel_loop3A_628 = arith.constant 16 : i32
        %parallel_loop3A_629 = arith.muli %parallel_loop3A_620, %parallel_loop3A_628 : i32
        %parallel_loop3A_630 = vector.broadcast %parallel_loop3A_629 : i32 to vector<16xi32>
        %parallel_loop3A_631 = arith.addi %iota3A, %parallel_loop3A_630 : vector<16xi32>
        %parallel_loop3A_632 = arith.constant -1 : i32
        %parallel_loop3A_633 = vector.broadcast %parallel_loop3A_632 : i32 to vector<16xi32>
        %parallel_loop3A_634 = arith.select %parallel_loop3A_627, %parallel_loop3A_631, %parallel_loop3A_633 : vector<16xi1>, vector<16xi32>
        %parallel_loop3A_635 = arith.constant true
        %parallel_loop3A_636 = vector.broadcast %parallel_loop3A_635 : i1 to vector<16xi1>
        %parallel_loop3A_637 = arith.constant -2147483648 : i32
        %parallel_loop3A_638 = vector.broadcast %parallel_loop3A_637 : i32 to vector<16xi32>
        %parallel_loop3A_639 = arith.xori %parallel_loop3A_634, %parallel_loop3A_638 : vector<16xi32>
        %parallel_loop3A_640 = tpu.scan <max>, %parallel_loop3A_639 masked %parallel_loop3A_636 : vector<16xi32>, vector<16xi1> -> vector<16xi32>
        %parallel_loop3A_641 = arith.xori %parallel_loop3A_640, %parallel_loop3A_638 : vector<16xi32>
        %parallel_loop3A_642 = vector.extract %parallel_loop3A_641[15] : i32 from vector<16xi32>
        %parallel_loop3A_643 = arith.maxsi %parallel_loop3A_621, %parallel_loop3A_642 : i32
        scf.yield %parallel_loop3A_643 : i32
      } {sc.loop_unroll_factor = 4 : i64, sc.parallel_access}
      %add3A_285 = arith.constant 1 : i32
      %add3A_286 = arith.addi %parallel_loop3A_284, %add3A_285 : i32
      %broadcast_in_dim3A_287 = vector.broadcast %add3A_286 : i32 to vector<16xi32>
      %gather3A_288 = tpu.vector_load_idx %arg18[%broadcast_in_dim3A_287] : memref<1040xi32, #tpu.memory_space<vmem>>[vector<16xi32>], vector<16xi32>,
      %reduce_max3A_289 = arith.constant true
      %reduce_max3A_290 = vector.broadcast %reduce_max3A_289 : i1 to vector<16xi1>
      %reduce_max3A_291 = arith.constant -2147483648 : i32
      %reduce_max3A_292 = vector.broadcast %reduce_max3A_291 : i32 to vector<16xi32>
      %reduce_max3A_293 = arith.xori %gather3A_288, %reduce_max3A_292 : vector<16xi32>
      %reduce_max3A_294 = tpu.scan <max>, %reduce_max3A_293 masked %reduce_max3A_290 : vector<16xi32>, vector<16xi1> -> vector<16xi32>
      %reduce_max3A_295 = arith.xori %reduce_max3A_294, %reduce_max3A_292 : vector<16xi32>
      %reduce_max3A_296 = vector.extract %reduce_max3A_295[15] : i32 from vector<16xi32>
      %parallel_loop3A_297 = arith.constant 0 : i32
      %parallel_loop3A_298 = arith.constant 1 : i32
      %parallel_loop3A_299 = arith.constant 0 : i32
      %parallel_loop3A_300:2 = scf.for %parallel_loop3A_620 = %parallel_loop3A_297 to %select_n3A_269 step %parallel_loop3A_298 iter_args(%parallel_loop3A_621 = %parallel_loop3A_242#0, %parallel_loop3A_622 = %parallel_loop3A_299) -> (i32, i32)  : i32 {
        %parallel_loop3A_623 = arith.constant 16 : i32
        %parallel_loop3A_624 = arith.muli %parallel_loop3A_620, %parallel_loop3A_623 : i32
        %parallel_loop3A_625 = arith.index_cast %parallel_loop3A_624 : i32 to index
        %parallel_loop3A_626 = tpu.vector_load %arg9[%parallel_loop3A_625] {strides = array<i32>} : memref<8192xi32, #tpu.memory_space<vmem>>, vector<16xi32>,
        %parallel_loop3A_627 = arith.constant 16 : i32
        %parallel_loop3A_628 = arith.muli %parallel_loop3A_620, %parallel_loop3A_627 : i32
        %parallel_loop3A_629 = arith.index_cast %parallel_loop3A_628 : i32 to index
        %parallel_loop3A_630 = tpu.vector_load %arg10[%parallel_loop3A_629] {strides = array<i32>} : memref<8192xi32, #tpu.memory_space<vmem>>, vector<16xi32>,
        %parallel_loop3A_631 = arith.constant 0 : i32
        %parallel_loop3A_632 = vector.broadcast %parallel_loop3A_631 : i32 to vector<16xi32>
        %parallel_loop3A_633 = arith.shrui %parallel_loop3A_626, %parallel_loop3A_632 : vector<16xi32>
        %parallel_loop3A_634 = arith.constant 1023 : i32
        %parallel_loop3A_635 = vector.broadcast %parallel_loop3A_634 : i32 to vector<16xi32>
        %parallel_loop3A_636 = arith.andi %parallel_loop3A_633, %parallel_loop3A_635 : vector<16xi32>
        %parallel_loop3A_637 = arith.constant 16 : i32
        %parallel_loop3A_638 = arith.muli %parallel_loop3A_620, %parallel_loop3A_637 : i32
        %parallel_loop3A_639 = vector.broadcast %parallel_loop3A_638 : i32 to vector<16xi32>
        %parallel_loop3A_640 = arith.addi %iota3A, %parallel_loop3A_639 : vector<16xi32>
        %parallel_loop3A_641 = vector.broadcast %parallel_loop3A_242#1 : i32 to vector<16xi32>
        %parallel_loop3A_642 = arith.cmpi slt, %parallel_loop3A_640, %parallel_loop3A_641 : vector<16xi32>
        %parallel_loop3A_643 = vector.broadcast %parallel_loop3A_284 : i32 to vector<16xi32>
        %parallel_loop3A_644 = arith.cmpi sgt, %parallel_loop3A_636, %parallel_loop3A_643 : vector<16xi32>
        %parallel_loop3A_645 = arith.andi %parallel_loop3A_644, %parallel_loop3A_642 : vector<16xi1>
        %parallel_loop3A_646 = vector.broadcast %parallel_loop3A_284 : i32 to vector<16xi32>
        %parallel_loop3A_647 = arith.cmpi eq, %parallel_loop3A_636, %parallel_loop3A_646 : vector<16xi32>
        %parallel_loop3A_648 = arith.andi %parallel_loop3A_647, %parallel_loop3A_642 : vector<16xi1>
        %parallel_loop3A_649 = arith.index_cast %parallel_loop3A_621 : i32 to index
        %parallel_loop3A_650 = tpu.vector_load %arg13[%parallel_loop3A_649] masked %parallel_loop3A_645 {strides = array<i32>} : memref<272xi32, #tpu.memory_space<vmem>>, vector<16xi32>, vector<16xi1>
        tpu.vector_store %arg13[%parallel_loop3A_649], %parallel_loop3A_626 masked %parallel_loop3A_645 {strides = array<i32>} : memref<272xi32, #tpu.memory_space<vmem>>, vector<16xi32>, vector<16xi1>
        %parallel_loop3A_651 = arith.index_cast %parallel_loop3A_621 : i32 to index
        %parallel_loop3A_652 = tpu.vector_load %arg14[%parallel_loop3A_651] masked %parallel_loop3A_645 {strides = array<i32>} : memref<272xi32, #tpu.memory_space<vmem>>, vector<16xi32>, vector<16xi1>
        tpu.vector_store %arg14[%parallel_loop3A_651], %parallel_loop3A_630 masked %parallel_loop3A_645 {strides = array<i32>} : memref<272xi32, #tpu.memory_space<vmem>>, vector<16xi32>, vector<16xi1>
        %parallel_loop3A_653 = arith.index_cast %parallel_loop3A_622 : i32 to index
        %parallel_loop3A_654 = tpu.vector_load %arg11[%parallel_loop3A_653] masked %parallel_loop3A_648 {strides = array<i32>} : memref<8192xi32, #tpu.memory_space<vmem>>, vector<16xi32>, vector<16xi1>
        tpu.vector_store %arg11[%parallel_loop3A_653], %parallel_loop3A_626 masked %parallel_loop3A_648 {strides = array<i32>} : memref<8192xi32, #tpu.memory_space<vmem>>, vector<16xi32>, vector<16xi1>
        %parallel_loop3A_655 = arith.index_cast %parallel_loop3A_622 : i32 to index
        %parallel_loop3A_656 = tpu.vector_load %arg12[%parallel_loop3A_655] masked %parallel_loop3A_648 {strides = array<i32>} : memref<8192xi32, #tpu.memory_space<vmem>>, vector<16xi32>, vector<16xi1>
        tpu.vector_store %arg12[%parallel_loop3A_655], %parallel_loop3A_630 masked %parallel_loop3A_648 {strides = array<i32>} : memref<8192xi32, #tpu.memory_space<vmem>>, vector<16xi32>, vector<16xi1>
        %parallel_loop3A_657 = arith.extui %parallel_loop3A_645 : vector<16xi1> to vector<16xi32>
        %parallel_loop3A_658 = arith.constant true
        %parallel_loop3A_659 = vector.broadcast %parallel_loop3A_658 : i1 to vector<16xi1>
        %parallel_loop3A_660 = tpu.scan <sum>, %parallel_loop3A_657 masked %parallel_loop3A_659 : vector<16xi32>, vector<16xi1> -> vector<16xi32>
        %parallel_loop3A_661 = vector.extract %parallel_loop3A_660[15] : i32 from vector<16xi32>
        %parallel_loop3A_662 = arith.addi %parallel_loop3A_621, %parallel_loop3A_661 : i32
        %parallel_loop3A_663 = arith.extui %parallel_loop3A_648 : vector<16xi1> to vector<16xi32>
        %parallel_loop3A_664 = arith.constant true
        %parallel_loop3A_665 = vector.broadcast %parallel_loop3A_664 : i1 to vector<16xi1>
        %parallel_loop3A_666 = tpu.scan <sum>, %parallel_loop3A_663 masked %parallel_loop3A_665 : vector<16xi32>, vector<16xi1> -> vector<16xi32>
        %parallel_loop3A_667 = vector.extract %parallel_loop3A_666[15] : i32 from vector<16xi32>
        %parallel_loop3A_668 = arith.addi %parallel_loop3A_622, %parallel_loop3A_667 : i32
        scf.yield %parallel_loop3A_662, %parallel_loop3A_668 : i32, i32
      } {sc.loop_unroll_factor = 2 : i64, sc.parallel_access}
      %sub3A_301 = arith.subi %sub3A_243, %reduce_max3A_296 : i32
      %add3A_302 = arith.constant 15 : i32
      %add3A_303 = arith.addi %sub3A_301, %add3A_302 : i32
      %jit3A_304 = arith.constant 16 : i32
      %div3A_305 = arith.divsi %add3A_303, %jit3A_304 : i32
      %sign3A_306 = arith.constant 0 : i32
      %sign3A_307 = arith.cmpi sgt, %add3A_303, %sign3A_306 : i32
      %sign3A_308 = arith.extui %sign3A_307 : i1 to i32
      %sign3A_309 = arith.constant 0 : i32
      %sign3A_310 = arith.cmpi slt, %add3A_303, %sign3A_309 : i32
      %sign3A_311 = arith.extui %sign3A_310 : i1 to i32
      %sign3A_312 = arith.subi %sign3A_308, %sign3A_311 : i32
      %sign3A_313 = arith.constant 0 : i32
      %sign3A_314 = arith.cmpi sgt, %jit3A_304, %sign3A_313 : i32
      %sign3A_315 = arith.extui %sign3A_314 : i1 to i32
      %sign3A_316 = arith.constant 0 : i32
      %sign3A_317 = arith.cmpi slt, %jit3A_304, %sign3A_316 : i32
      %sign3A_318 = arith.extui %sign3A_317 : i1 to i32
      %sign3A_319 = arith.subi %sign3A_315, %sign3A_318 : i32
      %ne3A_320 = arith.cmpi ne, %sign3A_312, %sign3A_319 : i32
      %rem3A_321 = arith.remsi %add3A_303, %jit3A_304 : i32
      %ne3A_322 = arith.constant 0 : i32
      %ne3A_323 = arith.cmpi ne, %rem3A_321, %ne3A_322 : i32
      %and3A_324 = arith.andi %ne3A_320, %ne3A_323 : i1
      %sub3A_325 = arith.constant 1 : i32
      %sub3A_326 = arith.subi %div3A_305, %sub3A_325 : i32
      %select_n3A_327 = arith.select %and3A_324, %sub3A_326, %div3A_305 : i32
      %while3A = arith.constant 0 : i32
      %while3A_328 = arith.subi %select_n3A_327, %while3A : i32
      %while3A_329 = arith.addi %while3A, %while3A_328 : i32
      %while3A_330 = arith.constant 1 : i32
      %while3A_331 = arith.divsi %while3A_328, %while3A_330 : i32
      %while3A_332 = arith.muli %while3A_331, %while3A_330 : i32
      %while3A_333 = arith.addi %while3A, %while3A_332 : i32
      %while3A_334 = arith.constant 1 : i32
      %while3A_335 = scf.for %while3A_620 = %while3A to %while3A_333 step %while3A_334 iter_args(%while3A_621 = %parallel_loop3A_300#0) -> (i32)  : i32 {
        %mul3A_622 = arith.constant 16 : i32
        %mul3A_623 = arith.muli %while3A_620, %mul3A_622 : i32
        %get3A_624 = arith.index_cast %mul3A_623 : i32 to index
        %get3A_625 = tpu.vector_load %arg11[%get3A_624] {strides = array<i32>} : memref<8192xi32, #tpu.memory_space<vmem>>, vector<16xi32>,
        %swap3A_626 = arith.index_cast %while3A_621 : i32 to index
        %swap3A_627 = tpu.vector_load %arg13[%swap3A_626] {strides = array<i32>} : memref<272xi32, #tpu.memory_space<vmem>>, vector<16xi32>,
        tpu.vector_store %arg13[%swap3A_626], %get3A_625 {strides = array<i32>} : memref<272xi32, #tpu.memory_space<vmem>>, vector<16xi32>,
        %mul3A_628 = arith.constant 16 : i32
        %mul3A_629 = arith.muli %while3A_620, %mul3A_628 : i32
        %get3A_630 = arith.index_cast %mul3A_629 : i32 to index
        %get3A_631 = tpu.vector_load %arg12[%get3A_630] {strides = array<i32>} : memref<8192xi32, #tpu.memory_space<vmem>>, vector<16xi32>,
        %swap3A_632 = arith.index_cast %while3A_621 : i32 to index
        %swap3A_633 = tpu.vector_load %arg14[%swap3A_632] {strides = array<i32>} : memref<272xi32, #tpu.memory_space<vmem>>, vector<16xi32>,
        tpu.vector_store %arg14[%swap3A_632], %get3A_631 {strides = array<i32>} : memref<272xi32, #tpu.memory_space<vmem>>, vector<16xi32>,
        %add3A_634 = arith.constant 16 : i32
        %add3A_635 = arith.addi %while3A_621, %add3A_634 : i32
        scf.yield %add3A_635 : i32
      }
      %while3A_336 = arith.constant 1 : i32
      %while3A_337 = scf.for %while3A_620 = %while3A_333 to %while3A_329 step %while3A_336 iter_args(%while3A_621 = %while3A_335) -> (i32)  : i32 {
        %mul3A_622 = arith.constant 16 : i32
        %mul3A_623 = arith.muli %while3A_620, %mul3A_622 : i32
        %get3A_624 = arith.index_cast %mul3A_623 : i32 to index
        %get3A_625 = tpu.vector_load %arg11[%get3A_624] {strides = array<i32>} : memref<8192xi32, #tpu.memory_space<vmem>>, vector<16xi32>,
        %swap3A_626 = arith.index_cast %while3A_621 : i32 to index
        %swap3A_627 = tpu.vector_load %arg13[%swap3A_626] {strides = array<i32>} : memref<272xi32, #tpu.memory_space<vmem>>, vector<16xi32>,
        tpu.vector_store %arg13[%swap3A_626], %get3A_625 {strides = array<i32>} : memref<272xi32, #tpu.memory_space<vmem>>, vector<16xi32>,
        %mul3A_628 = arith.constant 16 : i32
        %mul3A_629 = arith.muli %while3A_620, %mul3A_628 : i32
        %get3A_630 = arith.index_cast %mul3A_629 : i32 to index
        %get3A_631 = tpu.vector_load %arg12[%get3A_630] {strides = array<i32>} : memref<8192xi32, #tpu.memory_space<vmem>>, vector<16xi32>,
        %swap3A_632 = arith.index_cast %while3A_621 : i32 to index
        %swap3A_633 = tpu.vector_load %arg14[%swap3A_632] {strides = array<i32>} : memref<272xi32, #tpu.memory_space<vmem>>, vector<16xi32>,
        tpu.vector_store %arg14[%swap3A_632], %get3A_631 {strides = array<i32>} : memref<272xi32, #tpu.memory_space<vmem>>, vector<16xi32>,
        %add3A_634 = arith.constant 16 : i32
        %add3A_635 = arith.addi %while3A_621, %add3A_634 : i32
        scf.yield %add3A_635 : i32
      }
      %swap3A_338 = arith.constant 0 : index
      %swap3A_339 = tpu.vector_load %arg19[%swap3A_338] {strides = array<i32>} : memref<32xi32, #tpu.memory_space<vmem>>, vector<16xi32>,
      tpu.vector_store %arg19[%swap3A_338], %broadcast_in_dim3A_33 {strides = array<i32>} : memref<32xi32, #tpu.memory_space<vmem>>, vector<16xi32>,
      %swap3A_340 = arith.constant 16 : index
      %swap3A_341 = tpu.vector_load %arg19[%swap3A_340] {strides = array<i32>} : memref<32xi32, #tpu.memory_space<vmem>>, vector<16xi32>,
      tpu.vector_store %arg19[%swap3A_340], %broadcast_in_dim3A_33 {strides = array<i32>} : memref<32xi32, #tpu.memory_space<vmem>>, vector<16xi32>,
      %parallel_loop3A_342 = arith.constant 0 : i32
      %parallel_loop3A_343 = arith.constant 16 : i32
      %parallel_loop3A_344 = arith.constant 1 : i32
      scf.for %parallel_loop3A_620 = %parallel_loop3A_342 to %parallel_loop3A_343 step %parallel_loop3A_344  : i32 {
        %parallel_loop3A_621 = arith.constant 16 : i32
        %parallel_loop3A_622 = arith.muli %parallel_loop3A_620, %parallel_loop3A_621 : i32
        %parallel_loop3A_623 = arith.index_cast %parallel_loop3A_622 : i32 to index
        %parallel_loop3A_624 = tpu.vector_load %arg13[%parallel_loop3A_623] {strides = array<i32>} : memref<272xi32, #tpu.memory_space<vmem>>, vector<16xi32>,
        %parallel_loop3A_625 = arith.constant 0 : i32
        %parallel_loop3A_626 = vector.broadcast %parallel_loop3A_625 : i32 to vector<16xi32>
        %parallel_loop3A_627 = arith.shrui %parallel_loop3A_624, %parallel_loop3A_626 : vector<16xi32>
        %parallel_loop3A_628 = arith.constant 31 : i32
        %parallel_loop3A_629 = vector.broadcast %parallel_loop3A_628 : i32 to vector<16xi32>
        %parallel_loop3A_630 = arith.andi %parallel_loop3A_627, %parallel_loop3A_629 : vector<16xi32>
        %parallel_loop3A_631 = arith.constant 31 : i32
        %parallel_loop3A_632 = vector.broadcast %parallel_loop3A_631 : i32 to vector<16xi32>
        %parallel_loop3A_633 = arith.subi %parallel_loop3A_632, %parallel_loop3A_630 : vector<16xi32>
        %parallel_loop3A_634 = arith.constant true
        %parallel_loop3A_635 = vector.broadcast %parallel_loop3A_634 : i1 to vector<16xi1>
        %parallel_loop3A_636, %parallel_loop3A_637 = tpu.scan_count mask(%parallel_loop3A_635 : vector<16xi1>) value(%parallel_loop3A_633 : vector<16xi32>) : vector<16xi1>, vector<16xi32>
        tpu.vector_store_idx %arg19[%parallel_loop3A_633], %parallel_loop3A_637 masked %parallel_loop3A_636 {add = true} : memref<32xi32, #tpu.memory_space<vmem>>[vector<16xi32>], vector<16xi32>, vector<16xi1>
      } {sc.loop_unroll_factor = 4 : i64, sc.parallel_access}
      %get3A = arith.constant 0 : index
      %get3A_345 = tpu.vector_load %arg19[%get3A] {strides = array<i32>} : memref<32xi32, #tpu.memory_space<vmem>>, vector<16xi32>,
      %get3A_346 = arith.constant 16 : index
      %get3A_347 = tpu.vector_load %arg19[%get3A_346] {strides = array<i32>} : memref<32xi32, #tpu.memory_space<vmem>>, vector<16xi32>,
      %broadcast_in_dim3A_348 = arith.constant true
      %broadcast_in_dim3A_349 = vector.broadcast %broadcast_in_dim3A_348 : i1 to vector<16xi1>
      %masked_cumsum3A = tpu.scan <sum>, %get3A_345 masked %broadcast_in_dim3A_349 : vector<16xi32>, vector<16xi1> -> vector<16xi32>
      %broadcast_in_dim3A_350 = arith.constant true
      %broadcast_in_dim3A_351 = vector.broadcast %broadcast_in_dim3A_350 : i1 to vector<16xi1>
      %masked_cumsum3A_352 = tpu.scan <sum>, %get3A_347 masked %broadcast_in_dim3A_351 : vector<16xi32>, vector<16xi1> -> vector<16xi32>
      %sub3A_353 = arith.subi %masked_cumsum3A, %get3A_345 : vector<16xi32>
      %swap3A_354 = arith.constant 0 : index
      %swap3A_355 = tpu.vector_load %arg20[%swap3A_354] {strides = array<i32>} : memref<32xi32, #tpu.memory_space<vmem>>, vector<16xi32>,
      tpu.vector_store %arg20[%swap3A_354], %sub3A_353 {strides = array<i32>} : memref<32xi32, #tpu.memory_space<vmem>>, vector<16xi32>,
      %sub3A_356 = arith.subi %masked_cumsum3A_352, %get3A_347 : vector<16xi32>
      %reduce_max3A_357 = arith.constant true
      %reduce_max3A_358 = vector.broadcast %reduce_max3A_357 : i1 to vector<16xi1>
      %reduce_max3A_359 = arith.constant -2147483648 : i32
      %reduce_max3A_360 = vector.broadcast %reduce_max3A_359 : i32 to vector<16xi32>
      %reduce_max3A_361 = arith.xori %masked_cumsum3A, %reduce_max3A_360 : vector<16xi32>
      %reduce_max3A_362 = tpu.scan <max>, %reduce_max3A_361 masked %reduce_max3A_358 : vector<16xi32>, vector<16xi1> -> vector<16xi32>
      %reduce_max3A_363 = arith.xori %reduce_max3A_362, %reduce_max3A_360 : vector<16xi32>
      %reduce_max3A_364 = vector.extract %reduce_max3A_363[15] : i32 from vector<16xi32>
      %add3A_365 = vector.broadcast %reduce_max3A_364 : i32 to vector<16xi32>
      %add3A_366 = arith.addi %sub3A_356, %add3A_365 : vector<16xi32>
      %swap3A_367 = arith.constant 16 : index
      %swap3A_368 = tpu.vector_load %arg20[%swap3A_367] {strides = array<i32>} : memref<32xi32, #tpu.memory_space<vmem>>, vector<16xi32>,
      tpu.vector_store %arg20[%swap3A_367], %add3A_366 {strides = array<i32>} : memref<32xi32, #tpu.memory_space<vmem>>, vector<16xi32>,
      %scan3A_369 = arith.constant 0 : i32
      %scan3A_370 = arith.constant 0 : i32
      %scan3A_371 = arith.constant 16 : i32
      %scan3A_372 = arith.addi %scan3A_370, %scan3A_371 : i32
      %scan3A_373 = arith.constant 1 : i32
      %scan3A_374 = scf.for %scan3A_620 = %scan3A_370 to %scan3A_372 step %scan3A_373 iter_args(%scan3A_621 = %scan3A_369) -> (i32)  : i32 {
        %mul3A_622 = arith.constant 16 : i32
        %mul3A_623 = arith.muli %scan3A_620, %mul3A_622 : i32
        %get3A_624 = arith.index_cast %mul3A_623 : i32 to index
        %get3A_625 = tpu.vector_load %arg13[%get3A_624] {strides = array<i32>} : memref<272xi32, #tpu.memory_space<vmem>>, vector<16xi32>,
        %mul3A_626 = arith.constant 16 : i32
        %mul3A_627 = arith.muli %scan3A_620, %mul3A_626 : i32
        %get3A_628 = arith.index_cast %mul3A_627 : i32 to index
        %get3A_629 = tpu.vector_load %arg14[%get3A_628] {strides = array<i32>} : memref<272xi32, #tpu.memory_space<vmem>>, vector<16xi32>,
        %shift_right_logical3A = arith.constant 0 : i32
        %shift_right_logical3A_630 = vector.broadcast %shift_right_logical3A : i32 to vector<16xi32>
        %shift_right_logical3A_631 = arith.shrui %get3A_625, %shift_right_logical3A_630 : vector<16xi32>
        %and3A_632 = arith.constant 31 : i32
        %and3A_633 = vector.broadcast %and3A_632 : i32 to vector<16xi32>
        %and3A_634 = arith.andi %shift_right_logical3A_631, %and3A_633 : vector<16xi32>
        %sub3A_635 = arith.constant 31 : i32
        %sub3A_636 = vector.broadcast %sub3A_635 : i32 to vector<16xi32>
        %sub3A_637 = arith.subi %sub3A_636, %and3A_634 : vector<16xi32>
        %broadcast_in_dim3A_638 = arith.constant true
        %broadcast_in_dim3A_639 = vector.broadcast %broadcast_in_dim3A_638 : i1 to vector<16xi1>
        %unique3A, %unique3A_640 = tpu.scan_count mask(%broadcast_in_dim3A_639 : vector<16xi1>) value(%sub3A_637 : vector<16xi32>) : vector<16xi1>, vector<16xi32>
        %gather3A_641 = tpu.vector_load_idx %arg20[%sub3A_637] : memref<32xi32, #tpu.memory_space<vmem>>[vector<16xi32>], vector<16xi32>,
        %add3A_642 = arith.addi %gather3A_641, %unique3A_640 : vector<16xi32>
        %sub3A_643 = arith.constant 1 : i32
        %sub3A_644 = vector.broadcast %sub3A_643 : i32 to vector<16xi32>
        %sub3A_645 = arith.subi %add3A_642, %sub3A_644 : vector<16xi32>
        tpu.vector_store_idx %arg15[%sub3A_645], %get3A_625 : memref<272xi32, #tpu.memory_space<vmem>>[vector<16xi32>], vector<16xi32>,
        tpu.vector_store_idx %arg16[%sub3A_645], %get3A_629 : memref<272xi32, #tpu.memory_space<vmem>>[vector<16xi32>], vector<16xi32>,
        %add3A_646 = arith.addi %gather3A_641, %unique3A_640 : vector<16xi32>
        tpu.vector_store_idx %arg20[%sub3A_637], %add3A_646 masked %unique3A : memref<32xi32, #tpu.memory_space<vmem>>[vector<16xi32>], vector<16xi32>, vector<16xi1>
        %scan3A_647 = arith.constant 0 : i32
        scf.yield %scan3A_647 : i32
      }
      %scan3A_375 = arith.constant 16 : i32
      %swap3A_376 = arith.constant 0 : index
      %swap3A_377 = tpu.vector_load %arg19[%swap3A_376] {strides = array<i32>} : memref<32xi32, #tpu.memory_space<vmem>>, vector<16xi32>,
      tpu.vector_store %arg19[%swap3A_376], %broadcast_in_dim3A_33 {strides = array<i32>} : memref<32xi32, #tpu.memory_space<vmem>>, vector<16xi32>,
      %swap3A_378 = arith.constant 16 : index
      %swap3A_379 = tpu.vector_load %arg19[%swap3A_378] {strides = array<i32>} : memref<32xi32, #tpu.memory_space<vmem>>, vector<16xi32>,
      tpu.vector_store %arg19[%swap3A_378], %broadcast_in_dim3A_33 {strides = array<i32>} : memref<32xi32, #tpu.memory_space<vmem>>, vector<16xi32>,
      %parallel_loop3A_380 = arith.constant 0 : i32
      %parallel_loop3A_381 = arith.constant 16 : i32
      %parallel_loop3A_382 = arith.constant 1 : i32
      scf.for %parallel_loop3A_620 = %parallel_loop3A_380 to %parallel_loop3A_381 step %parallel_loop3A_382  : i32 {
        %parallel_loop3A_621 = arith.constant 16 : i32
        %parallel_loop3A_622 = arith.muli %parallel_loop3A_620, %parallel_loop3A_621 : i32
        %parallel_loop3A_623 = arith.index_cast %parallel_loop3A_622 : i32 to index
        %parallel_loop3A_624 = tpu.vector_load %arg15[%parallel_loop3A_623] {strides = array<i32>} : memref<272xi32, #tpu.memory_space<vmem>>, vector<16xi32>,
        %parallel_loop3A_625 = arith.constant 5 : i32
        %parallel_loop3A_626 = vector.broadcast %parallel_loop3A_625 : i32 to vector<16xi32>
        %parallel_loop3A_627 = arith.shrui %parallel_loop3A_624, %parallel_loop3A_626 : vector<16xi32>
        %parallel_loop3A_628 = arith.constant 31 : i32
        %parallel_loop3A_629 = vector.broadcast %parallel_loop3A_628 : i32 to vector<16xi32>
        %parallel_loop3A_630 = arith.andi %parallel_loop3A_627, %parallel_loop3A_629 : vector<16xi32>
        %parallel_loop3A_631 = arith.constant 31 : i32
        %parallel_loop3A_632 = vector.broadcast %parallel_loop3A_631 : i32 to vector<16xi32>
        %parallel_loop3A_633 = arith.subi %parallel_loop3A_632, %parallel_loop3A_630 : vector<16xi32>
        %parallel_loop3A_634 = arith.constant true
        %parallel_loop3A_635 = vector.broadcast %parallel_loop3A_634 : i1 to vector<16xi1>
        %parallel_loop3A_636, %parallel_loop3A_637 = tpu.scan_count mask(%parallel_loop3A_635 : vector<16xi1>) value(%parallel_loop3A_633 : vector<16xi32>) : vector<16xi1>, vector<16xi32>
        tpu.vector_store_idx %arg19[%parallel_loop3A_633], %parallel_loop3A_637 masked %parallel_loop3A_636 {add = true} : memref<32xi32, #tpu.memory_space<vmem>>[vector<16xi32>], vector<16xi32>, vector<16xi1>
      } {sc.loop_unroll_factor = 4 : i64, sc.parallel_access}
      %get3A_383 = arith.constant 0 : index
      %get3A_384 = tpu.vector_load %arg19[%get3A_383] {strides = array<i32>} : memref<32xi32, #tpu.memory_space<vmem>>, vector<16xi32>,
      %get3A_385 = arith.constant 16 : index
      %get3A_386 = tpu.vector_load %arg19[%get3A_385] {strides = array<i32>} : memref<32xi32, #tpu.memory_space<vmem>>, vector<16xi32>,
      %broadcast_in_dim3A_387 = arith.constant true
      %broadcast_in_dim3A_388 = vector.broadcast %broadcast_in_dim3A_387 : i1 to vector<16xi1>
      %masked_cumsum3A_389 = tpu.scan <sum>, %get3A_384 masked %broadcast_in_dim3A_388 : vector<16xi32>, vector<16xi1> -> vector<16xi32>
      %broadcast_in_dim3A_390 = arith.constant true
      %broadcast_in_dim3A_391 = vector.broadcast %broadcast_in_dim3A_390 : i1 to vector<16xi1>
      %masked_cumsum3A_392 = tpu.scan <sum>, %get3A_386 masked %broadcast_in_dim3A_391 : vector<16xi32>, vector<16xi1> -> vector<16xi32>
      %sub3A_393 = arith.subi %masked_cumsum3A_389, %get3A_384 : vector<16xi32>
      %swap3A_394 = arith.constant 0 : index
      %swap3A_395 = tpu.vector_load %arg20[%swap3A_394] {strides = array<i32>} : memref<32xi32, #tpu.memory_space<vmem>>, vector<16xi32>,
      tpu.vector_store %arg20[%swap3A_394], %sub3A_393 {strides = array<i32>} : memref<32xi32, #tpu.memory_space<vmem>>, vector<16xi32>,
      %sub3A_396 = arith.subi %masked_cumsum3A_392, %get3A_386 : vector<16xi32>
      %reduce_max3A_397 = arith.constant true
      %reduce_max3A_398 = vector.broadcast %reduce_max3A_397 : i1 to vector<16xi1>
      %reduce_max3A_399 = arith.constant -2147483648 : i32
      %reduce_max3A_400 = vector.broadcast %reduce_max3A_399 : i32 to vector<16xi32>
      %reduce_max3A_401 = arith.xori %masked_cumsum3A_389, %reduce_max3A_400 : vector<16xi32>
      %reduce_max3A_402 = tpu.scan <max>, %reduce_max3A_401 masked %reduce_max3A_398 : vector<16xi32>, vector<16xi1> -> vector<16xi32>
      %reduce_max3A_403 = arith.xori %reduce_max3A_402, %reduce_max3A_400 : vector<16xi32>
      %reduce_max3A_404 = vector.extract %reduce_max3A_403[15] : i32 from vector<16xi32>
      %add3A_405 = vector.broadcast %reduce_max3A_404 : i32 to vector<16xi32>
      %add3A_406 = arith.addi %sub3A_396, %add3A_405 : vector<16xi32>
      %swap3A_407 = arith.constant 16 : index
      %swap3A_408 = tpu.vector_load %arg20[%swap3A_407] {strides = array<i32>} : memref<32xi32, #tpu.memory_space<vmem>>, vector<16xi32>,
      tpu.vector_store %arg20[%swap3A_407], %add3A_406 {strides = array<i32>} : memref<32xi32, #tpu.memory_space<vmem>>, vector<16xi32>,
      %scan3A_409 = arith.constant 0 : i32
      %scan3A_410 = arith.constant 0 : i32
      %scan3A_411 = arith.constant 16 : i32
      %scan3A_412 = arith.addi %scan3A_410, %scan3A_411 : i32
      %scan3A_413 = arith.constant 1 : i32
      %scan3A_414 = scf.for %scan3A_620 = %scan3A_410 to %scan3A_412 step %scan3A_413 iter_args(%scan3A_621 = %scan3A_409) -> (i32)  : i32 {
        %mul3A_622 = arith.constant 16 : i32
        %mul3A_623 = arith.muli %scan3A_620, %mul3A_622 : i32
        %get3A_624 = arith.index_cast %mul3A_623 : i32 to index
        %get3A_625 = tpu.vector_load %arg15[%get3A_624] {strides = array<i32>} : memref<272xi32, #tpu.memory_space<vmem>>, vector<16xi32>,
        %mul3A_626 = arith.constant 16 : i32
        %mul3A_627 = arith.muli %scan3A_620, %mul3A_626 : i32
        %get3A_628 = arith.index_cast %mul3A_627 : i32 to index
        %get3A_629 = tpu.vector_load %arg16[%get3A_628] {strides = array<i32>} : memref<272xi32, #tpu.memory_space<vmem>>, vector<16xi32>,
        %shift_right_logical3A = arith.constant 5 : i32
        %shift_right_logical3A_630 = vector.broadcast %shift_right_logical3A : i32 to vector<16xi32>
        %shift_right_logical3A_631 = arith.shrui %get3A_625, %shift_right_logical3A_630 : vector<16xi32>
        %and3A_632 = arith.constant 31 : i32
        %and3A_633 = vector.broadcast %and3A_632 : i32 to vector<16xi32>
        %and3A_634 = arith.andi %shift_right_logical3A_631, %and3A_633 : vector<16xi32>
        %sub3A_635 = arith.constant 31 : i32
        %sub3A_636 = vector.broadcast %sub3A_635 : i32 to vector<16xi32>
        %sub3A_637 = arith.subi %sub3A_636, %and3A_634 : vector<16xi32>
        %broadcast_in_dim3A_638 = arith.constant true
        %broadcast_in_dim3A_639 = vector.broadcast %broadcast_in_dim3A_638 : i1 to vector<16xi1>
        %unique3A, %unique3A_640 = tpu.scan_count mask(%broadcast_in_dim3A_639 : vector<16xi1>) value(%sub3A_637 : vector<16xi32>) : vector<16xi1>, vector<16xi32>
        %gather3A_641 = tpu.vector_load_idx %arg20[%sub3A_637] : memref<32xi32, #tpu.memory_space<vmem>>[vector<16xi32>], vector<16xi32>,
        %add3A_642 = arith.addi %gather3A_641, %unique3A_640 : vector<16xi32>
        %sub3A_643 = arith.constant 1 : i32
        %sub3A_644 = vector.broadcast %sub3A_643 : i32 to vector<16xi32>
        %sub3A_645 = arith.subi %add3A_642, %sub3A_644 : vector<16xi32>
        tpu.vector_store_idx %arg13[%sub3A_645], %get3A_625 : memref<272xi32, #tpu.memory_space<vmem>>[vector<16xi32>], vector<16xi32>,
        tpu.vector_store_idx %arg14[%sub3A_645], %get3A_629 : memref<272xi32, #tpu.memory_space<vmem>>[vector<16xi32>], vector<16xi32>,
        %add3A_646 = arith.addi %gather3A_641, %unique3A_640 : vector<16xi32>
        tpu.vector_store_idx %arg20[%sub3A_637], %add3A_646 masked %unique3A : memref<32xi32, #tpu.memory_space<vmem>>[vector<16xi32>], vector<16xi32>, vector<16xi1>
        %scan3A_647 = arith.constant 0 : i32
        scf.yield %scan3A_647 : i32
      }
      %scan3A_415 = arith.constant 16 : i32
      %swap3A_416 = arith.constant 0 : index
      %swap3A_417 = tpu.vector_load %arg19[%swap3A_416] {strides = array<i32>} : memref<32xi32, #tpu.memory_space<vmem>>, vector<16xi32>,
      tpu.vector_store %arg19[%swap3A_416], %broadcast_in_dim3A_33 {strides = array<i32>} : memref<32xi32, #tpu.memory_space<vmem>>, vector<16xi32>,
      %swap3A_418 = arith.constant 16 : index
      %swap3A_419 = tpu.vector_load %arg19[%swap3A_418] {strides = array<i32>} : memref<32xi32, #tpu.memory_space<vmem>>, vector<16xi32>,
      tpu.vector_store %arg19[%swap3A_418], %broadcast_in_dim3A_33 {strides = array<i32>} : memref<32xi32, #tpu.memory_space<vmem>>, vector<16xi32>,
      %parallel_loop3A_420 = arith.constant 0 : i32
      %parallel_loop3A_421 = arith.constant 16 : i32
      %parallel_loop3A_422 = arith.constant 1 : i32
      scf.for %parallel_loop3A_620 = %parallel_loop3A_420 to %parallel_loop3A_421 step %parallel_loop3A_422  : i32 {
        %parallel_loop3A_621 = arith.constant 16 : i32
        %parallel_loop3A_622 = arith.muli %parallel_loop3A_620, %parallel_loop3A_621 : i32
        %parallel_loop3A_623 = arith.index_cast %parallel_loop3A_622 : i32 to index
        %parallel_loop3A_624 = tpu.vector_load %arg13[%parallel_loop3A_623] {strides = array<i32>} : memref<272xi32, #tpu.memory_space<vmem>>, vector<16xi32>,
        %parallel_loop3A_625 = arith.constant 10 : i32
        %parallel_loop3A_626 = vector.broadcast %parallel_loop3A_625 : i32 to vector<16xi32>
        %parallel_loop3A_627 = arith.shrui %parallel_loop3A_624, %parallel_loop3A_626 : vector<16xi32>
        %parallel_loop3A_628 = arith.constant 31 : i32
        %parallel_loop3A_629 = vector.broadcast %parallel_loop3A_628 : i32 to vector<16xi32>
        %parallel_loop3A_630 = arith.andi %parallel_loop3A_627, %parallel_loop3A_629 : vector<16xi32>
        %parallel_loop3A_631 = arith.constant 31 : i32
        %parallel_loop3A_632 = vector.broadcast %parallel_loop3A_631 : i32 to vector<16xi32>
        %parallel_loop3A_633 = arith.subi %parallel_loop3A_632, %parallel_loop3A_630 : vector<16xi32>
        %parallel_loop3A_634 = arith.constant true
        %parallel_loop3A_635 = vector.broadcast %parallel_loop3A_634 : i1 to vector<16xi1>
        %parallel_loop3A_636, %parallel_loop3A_637 = tpu.scan_count mask(%parallel_loop3A_635 : vector<16xi1>) value(%parallel_loop3A_633 : vector<16xi32>) : vector<16xi1>, vector<16xi32>
        tpu.vector_store_idx %arg19[%parallel_loop3A_633], %parallel_loop3A_637 masked %parallel_loop3A_636 {add = true} : memref<32xi32, #tpu.memory_space<vmem>>[vector<16xi32>], vector<16xi32>, vector<16xi1>
      } {sc.loop_unroll_factor = 4 : i64, sc.parallel_access}
      %get3A_423 = arith.constant 0 : index
      %get3A_424 = tpu.vector_load %arg19[%get3A_423] {strides = array<i32>} : memref<32xi32, #tpu.memory_space<vmem>>, vector<16xi32>,
      %get3A_425 = arith.constant 16 : index
      %get3A_426 = tpu.vector_load %arg19[%get3A_425] {strides = array<i32>} : memref<32xi32, #tpu.memory_space<vmem>>, vector<16xi32>,
      %broadcast_in_dim3A_427 = arith.constant true
      %broadcast_in_dim3A_428 = vector.broadcast %broadcast_in_dim3A_427 : i1 to vector<16xi1>
      %masked_cumsum3A_429 = tpu.scan <sum>, %get3A_424 masked %broadcast_in_dim3A_428 : vector<16xi32>, vector<16xi1> -> vector<16xi32>
      %broadcast_in_dim3A_430 = arith.constant true
      %broadcast_in_dim3A_431 = vector.broadcast %broadcast_in_dim3A_430 : i1 to vector<16xi1>
      %masked_cumsum3A_432 = tpu.scan <sum>, %get3A_426 masked %broadcast_in_dim3A_431 : vector<16xi32>, vector<16xi1> -> vector<16xi32>
      %sub3A_433 = arith.subi %masked_cumsum3A_429, %get3A_424 : vector<16xi32>
      %swap3A_434 = arith.constant 0 : index
      %swap3A_435 = tpu.vector_load %arg20[%swap3A_434] {strides = array<i32>} : memref<32xi32, #tpu.memory_space<vmem>>, vector<16xi32>,
      tpu.vector_store %arg20[%swap3A_434], %sub3A_433 {strides = array<i32>} : memref<32xi32, #tpu.memory_space<vmem>>, vector<16xi32>,
      %sub3A_436 = arith.subi %masked_cumsum3A_432, %get3A_426 : vector<16xi32>
      %reduce_max3A_437 = arith.constant true
      %reduce_max3A_438 = vector.broadcast %reduce_max3A_437 : i1 to vector<16xi1>
      %reduce_max3A_439 = arith.constant -2147483648 : i32
      %reduce_max3A_440 = vector.broadcast %reduce_max3A_439 : i32 to vector<16xi32>
      %reduce_max3A_441 = arith.xori %masked_cumsum3A_429, %reduce_max3A_440 : vector<16xi32>
      %reduce_max3A_442 = tpu.scan <max>, %reduce_max3A_441 masked %reduce_max3A_438 : vector<16xi32>, vector<16xi1> -> vector<16xi32>
      %reduce_max3A_443 = arith.xori %reduce_max3A_442, %reduce_max3A_440 : vector<16xi32>
      %reduce_max3A_444 = vector.extract %reduce_max3A_443[15] : i32 from vector<16xi32>
      %add3A_445 = vector.broadcast %reduce_max3A_444 : i32 to vector<16xi32>
      %add3A_446 = arith.addi %sub3A_436, %add3A_445 : vector<16xi32>
      %swap3A_447 = arith.constant 16 : index
      %swap3A_448 = tpu.vector_load %arg20[%swap3A_447] {strides = array<i32>} : memref<32xi32, #tpu.memory_space<vmem>>, vector<16xi32>,
      tpu.vector_store %arg20[%swap3A_447], %add3A_446 {strides = array<i32>} : memref<32xi32, #tpu.memory_space<vmem>>, vector<16xi32>,
      %scan3A_449 = arith.constant 0 : i32
      %scan3A_450 = arith.constant 0 : i32
      %scan3A_451 = arith.constant 16 : i32
      %scan3A_452 = arith.addi %scan3A_450, %scan3A_451 : i32
      %scan3A_453 = arith.constant 1 : i32
      %scan3A_454 = scf.for %scan3A_620 = %scan3A_450 to %scan3A_452 step %scan3A_453 iter_args(%scan3A_621 = %scan3A_449) -> (i32)  : i32 {
        %mul3A_622 = arith.constant 16 : i32
        %mul3A_623 = arith.muli %scan3A_620, %mul3A_622 : i32
        %get3A_624 = arith.index_cast %mul3A_623 : i32 to index
        %get3A_625 = tpu.vector_load %arg13[%get3A_624] {strides = array<i32>} : memref<272xi32, #tpu.memory_space<vmem>>, vector<16xi32>,
        %mul3A_626 = arith.constant 16 : i32
        %mul3A_627 = arith.muli %scan3A_620, %mul3A_626 : i32
        %get3A_628 = arith.index_cast %mul3A_627 : i32 to index
        %get3A_629 = tpu.vector_load %arg14[%get3A_628] {strides = array<i32>} : memref<272xi32, #tpu.memory_space<vmem>>, vector<16xi32>,
        %shift_right_logical3A = arith.constant 10 : i32
        %shift_right_logical3A_630 = vector.broadcast %shift_right_logical3A : i32 to vector<16xi32>
        %shift_right_logical3A_631 = arith.shrui %get3A_625, %shift_right_logical3A_630 : vector<16xi32>
        %and3A_632 = arith.constant 31 : i32
        %and3A_633 = vector.broadcast %and3A_632 : i32 to vector<16xi32>
        %and3A_634 = arith.andi %shift_right_logical3A_631, %and3A_633 : vector<16xi32>
        %sub3A_635 = arith.constant 31 : i32
        %sub3A_636 = vector.broadcast %sub3A_635 : i32 to vector<16xi32>
        %sub3A_637 = arith.subi %sub3A_636, %and3A_634 : vector<16xi32>
        %broadcast_in_dim3A_638 = arith.constant true
        %broadcast_in_dim3A_639 = vector.broadcast %broadcast_in_dim3A_638 : i1 to vector<16xi1>
        %unique3A, %unique3A_640 = tpu.scan_count mask(%broadcast_in_dim3A_639 : vector<16xi1>) value(%sub3A_637 : vector<16xi32>) : vector<16xi1>, vector<16xi32>
        %gather3A_641 = tpu.vector_load_idx %arg20[%sub3A_637] : memref<32xi32, #tpu.memory_space<vmem>>[vector<16xi32>], vector<16xi32>,
        %add3A_642 = arith.addi %gather3A_641, %unique3A_640 : vector<16xi32>
        %sub3A_643 = arith.constant 1 : i32
        %sub3A_644 = vector.broadcast %sub3A_643 : i32 to vector<16xi32>
        %sub3A_645 = arith.subi %add3A_642, %sub3A_644 : vector<16xi32>
        tpu.vector_store_idx %arg15[%sub3A_645], %get3A_625 : memref<272xi32, #tpu.memory_space<vmem>>[vector<16xi32>], vector<16xi32>,
        tpu.vector_store_idx %arg16[%sub3A_645], %get3A_629 : memref<272xi32, #tpu.memory_space<vmem>>[vector<16xi32>], vector<16xi32>,
        %add3A_646 = arith.addi %gather3A_641, %unique3A_640 : vector<16xi32>
        tpu.vector_store_idx %arg20[%sub3A_637], %add3A_646 masked %unique3A : memref<32xi32, #tpu.memory_space<vmem>>[vector<16xi32>], vector<16xi32>, vector<16xi1>
        %scan3A_647 = arith.constant 0 : i32
        scf.yield %scan3A_647 : i32
      }
      %scan3A_455 = arith.constant 16 : i32
      %swap3A_456 = arith.constant 0 : index
      %swap3A_457 = tpu.vector_load %arg19[%swap3A_456] {strides = array<i32>} : memref<32xi32, #tpu.memory_space<vmem>>, vector<16xi32>,
      tpu.vector_store %arg19[%swap3A_456], %broadcast_in_dim3A_33 {strides = array<i32>} : memref<32xi32, #tpu.memory_space<vmem>>, vector<16xi32>,
      %swap3A_458 = arith.constant 16 : index
      %swap3A_459 = tpu.vector_load %arg19[%swap3A_458] {strides = array<i32>} : memref<32xi32, #tpu.memory_space<vmem>>, vector<16xi32>,
      tpu.vector_store %arg19[%swap3A_458], %broadcast_in_dim3A_33 {strides = array<i32>} : memref<32xi32, #tpu.memory_space<vmem>>, vector<16xi32>,
      %parallel_loop3A_460 = arith.constant 0 : i32
      %parallel_loop3A_461 = arith.constant 16 : i32
      %parallel_loop3A_462 = arith.constant 1 : i32
      scf.for %parallel_loop3A_620 = %parallel_loop3A_460 to %parallel_loop3A_461 step %parallel_loop3A_462  : i32 {
        %parallel_loop3A_621 = arith.constant 16 : i32
        %parallel_loop3A_622 = arith.muli %parallel_loop3A_620, %parallel_loop3A_621 : i32
        %parallel_loop3A_623 = arith.index_cast %parallel_loop3A_622 : i32 to index
        %parallel_loop3A_624 = tpu.vector_load %arg15[%parallel_loop3A_623] {strides = array<i32>} : memref<272xi32, #tpu.memory_space<vmem>>, vector<16xi32>,
        %parallel_loop3A_625 = arith.constant 15 : i32
        %parallel_loop3A_626 = vector.broadcast %parallel_loop3A_625 : i32 to vector<16xi32>
        %parallel_loop3A_627 = arith.shrui %parallel_loop3A_624, %parallel_loop3A_626 : vector<16xi32>
        %parallel_loop3A_628 = arith.constant 31 : i32
        %parallel_loop3A_629 = vector.broadcast %parallel_loop3A_628 : i32 to vector<16xi32>
        %parallel_loop3A_630 = arith.andi %parallel_loop3A_627, %parallel_loop3A_629 : vector<16xi32>
        %parallel_loop3A_631 = arith.constant 31 : i32
        %parallel_loop3A_632 = vector.broadcast %parallel_loop3A_631 : i32 to vector<16xi32>
        %parallel_loop3A_633 = arith.subi %parallel_loop3A_632, %parallel_loop3A_630 : vector<16xi32>
        %parallel_loop3A_634 = arith.constant true
        %parallel_loop3A_635 = vector.broadcast %parallel_loop3A_634 : i1 to vector<16xi1>
        %parallel_loop3A_636, %parallel_loop3A_637 = tpu.scan_count mask(%parallel_loop3A_635 : vector<16xi1>) value(%parallel_loop3A_633 : vector<16xi32>) : vector<16xi1>, vector<16xi32>
        tpu.vector_store_idx %arg19[%parallel_loop3A_633], %parallel_loop3A_637 masked %parallel_loop3A_636 {add = true} : memref<32xi32, #tpu.memory_space<vmem>>[vector<16xi32>], vector<16xi32>, vector<16xi1>
      } {sc.loop_unroll_factor = 4 : i64, sc.parallel_access}
      %get3A_463 = arith.constant 0 : index
      %get3A_464 = tpu.vector_load %arg19[%get3A_463] {strides = array<i32>} : memref<32xi32, #tpu.memory_space<vmem>>, vector<16xi32>,
      %get3A_465 = arith.constant 16 : index
      %get3A_466 = tpu.vector_load %arg19[%get3A_465] {strides = array<i32>} : memref<32xi32, #tpu.memory_space<vmem>>, vector<16xi32>,
      %broadcast_in_dim3A_467 = arith.constant true
      %broadcast_in_dim3A_468 = vector.broadcast %broadcast_in_dim3A_467 : i1 to vector<16xi1>
      %masked_cumsum3A_469 = tpu.scan <sum>, %get3A_464 masked %broadcast_in_dim3A_468 : vector<16xi32>, vector<16xi1> -> vector<16xi32>
      %broadcast_in_dim3A_470 = arith.constant true
      %broadcast_in_dim3A_471 = vector.broadcast %broadcast_in_dim3A_470 : i1 to vector<16xi1>
      %masked_cumsum3A_472 = tpu.scan <sum>, %get3A_466 masked %broadcast_in_dim3A_471 : vector<16xi32>, vector<16xi1> -> vector<16xi32>
      %sub3A_473 = arith.subi %masked_cumsum3A_469, %get3A_464 : vector<16xi32>
      %swap3A_474 = arith.constant 0 : index
      %swap3A_475 = tpu.vector_load %arg20[%swap3A_474] {strides = array<i32>} : memref<32xi32, #tpu.memory_space<vmem>>, vector<16xi32>,
      tpu.vector_store %arg20[%swap3A_474], %sub3A_473 {strides = array<i32>} : memref<32xi32, #tpu.memory_space<vmem>>, vector<16xi32>,
      %sub3A_476 = arith.subi %masked_cumsum3A_472, %get3A_466 : vector<16xi32>
      %reduce_max3A_477 = arith.constant true
      %reduce_max3A_478 = vector.broadcast %reduce_max3A_477 : i1 to vector<16xi1>
      %reduce_max3A_479 = arith.constant -2147483648 : i32
      %reduce_max3A_480 = vector.broadcast %reduce_max3A_479 : i32 to vector<16xi32>
      %reduce_max3A_481 = arith.xori %masked_cumsum3A_469, %reduce_max3A_480 : vector<16xi32>
      %reduce_max3A_482 = tpu.scan <max>, %reduce_max3A_481 masked %reduce_max3A_478 : vector<16xi32>, vector<16xi1> -> vector<16xi32>
      %reduce_max3A_483 = arith.xori %reduce_max3A_482, %reduce_max3A_480 : vector<16xi32>
      %reduce_max3A_484 = vector.extract %reduce_max3A_483[15] : i32 from vector<16xi32>
      %add3A_485 = vector.broadcast %reduce_max3A_484 : i32 to vector<16xi32>
      %add3A_486 = arith.addi %sub3A_476, %add3A_485 : vector<16xi32>
      %swap3A_487 = arith.constant 16 : index
      %swap3A_488 = tpu.vector_load %arg20[%swap3A_487] {strides = array<i32>} : memref<32xi32, #tpu.memory_space<vmem>>, vector<16xi32>,
      tpu.vector_store %arg20[%swap3A_487], %add3A_486 {strides = array<i32>} : memref<32xi32, #tpu.memory_space<vmem>>, vector<16xi32>,
      %scan3A_489 = arith.constant 0 : i32
      %scan3A_490 = arith.constant 0 : i32
      %scan3A_491 = arith.constant 16 : i32
      %scan3A_492 = arith.addi %scan3A_490, %scan3A_491 : i32
      %scan3A_493 = arith.constant 1 : i32
      %scan3A_494 = scf.for %scan3A_620 = %scan3A_490 to %scan3A_492 step %scan3A_493 iter_args(%scan3A_621 = %scan3A_489) -> (i32)  : i32 {
        %mul3A_622 = arith.constant 16 : i32
        %mul3A_623 = arith.muli %scan3A_620, %mul3A_622 : i32
        %get3A_624 = arith.index_cast %mul3A_623 : i32 to index
        %get3A_625 = tpu.vector_load %arg15[%get3A_624] {strides = array<i32>} : memref<272xi32, #tpu.memory_space<vmem>>, vector<16xi32>,
        %mul3A_626 = arith.constant 16 : i32
        %mul3A_627 = arith.muli %scan3A_620, %mul3A_626 : i32
        %get3A_628 = arith.index_cast %mul3A_627 : i32 to index
        %get3A_629 = tpu.vector_load %arg16[%get3A_628] {strides = array<i32>} : memref<272xi32, #tpu.memory_space<vmem>>, vector<16xi32>,
        %shift_right_logical3A = arith.constant 15 : i32
        %shift_right_logical3A_630 = vector.broadcast %shift_right_logical3A : i32 to vector<16xi32>
        %shift_right_logical3A_631 = arith.shrui %get3A_625, %shift_right_logical3A_630 : vector<16xi32>
        %and3A_632 = arith.constant 31 : i32
        %and3A_633 = vector.broadcast %and3A_632 : i32 to vector<16xi32>
        %and3A_634 = arith.andi %shift_right_logical3A_631, %and3A_633 : vector<16xi32>
        %sub3A_635 = arith.constant 31 : i32
        %sub3A_636 = vector.broadcast %sub3A_635 : i32 to vector<16xi32>
        %sub3A_637 = arith.subi %sub3A_636, %and3A_634 : vector<16xi32>
        %broadcast_in_dim3A_638 = arith.constant true
        %broadcast_in_dim3A_639 = vector.broadcast %broadcast_in_dim3A_638 : i1 to vector<16xi1>
        %unique3A, %unique3A_640 = tpu.scan_count mask(%broadcast_in_dim3A_639 : vector<16xi1>) value(%sub3A_637 : vector<16xi32>) : vector<16xi1>, vector<16xi32>
        %gather3A_641 = tpu.vector_load_idx %arg20[%sub3A_637] : memref<32xi32, #tpu.memory_space<vmem>>[vector<16xi32>], vector<16xi32>,
        %add3A_642 = arith.addi %gather3A_641, %unique3A_640 : vector<16xi32>
        %sub3A_643 = arith.constant 1 : i32
        %sub3A_644 = vector.broadcast %sub3A_643 : i32 to vector<16xi32>
        %sub3A_645 = arith.subi %add3A_642, %sub3A_644 : vector<16xi32>
        tpu.vector_store_idx %arg13[%sub3A_645], %get3A_625 : memref<272xi32, #tpu.memory_space<vmem>>[vector<16xi32>], vector<16xi32>,
        tpu.vector_store_idx %arg14[%sub3A_645], %get3A_629 : memref<272xi32, #tpu.memory_space<vmem>>[vector<16xi32>], vector<16xi32>,
        %add3A_646 = arith.addi %gather3A_641, %unique3A_640 : vector<16xi32>
        tpu.vector_store_idx %arg20[%sub3A_637], %add3A_646 masked %unique3A : memref<32xi32, #tpu.memory_space<vmem>>[vector<16xi32>], vector<16xi32>, vector<16xi1>
        %scan3A_647 = arith.constant 0 : i32
        scf.yield %scan3A_647 : i32
      }
      %scan3A_495 = arith.constant 16 : i32
      %swap3A_496 = arith.constant 0 : index
      %swap3A_497 = tpu.vector_load %arg19[%swap3A_496] {strides = array<i32>} : memref<32xi32, #tpu.memory_space<vmem>>, vector<16xi32>,
      tpu.vector_store %arg19[%swap3A_496], %broadcast_in_dim3A_33 {strides = array<i32>} : memref<32xi32, #tpu.memory_space<vmem>>, vector<16xi32>,
      %swap3A_498 = arith.constant 16 : index
      %swap3A_499 = tpu.vector_load %arg19[%swap3A_498] {strides = array<i32>} : memref<32xi32, #tpu.memory_space<vmem>>, vector<16xi32>,
      tpu.vector_store %arg19[%swap3A_498], %broadcast_in_dim3A_33 {strides = array<i32>} : memref<32xi32, #tpu.memory_space<vmem>>, vector<16xi32>,
      %parallel_loop3A_500 = arith.constant 0 : i32
      %parallel_loop3A_501 = arith.constant 16 : i32
      %parallel_loop3A_502 = arith.constant 1 : i32
      scf.for %parallel_loop3A_620 = %parallel_loop3A_500 to %parallel_loop3A_501 step %parallel_loop3A_502  : i32 {
        %parallel_loop3A_621 = arith.constant 16 : i32
        %parallel_loop3A_622 = arith.muli %parallel_loop3A_620, %parallel_loop3A_621 : i32
        %parallel_loop3A_623 = arith.index_cast %parallel_loop3A_622 : i32 to index
        %parallel_loop3A_624 = tpu.vector_load %arg13[%parallel_loop3A_623] {strides = array<i32>} : memref<272xi32, #tpu.memory_space<vmem>>, vector<16xi32>,
        %parallel_loop3A_625 = arith.constant 20 : i32
        %parallel_loop3A_626 = vector.broadcast %parallel_loop3A_625 : i32 to vector<16xi32>
        %parallel_loop3A_627 = arith.shrui %parallel_loop3A_624, %parallel_loop3A_626 : vector<16xi32>
        %parallel_loop3A_628 = arith.constant 31 : i32
        %parallel_loop3A_629 = vector.broadcast %parallel_loop3A_628 : i32 to vector<16xi32>
        %parallel_loop3A_630 = arith.andi %parallel_loop3A_627, %parallel_loop3A_629 : vector<16xi32>
        %parallel_loop3A_631 = arith.constant 31 : i32
        %parallel_loop3A_632 = vector.broadcast %parallel_loop3A_631 : i32 to vector<16xi32>
        %parallel_loop3A_633 = arith.subi %parallel_loop3A_632, %parallel_loop3A_630 : vector<16xi32>
        %parallel_loop3A_634 = arith.constant true
        %parallel_loop3A_635 = vector.broadcast %parallel_loop3A_634 : i1 to vector<16xi1>
        %parallel_loop3A_636, %parallel_loop3A_637 = tpu.scan_count mask(%parallel_loop3A_635 : vector<16xi1>) value(%parallel_loop3A_633 : vector<16xi32>) : vector<16xi1>, vector<16xi32>
        tpu.vector_store_idx %arg19[%parallel_loop3A_633], %parallel_loop3A_637 masked %parallel_loop3A_636 {add = true} : memref<32xi32, #tpu.memory_space<vmem>>[vector<16xi32>], vector<16xi32>, vector<16xi1>
      } {sc.loop_unroll_factor = 4 : i64, sc.parallel_access}
      %get3A_503 = arith.constant 0 : index
      %get3A_504 = tpu.vector_load %arg19[%get3A_503] {strides = array<i32>} : memref<32xi32, #tpu.memory_space<vmem>>, vector<16xi32>,
      %get3A_505 = arith.constant 16 : index
      %get3A_506 = tpu.vector_load %arg19[%get3A_505] {strides = array<i32>} : memref<32xi32, #tpu.memory_space<vmem>>, vector<16xi32>,
      %broadcast_in_dim3A_507 = arith.constant true
      %broadcast_in_dim3A_508 = vector.broadcast %broadcast_in_dim3A_507 : i1 to vector<16xi1>
      %masked_cumsum3A_509 = tpu.scan <sum>, %get3A_504 masked %broadcast_in_dim3A_508 : vector<16xi32>, vector<16xi1> -> vector<16xi32>
      %broadcast_in_dim3A_510 = arith.constant true
      %broadcast_in_dim3A_511 = vector.broadcast %broadcast_in_dim3A_510 : i1 to vector<16xi1>
      %masked_cumsum3A_512 = tpu.scan <sum>, %get3A_506 masked %broadcast_in_dim3A_511 : vector<16xi32>, vector<16xi1> -> vector<16xi32>
      %sub3A_513 = arith.subi %masked_cumsum3A_509, %get3A_504 : vector<16xi32>
      %swap3A_514 = arith.constant 0 : index
      %swap3A_515 = tpu.vector_load %arg20[%swap3A_514] {strides = array<i32>} : memref<32xi32, #tpu.memory_space<vmem>>, vector<16xi32>,
      tpu.vector_store %arg20[%swap3A_514], %sub3A_513 {strides = array<i32>} : memref<32xi32, #tpu.memory_space<vmem>>, vector<16xi32>,
      %sub3A_516 = arith.subi %masked_cumsum3A_512, %get3A_506 : vector<16xi32>
      %reduce_max3A_517 = arith.constant true
      %reduce_max3A_518 = vector.broadcast %reduce_max3A_517 : i1 to vector<16xi1>
      %reduce_max3A_519 = arith.constant -2147483648 : i32
      %reduce_max3A_520 = vector.broadcast %reduce_max3A_519 : i32 to vector<16xi32>
      %reduce_max3A_521 = arith.xori %masked_cumsum3A_509, %reduce_max3A_520 : vector<16xi32>
      %reduce_max3A_522 = tpu.scan <max>, %reduce_max3A_521 masked %reduce_max3A_518 : vector<16xi32>, vector<16xi1> -> vector<16xi32>
      %reduce_max3A_523 = arith.xori %reduce_max3A_522, %reduce_max3A_520 : vector<16xi32>
      %reduce_max3A_524 = vector.extract %reduce_max3A_523[15] : i32 from vector<16xi32>
      %add3A_525 = vector.broadcast %reduce_max3A_524 : i32 to vector<16xi32>
      %add3A_526 = arith.addi %sub3A_516, %add3A_525 : vector<16xi32>
      %swap3A_527 = arith.constant 16 : index
      %swap3A_528 = tpu.vector_load %arg20[%swap3A_527] {strides = array<i32>} : memref<32xi32, #tpu.memory_space<vmem>>, vector<16xi32>,
      tpu.vector_store %arg20[%swap3A_527], %add3A_526 {strides = array<i32>} : memref<32xi32, #tpu.memory_space<vmem>>, vector<16xi32>,
      %scan3A_529 = arith.constant 0 : i32
      %scan3A_530 = arith.constant 0 : i32
      %scan3A_531 = arith.constant 16 : i32
      %scan3A_532 = arith.addi %scan3A_530, %scan3A_531 : i32
      %scan3A_533 = arith.constant 1 : i32
      %scan3A_534 = scf.for %scan3A_620 = %scan3A_530 to %scan3A_532 step %scan3A_533 iter_args(%scan3A_621 = %scan3A_529) -> (i32)  : i32 {
        %mul3A_622 = arith.constant 16 : i32
        %mul3A_623 = arith.muli %scan3A_620, %mul3A_622 : i32
        %get3A_624 = arith.index_cast %mul3A_623 : i32 to index
        %get3A_625 = tpu.vector_load %arg13[%get3A_624] {strides = array<i32>} : memref<272xi32, #tpu.memory_space<vmem>>, vector<16xi32>,
        %mul3A_626 = arith.constant 16 : i32
        %mul3A_627 = arith.muli %scan3A_620, %mul3A_626 : i32
        %get3A_628 = arith.index_cast %mul3A_627 : i32 to index
        %get3A_629 = tpu.vector_load %arg14[%get3A_628] {strides = array<i32>} : memref<272xi32, #tpu.memory_space<vmem>>, vector<16xi32>,
        %shift_right_logical3A = arith.constant 20 : i32
        %shift_right_logical3A_630 = vector.broadcast %shift_right_logical3A : i32 to vector<16xi32>
        %shift_right_logical3A_631 = arith.shrui %get3A_625, %shift_right_logical3A_630 : vector<16xi32>
        %and3A_632 = arith.constant 31 : i32
        %and3A_633 = vector.broadcast %and3A_632 : i32 to vector<16xi32>
        %and3A_634 = arith.andi %shift_right_logical3A_631, %and3A_633 : vector<16xi32>
        %sub3A_635 = arith.constant 31 : i32
        %sub3A_636 = vector.broadcast %sub3A_635 : i32 to vector<16xi32>
        %sub3A_637 = arith.subi %sub3A_636, %and3A_634 : vector<16xi32>
        %broadcast_in_dim3A_638 = arith.constant true
        %broadcast_in_dim3A_639 = vector.broadcast %broadcast_in_dim3A_638 : i1 to vector<16xi1>
        %unique3A, %unique3A_640 = tpu.scan_count mask(%broadcast_in_dim3A_639 : vector<16xi1>) value(%sub3A_637 : vector<16xi32>) : vector<16xi1>, vector<16xi32>
        %gather3A_641 = tpu.vector_load_idx %arg20[%sub3A_637] : memref<32xi32, #tpu.memory_space<vmem>>[vector<16xi32>], vector<16xi32>,
        %add3A_642 = arith.addi %gather3A_641, %unique3A_640 : vector<16xi32>
        %sub3A_643 = arith.constant 1 : i32
        %sub3A_644 = vector.broadcast %sub3A_643 : i32 to vector<16xi32>
        %sub3A_645 = arith.subi %add3A_642, %sub3A_644 : vector<16xi32>
        tpu.vector_store_idx %arg15[%sub3A_645], %get3A_625 : memref<272xi32, #tpu.memory_space<vmem>>[vector<16xi32>], vector<16xi32>,
        tpu.vector_store_idx %arg16[%sub3A_645], %get3A_629 : memref<272xi32, #tpu.memory_space<vmem>>[vector<16xi32>], vector<16xi32>,
        %add3A_646 = arith.addi %gather3A_641, %unique3A_640 : vector<16xi32>
        tpu.vector_store_idx %arg20[%sub3A_637], %add3A_646 masked %unique3A : memref<32xi32, #tpu.memory_space<vmem>>[vector<16xi32>], vector<16xi32>, vector<16xi1>
        %scan3A_647 = arith.constant 0 : i32
        scf.yield %scan3A_647 : i32
      }
      %scan3A_535 = arith.constant 16 : i32
      %swap3A_536 = arith.constant 0 : index
      %swap3A_537 = tpu.vector_load %arg19[%swap3A_536] {strides = array<i32>} : memref<32xi32, #tpu.memory_space<vmem>>, vector<16xi32>,
      tpu.vector_store %arg19[%swap3A_536], %broadcast_in_dim3A_33 {strides = array<i32>} : memref<32xi32, #tpu.memory_space<vmem>>, vector<16xi32>,
      %swap3A_538 = arith.constant 16 : index
      %swap3A_539 = tpu.vector_load %arg19[%swap3A_538] {strides = array<i32>} : memref<32xi32, #tpu.memory_space<vmem>>, vector<16xi32>,
      tpu.vector_store %arg19[%swap3A_538], %broadcast_in_dim3A_33 {strides = array<i32>} : memref<32xi32, #tpu.memory_space<vmem>>, vector<16xi32>,
      %parallel_loop3A_540 = arith.constant 0 : i32
      %parallel_loop3A_541 = arith.constant 16 : i32
      %parallel_loop3A_542 = arith.constant 1 : i32
      scf.for %parallel_loop3A_620 = %parallel_loop3A_540 to %parallel_loop3A_541 step %parallel_loop3A_542  : i32 {
        %parallel_loop3A_621 = arith.constant 16 : i32
        %parallel_loop3A_622 = arith.muli %parallel_loop3A_620, %parallel_loop3A_621 : i32
        %parallel_loop3A_623 = arith.index_cast %parallel_loop3A_622 : i32 to index
        %parallel_loop3A_624 = tpu.vector_load %arg15[%parallel_loop3A_623] {strides = array<i32>} : memref<272xi32, #tpu.memory_space<vmem>>, vector<16xi32>,
        %parallel_loop3A_625 = arith.constant 25 : i32
        %parallel_loop3A_626 = vector.broadcast %parallel_loop3A_625 : i32 to vector<16xi32>
        %parallel_loop3A_627 = arith.shrui %parallel_loop3A_624, %parallel_loop3A_626 : vector<16xi32>
        %parallel_loop3A_628 = arith.constant 31 : i32
        %parallel_loop3A_629 = vector.broadcast %parallel_loop3A_628 : i32 to vector<16xi32>
        %parallel_loop3A_630 = arith.andi %parallel_loop3A_627, %parallel_loop3A_629 : vector<16xi32>
        %parallel_loop3A_631 = arith.constant 31 : i32
        %parallel_loop3A_632 = vector.broadcast %parallel_loop3A_631 : i32 to vector<16xi32>
        %parallel_loop3A_633 = arith.subi %parallel_loop3A_632, %parallel_loop3A_630 : vector<16xi32>
        %parallel_loop3A_634 = arith.constant true
        %parallel_loop3A_635 = vector.broadcast %parallel_loop3A_634 : i1 to vector<16xi1>
        %parallel_loop3A_636, %parallel_loop3A_637 = tpu.scan_count mask(%parallel_loop3A_635 : vector<16xi1>) value(%parallel_loop3A_633 : vector<16xi32>) : vector<16xi1>, vector<16xi32>
        tpu.vector_store_idx %arg19[%parallel_loop3A_633], %parallel_loop3A_637 masked %parallel_loop3A_636 {add = true} : memref<32xi32, #tpu.memory_space<vmem>>[vector<16xi32>], vector<16xi32>, vector<16xi1>
      } {sc.loop_unroll_factor = 4 : i64, sc.parallel_access}
      %get3A_543 = arith.constant 0 : index
      %get3A_544 = tpu.vector_load %arg19[%get3A_543] {strides = array<i32>} : memref<32xi32, #tpu.memory_space<vmem>>, vector<16xi32>,
      %get3A_545 = arith.constant 16 : index
      %get3A_546 = tpu.vector_load %arg19[%get3A_545] {strides = array<i32>} : memref<32xi32, #tpu.memory_space<vmem>>, vector<16xi32>,
      %broadcast_in_dim3A_547 = arith.constant true
      %broadcast_in_dim3A_548 = vector.broadcast %broadcast_in_dim3A_547 : i1 to vector<16xi1>
      %masked_cumsum3A_549 = tpu.scan <sum>, %get3A_544 masked %broadcast_in_dim3A_548 : vector<16xi32>, vector<16xi1> -> vector<16xi32>
      %broadcast_in_dim3A_550 = arith.constant true
      %broadcast_in_dim3A_551 = vector.broadcast %broadcast_in_dim3A_550 : i1 to vector<16xi1>
      %masked_cumsum3A_552 = tpu.scan <sum>, %get3A_546 masked %broadcast_in_dim3A_551 : vector<16xi32>, vector<16xi1> -> vector<16xi32>
      %sub3A_553 = arith.subi %masked_cumsum3A_549, %get3A_544 : vector<16xi32>
      %swap3A_554 = arith.constant 0 : index
      %swap3A_555 = tpu.vector_load %arg20[%swap3A_554] {strides = array<i32>} : memref<32xi32, #tpu.memory_space<vmem>>, vector<16xi32>,
      tpu.vector_store %arg20[%swap3A_554], %sub3A_553 {strides = array<i32>} : memref<32xi32, #tpu.memory_space<vmem>>, vector<16xi32>,
      %sub3A_556 = arith.subi %masked_cumsum3A_552, %get3A_546 : vector<16xi32>
      %reduce_max3A_557 = arith.constant true
      %reduce_max3A_558 = vector.broadcast %reduce_max3A_557 : i1 to vector<16xi1>
      %reduce_max3A_559 = arith.constant -2147483648 : i32
      %reduce_max3A_560 = vector.broadcast %reduce_max3A_559 : i32 to vector<16xi32>
      %reduce_max3A_561 = arith.xori %masked_cumsum3A_549, %reduce_max3A_560 : vector<16xi32>
      %reduce_max3A_562 = tpu.scan <max>, %reduce_max3A_561 masked %reduce_max3A_558 : vector<16xi32>, vector<16xi1> -> vector<16xi32>
      %reduce_max3A_563 = arith.xori %reduce_max3A_562, %reduce_max3A_560 : vector<16xi32>
      %reduce_max3A_564 = vector.extract %reduce_max3A_563[15] : i32 from vector<16xi32>
      %add3A_565 = vector.broadcast %reduce_max3A_564 : i32 to vector<16xi32>
      %add3A_566 = arith.addi %sub3A_556, %add3A_565 : vector<16xi32>
      %swap3A_567 = arith.constant 16 : index
      %swap3A_568 = tpu.vector_load %arg20[%swap3A_567] {strides = array<i32>} : memref<32xi32, #tpu.memory_space<vmem>>, vector<16xi32>,
      tpu.vector_store %arg20[%swap3A_567], %add3A_566 {strides = array<i32>} : memref<32xi32, #tpu.memory_space<vmem>>, vector<16xi32>,
      %scan3A_569 = arith.constant 0 : i32
      %scan3A_570 = arith.constant 0 : i32
      %scan3A_571 = arith.constant 16 : i32
      %scan3A_572 = arith.addi %scan3A_570, %scan3A_571 : i32
      %scan3A_573 = arith.constant 1 : i32
      %scan3A_574 = scf.for %scan3A_620 = %scan3A_570 to %scan3A_572 step %scan3A_573 iter_args(%scan3A_621 = %scan3A_569) -> (i32)  : i32 {
        %mul3A_622 = arith.constant 16 : i32
        %mul3A_623 = arith.muli %scan3A_620, %mul3A_622 : i32
        %get3A_624 = arith.index_cast %mul3A_623 : i32 to index
        %get3A_625 = tpu.vector_load %arg15[%get3A_624] {strides = array<i32>} : memref<272xi32, #tpu.memory_space<vmem>>, vector<16xi32>,
        %mul3A_626 = arith.constant 16 : i32
        %mul3A_627 = arith.muli %scan3A_620, %mul3A_626 : i32
        %get3A_628 = arith.index_cast %mul3A_627 : i32 to index
        %get3A_629 = tpu.vector_load %arg16[%get3A_628] {strides = array<i32>} : memref<272xi32, #tpu.memory_space<vmem>>, vector<16xi32>,
        %shift_right_logical3A = arith.constant 25 : i32
        %shift_right_logical3A_630 = vector.broadcast %shift_right_logical3A : i32 to vector<16xi32>
        %shift_right_logical3A_631 = arith.shrui %get3A_625, %shift_right_logical3A_630 : vector<16xi32>
        %and3A_632 = arith.constant 31 : i32
        %and3A_633 = vector.broadcast %and3A_632 : i32 to vector<16xi32>
        %and3A_634 = arith.andi %shift_right_logical3A_631, %and3A_633 : vector<16xi32>
        %sub3A_635 = arith.constant 31 : i32
        %sub3A_636 = vector.broadcast %sub3A_635 : i32 to vector<16xi32>
        %sub3A_637 = arith.subi %sub3A_636, %and3A_634 : vector<16xi32>
        %broadcast_in_dim3A_638 = arith.constant true
        %broadcast_in_dim3A_639 = vector.broadcast %broadcast_in_dim3A_638 : i1 to vector<16xi1>
        %unique3A, %unique3A_640 = tpu.scan_count mask(%broadcast_in_dim3A_639 : vector<16xi1>) value(%sub3A_637 : vector<16xi32>) : vector<16xi1>, vector<16xi32>
        %gather3A_641 = tpu.vector_load_idx %arg20[%sub3A_637] : memref<32xi32, #tpu.memory_space<vmem>>[vector<16xi32>], vector<16xi32>,
        %add3A_642 = arith.addi %gather3A_641, %unique3A_640 : vector<16xi32>
        %sub3A_643 = arith.constant 1 : i32
        %sub3A_644 = vector.broadcast %sub3A_643 : i32 to vector<16xi32>
        %sub3A_645 = arith.subi %add3A_642, %sub3A_644 : vector<16xi32>
        tpu.vector_store_idx %arg13[%sub3A_645], %get3A_625 : memref<272xi32, #tpu.memory_space<vmem>>[vector<16xi32>], vector<16xi32>,
        tpu.vector_store_idx %arg14[%sub3A_645], %get3A_629 : memref<272xi32, #tpu.memory_space<vmem>>[vector<16xi32>], vector<16xi32>,
        %add3A_646 = arith.addi %gather3A_641, %unique3A_640 : vector<16xi32>
        tpu.vector_store_idx %arg20[%sub3A_637], %add3A_646 masked %unique3A : memref<32xi32, #tpu.memory_space<vmem>>[vector<16xi32>], vector<16xi32>, vector<16xi1>
        %scan3A_647 = arith.constant 0 : i32
        scf.yield %scan3A_647 : i32
      }
      %scan3A_575 = arith.constant 16 : i32
      %swap3A_576 = arith.constant 0 : index
      %swap3A_577 = tpu.vector_load %arg19[%swap3A_576] {strides = array<i32>} : memref<32xi32, #tpu.memory_space<vmem>>, vector<16xi32>,
      tpu.vector_store %arg19[%swap3A_576], %broadcast_in_dim3A_33 {strides = array<i32>} : memref<32xi32, #tpu.memory_space<vmem>>, vector<16xi32>,
      %swap3A_578 = arith.constant 16 : index
      %swap3A_579 = tpu.vector_load %arg19[%swap3A_578] {strides = array<i32>} : memref<32xi32, #tpu.memory_space<vmem>>, vector<16xi32>,
      tpu.vector_store %arg19[%swap3A_578], %broadcast_in_dim3A_33 {strides = array<i32>} : memref<32xi32, #tpu.memory_space<vmem>>, vector<16xi32>,
      %parallel_loop3A_580 = arith.constant 0 : i32
      %parallel_loop3A_581 = arith.constant 16 : i32
      %parallel_loop3A_582 = arith.constant 1 : i32
      scf.for %parallel_loop3A_620 = %parallel_loop3A_580 to %parallel_loop3A_581 step %parallel_loop3A_582  : i32 {
        %parallel_loop3A_621 = arith.constant 16 : i32
        %parallel_loop3A_622 = arith.muli %parallel_loop3A_620, %parallel_loop3A_621 : i32
        %parallel_loop3A_623 = arith.index_cast %parallel_loop3A_622 : i32 to index
        %parallel_loop3A_624 = tpu.vector_load %arg13[%parallel_loop3A_623] {strides = array<i32>} : memref<272xi32, #tpu.memory_space<vmem>>, vector<16xi32>,
        %parallel_loop3A_625 = arith.constant 30 : i32
        %parallel_loop3A_626 = vector.broadcast %parallel_loop3A_625 : i32 to vector<16xi32>
        %parallel_loop3A_627 = arith.shrui %parallel_loop3A_624, %parallel_loop3A_626 : vector<16xi32>
        %parallel_loop3A_628 = arith.constant 31 : i32
        %parallel_loop3A_629 = vector.broadcast %parallel_loop3A_628 : i32 to vector<16xi32>
        %parallel_loop3A_630 = arith.andi %parallel_loop3A_627, %parallel_loop3A_629 : vector<16xi32>
        %parallel_loop3A_631 = arith.constant 31 : i32
        %parallel_loop3A_632 = vector.broadcast %parallel_loop3A_631 : i32 to vector<16xi32>
        %parallel_loop3A_633 = arith.subi %parallel_loop3A_632, %parallel_loop3A_630 : vector<16xi32>
        %parallel_loop3A_634 = arith.constant true
        %parallel_loop3A_635 = vector.broadcast %parallel_loop3A_634 : i1 to vector<16xi1>
        %parallel_loop3A_636, %parallel_loop3A_637 = tpu.scan_count mask(%parallel_loop3A_635 : vector<16xi1>) value(%parallel_loop3A_633 : vector<16xi32>) : vector<16xi1>, vector<16xi32>
        tpu.vector_store_idx %arg19[%parallel_loop3A_633], %parallel_loop3A_637 masked %parallel_loop3A_636 {add = true} : memref<32xi32, #tpu.memory_space<vmem>>[vector<16xi32>], vector<16xi32>, vector<16xi1>
      } {sc.loop_unroll_factor = 4 : i64, sc.parallel_access}
      %get3A_583 = arith.constant 0 : index
      %get3A_584 = tpu.vector_load %arg19[%get3A_583] {strides = array<i32>} : memref<32xi32, #tpu.memory_space<vmem>>, vector<16xi32>,
      %get3A_585 = arith.constant 16 : index
      %get3A_586 = tpu.vector_load %arg19[%get3A_585] {strides = array<i32>} : memref<32xi32, #tpu.memory_space<vmem>>, vector<16xi32>,
      %broadcast_in_dim3A_587 = arith.constant true
      %broadcast_in_dim3A_588 = vector.broadcast %broadcast_in_dim3A_587 : i1 to vector<16xi1>
      %masked_cumsum3A_589 = tpu.scan <sum>, %get3A_584 masked %broadcast_in_dim3A_588 : vector<16xi32>, vector<16xi1> -> vector<16xi32>
      %broadcast_in_dim3A_590 = arith.constant true
      %broadcast_in_dim3A_591 = vector.broadcast %broadcast_in_dim3A_590 : i1 to vector<16xi1>
      %masked_cumsum3A_592 = tpu.scan <sum>, %get3A_586 masked %broadcast_in_dim3A_591 : vector<16xi32>, vector<16xi1> -> vector<16xi32>
      %sub3A_593 = arith.subi %masked_cumsum3A_589, %get3A_584 : vector<16xi32>
      %swap3A_594 = arith.constant 0 : index
      %swap3A_595 = tpu.vector_load %arg20[%swap3A_594] {strides = array<i32>} : memref<32xi32, #tpu.memory_space<vmem>>, vector<16xi32>,
      tpu.vector_store %arg20[%swap3A_594], %sub3A_593 {strides = array<i32>} : memref<32xi32, #tpu.memory_space<vmem>>, vector<16xi32>,
      %sub3A_596 = arith.subi %masked_cumsum3A_592, %get3A_586 : vector<16xi32>
      %reduce_max3A_597 = arith.constant true
      %reduce_max3A_598 = vector.broadcast %reduce_max3A_597 : i1 to vector<16xi1>
      %reduce_max3A_599 = arith.constant -2147483648 : i32
      %reduce_max3A_600 = vector.broadcast %reduce_max3A_599 : i32 to vector<16xi32>
      %reduce_max3A_601 = arith.xori %masked_cumsum3A_589, %reduce_max3A_600 : vector<16xi32>
      %reduce_max3A_602 = tpu.scan <max>, %reduce_max3A_601 masked %reduce_max3A_598 : vector<16xi32>, vector<16xi1> -> vector<16xi32>
      %reduce_max3A_603 = arith.xori %reduce_max3A_602, %reduce_max3A_600 : vector<16xi32>
      %reduce_max3A_604 = vector.extract %reduce_max3A_603[15] : i32 from vector<16xi32>
      %add3A_605 = vector.broadcast %reduce_max3A_604 : i32 to vector<16xi32>
      %add3A_606 = arith.addi %sub3A_596, %add3A_605 : vector<16xi32>
      %swap3A_607 = arith.constant 16 : index
      %swap3A_608 = tpu.vector_load %arg20[%swap3A_607] {strides = array<i32>} : memref<32xi32, #tpu.memory_space<vmem>>, vector<16xi32>,
      tpu.vector_store %arg20[%swap3A_607], %add3A_606 {strides = array<i32>} : memref<32xi32, #tpu.memory_space<vmem>>, vector<16xi32>,
      %scan3A_609 = arith.constant 0 : i32
      %scan3A_610 = arith.constant 0 : i32
      %scan3A_611 = arith.constant 16 : i32
      %scan3A_612 = arith.addi %scan3A_610, %scan3A_611 : i32
      %scan3A_613 = arith.constant 1 : i32
      %scan3A_614 = scf.for %scan3A_620 = %scan3A_610 to %scan3A_612 step %scan3A_613 iter_args(%scan3A_621 = %scan3A_609) -> (i32)  : i32 {
        %mul3A_622 = arith.constant 16 : i32
        %mul3A_623 = arith.muli %scan3A_620, %mul3A_622 : i32
        %get3A_624 = arith.index_cast %mul3A_623 : i32 to index
        %get3A_625 = tpu.vector_load %arg13[%get3A_624] {strides = array<i32>} : memref<272xi32, #tpu.memory_space<vmem>>, vector<16xi32>,
        %mul3A_626 = arith.constant 16 : i32
        %mul3A_627 = arith.muli %scan3A_620, %mul3A_626 : i32
        %get3A_628 = arith.index_cast %mul3A_627 : i32 to index
        %get3A_629 = tpu.vector_load %arg14[%get3A_628] {strides = array<i32>} : memref<272xi32, #tpu.memory_space<vmem>>, vector<16xi32>,
        %shift_right_logical3A = arith.constant 30 : i32
        %shift_right_logical3A_630 = vector.broadcast %shift_right_logical3A : i32 to vector<16xi32>
        %shift_right_logical3A_631 = arith.shrui %get3A_625, %shift_right_logical3A_630 : vector<16xi32>
        %and3A_632 = arith.constant 31 : i32
        %and3A_633 = vector.broadcast %and3A_632 : i32 to vector<16xi32>
        %and3A_634 = arith.andi %shift_right_logical3A_631, %and3A_633 : vector<16xi32>
        %sub3A_635 = arith.constant 31 : i32
        %sub3A_636 = vector.broadcast %sub3A_635 : i32 to vector<16xi32>
        %sub3A_637 = arith.subi %sub3A_636, %and3A_634 : vector<16xi32>
        %broadcast_in_dim3A_638 = arith.constant true
        %broadcast_in_dim3A_639 = vector.broadcast %broadcast_in_dim3A_638 : i1 to vector<16xi1>
        %unique3A, %unique3A_640 = tpu.scan_count mask(%broadcast_in_dim3A_639 : vector<16xi1>) value(%sub3A_637 : vector<16xi32>) : vector<16xi1>, vector<16xi32>
        %gather3A_641 = tpu.vector_load_idx %arg20[%sub3A_637] : memref<32xi32, #tpu.memory_space<vmem>>[vector<16xi32>], vector<16xi32>,
        %add3A_642 = arith.addi %gather3A_641, %unique3A_640 : vector<16xi32>
        %sub3A_643 = arith.constant 1 : i32
        %sub3A_644 = vector.broadcast %sub3A_643 : i32 to vector<16xi32>
        %sub3A_645 = arith.subi %add3A_642, %sub3A_644 : vector<16xi32>
        tpu.vector_store_idx %arg15[%sub3A_645], %get3A_625 : memref<272xi32, #tpu.memory_space<vmem>>[vector<16xi32>], vector<16xi32>,
        tpu.vector_store_idx %arg16[%sub3A_645], %get3A_629 : memref<272xi32, #tpu.memory_space<vmem>>[vector<16xi32>], vector<16xi32>,
        %add3A_646 = arith.addi %gather3A_641, %unique3A_640 : vector<16xi32>
        tpu.vector_store_idx %arg20[%sub3A_637], %add3A_646 masked %unique3A : memref<32xi32, #tpu.memory_space<vmem>>[vector<16xi32>], vector<16xi32>, vector<16xi1>
        %scan3A_647 = arith.constant 0 : i32
        scf.yield %scan3A_647 : i32
      }
      %scan3A_615 = arith.constant 16 : i32
      %parallel_loop3A_616 = arith.constant 0 : i32
      %parallel_loop3A_617 = arith.constant 16 : i32
      %parallel_loop3A_618 = arith.constant 1 : i32
      scf.for %parallel_loop3A_620 = %parallel_loop3A_616 to %parallel_loop3A_617 step %parallel_loop3A_618  : i32 {
        %parallel_loop3A_621 = arith.constant 16 : i32
        %parallel_loop3A_622 = arith.muli %parallel_loop3A_620, %parallel_loop3A_621 : i32
        %parallel_loop3A_623 = arith.index_cast %parallel_loop3A_622 : i32 to index
        %parallel_loop3A_624 = tpu.vector_load %arg15[%parallel_loop3A_623] {strides = array<i32>} : memref<272xi32, #tpu.memory_space<vmem>>, vector<16xi32>,
        %parallel_loop3A_625 = vector.bitcast %parallel_loop3A_624 : vector<16xi32> to vector<16xf32>
        %parallel_loop3A_626 = arith.constant 16 : i32
        %parallel_loop3A_627 = arith.muli %parallel_loop3A_620, %parallel_loop3A_626 : i32
        %parallel_loop3A_628 = arith.index_cast %parallel_loop3A_627 : i32 to index
        %parallel_loop3A_629 = tpu.vector_load %arg21[%parallel_loop3A_628] {strides = array<i32>} : memref<256xf32, #tpu.memory_space<vmem>>, vector<16xf32>,
        tpu.vector_store %arg21[%parallel_loop3A_628], %parallel_loop3A_625 {strides = array<i32>} : memref<256xf32, #tpu.memory_space<vmem>>, vector<16xf32>,
        %parallel_loop3A_630 = arith.constant 16 : i32
        %parallel_loop3A_631 = arith.muli %parallel_loop3A_620, %parallel_loop3A_630 : i32
        %parallel_loop3A_632 = arith.index_cast %parallel_loop3A_631 : i32 to index
        %parallel_loop3A_633 = tpu.vector_load %arg16[%parallel_loop3A_632] {strides = array<i32>} : memref<272xi32, #tpu.memory_space<vmem>>, vector<16xi32>,
        %parallel_loop3A_634 = arith.constant 7 : i32
        %parallel_loop3A_635 = vector.broadcast %parallel_loop3A_634 : i32 to vector<16xi32>
        %parallel_loop3A_636 = arith.shrui %parallel_loop3A_633, %parallel_loop3A_635 : vector<16xi32>
        %parallel_loop3A_637 = arith.constant 127 : i32
        %parallel_loop3A_638 = vector.broadcast %parallel_loop3A_637 : i32 to vector<16xi32>
        %parallel_loop3A_639 = arith.andi %parallel_loop3A_633, %parallel_loop3A_638 : vector<16xi32>
        tpu.vector_store_idx %arg22[%parallel_loop3A_636, %parallel_loop3A_639], %broadcast_in_dim3A_35 {add = true} : memref<64x128xf32, #tpu.memory_space<vmem>>[vector<16xi32>, vector<16xi32>], vector<16xf32>,
      } {sc.loop_unroll_factor = 4 : i64, sc.parallel_access}
      "tpu.region"() ({
        %run_scoped3A = tpu.sem_alloc : memref<!tpu.dma_semaphore, #tpu.memory_space<semaphore_mem>>
        %dma_start3A = arith.constant 0 : i32
        %dma_start3A_620 = tpu.memref_slice %arg4[%add3A, %add3A_93, %dma_start3A] : memref<4x64x256xf32, #tpu.memory_space<hbm>> -> memref<1x1x256xf32, #tpu.memory_space<hbm>>
        %dma_start3A_621 = tpu.memref_squeeze %dma_start3A_620 : memref<1x1x256xf32, #tpu.memory_space<hbm>> -> memref<256xf32, #tpu.memory_space<hbm>>
        %dma_start3A_622 = arith.constant 0 : i32
        %dma_start3A_623 = tpu.memref_slice %arg4[%add3A, %add3A_93, %dma_start3A_622] : memref<4x64x256xf32, #tpu.memory_space<hbm>> -> memref<1x1x256xf32, #tpu.memory_space<hbm>>
        %dma_start3A_624 = tpu.memref_squeeze %dma_start3A_623 : memref<1x1x256xf32, #tpu.memory_space<hbm>> -> memref<256xf32, #tpu.memory_space<hbm>>
        tpu.enqueue_dma source(%arg21 : memref<256xf32, #tpu.memory_space<vmem>>) target(%dma_start3A_624 : memref<256xf32, #tpu.memory_space<hbm>>) target_semaphore(%run_scoped3A : memref<!tpu.dma_semaphore, #tpu.memory_space<semaphore_mem>>)
        %dma_wait3A = arith.constant 0 : i32
        %dma_wait3A_625 = tpu.memref_slice %arg4[%add3A, %add3A_93, %dma_wait3A] : memref<4x64x256xf32, #tpu.memory_space<hbm>> -> memref<1x1x256xf32, #tpu.memory_space<hbm>>
        %dma_wait3A_626 = tpu.memref_squeeze %dma_wait3A_625 : memref<1x1x256xf32, #tpu.memory_space<hbm>> -> memref<256xf32, #tpu.memory_space<hbm>>
        %dma_wait3A_627 = arith.constant 0 : i32
        %dma_wait3A_628 = tpu.memref_slice %arg4[%add3A, %add3A_93, %dma_wait3A_627] : memref<4x64x256xf32, #tpu.memory_space<hbm>> -> memref<1x1x256xf32, #tpu.memory_space<hbm>>
        %dma_wait3A_629 = tpu.memref_squeeze %dma_wait3A_628 : memref<1x1x256xf32, #tpu.memory_space<hbm>> -> memref<256xf32, #tpu.memory_space<hbm>>
        tpu.wait_dma2 semaphore(%run_scoped3A : memref<!tpu.dma_semaphore, #tpu.memory_space<semaphore_mem>>) src(%arg21 : memref<256xf32, #tpu.memory_space<vmem>>) dst(%dma_wait3A_629 : memref<256xf32, #tpu.memory_space<hbm>>)
        tpu.yield
      }) : () -> ()
      "tpu.region"() ({
        %run_scoped3A = tpu.sem_alloc : memref<!tpu.dma_semaphore, #tpu.memory_space<semaphore_mem>>
        %dma_start3A = arith.constant 0 : i32
        %dma_start3A_620 = tpu.memref_slice %arg16[%dma_start3A] : memref<272xi32, #tpu.memory_space<vmem>> -> memref<256xi32, #tpu.memory_space<vmem>>
        %dma_start3A_621 = arith.constant 0 : i32
        %dma_start3A_622 = tpu.memref_slice %arg5[%add3A, %add3A_93, %dma_start3A_621] : memref<4x64x256xi32, #tpu.memory_space<hbm>> -> memref<1x1x256xi32, #tpu.memory_space<hbm>>
        %dma_start3A_623 = tpu.memref_squeeze %dma_start3A_622 : memref<1x1x256xi32, #tpu.memory_space<hbm>> -> memref<256xi32, #tpu.memory_space<hbm>>
        %dma_start3A_624 = arith.constant 0 : i32
        %dma_start3A_625 = tpu.memref_slice %arg5[%add3A, %add3A_93, %dma_start3A_624] : memref<4x64x256xi32, #tpu.memory_space<hbm>> -> memref<1x1x256xi32, #tpu.memory_space<hbm>>
        %dma_start3A_626 = tpu.memref_squeeze %dma_start3A_625 : memref<1x1x256xi32, #tpu.memory_space<hbm>> -> memref<256xi32, #tpu.memory_space<hbm>>
        %dma_start3A_627 = arith.constant 0 : i32
        %dma_start3A_628 = tpu.memref_slice %arg16[%dma_start3A_627] : memref<272xi32, #tpu.memory_space<vmem>> -> memref<256xi32, #tpu.memory_space<vmem>>
        tpu.enqueue_dma source(%dma_start3A_628 : memref<256xi32, #tpu.memory_space<vmem>>) target(%dma_start3A_626 : memref<256xi32, #tpu.memory_space<hbm>>) target_semaphore(%run_scoped3A : memref<!tpu.dma_semaphore, #tpu.memory_space<semaphore_mem>>)
        %dma_wait3A = arith.constant 0 : i32
        %dma_wait3A_629 = tpu.memref_slice %arg16[%dma_wait3A] : memref<272xi32, #tpu.memory_space<vmem>> -> memref<256xi32, #tpu.memory_space<vmem>>
        %dma_wait3A_630 = arith.constant 0 : i32
        %dma_wait3A_631 = tpu.memref_slice %arg5[%add3A, %add3A_93, %dma_wait3A_630] : memref<4x64x256xi32, #tpu.memory_space<hbm>> -> memref<1x1x256xi32, #tpu.memory_space<hbm>>
        %dma_wait3A_632 = tpu.memref_squeeze %dma_wait3A_631 : memref<1x1x256xi32, #tpu.memory_space<hbm>> -> memref<256xi32, #tpu.memory_space<hbm>>
        %dma_wait3A_633 = arith.constant 0 : i32
        %dma_wait3A_634 = tpu.memref_slice %arg5[%add3A, %add3A_93, %dma_wait3A_633] : memref<4x64x256xi32, #tpu.memory_space<hbm>> -> memref<1x1x256xi32, #tpu.memory_space<hbm>>
        %dma_wait3A_635 = tpu.memref_squeeze %dma_wait3A_634 : memref<1x1x256xi32, #tpu.memory_space<hbm>> -> memref<256xi32, #tpu.memory_space<hbm>>
        %dma_wait3A_636 = arith.constant 0 : i32
        %dma_wait3A_637 = tpu.memref_slice %arg16[%dma_wait3A_636] : memref<272xi32, #tpu.memory_space<vmem>> -> memref<256xi32, #tpu.memory_space<vmem>>
        tpu.wait_dma2 semaphore(%run_scoped3A : memref<!tpu.dma_semaphore, #tpu.memory_space<semaphore_mem>>) src(%dma_wait3A_637 : memref<256xi32, #tpu.memory_space<vmem>>) dst(%dma_wait3A_635 : memref<256xi32, #tpu.memory_space<hbm>>)
        tpu.yield
      }) : () -> ()
      %scan3A_619 = arith.constant 0 : i32
      scf.yield %scan3A_619 : i32
    }
    %scan3A_68 = arith.constant 8 : i32
    "tpu.region"() ({
      %run_scoped3A = tpu.sem_alloc : memref<!tpu.dma_semaphore, #tpu.memory_space<semaphore_mem>>
      %dma_start3A = arith.constant 0 : i32
      %dma_start3A_91 = arith.constant 0 : i32
      %dma_start3A_92 = tpu.memref_slice %arg24[%dma_start3A, %dma_start3A_91] : memref<128x128xf32, #tpu.memory_space<vmem_shared>> -> memref<128x128xf32, #tpu.memory_space<vmem_shared>>
      tpu.enqueue_indirect_dma source(%arg22 : memref<64x128xf32, #tpu.memory_space<vmem>>) target(%dma_start3A_92 : memref<128x128xf32, #tpu.memory_space<vmem_shared>>) offsets(%arg23 : memref<64xi32, #tpu.memory_space<vmem>>) semaphore(%run_scoped3A : memref<!tpu.dma_semaphore, #tpu.memory_space<semaphore_mem>>) {add = true}
      %dma_wait3A = arith.constant 0 : i32
      %dma_wait3A_93 = arith.constant 0 : i32
      %dma_wait3A_94 = tpu.memref_slice %arg24[%dma_wait3A, %dma_wait3A_93] : memref<128x128xf32, #tpu.memory_space<vmem_shared>> -> memref<128x128xf32, #tpu.memory_space<vmem_shared>>
      tpu.wait_indirect_dma semaphore(%run_scoped3A : memref<!tpu.dma_semaphore, #tpu.memory_space<semaphore_mem>>) src(%arg22 : memref<64x128xf32, #tpu.memory_space<vmem>>) dst(%dma_wait3A_94 : memref<128x128xf32, #tpu.memory_space<vmem_shared>>)
      tpu.yield
    }) : () -> ()
    %barrier3A_69 = arith.constant 0 : index
    tpu.barrier barrier_id(%barrier3A_69)
    %jit3A_70 = arith.constant 8 : i32
    %eq3A_71 = arith.constant 0 : i32
    %eq3A_72 = arith.cmpi eq, %jit3A_70, %eq3A_71 : i32
    %jit3A_73 = arith.constant 1 : i32
    %select_n3A_74 = arith.select %eq3A_72, %jit3A_73, %jit3A_70 : i32
    %rem3A_75 = arith.remsi %arg1, %select_n3A_74 : i32
    %ne3A_76 = arith.constant 0 : i32
    %ne3A_77 = arith.cmpi ne, %rem3A_75, %ne3A_76 : i32
    %lt3A_78 = arith.constant 0 : i32
    %lt3A_79 = arith.cmpi slt, %rem3A_75, %lt3A_78 : i32
    %lt3A_80 = arith.constant 0 : i32
    %lt3A_81 = arith.cmpi slt, %select_n3A_74, %lt3A_80 : i32
    %ne3A_82 = arith.xori %lt3A_79, %lt3A_81 : i1
    %and3A_83 = arith.andi %ne3A_82, %ne3A_77 : i1
    %add3A_84 = arith.addi %rem3A_75, %select_n3A_74 : i32
    %select_n3A_85 = arith.select %and3A_83, %add3A_84, %rem3A_75 : i32
    %eq3A_86 = arith.constant 0 : i32
    %eq3A_87 = arith.cmpi eq, %select_n3A_85, %eq3A_86 : i32
    %convert_element_type3A_88 = arith.extui %eq3A_87 : i1 to i32
    %cond3A_89 = arith.constant 0 : i32
    %cond3A_90 = arith.cmpi ne, %convert_element_type3A_88, %cond3A_89 : i32
    scf.if %cond3A_90 {
      %mul3A_91 = arith.constant 64 : i32
      %mul3A_92 = arith.muli %select_n3A, %mul3A_91 : i32
      "tpu.region"() ({
        %run_scoped3A = tpu.sem_alloc : memref<!tpu.dma_semaphore, #tpu.memory_space<semaphore_mem>>
        %dma_start3A = arith.constant 0 : i32
        %dma_start3A_114 = tpu.memref_slice %arg24[%mul3A_92, %dma_start3A] : memref<128x128xf32, #tpu.memory_space<vmem_shared>> -> memref<64x128xf32, #tpu.memory_space<vmem_shared>>
        %dma_start3A_115 = arith.constant 0 : i32
        %dma_start3A_116 = tpu.memref_slice %arg24[%mul3A_92, %dma_start3A_115] : memref<128x128xf32, #tpu.memory_space<vmem_shared>> -> memref<64x128xf32, #tpu.memory_space<vmem_shared>>
        tpu.enqueue_dma source(%dma_start3A_116 : memref<64x128xf32, #tpu.memory_space<vmem_shared>>) target(%arg22 : memref<64x128xf32, #tpu.memory_space<vmem>>) target_semaphore(%run_scoped3A : memref<!tpu.dma_semaphore, #tpu.memory_space<semaphore_mem>>)
        %dma_wait3A = arith.constant 0 : i32
        %dma_wait3A_117 = tpu.memref_slice %arg24[%mul3A_92, %dma_wait3A] : memref<128x128xf32, #tpu.memory_space<vmem_shared>> -> memref<64x128xf32, #tpu.memory_space<vmem_shared>>
        %dma_wait3A_118 = arith.constant 0 : i32
        %dma_wait3A_119 = tpu.memref_slice %arg24[%mul3A_92, %dma_wait3A_118] : memref<128x128xf32, #tpu.memory_space<vmem_shared>> -> memref<64x128xf32, #tpu.memory_space<vmem_shared>>
        tpu.wait_dma2 semaphore(%run_scoped3A : memref<!tpu.dma_semaphore, #tpu.memory_space<semaphore_mem>>) src(%dma_wait3A_119 : memref<64x128xf32, #tpu.memory_space<vmem_shared>>) dst(%arg22 : memref<64x128xf32, #tpu.memory_space<vmem>>)
        tpu.yield
      }) : () -> ()
      "tpu.region"() ({
        %run_scoped3A = tpu.sem_alloc : memref<!tpu.dma_semaphore, #tpu.memory_space<semaphore_mem>>
        %dma_start3A = arith.constant 0 : i32
        %dma_start3A_114 = arith.constant 0 : i32
        %dma_start3A_115 = tpu.memref_slice %arg6[%add3A, %dma_start3A, %dma_start3A_114] : memref<4x64x128xf32, #tpu.memory_space<hbm>> -> memref<1x64x128xf32, #tpu.memory_space<hbm>>
        %dma_start3A_116 = tpu.memref_squeeze %dma_start3A_115 : memref<1x64x128xf32, #tpu.memory_space<hbm>> -> memref<64x128xf32, #tpu.memory_space<hbm>>
        %dma_start3A_117 = arith.constant 0 : i32
        %dma_start3A_118 = arith.constant 0 : i32
        %dma_start3A_119 = tpu.memref_slice %arg6[%add3A, %dma_start3A_117, %dma_start3A_118] : memref<4x64x128xf32, #tpu.memory_space<hbm>> -> memref<1x64x128xf32, #tpu.memory_space<hbm>>
        %dma_start3A_120 = tpu.memref_squeeze %dma_start3A_119 : memref<1x64x128xf32, #tpu.memory_space<hbm>> -> memref<64x128xf32, #tpu.memory_space<hbm>>
        tpu.enqueue_dma source(%arg22 : memref<64x128xf32, #tpu.memory_space<vmem>>) target(%dma_start3A_120 : memref<64x128xf32, #tpu.memory_space<hbm>>) target_semaphore(%run_scoped3A : memref<!tpu.dma_semaphore, #tpu.memory_space<semaphore_mem>>)
        %dma_wait3A = arith.constant 0 : i32
        %dma_wait3A_121 = arith.constant 0 : i32
        %dma_wait3A_122 = tpu.memref_slice %arg6[%add3A, %dma_wait3A, %dma_wait3A_121] : memref<4x64x128xf32, #tpu.memory_space<hbm>> -> memref<1x64x128xf32, #tpu.memory_space<hbm>>
        %dma_wait3A_123 = tpu.memref_squeeze %dma_wait3A_122 : memref<1x64x128xf32, #tpu.memory_space<hbm>> -> memref<64x128xf32, #tpu.memory_space<hbm>>
        %dma_wait3A_124 = arith.constant 0 : i32
        %dma_wait3A_125 = arith.constant 0 : i32
        %dma_wait3A_126 = tpu.memref_slice %arg6[%add3A, %dma_wait3A_124, %dma_wait3A_125] : memref<4x64x128xf32, #tpu.memory_space<hbm>> -> memref<1x64x128xf32, #tpu.memory_space<hbm>>
        %dma_wait3A_127 = tpu.memref_squeeze %dma_wait3A_126 : memref<1x64x128xf32, #tpu.memory_space<hbm>> -> memref<64x128xf32, #tpu.memory_space<hbm>>
        tpu.wait_dma2 semaphore(%run_scoped3A : memref<!tpu.dma_semaphore, #tpu.memory_space<semaphore_mem>>) src(%arg22 : memref<64x128xf32, #tpu.memory_space<vmem>>) dst(%dma_wait3A_127 : memref<64x128xf32, #tpu.memory_space<hbm>>)
        tpu.yield
      }) : () -> ()
      %broadcast_in_dim3A_93 = arith.constant 0.000000e+00 : f32
      %broadcast_in_dim3A_94 = vector.broadcast %broadcast_in_dim3A_93 : f32 to vector<16xf32>
      %scan3A_95 = arith.constant 0 : i32
      %scan3A_96 = arith.constant 64 : i32
      %scan3A_97 = arith.addi %scan3A_95, %scan3A_96 : i32
      %scan3A_98 = arith.constant 1 : i32
      %scan3A_99 = scf.for %scan3A_114 = %scan3A_95 to %scan3A_97 step %scan3A_98 iter_args(%scan3A_115 = %broadcast_in_dim3A_94) -> (vector<16xf32>)  : i32 {
        %broadcast_in_dim3A_116 = vector.broadcast %scan3A_114 : i32 to vector<16xi32>
        %add3A_117 = arith.constant 0 : i32
        %add3A_118 = vector.broadcast %add3A_117 : i32 to vector<16xi32>
        %add3A_119 = arith.addi %iota3A, %add3A_118 : vector<16xi32>
        %gather3A = tpu.vector_load_idx %arg22[%broadcast_in_dim3A_116, %add3A_119] : memref<64x128xf32, #tpu.memory_space<vmem>>[vector<16xi32>, vector<16xi32>], vector<16xf32>,
        %gt3A = arith.constant 0.000000e+00 : f32
        %gt3A_120 = vector.broadcast %gt3A : f32 to vector<16xf32>
        %gt3A_121 = arith.cmpf ogt, %gather3A, %gt3A_120 : vector<16xf32>
        %jit3A_122 = arith.constant 1.000000e+00 : f32
        %jit3A_123 = arith.constant 0.000000e+00 : f32
        %broadcast_in_dim3A_124 = vector.broadcast %jit3A_122 : f32 to vector<16xf32>
        %broadcast_in_dim3A_125 = vector.broadcast %jit3A_123 : f32 to vector<16xf32>
        %select_n3A_126 = arith.select %gt3A_121, %broadcast_in_dim3A_124, %broadcast_in_dim3A_125 : vector<16xi1>, vector<16xf32>
        %add3A_127 = arith.addf %scan3A_115, %select_n3A_126 : vector<16xf32>
        %broadcast_in_dim3A_128 = vector.broadcast %scan3A_114 : i32 to vector<16xi32>
        %add3A_129 = arith.constant 16 : i32
        %add3A_130 = vector.broadcast %add3A_129 : i32 to vector<16xi32>
        %add3A_131 = arith.addi %iota3A, %add3A_130 : vector<16xi32>
        %gather3A_132 = tpu.vector_load_idx %arg22[%broadcast_in_dim3A_128, %add3A_131] : memref<64x128xf32, #tpu.memory_space<vmem>>[vector<16xi32>, vector<16xi32>], vector<16xf32>,
        %gt3A_133 = arith.constant 0.000000e+00 : f32
        %gt3A_134 = vector.broadcast %gt3A_133 : f32 to vector<16xf32>
        %gt3A_135 = arith.cmpf ogt, %gather3A_132, %gt3A_134 : vector<16xf32>
        %jit3A_136 = arith.constant 1.000000e+00 : f32
        %jit3A_137 = arith.constant 0.000000e+00 : f32
        %broadcast_in_dim3A_138 = vector.broadcast %jit3A_136 : f32 to vector<16xf32>
        %broadcast_in_dim3A_139 = vector.broadcast %jit3A_137 : f32 to vector<16xf32>
        %select_n3A_140 = arith.select %gt3A_135, %broadcast_in_dim3A_138, %broadcast_in_dim3A_139 : vector<16xi1>, vector<16xf32>
        %add3A_141 = arith.addf %add3A_127, %select_n3A_140 : vector<16xf32>
        %broadcast_in_dim3A_142 = vector.broadcast %scan3A_114 : i32 to vector<16xi32>
        %add3A_143 = arith.constant 32 : i32
        %add3A_144 = vector.broadcast %add3A_143 : i32 to vector<16xi32>
        %add3A_145 = arith.addi %iota3A, %add3A_144 : vector<16xi32>
        %gather3A_146 = tpu.vector_load_idx %arg22[%broadcast_in_dim3A_142, %add3A_145] : memref<64x128xf32, #tpu.memory_space<vmem>>[vector<16xi32>, vector<16xi32>], vector<16xf32>,
        %gt3A_147 = arith.constant 0.000000e+00 : f32
        %gt3A_148 = vector.broadcast %gt3A_147 : f32 to vector<16xf32>
        %gt3A_149 = arith.cmpf ogt, %gather3A_146, %gt3A_148 : vector<16xf32>
        %jit3A_150 = arith.constant 1.000000e+00 : f32
        %jit3A_151 = arith.constant 0.000000e+00 : f32
        %broadcast_in_dim3A_152 = vector.broadcast %jit3A_150 : f32 to vector<16xf32>
        %broadcast_in_dim3A_153 = vector.broadcast %jit3A_151 : f32 to vector<16xf32>
        %select_n3A_154 = arith.select %gt3A_149, %broadcast_in_dim3A_152, %broadcast_in_dim3A_153 : vector<16xi1>, vector<16xf32>
        %add3A_155 = arith.addf %add3A_141, %select_n3A_154 : vector<16xf32>
        %broadcast_in_dim3A_156 = vector.broadcast %scan3A_114 : i32 to vector<16xi32>
        %add3A_157 = arith.constant 48 : i32
        %add3A_158 = vector.broadcast %add3A_157 : i32 to vector<16xi32>
        %add3A_159 = arith.addi %iota3A, %add3A_158 : vector<16xi32>
        %gather3A_160 = tpu.vector_load_idx %arg22[%broadcast_in_dim3A_156, %add3A_159] : memref<64x128xf32, #tpu.memory_space<vmem>>[vector<16xi32>, vector<16xi32>], vector<16xf32>,
        %gt3A_161 = arith.constant 0.000000e+00 : f32
        %gt3A_162 = vector.broadcast %gt3A_161 : f32 to vector<16xf32>
        %gt3A_163 = arith.cmpf ogt, %gather3A_160, %gt3A_162 : vector<16xf32>
        %jit3A_164 = arith.constant 1.000000e+00 : f32
        %jit3A_165 = arith.constant 0.000000e+00 : f32
        %broadcast_in_dim3A_166 = vector.broadcast %jit3A_164 : f32 to vector<16xf32>
        %broadcast_in_dim3A_167 = vector.broadcast %jit3A_165 : f32 to vector<16xf32>
        %select_n3A_168 = arith.select %gt3A_163, %broadcast_in_dim3A_166, %broadcast_in_dim3A_167 : vector<16xi1>, vector<16xf32>
        %add3A_169 = arith.addf %add3A_155, %select_n3A_168 : vector<16xf32>
        %broadcast_in_dim3A_170 = vector.broadcast %scan3A_114 : i32 to vector<16xi32>
        %add3A_171 = arith.constant 64 : i32
        %add3A_172 = vector.broadcast %add3A_171 : i32 to vector<16xi32>
        %add3A_173 = arith.addi %iota3A, %add3A_172 : vector<16xi32>
        %gather3A_174 = tpu.vector_load_idx %arg22[%broadcast_in_dim3A_170, %add3A_173] : memref<64x128xf32, #tpu.memory_space<vmem>>[vector<16xi32>, vector<16xi32>], vector<16xf32>,
        %gt3A_175 = arith.constant 0.000000e+00 : f32
        %gt3A_176 = vector.broadcast %gt3A_175 : f32 to vector<16xf32>
        %gt3A_177 = arith.cmpf ogt, %gather3A_174, %gt3A_176 : vector<16xf32>
        %jit3A_178 = arith.constant 1.000000e+00 : f32
        %jit3A_179 = arith.constant 0.000000e+00 : f32
        %broadcast_in_dim3A_180 = vector.broadcast %jit3A_178 : f32 to vector<16xf32>
        %broadcast_in_dim3A_181 = vector.broadcast %jit3A_179 : f32 to vector<16xf32>
        %select_n3A_182 = arith.select %gt3A_177, %broadcast_in_dim3A_180, %broadcast_in_dim3A_181 : vector<16xi1>, vector<16xf32>
        %add3A_183 = arith.addf %add3A_169, %select_n3A_182 : vector<16xf32>
        %broadcast_in_dim3A_184 = vector.broadcast %scan3A_114 : i32 to vector<16xi32>
        %add3A_185 = arith.constant 80 : i32
        %add3A_186 = vector.broadcast %add3A_185 : i32 to vector<16xi32>
        %add3A_187 = arith.addi %iota3A, %add3A_186 : vector<16xi32>
        %gather3A_188 = tpu.vector_load_idx %arg22[%broadcast_in_dim3A_184, %add3A_187] : memref<64x128xf32, #tpu.memory_space<vmem>>[vector<16xi32>, vector<16xi32>], vector<16xf32>,
        %gt3A_189 = arith.constant 0.000000e+00 : f32
        %gt3A_190 = vector.broadcast %gt3A_189 : f32 to vector<16xf32>
        %gt3A_191 = arith.cmpf ogt, %gather3A_188, %gt3A_190 : vector<16xf32>
        %jit3A_192 = arith.constant 1.000000e+00 : f32
        %jit3A_193 = arith.constant 0.000000e+00 : f32
        %broadcast_in_dim3A_194 = vector.broadcast %jit3A_192 : f32 to vector<16xf32>
        %broadcast_in_dim3A_195 = vector.broadcast %jit3A_193 : f32 to vector<16xf32>
        %select_n3A_196 = arith.select %gt3A_191, %broadcast_in_dim3A_194, %broadcast_in_dim3A_195 : vector<16xi1>, vector<16xf32>
        %add3A_197 = arith.addf %add3A_183, %select_n3A_196 : vector<16xf32>
        %broadcast_in_dim3A_198 = vector.broadcast %scan3A_114 : i32 to vector<16xi32>
        %add3A_199 = arith.constant 96 : i32
        %add3A_200 = vector.broadcast %add3A_199 : i32 to vector<16xi32>
        %add3A_201 = arith.addi %iota3A, %add3A_200 : vector<16xi32>
        %gather3A_202 = tpu.vector_load_idx %arg22[%broadcast_in_dim3A_198, %add3A_201] : memref<64x128xf32, #tpu.memory_space<vmem>>[vector<16xi32>, vector<16xi32>], vector<16xf32>,
        %gt3A_203 = arith.constant 0.000000e+00 : f32
        %gt3A_204 = vector.broadcast %gt3A_203 : f32 to vector<16xf32>
        %gt3A_205 = arith.cmpf ogt, %gather3A_202, %gt3A_204 : vector<16xf32>
        %jit3A_206 = arith.constant 1.000000e+00 : f32
        %jit3A_207 = arith.constant 0.000000e+00 : f32
        %broadcast_in_dim3A_208 = vector.broadcast %jit3A_206 : f32 to vector<16xf32>
        %broadcast_in_dim3A_209 = vector.broadcast %jit3A_207 : f32 to vector<16xf32>
        %select_n3A_210 = arith.select %gt3A_205, %broadcast_in_dim3A_208, %broadcast_in_dim3A_209 : vector<16xi1>, vector<16xf32>
        %add3A_211 = arith.addf %add3A_197, %select_n3A_210 : vector<16xf32>
        %broadcast_in_dim3A_212 = vector.broadcast %scan3A_114 : i32 to vector<16xi32>
        %add3A_213 = arith.constant 112 : i32
        %add3A_214 = vector.broadcast %add3A_213 : i32 to vector<16xi32>
        %add3A_215 = arith.addi %iota3A, %add3A_214 : vector<16xi32>
        %gather3A_216 = tpu.vector_load_idx %arg22[%broadcast_in_dim3A_212, %add3A_215] : memref<64x128xf32, #tpu.memory_space<vmem>>[vector<16xi32>, vector<16xi32>], vector<16xf32>,
        %gt3A_217 = arith.constant 0.000000e+00 : f32
        %gt3A_218 = vector.broadcast %gt3A_217 : f32 to vector<16xf32>
        %gt3A_219 = arith.cmpf ogt, %gather3A_216, %gt3A_218 : vector<16xf32>
        %jit3A_220 = arith.constant 1.000000e+00 : f32
        %jit3A_221 = arith.constant 0.000000e+00 : f32
        %broadcast_in_dim3A_222 = vector.broadcast %jit3A_220 : f32 to vector<16xf32>
        %broadcast_in_dim3A_223 = vector.broadcast %jit3A_221 : f32 to vector<16xf32>
        %select_n3A_224 = arith.select %gt3A_219, %broadcast_in_dim3A_222, %broadcast_in_dim3A_223 : vector<16xi1>, vector<16xf32>
        %add3A_225 = arith.addf %add3A_211, %select_n3A_224 : vector<16xf32>
        scf.yield %add3A_225 : vector<16xf32>
      }
      %scan3A_100 = arith.constant 64 : i32
      %reduce_sum3A = arith.constant true
      %reduce_sum3A_101 = vector.broadcast %reduce_sum3A : i1 to vector<16xi1>
      %reduce_sum3A_102 = tpu.scan <sum>, %scan3A_99 masked %reduce_sum3A_101 : vector<16xf32>, vector<16xi1> -> vector<16xf32>
      %reduce_sum3A_103 = vector.extract %reduce_sum3A_102[15] : f32 from vector<16xf32>
      %mul3A_104 = arith.constant 1.22070313E-4 : f32
      %mul3A_105 = arith.mulf %reduce_sum3A_103, %mul3A_104 : f32
      %broadcast_in_dim3A_106 = vector.broadcast %mul3A_105 : f32 to vector<16xf32>
      %scan3A_107 = arith.constant 0 : i32
      %scan3A_108 = arith.constant 0 : i32
      %scan3A_109 = arith.constant 8 : i32
      %scan3A_110 = arith.addi %scan3A_108, %scan3A_109 : i32
      %scan3A_111 = arith.constant 1 : i32
      %scan3A_112 = scf.for %scan3A_114 = %scan3A_108 to %scan3A_110 step %scan3A_111 iter_args(%scan3A_115 = %scan3A_107) -> (i32)  : i32 {
        %mul3A_116 = arith.constant 16 : i32
        %mul3A_117 = arith.muli %scan3A_114, %mul3A_116 : i32
        %swap3A_118 = arith.index_cast %mul3A_117 : i32 to index
        %swap3A_119 = tpu.vector_load %arg21[%swap3A_118] {strides = array<i32>} : memref<256xf32, #tpu.memory_space<vmem>>, vector<16xf32>,
        tpu.vector_store %arg21[%swap3A_118], %broadcast_in_dim3A_106 {strides = array<i32>} : memref<256xf32, #tpu.memory_space<vmem>>, vector<16xf32>,
        %scan3A_120 = arith.constant 0 : i32
        scf.yield %scan3A_120 : i32
      }
      %scan3A_113 = arith.constant 8 : i32
      "tpu.region"() ({
        %run_scoped3A = tpu.sem_alloc : memref<!tpu.dma_semaphore, #tpu.memory_space<semaphore_mem>>
        %dma_start3A = arith.constant 0 : i32
        %dma_start3A_114 = tpu.memref_slice %arg21[%dma_start3A] : memref<256xf32, #tpu.memory_space<vmem>> -> memref<128xf32, #tpu.memory_space<vmem>>
        %dma_start3A_115 = arith.constant 0 : i32
        %dma_start3A_116 = tpu.memref_slice %arg7[%add3A, %dma_start3A_115] : memref<4x128xf32, #tpu.memory_space<hbm>> -> memref<1x128xf32, #tpu.memory_space<hbm>>
        %dma_start3A_117 = tpu.memref_squeeze %dma_start3A_116 : memref<1x128xf32, #tpu.memory_space<hbm>> -> memref<128xf32, #tpu.memory_space<hbm>>
        %dma_start3A_118 = arith.constant 0 : i32
        %dma_start3A_119 = tpu.memref_slice %arg7[%add3A, %dma_start3A_118] : memref<4x128xf32, #tpu.memory_space<hbm>> -> memref<1x128xf32, #tpu.memory_space<hbm>>
        %dma_start3A_120 = tpu.memref_squeeze %dma_start3A_119 : memref<1x128xf32, #tpu.memory_space<hbm>> -> memref<128xf32, #tpu.memory_space<hbm>>
        %dma_start3A_121 = arith.constant 0 : i32
        %dma_start3A_122 = tpu.memref_slice %arg21[%dma_start3A_121] : memref<256xf32, #tpu.memory_space<vmem>> -> memref<128xf32, #tpu.memory_space<vmem>>
        tpu.enqueue_dma source(%dma_start3A_122 : memref<128xf32, #tpu.memory_space<vmem>>) target(%dma_start3A_120 : memref<128xf32, #tpu.memory_space<hbm>>) target_semaphore(%run_scoped3A : memref<!tpu.dma_semaphore, #tpu.memory_space<semaphore_mem>>)
        %dma_wait3A = arith.constant 0 : i32
        %dma_wait3A_123 = tpu.memref_slice %arg21[%dma_wait3A] : memref<256xf32, #tpu.memory_space<vmem>> -> memref<128xf32, #tpu.memory_space<vmem>>
        %dma_wait3A_124 = arith.constant 0 : i32
        %dma_wait3A_125 = tpu.memref_slice %arg7[%add3A, %dma_wait3A_124] : memref<4x128xf32, #tpu.memory_space<hbm>> -> memref<1x128xf32, #tpu.memory_space<hbm>>
        %dma_wait3A_126 = tpu.memref_squeeze %dma_wait3A_125 : memref<1x128xf32, #tpu.memory_space<hbm>> -> memref<128xf32, #tpu.memory_space<hbm>>
        %dma_wait3A_127 = arith.constant 0 : i32
        %dma_wait3A_128 = tpu.memref_slice %arg7[%add3A, %dma_wait3A_127] : memref<4x128xf32, #tpu.memory_space<hbm>> -> memref<1x128xf32, #tpu.memory_space<hbm>>
        %dma_wait3A_129 = tpu.memref_squeeze %dma_wait3A_128 : memref<1x128xf32, #tpu.memory_space<hbm>> -> memref<128xf32, #tpu.memory_space<hbm>>
        %dma_wait3A_130 = arith.constant 0 : i32
        %dma_wait3A_131 = tpu.memref_slice %arg21[%dma_wait3A_130] : memref<256xf32, #tpu.memory_space<vmem>> -> memref<128xf32, #tpu.memory_space<vmem>>
        tpu.wait_dma2 semaphore(%run_scoped3A : memref<!tpu.dma_semaphore, #tpu.memory_space<semaphore_mem>>) src(%dma_wait3A_131 : memref<128xf32, #tpu.memory_space<vmem>>) dst(%dma_wait3A_129 : memref<128xf32, #tpu.memory_space<hbm>>)
        tpu.yield
      }) : () -> ()
    } else {
    }
    return
  }
}

</mosaic_0001>

<sc_bundles>
// kernel: wrapper.3.cloned.1.call-start
scs
__scs_entry_jumppad:
0x0: {  	(pc) =	sbr.rel $0x88, $3  }
0x1: {  	(tag) =	ssettag $0x0;
	lr =	simm.s32 $0x1  }
0x2: {  	[smem:$0x3F9F] =	sst lr;
	_ =	strace $0xD0000000  }
0x3: {  	_ = 	snop  }
0x4: {  	_ = 	snop  }
0x5: {  	_ = 	snop  }
0x6: {  	_ = 	snop  }
0x7: {  	_ = 	snop  }
__scs_overlays_trampoline_lowered:
0x8: {  	[smem:$0x3FAE] =	sst s0  }
0x9: {  	[smem:$0x3FAF] =	sst s1  }
0xa: {  	[smem:$0x3FB0] =	sst s2  }
0xb: {  	[smem:$0x3FB1] =	sst s3  }
0xc: {  	[smem:$0x3FB2] =	sst s4  }
0xd: {  	[smem:$0x3FB3] =	sst s5  }
0xe: {  	[smem:$0x3FB4] =	sst s6  }
0xf: {  	[smem:$0x3FB5] =	sst s7  }
0x10: {  	[smem:$0x3FB6] =	sst s8  }
0x11: {  	[smem:$0x3FB7] =	sst s9;
	s0 =	simm.s32 @!p0 $0x0  }
0x12: {  	s1 =	sld [smem:$0x3F9D];
	s0 =	simm.s32 @p0 $0x1  }
0x13: {  	[smem:$0x3FB8] =	sst s0;
	s0 =	simm.s32 @!p1 $0x0  }
0x14: {  	s2 =	sld [smem:$0x3F9C];
	s0 =	simm.s32 @p1 $0x1  }
0x15: {  	[smem:$0x3FB9] =	sst s0;
	s0 =	simm.s32 @!p2 $0x0  }
0x16: {  	s3 =	sld [smem:$0x3FDB];
	s0 =	simm.s32 @p2 $0x1  }
0x17: {  	s4 =	simm.s32 $0x1BF5;
	[smem:$0x3FBB] =	sst s0  }
0x18: {  	s0 =	sld [smem:$0x3F9E];
	_ =	swait.ge [sflag:s4], $0x0  }
0x19: {  	s7 =	sld [smem:$0x3F9F]  }
0x1a: {  	s8 =	sadd.s32 $0xFFFFE003, lr  }
0x1b: {  	s9 =	sadd.s32 $0xFFFFFEF7, lr;
	s5 =	simm.s32 $0xFFFFFFFF;
	p2 =	slt.u32 s8, $0xFFFFF086  }
0x1c: {  	p1 =	slt.u32 s9, $0xF7A;
	s5 =	simm.s32 @!p2 $0x0  }
0x1d: {  	s5 =	simm.s32 @p1 $0x1;
	p0 =	seq.s32 s7, s2  }
0x1e: {  	s7 =	smul.u32 @!p0 $0xF7A, s2;
	p2 =	seq.s32 @!p0 s5, $0x0  }
0x1f: {  	s9 =	smul.u32 $0xF7A, s1;
	s8 =	simm.s32 @!p0 $0x1BF5;
	p2 =	por !p2, p0  }
0x20: {  	[sflag:s8] =	ssyncset.s32 @!p0 $0xFFFFF086;
	s6 =	sadd.s32 @!p0 s3, s7;
	s7 =	simm.s32 @!p0 $0x108  }
0x21: {  	s3 =	sadd.s32 s3, s9;
	s6 =	sadd.s32 @!p0 $0x88, s6;
	s7 =	simm.s32 @p2 $0x1082  }
0x22: {  	[simem:s7], [sflag:s8] =	dma.local @!p0 [hbm:s6], $0xF7A  }
0x23: {  	s9 =	sor.u32 $0xD0000000, s2;
	s6 =	simm.s32 $0x108;
	_ =	swait.ge @!p0 [sflag:s8], $0x0  }
0x24: {  	s3 =	sadd.s32 $0x88, s3;
	s6 =	simm.s32 @!p1 $0x1082;
	[sflag:s4] =	ssyncset.s32 $0xFFFFF086  }
0x25: {  	[simem:s6], [sflag:s4] =	dma.local [hbm:s3], $0xF7A  }
0x26: {  	[smem:$0x3F9F] =	sst s1;
	(tag) =	ssettag s2;
	_ =	strace s9  }
0x27: {  	s1 =	sld [smem:$0x3FAF]  }
0x28: {  	s2 =	sld [smem:$0x3FB0]  }
0x29: {  	s4 =	sld [smem:$0x3FB2]  }
0x2a: {  	p0 =	seq.s32 s5, $0x0;
	s5 =	sld [smem:$0x3FB3]  }
0x2b: {  	s6 =	sld [smem:$0x3FB4]  }
0x2c: {  	s7 =	sld [smem:$0x3FB5]  }
0x2d: {  	s3 =	simm.s32 $0x108;
	s8 =	sld [smem:$0x3FB6]  }
0x2e: {  	s3 =	simm.s32 @!p0 $0x1082;
	s9 =	sld [smem:$0x3FB7]  }
0x2f: {  	lr =	sadd.s32 s0, s3;
	s0 =	sld [smem:$0x3FAE]  }
0x30: {  	s3 =	sld [smem:$0x3FB1]  }
0x31: {  	[smem:$0x3FBA] =	sst s10  }
0x32: {  	s10 =	sld [smem:$0x3FB8];
	_ =	sdelay $0x3  }
0x33: {  	p0 =	seq.s32 s10, $0x1;
	s10 =	sld [smem:$0x3FBA];
	_ =	sdelay $0x3  }
0x34: {  	[smem:$0x3FBA] =	sst s10  }
0x35: {  	s10 =	sld [smem:$0x3FB9];
	_ =	sdelay $0x3  }
0x36: {  	p1 =	seq.s32 s10, $0x1;
	s10 =	sld [smem:$0x3FBA];
	_ =	sdelay $0x3  }
0x37: {  	[smem:$0x3FBA] =	sst s10  }
0x38: {  	s10 =	sld [smem:$0x3FBB]  }
0x39: {  	_ = 	snop;
	(pc) =	sbr.ind lr, $3  }
0x3a: {  	_ = 	snop  }
0x3b: {  	_ = 	snop  }
0x3c: {  	p2 =	seq.s32 s10, $0x1;
	s10 =	sld [smem:$0x3FBA]  }
0x3d: {  	_ =	shalt  }
0x3e: {  	_ =	shalt  }
0x3f: {  	_ =	shalt  }
0x40: {  	_ =	shalt  }
0x41: {  	_ =	shalt  }
0x42: {  	_ =	shalt  }
0x43: {  	_ =	shalt  }
0x44: {  	_ =	shalt  }
0x45: {  	_ =	shalt  }
0x46: {  	_ =	shalt  }
0x47: {  	_ =	shalt  }
0x48: {  	_ =	shalt  }
0x49: {  	_ =	shalt  }
0x4a: {  	_ =	shalt  }
0x4b: {  	_ =	shalt  }
0x4c: {  	_ =	shalt  }
0x4d: {  	_ =	shalt  }
0x4e: {  	_ =	shalt  }
0x4f: {  	_ =	shalt  }
0x50: {  	_ =	shalt  }
0x51: {  	_ =	shalt  }
0x52: {  	_ =	shalt  }
0x53: {  	_ =	shalt  }
0x54: {  	_ =	shalt  }
0x55: {  	_ =	shalt  }
0x56: {  	_ =	shalt  }
0x57: {  	_ =	shalt  }
0x58: {  	_ =	shalt  }
0x59: {  	_ =	shalt  }
0x5a: {  	_ =	shalt  }
0x5b: {  	_ =	shalt  }
0x5c: {  	_ =	shalt  }
0x5d: {  	_ =	shalt  }
0x5e: {  	_ =	shalt  }
0x5f: {  	_ =	shalt  }
0x60: {  	_ =	shalt  }
0x61: {  	_ =	shalt  }
0x62: {  	_ =	shalt  }
0x63: {  	_ =	shalt  }
0x64: {  	_ =	shalt  }
0x65: {  	_ =	shalt  }
0x66: {  	_ =	shalt  }
0x67: {  	_ =	shalt  }
0x68: {  	_ =	shalt  }
0x69: {  	_ =	shalt  }
0x6a: {  	_ =	shalt  }
0x6b: {  	_ =	shalt  }
0x6c: {  	_ =	shalt  }
0x6d: {  	_ =	shalt  }
0x6e: {  	_ =	shalt  }
0x6f: {  	_ =	shalt  }
0x70: {  	_ =	shalt  }
0x71: {  	_ =	shalt  }
0x72: {  	_ =	shalt  }
0x73: {  	_ =	shalt  }
0x74: {  	_ =	shalt  }
0x75: {  	_ =	shalt  }
0x76: {  	_ =	shalt  }
0x77: {  	_ =	shalt  }
0x78: {  	_ =	shalt  }
0x79: {  	_ =	shalt  }
0x7a: {  	_ =	shalt  }
0x7b: {  	_ =	shalt  }
0x7c: {  	_ =	shalt  }
0x7d: {  	_ =	shalt  }
0x7e: {  	_ =	shalt  }
0x7f: {  	_ =	shalt  }
0x80: {  	_ =	shalt  }
0x81: {  	_ =	shalt  }
0x82: {  	_ =	shalt  }
0x83: {  	_ =	shalt  }
0x84: {  	_ =	shalt  }
0x85: {  	_ =	shalt  }
0x86: {  	_ =	shalt  }
0x87: {  	_ =	shalt  }
.Lfunc_end0:
.L_simem_size_0:
called_computation_lowered:
.L_overlay_start_0:
0x88: {  	s2 =	sld [smem:$0x3FD9]  }
0x89: {  	s3 =	sld [smem:$0x3FFE];
	_ =	sdelay $0x1  }
0x8a: {  	s1 =	srdreg.scid  }
0x8b: {  	s0 =	sand.u32 $0x1, s1  }
0x8c: {  	s15 =	sshll.u32 s0, $0xA;
	s2 =	sadd.s32 s3, s2  }
0x8d: {  	s2 =	sadd.s32 s2, s15  }
0x8e: {  	[smem:$0x3FC6] =	sst s2  }
0x8f: {  	_ = 	snop  }
0x90: {  	s2 =	sld [smem:$0x3FD0];
	_ =	sdelay $0x1  }
0x91: {  	s16 =	sld [smem:$0x3FC9]  }
0x92: {  	s5 =	simm.s32 $0xA;
	s6 =	simm.s32 $0x10;
	s4 =	sld [smem:$0x3FC8]  }
0x93: {  	[smem:s6], [sflag:s5] =	dma.local [hbm:s2], $0x1  }
0x94: {  	_ =	swait.eq [sflag:s5], $0x1  }
0x95: {  	s17 =	sld [smem:$0x10]  }
0x96: {  	s18 =	sld [smem:$0x11];
	[sflag:s5] =	ssyncset.done $0x0  }
0x97: {  	s7 =	sld [smem:$0x12];
	[sflag:s5] =	ssyncadd.s32 $0xFFFFFFFF  }
0x98: {  	s19 =	sld [smem:$0x13];
	(tm) =	ssettm $0x1  }
0x99: {  	s8 =	sld [smem:$0x3FFB];
	_ =	sdelay $0x3  }
0x9a: {  	_ =	strace s8  }
0x9b: {  	s8 =	sld [smem:$0x3FFC];
	_ =	sdelay $0x3  }
0x9c: {  	_ =	strace s8  }
0x9d: {  	s8 =	sld [smem:$0x3FFD];
	_ =	sdelay $0x3  }
0x9e: {  	_ =	strace s8  }
0x9f: {  	_ =	strace $0x8FFFFFFF  }
0xa0: {  	s20 =	sld [smem:$0x3FDB];
	_ =	sdelay $0x1  }
0xa1: {  	s9 =	simm.s32 $_scs_section_size  }
0xa2: {  	s10 =	simm.s32 $_size__tile_overlayer_lowered;
	s11 =	simm.s32 $_tile_overlayer_lowered  }
0xa3: {  	s23 =	simm.s32 $0x1BFF;
	s22 =	sshll.u32 s11, $0x1;
	s8 =	sadd.s32 s9, s20  }
0xa4: {  	s12 =	simm.s32 $0x0;
	s21 =	sshll.u32 s10, $0x1;
	s10 =	sadd.s32 s22, s8  }
0xa5: {  	[timem:s12], [sflag:s23] =	dma.local [hbm:s10], s21  }
0xa6: {  	_ =	swait.ge [sflag:s23], s21  }
0xa7: {  	s9 =	ssub.s32 $0x0, s21;
	[sflag:s23] =	ssyncset.done $0x0  }
0xa8: {  	[sflag:s23] =	ssyncadd.s32 s9;
	_ =	sdelay $0x1  }
0xa9: {  	s24 =	simm.s32 $0x1B8B  }
0xaa: {  	_ =	swait.ge [sflag:s24], $0x1  }
0xab: {  	[sflag:s24] =	ssyncset.done $0x0  }
0xac: {  	s25 =	simm.s32 $0x1B8E;
	[sflag:s24] =	ssyncadd.s32 $0xFFFFFFFF  }
0xad: {  	s26 =	simm.s32 $execute0_lowered;
	[smem:$0x3FD2] =	sst s25  }
0xae: {  	s9 =	sshll.u32 s26, $0x1;
	_ =	strace $0x80000046;
	[dreg:$0x1] =	wrdreg $0xFFFFFFFF  }
0xaf: {  	s28 =	simm.s32 $_size_execute0_lowered;
	s8 =	sadd.s32 s8, s9;
	[dreg:$0x0] =	wrdreg $0x0  }
0xb0: {  	s9 =	sshll.u32 s28, $0x1;
	[dreg:$0x2] =	wrdreg s8  }
0xb1: {  	[dreg:$0x3] =	wrdreg s9  }
0xb2: {  	[dreg:$0x4] =	wrdreg $0xC0  }
0xb3: {  	_ =	task [dreg:s12], $0x5FFFF  }
0xb4: {  	[dreg:$0x1] =	wrdreg $0xFFFFFFFF  }
0xb5: {  	[dreg:$0x0] =	wrdreg $0x60  }
0xb6: {  	[dreg:$0x2] =	wrdreg s16  }
0xb7: {  	[dreg:$0x3] =	wrdreg s4  }
0xb8: {  	[dreg:$0x4] =	wrdreg s17  }
0xb9: {  	[dreg:$0x5] =	wrdreg s18  }
0xba: {  	[dreg:$0x6] =	wrdreg s7  }
0xbb: {  	[dreg:$0x7] =	wrdreg s19  }
0xbc: {  	[dreg:$0x8] =	wrdreg $0xD1000  }
0xbd: {  	[dreg:$0x9] =	wrdreg $0x9  }
0xbe: {  	_ =	task.clear_ibuf [dreg:s12], $0xAFFFF;
	_ =	strace $0x90000046  }
0xbf: {  	s29 =	simm.s32 $0x9;
	_ =	strace $0x80000048  }
0xc0: {  	_ =	swait.ge [sflag:s29], $0x1  }
0xc1: {  	[sflag:s29] =	ssyncadd.s32 $0xFFFFFFFF  }
0xc2: {  	_ =	strace $0x90000048  }
0xc3: {  	_ =	sfence  }
0xc4: {  	s30 =	sld [smem:$0x0];
	_ =	sdelay $0x2  }
0xc5: {  	s31 =	sshll.u32 s1, $0xD;
	s1 =	sshrl.u32 s1, $0x2  }
0xc6: {  	s3 =	sand.u32 $0x4000, s31;
	s1 =	sadd.s32 s1, s30  }
0xc7: {  	s0 =	sor.u32 s3, s0;
	s1 =	sshll.u32 s1, $0x11  }
0xc8: {  	s0 =	sor.u32 s1, s0  }
0xc9: {  	s0 =	sadd.s32 $0x8F2B, s0  }
0xca: {  	[sflag:s0] =	ssyncadd.remote.s32 $0x1  }
0xcb: {  	_ =	sfence.sel $0xFFFF  }
0xcc: {  	[dreg:$0x0] =	wrdreg $0xFFFFFFFF;
	(pc) =	sbr.abs _section_cstart, $3  }
0xcd: {  	[dreg:$0x1] =	wrdreg $0xFFFFFFFF  }
0xce: {  	_ =	task.clear_ibuf [dreg:s12], $0x2FFFF;
	_ =	strace $0x9FFFFFFF  }
0xcf: {  	(tm) =	ssettm $0x7FFFFFFF  }
tec
execute0_lowered:
.L_overlay_start_1:
0x0: {  	(tag) =	ssettag $0x1  }
0x1: {  	s0 =	rddreg [dreg:$0x4]  }
0x2: {  	s1 =	rddreg [dreg:$0x5]  }
0x3: {  	s7 =	rddreg [dreg:$0x6]  }
0x4: {  	s2 =	srdreg.scid;
	s3 =	simm.s32 $0x0;
	s5 =	stileid.u32  }
0x5: {  	s14 =	simm.s32 $0xB080;
	s15 =	simm.s32 $0x1;
	s18 =	simm.s32 $0xA600  }
0x6: {  	s19 =	simm.s32 $0xAA00;
	s2 =	sand.u32 $0x1, s2;
	[smem:$0x7FF] =	sst s3  }
0x7: {  	s21 =	sshrl.u32 s5, $0x3;
	s5 =	sand.u32 $0x7, s5;
	s20 =	ssub.s32 $0x2, s2  }
0x8: {  	_ =	strace $0x80000047;
	s2 =	sshll.u32 s2, $0x1;
	s6 =	sshll.u32 s21, $0xD  }
0x9: {  	s23 =	sshll.u32 s5, $0x10;
	s25 =	sshll.u32 s5, $0xB;
	p0 =	sne.s32 s5, $0x0  }
0xa: {  	s5 =	simm.s32 $0x400;
	s4 =	sshrl.u32 s20, $0x1;
	s6 =	sadd.s32 s6, s7  }
0xb: {  	s2 =	sor.u32 s21, s2;
	s3 =	ssub.s32 s20, s4;
	[dreg:$0x8] =	wrdreg s6  }
0xc: {  	s22 =	sshll.u32 s2, $0x13;
	s4 =	sshll.u32 s21, $0x6;
	s24 =	sshll.u32 s2, $0xE  }
0xd: {  	s8 =	sshll.u32 s2, $0xA;
	s2 =	sshll.u32 s2, $0x4;
	s20 =	simm.s32 $0xAE80  }
0xe: {  	s21 =	simm.s32 $0xAF00;
	s6 =	sor.u32 s23, s22;
	s0 =	sadd.s32 s0, s8  }
0xf: {  	s26 =	sadd.s32 s1, s2;
	s28 =	smax.u32 s3, $0x1;
	s29 =	sor.u32 $0x10, s4  }
.Ltmp0:
0x10: {  	v0 =	vlaneseq.u32;
	s30 =	sor.u32 $0x20, s4;
	[dreg:$0x9] =	wrdreg s6;
	(pc) =	sbr.rel .LBB2_1-.Ltmp0, $4  }
0x11: {  	v6 =	vmul.u32 $0xFFFFFFFF, v0;
	s31 =	sor.u32 $0x30, s4;
	s3 =	simm.s32 $0x80;
	[dreg:$0xb] =	wrdreg s0  }
0x12: {  	v5 =	vimm.s32 $0x0;
	v8 =	vimm.f32 $1.000000000e+00;
	v9 =	vimm.f32 $0.0e+00;
	s22 =	simm.s32 $0xA300;
	s23 =	simm.s32 $0xA480;
	[dreg:$0xc] =	wrdreg s26  }
0x13: {  	v7 =	vor.u32 $0x80000000, v0;
	v6 =	vadd.s32 $0xF, v6;
	v1 =	vor.u32 s4, v0;
	s1 =	simm.s32 $0x0;
	s6 =	sor.u32 s25, s24;
	[dreg:$0xd] =	wrdreg s28  }
0x14: {  	v2 =	vor.u32 s29, v0;
	v3 =	vor.u32 s30, v0;
	v4 =	vor.u32 s31, v0;
	s24 =	simm.s32 $0xA000;
	s25 =	simm.s32 $0xA180;
	[dreg:$0xa] =	wrdreg s6  }
.LBB2_139:
0x15: {  	s0 =	rddreg [dreg:$0x6];
	s1 =	simm.s32 $0x40;
	s2 =	simm.s32 $0xD080  }
0x16: {  	[spmem:s0] =	stream.indirect.scatter.add.f32 [tilespmem:s14], [sflag:$0x1], $0x80, s2, s1, $0xb8;
	[tilespmem:$0xD500] =	vst v63  }
.Ltmp1:
0x17: {  	_ =	swait.ge [sflag:s15], $0x2000;
	(pc) =	sbr.rel @!p0 .LBB2_140-.Ltmp1, $4  }
0x18: {  	[sflag:s15] =	ssyncset.done $0x0  }
0x19: {  	[sflag:s15] =	ssyncadd.s32 $0xFFFFE000  }
0x1a: {  	[bflag:$0x0] =	sbarrier.arrive $0xFFFF  }
0x1b: {  	s1 =	rddreg [dreg:$0xe]  }
.LBB2_143:
0x1c: {  	s1 =	sadd.s32 $0x1, s1;
	s0 =	rddreg [dreg:$0xd]  }
0x1d: {  	p1 =	sne.s32 s1, s0  }
.Ltmp2:
0x1e: {  	_ = 	snop;
	(pc) =	sbr.rel @!p1 .LBB2_144-.Ltmp2, $1  }
0x1f: {  	_ =	sdelay $0x3  }
.LBB2_1:
0x20: {  	[dreg:$0xe] =	wrdreg s1  }
0x21: {  	s0 =	rddreg [dreg:$0x1];
	s30 =	simm.s32 $0x0  }
0x22: {  	[tilespmem:s14], [sflag:$0x1] =	stream.linear.gather [hbm4b:s0+s30], $0x2000, $0x38;
	[tilespmem:$0xD500] =	vst v63  }
0x23: {  	_ =	swait.ge [sflag:s15], $0x2000  }
0x24: {  	[sflag:s15] =	ssyncset.done $0x0  }
0x25: {  	[sflag:s15] =	ssyncadd.s32 $0xFFFFE000  }
0x26: {  	s0 =	simm.s32 @!p0 $0xB080;
	s1 =	rddreg [dreg:$0x8];
	[tilespmem:$0xAE00] =	vst v5  }
0x27: {  	[spmem:s1] =	stream.linear.scatter @!p0 [tilespmem:s0], [sflag:$0x1], $0x2000, $0x38;
	[tilespmem:$0xD500] =	vst v63  }
0x28: {  	s0 =	simm.s32 @!p0 $0x1  }
0x29: {  	_ =	swait.ge @!p0 [sflag:s0], $0x2000  }
0x2a: {  	[sflag:s0] =	ssyncset.done @!p0 $0x0  }
0x2b: {  	[sflag:s0] =	ssyncadd.s32 @!p0 $0xFFFFE000  }
0x2c: {  	[tilespmem:$0xD080] =	vst v1  }
0x2d: {  	[tilespmem:$0xD090] =	vst v2  }
0x2e: {  	[tilespmem:$0xD0A0] =	vst v3  }
0x2f: {  	[tilespmem:$0xD0B0] =	vst v4  }
0x30: {  	s31 =	simm.s32 $0x0;
	[bflag:$0x0] =	sbarrier.arrive $0xFFFF  }
.LBB2_2:
0x31: {  	s2 =	sshll.u32 s31, $0x7;
	s0 =	rddreg [dreg:$0x9]  }
0x32: {  	s0 =	sadd.s32 s0, s2  }
0x33: {  	s1 =	rddreg [dreg:$0x0];
	s0 =	sshrl.u32 s0, $0x3  }
0x34: {  	s30 =	simm.s32 $0x0;
	s0 =	sadd.s32 s1, s0  }
0x35: {  	[tilespmem:s30], [sflag:$0x1] =	stream.strided.gather [hbm4b:s0+s3], $0x2000, s5, s3, $0x38;
	[tilespmem:$0xD500] =	vst v63  }
0x36: {  	_ =	swait.ge [sflag:s15], $0x2000  }
0x37: {  	[sflag:s15] =	ssyncset.done $0x0  }
0x38: {  	s1 =	simm.s32 $0xA620;
	[sflag:s15] =	ssyncadd.s32 $0xFFFFE000  }
0x39: {  	[tilespmem:s1+$0xFFFFFFE0] =	vst v5  }
0x3a: {  	[tilespmem:s1+$0x10] =	vst v5  }
0x3b: {  	s3 =	simm.s32 $0x0;
	[tilespmem:s1+$0x0] =	vst v5  }
.LBB2_3:
0x3c: {  	s3 =	sadd.s32 $0x4, s3  }
0x3d: {  	[tilespmem:s1+$0xFFFFFFF0] =	vst v5;
	s1 =	sadd.s32 $0x40, s1;
	s0 =	simm.s32 $0x20;
	p1 =	slt.u32 s3, $0x3C  }
.Ltmp3:
0x3e: {  	[tilespmem:s1+$0xFFFFFFE0] =	vst v5;
	(pc) =	sbr.rel @p1 .LBB2_3-.Ltmp3, $3  }
0x3f: {  	_ =	sdelay $0x1  }
0x40: {  	[tilespmem:s1+$0x10] =	vst v5  }
0x41: {  	[tilespmem:s1+$0x0] =	vst v5  }
0x42: {  	[tilespmem:s1+$0xFFFFFFF0] =	vst v5  }
0x43: {  	v10 =	vld [tilespmem:s0+$0x10]  }
0x44: {  	v11 =	vld [tilespmem:s0+$0xFFFFFFF0];
	_ =	sdelay $0x2  }
0x45: {  	v13 =	vld [tilespmem:s0+$0x0]  }
0x46: {  	v10 =	vshrl.u32 v10, $0x15  }
0x47: {  	v11 =	vshrl.u32 v11, $0x15;
	v12 =	vand.u32 $0x3FF, v10  }
0x48: {  	v10 =	vand.u32 $0x3FF, v11;
	(xrf1) =	vunique.msk.u32 $0xffff, v12  }
0x49: {  	(xrf1) =	vunique.msk.u32 $0xffff, v10  }
0x4a: {  	v11 =	vshrl.u32 v13, $0x15;
	v13 =	vld [tilespmem:s0+$0xFFFFFFE0]  }
0x4b: {  	s29 =	simm.s32 $0x60  }
0x4c: {  	v14 =	vld [tilespmem:s29+$0x10]  }
0x4d: {  	v15 =	vld [tilespmem:s29+$0xFFFFFFF0]  }
0x4e: {  	v16 =	vld [tilespmem:s29+$0x0];
	v11 =	vand.u32 $0x3FF, v11  }
0x4f: {  	s30 =	simm.s32 $0xA0;
	v17 =	vld [tilespmem:s29+$0xFFFFFFE0];
	(xrf1) =	vunique.msk.u32 $0xffff, v11;
	v13 =	vshrl.u32 v13, $0x15  }
0x50: {  	v18 =	vld [tilespmem:s30+$0x10];
	v13 =	vand.u32 $0x3FF, v13  }
0x51: {  	v14 =	vshrl.u32 v14, $0x15;
	(xrf1) =	vunique.msk.u32 $0xffff, v13  }
0x52: {  	v15 =	vshrl.u32 v15, $0x15;
	v14 =	vand.u32 $0x3FF, v14  }
0x53: {  	v16 =	vshrl.u32 v16, $0x15;
	v15 =	vand.u32 $0x3FF, v15;
	(xrf1) =	vunique.msk.u32 $0xffff, v14  }
0x54: {  	v17 =	vshrl.u32 v17, $0x15;
	v16 =	vand.u32 $0x3FF, v16;
	(xrf1) =	vunique.msk.u32 $0xffff, v15  }
0x55: {  	v18 =	vshrl.u32 v18, $0x15;
	v17 =	vand.u32 $0x3FF, v17;
	(xrf1) =	vunique.msk.u32 $0xffff, v16  }
0x56: {  	v18 =	vand.u32 $0x3FF, v18;
	_, v20, vm0 =	vpop (xrf1);
	(xrf1) =	vunique.msk.u32 $0xffff, v17  }
0x57: {  	v19 =	vld [tilespmem:s30+$0xFFFFFFF0];
	_, v21, vm1 =	vpop (xrf1);
	(xrf1) =	vunique.msk.u32 $0xffff, v18  }
0x58: {  	v22 =	vld [tilespmem:s30+$0x0];
	_ =	sdelay $0x1  }
0x59: {  	v23 =	vld [tilespmem:s30+$0xFFFFFFE0];
	_ =	sdelay $0x1  }
0x5a: {  	v19 =	vshrl.u32 v19, $0x15  }
0x5b: {  	s3 =	simm.s32 $0xE0;
	v24 =	vshrl.u32 v22, $0x15;
	s0 =	simm.s32 $0x8;
	v19 =	vand.u32 $0x3FF, v19;
	_, v22, vm2 =	vpop (xrf1)  }
.LBB2_5:
0x5c: {  	v25 =	vld [tilespmem:s3+$0x10];
	s0 =	sadd.s32 $0x4, s0;
	(xrf1) =	vunique.msk.u32 $0xffff, v19;
	v26 =	vmovc v16;
	v16 =	vand.u32 $0x3FF, v24;
	v27 =	vmov v13;
	v13 =	vmov v17  }
0x5d: {  	v24 =	vld [tilespmem:s3+$0xFFFFFFF0];
	p1 =	slt.u32 s0, $0x1FC;
	v17 =	vshrl.u32 v23, $0x15;
	(xrf1) =	vunique.msk.u32 $0xffff, v16;
	_, v28, vm3 =	vpop (xrf1)  }
0x5e: {  	s5 =	simm.s32 $0xADF0;
	v29 =	vld [tilespmem:s3+$0x0];
	v17 =	vand.u32 $0x3FF, v17  }
.Ltmp4:
0x5f: {  	s1 =	simm.s32 $0xA9F0;
	(xrf1) =	vunique.msk.u32 $0xffff, v17;
	[tilespmem:v12+s18+$0x0] =	vst.idx.add.s32.msk vm0, v20;
	(pc) =	sbr.rel @p1 .LBB2_5-.Ltmp4, $4  }
0x60: {  	v12 =	vmov v14;
	v14 =	vmov v18;
	v23 =	vld [tilespmem:s3+$0xFFFFFFE0]  }
0x61: {  	v18 =	vshrl.u32 v25, $0x15;
	_, v20, vm0 =	vpop (xrf1);
	[tilespmem:v10+s18+$0x0] =	vst.idx.add.s32.msk vm1, v21;
	v10 =	vmov v15;
	v15 =	vmov v19  }
0x62: {  	v19 =	vshrl.u32 v24, $0x15;
	v18 =	vand.u32 $0x3FF, v18;
	_, v21, vm1 =	vpop (xrf1);
	[tilespmem:v11+s18+$0x0] =	vst.idx.add.s32.msk vm2, v22;
	v11 =	vmov v26  }
0x63: {  	s3 =	sadd.s32 $0x40, s3;
	v19 =	vand.u32 $0x3FF, v19;
	v24 =	vshrl.u32 v29, $0x15;
	(xrf1) =	vunique.msk.u32 $0xffff, v18;
	_, v22, vm2 =	vpop (xrf1);
	[tilespmem:v27+s18+$0x0] =	vst.idx.add.s32.msk vm3, v28  }
0x64: {  	_ = 	snop  }
0x65: {  	v24 =	vand.u32 $0x3FF, v24;
	(xrf1) =	vunique.msk.u32 $0xffff, v19;
	v23 =	vshrl.u32 v23, $0x15  }
0x66: {  	(xrf1) =	vunique.msk.u32 $0xffff, v24;
	v23 =	vand.u32 $0x3FF, v23  }
0x67: {  	(xrf1) =	vunique.msk.u32 $0xffff, v23;
	_ =	sdelay $0x5  }
0x68: {  	_, v25, vm3 =	vpop (xrf1)  }
0x69: {  	_, v26, vm4 =	vpop (xrf1)  }
0x6a: {  	_, v27, vm5 =	vpop (xrf1)  }
0x6b: {  	[tilespmem:v12+s18+$0x0] =	vst.idx.add.s32.msk vm0, v20;
	_, v12, vm0 =	vpop (xrf1)  }
0x6c: {  	[tilespmem:v10+s18+$0x0] =	vst.idx.add.s32.msk vm1, v21;
	_, v10, vm1 =	vpop (xrf1)  }
0x6d: {  	[tilespmem:v11+s18+$0x0] =	vst.idx.add.s32.msk vm2, v22;
	_, v11, vm2 =	vpop (xrf1)  }
0x6e: {  	[tilespmem:v13+s18+$0x0] =	vst.idx.add.s32.msk vm3, v25;
	_, v13, vm3 =	vpop (xrf1)  }
0x6f: {  	[tilespmem:v14+s18+$0x0] =	vst.idx.add.s32.msk vm4, v26;
	_, v14, vm4 =	vpop (xrf1)  }
0x70: {  	[tilespmem:v15+s18+$0x0] =	vst.idx.add.s32.msk vm5, v27;
	_, v15, vm5 =	vpop (xrf1)  }
0x71: {  	[tilespmem:v16+s18+$0x0] =	vst.idx.add.s32.msk vm0, v12  }
0x72: {  	[tilespmem:v17+s18+$0x0] =	vst.idx.add.s32.msk vm1, v10  }
0x73: {  	[tilespmem:v18+s18+$0x0] =	vst.idx.add.s32.msk vm2, v11  }
0x74: {  	[tilespmem:v19+s18+$0x0] =	vst.idx.add.s32.msk vm3, v13  }
0x75: {  	[tilespmem:v24+s18+$0x0] =	vst.idx.add.s32.msk vm4, v14  }
0x76: {  	[tilespmem:v23+s18+$0x0] =	vst.idx.add.s32.msk vm5, v15  }
0x77: {  	v10 =	vld [tilespmem:s1+$0x0];
	_ =	sdelay $0x4  }
0x78: {  	v10 =	vperm.xlane v10, v6;
	_ =	sdelay $0x1  }
0x79: {  	(xrf0) =	vadd.scan.msk.s32 $0xffff, v10;
	_ =	sdelay $0x5  }
0x7a: {  	s0 =	simm.s32 $0x0;
	v10, _, _ =	vpop (xrf0)  }
0x7b: {  	v10 =	vadd.s32 s0, v10  }
0x7c: {  	v11 =	vxor.u32 $0x80000000, v10  }
0x7d: {  	(xrf0) =	vmax.scan.msk.u32 $0xffff, v11;
	_ =	sdelay $0x5  }
0x7e: {  	v11, _, _ =	vpop (xrf0)  }
0x7f: {  	(v2sf) =	vpush v11, $0xF;
	_ =	sdelay $0x2  }
0x80: {  	v11 =	vld [tilespmem:s1+$0xFFFFFFF0];
	_ =	sdelay $0x4  }
0x81: {  	v11 =	vperm.xlane v11, v6;
	_ =	sdelay $0x1  }
0x82: {  	(xrf0) =	vadd.scan.msk.s32 $0xffff, v11;
	_ =	sdelay $0x4  }
0x83: {  	s30 =	spop (v2sf)  }
0x84: {  	v11, _, _ =	vpop (xrf0);
	s1 =	sxor.u32 $0x80000000, s30  }
0x85: {  	v11 =	vadd.s32 s1, v11  }
0x86: {  	v63 =	vxor.u32 $0x80000000, v11  }
0x87: {  	(xrf0) =	vmax.scan.msk.u32 $0xffff, v63;
	_ =	sdelay $0x1  }
0x88: {  	v10 =	vperm.xlane v10, v6;
	_ =	sdelay $0x3  }
0x89: {  	[tilespmem:s5+$0x0] =	vst v10;
	v10, _, _ =	vpop (xrf0)  }
0x8a: {  	v11 =	vperm.xlane v11, v6;
	(v2sf) =	vpush v10, $0xF;
	_ =	sdelay $0x1  }
0x8b: {  	s3 =	simm.s32 $0x0;
	s4 =	simm.s32 $0xA9D0;
	[tilespmem:s5+$0xFFFFFFF0] =	vst v11  }
.LBB2_7:
0x8c: {  	v10 =	vld [tilespmem:s4+$0x0];
	s3 =	sadd.s32 $0x2, s3  }
0x8d: {  	p1 =	slt.u32 s3, $0x3E;
	_ =	sdelay $0x3  }
0x8e: {  	v10 =	vperm.xlane v10, v6;
	_ =	sdelay $0x1  }
0x8f: {  	(xrf0) =	vadd.scan.msk.s32 $0xffff, v10;
	_ =	sdelay $0x4  }
0x90: {  	s6 =	simm.s32 $0xAA20;
	s1 =	spop (v2sf)  }
0x91: {  	v10, _, _ =	vpop (xrf0);
	s7 =	sxor.u32 $0x80000000, s1;
	s1 =	simm.s32 $0xFFFFFFFF  }
0x92: {  	v10 =	vadd.s32 s7, v10  }
0x93: {  	v11 =	vperm.xlane v10, v6;
	v10 =	vxor.u32 $0x80000000, v10  }
0x94: {  	s5 =	sadd.s32 $0xFFFFFFE0, s5;
	(xrf0) =	vmax.scan.msk.u32 $0xffff, v10  }
0x95: {  	[tilespmem:s5+$0x0] =	vst v11;
	_ =	sdelay $0x4  }
0x96: {  	v10, _, _ =	vpop (xrf0)  }
0x97: {  	(v2sf) =	vpush v10, $0xF;
	_ =	sdelay $0x2  }
0x98: {  	v10 =	vld [tilespmem:s4+$0xFFFFFFF0];
	_ =	sdelay $0x4  }
0x99: {  	v10 =	vperm.xlane v10, v6;
	_ =	sdelay $0x1  }
0x9a: {  	(xrf0) =	vadd.scan.msk.s32 $0xffff, v10;
	_ =	sdelay $0x4  }
0x9b: {  	s7 =	spop (v2sf)  }
0x9c: {  	s7 =	sxor.u32 $0x80000000, s7;
	v10, _, _ =	vpop (xrf0)  }
0x9d: {  	v10 =	vadd.s32 s7, v10  }
0x9e: {  	v11 =	vperm.xlane v10, v6;
	v10 =	vxor.u32 $0x80000000, v10  }
0x9f: {  	(xrf0) =	vmax.scan.msk.u32 $0xffff, v10  }
0xa0: {  	[tilespmem:s5+$0xFFFFFFF0] =	vst v11;
	_ =	sdelay $0x3  }
.Ltmp5:
0xa1: {  	(pc) =	sbr.rel @p1 .LBB2_7-.Ltmp5, $3  }
0xa2: {  	v10, _, _ =	vpop (xrf0)  }
0xa3: {  	(v2sf) =	vpush v10, $0xF;
	_ =	sdelay $0x1  }
0xa4: {  	s4 =	sadd.s32 $0xFFFFFFE0, s4  }
0xa5: {  	v10 =	vld [tilespmem:s6+$0xFFFFFFE0]  }
0xa6: {  	v11 =	vld [tilespmem:s6+$0xFFFFFFF0];
	_ =	sdelay $0x3  }
0xa7: {  	s7 =	simm.s32 $0x10;
	vm0 =	vgt.s32 v10, $0xFF;
	v10 =	vor.u32 s0, v7  }
0xa8: {  	v10 =	vnsel vm0, $0x7FFFFFFF, v10;
	vm0 =	vgt.s32 v11, $0xFF;
	v11 =	vor.u32 s7, v7  }
0xa9: {  	(xrf0) =	vmax.scan.msk.u32 $0xffff, v10;
	v10 =	vnsel vm0, $0x7FFFFFFF, v11  }
0xaa: {  	v11 =	vld [tilespmem:s6+$0x0];
	(xrf0) =	vmax.scan.msk.u32 $0xffff, v10;
	_ =	sdelay $0x1  }
0xab: {  	s8 =	simm.s32 $0xAA60;
	v10 =	vld [tilespmem:s6+$0x10]  }
0xac: {  	v12 =	vld [tilespmem:s8+$0xFFFFFFE0]  }
0xad: {  	s3 =	simm.s32 $0x20;
	v13 =	vld [tilespmem:s8+$0xFFFFFFF0]  }
0xae: {  	vm0 =	vgt.s32 v11, $0xFF;
	v11 =	vor.u32 s3, v7;
	v14, _, _ =	vpop (xrf0)  }
0xaf: {  	s9 =	simm.s32 $0x30;
	v15 =	vld [tilespmem:s8+$0x0];
	v11 =	vnsel vm0, $0x7FFFFFFF, v11;
	(v2sf) =	vpush v14, $0xF;
	v14, _, _ =	vpop (xrf0)  }
0xb0: {  	s10 =	simm.s32 $0x40;
	s4 =	simm.s32 $0xAAA0;
	vm0 =	vgt.s32 v10, $0xFF;
	v10 =	vor.u32 s9, v7;
	(v2sf) =	vpush v14, $0xF;
	v14 =	vld [tilespmem:s8+$0x10]  }
0xb1: {  	(xrf0) =	vmax.scan.msk.u32 $0xffff, v11;
	v10 =	vnsel vm0, $0x7FFFFFFF, v10;
	vm0 =	vgt.s32 v12, $0xFF;
	v11 =	vor.u32 s10, v7;
	v12 =	vld [tilespmem:s4+$0xFFFFFFE0]  }
0xb2: {  	s11 =	simm.s32 $0x50;
	(xrf0) =	vmax.scan.msk.u32 $0xffff, v10;
	v10 =	vnsel vm0, $0x7FFFFFFF, v11;
	vm0 =	vgt.s32 v13, $0xFF;
	v13 =	vld [tilespmem:s4+$0xFFFFFFF0]  }
0xb3: {  	s12 =	simm.s32 $0x60;
	v11 =	vor.u32 s11, v7  }
0xb4: {  	s13 =	simm.s32 $0x70;
	(xrf0) =	vmax.scan.msk.u32 $0xffff, v10;
	v10 =	vnsel vm0, $0x7FFFFFFF, v11;
	vm0 =	vgt.s32 v15, $0xFF;
	v11 =	vor.u32 s12, v7  }
0xb5: {  	s16 =	simm.s32 $0x80;
	(xrf0) =	vmax.scan.msk.u32 $0xffff, v10;
	v10 =	vnsel vm0, $0x7FFFFFFF, v11;
	v11 =	vor.u32 s13, v7;
	vm0 =	vgt.s32 v14, $0xFF  }
0xb6: {  	s17 =	simm.s32 $0x90;
	(xrf0) =	vmax.scan.msk.u32 $0xffff, v10;
	v11 =	vnsel vm0, $0x7FFFFFFF, v11;
	vm0 =	vgt.s32 v12, $0xFF;
	v12 =	vor.u32 s16, v7  }
0xb7: {  	(xrf0) =	vmax.scan.msk.u32 $0xffff, v11;
	v11 =	vnsel vm0, $0x7FFFFFFF, v12;
	vm0 =	vgt.s32 v13, $0xFF;
	v13 =	vor.u32 s17, v7  }
0xb8: {  	v14, _, _ =	vpop (xrf0);
	(xrf0) =	vmax.scan.msk.u32 $0xffff, v11;
	v13 =	vnsel vm0, $0x7FFFFFFF, v13  }
0xb9: {  	(v2sf) =	vpush v14, $0xF;
	v14, _, _ =	vpop (xrf0)  }
0xba: {  	(v2sf) =	vpush v14, $0xF;
	v14, _, _ =	vpop (xrf0)  }
0xbb: {  	v10 =	vld [tilespmem:s4+$0x0];
	(v2sf) =	vpush v14, $0xF;
	(xrf0) =	vmax.scan.msk.u32 $0xffff, v13;
	v13, _, _ =	vpop (xrf0)  }
0xbc: {  	(v2sf) =	vpush v13, $0xF;
	v13, _, _ =	vpop (xrf0)  }
0xbd: {  	s26 =	simm.s32 $0xAAE0;
	s30 =	spop (v2sf);
	v12 =	vld [tilespmem:s4+$0x10];
	(v2sf) =	vpush v13, $0xF;
	v13, _, _ =	vpop (xrf0)  }
0xbe: {  	v11 =	vld [tilespmem:s26+$0xFFFFFFE0];
	s5 =	spop (v2sf);
	(v2sf) =	vpush v13, $0xF;
	v13, _, _ =	vpop (xrf0)  }
0xbf: {  	s28 =	simm.s32 $0xA0;
	(v2sf) =	vpush v13, $0xF  }
0xc0: {  	vm0 =	vgt.s32 v10, $0xFF;
	v10 =	vor.u32 s28, v7;
	v14 =	vld [tilespmem:s26+$0xFFFFFFF0]  }
0xc1: {  	s29 =	simm.s32 $0xB0;
	v10 =	vnsel vm0, $0x7FFFFFFF, v10  }
0xc2: {  	s0 =	simm.s32 $0xC0;
	(xrf0) =	vmax.scan.msk.u32 $0xffff, v10;
	vm0 =	vgt.s32 v12, $0xFF;
	v12 =	vor.u32 s29, v7  }
0xc3: {  	s7 =	simm.s32 $0xD0;
	v10 =	vld [tilespmem:s26+$0x0];
	v12 =	vnsel vm0, $0x7FFFFFFF, v12;
	vm0 =	vgt.s32 v11, $0xFF;
	v11 =	vor.u32 s0, v7  }
0xc4: {  	s6 =	simm.s32 $0xE0;
	s3 =	simm.s32 $0xC;
	(xrf0) =	vmax.scan.msk.u32 $0xffff, v12;
	v15 =	vnsel vm0, $0x7FFFFFFF, v11;
	s5 =	sxor.u32 $0x80000000, s5  }
0xc5: {  	s4 =	simm.s32 $0xAB20;
	v11 =	vld [tilespmem:s26+$0x10];
	vm0 =	vgt.s32 v14, $0xFF;
	v12 =	vor.u32 s7, v7;
	(xrf0) =	vmax.scan.msk.u32 $0xffff, v15;
	v13, _, _ =	vpop (xrf0);
	s7 =	spop (v2sf);
	p2 =	slt.s32 s5, $0xFFFFFFFF  }
.LBB2_9:
0xc6: {  	s3 =	sadd.s32 $0x4, s3  }
0xc7: {  	v14 =	vld [tilespmem:s4+$0xFFFFFFE0];
	v15 =	vnsel vm0, $0x7FFFFFFF, v12;
	(v2sf) =	vpush v13, $0xF;
	s5 =	smov.u32 @p2 s1;
	s1 =	sxor.u32 $0x80000000, s7;
	s7 =	smov.u32 s4  }
0xc8: {  	p1 =	slt.u32 s3, $0x3C;
	vm0 =	vgt.s32 v10, $0xFF;
	v10 =	vor.u32 s6, v7;
	(xrf0) =	vmax.scan.msk.u32 $0xffff, v15;
	v12, _, _ =	vpop (xrf0);
	p2 =	sgt.s32 s5, s1;
	s6 =	spop (v2sf)  }
0xc9: {  	s8 =	sadd.s32 $0x30, s0;
	v13 =	vld [tilespmem:s4+$0xFFFFFFF0];
	v10 =	vnsel vm0, $0x7FFFFFFF, v10;
	(v2sf) =	vpush v12, $0xF;
	s1 =	smov.u32 @p2 s5;
	s6 =	sxor.u32 $0x80000000, s6  }
.Ltmp6:
0xca: {  	vm0 =	vgt.s32 v11, $0xFF;
	v11 =	vor.u32 s8, v7;
	(xrf0) =	vmax.scan.msk.u32 $0xffff, v10;
	v12, _, _ =	vpop (xrf0);
	p2 =	sgt.s32 s1, s6;
	s5 =	spop (v2sf);
	(pc) =	sbr.rel @p1 .LBB2_9-.Ltmp6, $4  }
0xcb: {  	s0 =	sadd.s32 $0x40, s0;
	v10 =	vld [tilespmem:s4+$0x0];
	v11 =	vnsel vm0, $0x7FFFFFFF, v11;
	(v2sf) =	vpush v12, $0xF;
	s6 =	smov.u32 @p2 s1;
	s1 =	sxor.u32 $0x80000000, s5  }
0xcc: {  	v12 =	vor.u32 s0, v7;
	s4 =	sadd.s32 $0x40, s4;
	vm0 =	vgt.s32 v14, $0xFF;
	v14, _, _ =	vpop (xrf0);
	(xrf0) =	vmax.scan.msk.u32 $0xffff, v11;
	s5 =	spop (v2sf);
	p2 =	sgt.s32 s6, s1  }
0xcd: {  	s8 =	sadd.s32 $0x10, s0;
	v15 =	vnsel vm0, $0x7FFFFFFF, v12;
	v11 =	vld [tilespmem:s7+$0x10];
	(v2sf) =	vpush v14, $0xF;
	s5 =	sxor.u32 $0x80000000, s5;
	s1 =	smov.u32 @p2 s6  }
0xce: {  	v12 =	vor.u32 s8, v7;
	s6 =	sadd.s32 $0x20, s0;
	vm0 =	vgt.s32 v13, $0xFF;
	(xrf0) =	vmax.scan.msk.u32 $0xffff, v15;
	v13, _, _ =	vpop (xrf0);
	p2 =	sgt.s32 s1, s5;
	s7 =	spop (v2sf)  }
0xcf: {  	v12 =	vnsel vm0, $0x7FFFFFFF, v12  }
0xd0: {  	vm0 =	vgt.s32 v10, $0xFF;
	v10 =	vor.u32 s6, v7  }
0xd1: {  	(v2sf) =	vpush v13, $0xF;
	s5 =	smov.u32 @p2 s1;
	s1 =	sxor.u32 $0x80000000, s7;
	v10 =	vnsel vm0, $0x7FFFFFFF, v10  }
0xd2: {  	s3 =	spop (v2sf);
	(xrf0) =	vmax.scan.msk.u32 $0xffff, v12;
	p1 =	sgt.s32 s5, s1;
	v12, _, _ =	vpop (xrf0)  }
0xd3: {  	s0 =	sadd.s32 $0x30, s0;
	s3 =	sxor.u32 $0x80000000, s3;
	s1 =	smov.u32 @p1 s5;
	(v2sf) =	vpush v12, $0xF  }
0xd4: {  	s4 =	spop (v2sf);
	vm0 =	vgt.s32 v11, $0xFF;
	v11 =	vor.u32 s0, v7;
	(xrf0) =	vmax.scan.msk.u32 $0xffff, v10;
	p1 =	sgt.s32 s1, s3;
	v10, _, _ =	vpop (xrf0)  }
0xd5: {  	s0 =	sxor.u32 $0x80000000, s4;
	v11 =	vnsel vm0, $0x7FFFFFFF, v11;
	s3 =	smov.u32 @p1 s1;
	(v2sf) =	vpush v10, $0xF  }
0xd6: {  	s5 =	spop (v2sf);
	(xrf0) =	vmax.scan.msk.u32 $0xffff, v11;
	p1 =	sgt.s32 s3, s0;
	v10, _, _ =	vpop (xrf0)  }
0xd7: {  	s1 =	sxor.u32 $0x80000000, s5;
	s0 =	smov.u32 @p1 s3;
	(v2sf) =	vpush v10, $0xF  }
0xd8: {  	v10, _, _ =	vpop (xrf0);
	p1 =	sgt.s32 s0, s1;
	s6 =	spop (v2sf)  }
0xd9: {  	(v2sf) =	vpush v10, $0xF;
	s1 =	smov.u32 @p1 s0;
	s0 =	sxor.u32 $0x80000000, s6  }
0xda: {  	v10, _, _ =	vpop (xrf0);
	p1 =	sgt.s32 s1, s0;
	s7 =	spop (v2sf)  }
0xdb: {  	(v2sf) =	vpush v10, $0xF;
	s0 =	smov.u32 @p1 s1;
	s1 =	sxor.u32 $0x80000000, s7  }
0xdc: {  	v10, _, _ =	vpop (xrf0);
	p1 =	sgt.s32 s0, s1;
	s8 =	spop (v2sf)  }
0xdd: {  	(v2sf) =	vpush v10, $0xF;
	s1 =	smov.u32 @p1 s0;
	s0 =	sxor.u32 $0x80000000, s8  }
0xde: {  	s9 =	spop (v2sf);
	p1 =	sgt.s32 s1, s0  }
0xdf: {  	s3 =	sxor.u32 $0x80000000, s9;
	s0 =	smov.u32 @p1 s1  }
0xe0: {  	p1 =	sgt.s32 s0, s3;
	s10 =	spop (v2sf)  }
0xe1: {  	s3 =	smov.u32 @p1 s0;
	s0 =	sxor.u32 $0x80000000, s10  }
0xe2: {  	p1 =	sgt.s32 s3, s0;
	s11 =	spop (v2sf)  }
0xe3: {  	s0 =	smov.u32 @p1 s3;
	s1 =	sxor.u32 $0x80000000, s11  }
0xe4: {  	p1 =	sgt.s32 s0, s1;
	s12 =	spop (v2sf)  }
0xe5: {  	s1 =	smov.u32 @p1 s0;
	s0 =	sxor.u32 $0x80000000, s12  }
0xe6: {  	s13 =	spop (v2sf);
	p1 =	sgt.s32 s1, s0  }
0xe7: {  	s3 =	sxor.u32 $0x80000000, s13;
	s0 =	smov.u32 @p1 s1  }
0xe8: {  	s17 =	simm.s32 $0x20;
	s16 =	spop (v2sf);
	p1 =	sgt.s32 s0, s3  }
0xe9: {  	v14 =	vld [tilespmem:s17+$0x10];
	s3 =	smov.u32 @p1 s0;
	s0 =	sxor.u32 $0x80000000, s16  }
0xea: {  	v19 =	vld [tilespmem:s17+$0xFFFFFFE0];
	s4 =	spop (v2sf);
	p1 =	sgt.s32 s3, s0  }
0xeb: {  	v12 =	vld [tilespmem:s17+$0x0];
	s0 =	smov.u32 @p1 s3;
	s3 =	sxor.u32 $0x80000000, s4  }
0xec: {  	v10 =	vld [tilespmem:s17+$0xFFFFFFF0];
	s26 =	spop (v2sf);
	p1 =	sgt.s32 s0, s3  }
0xed: {  	s3 =	smov.u32 @p1 s0;
	s0 =	sxor.u32 $0x80000000, s26  }
0xee: {  	v11 =	vshrl.u32 v14, $0x15;
	p1 =	sgt.s32 s3, s0  }
0xef: {  	v16 =	vand.u32 $0x3FF, v11;
	s0 =	smov.u32 @p1 s3  }
0xf0: {  	v11 =	vshrl.u32 v19, $0x15;
	v15 =	vshrl.u32 v12, $0x15;
	v17 =	vmov s0  }
0xf1: {  	v15 =	vand.u32 $0x3FF, v15;
	v13 =	vshrl.u32 v10, $0x15;
	vm1 =	vgt.s32 v16, v17  }
0xf2: {  	v13 =	vand.u32 $0x3FF, v13;
	vm0 =	vgt.s32 v15, v17;
	v18 =	vsel vm1, $0x1, v5  }
0xf3: {  	v11 =	vand.u32 $0x3FF, v11;
	vm2 =	vgt.s32 v13, v17;
	v20 =	vsel vm0, $0x1, v5;
	(xrf0) =	vadd.scan.msk.s32 $0xffff, v18  }
0xf4: {  	vm3 =	vgt.s32 v11, v17;
	v18 =	vsel vm2, $0x1, v5;
	(xrf0) =	vadd.scan.msk.s32 $0xffff, v20  }
0xf5: {  	vm5 =	veq.s32 v11, v17;
	vm7 =	veq.s32 v13, v17;
	v11 =	vsel vm3, $0x1, v5;
	(xrf0) =	vadd.scan.msk.s32 $0xffff, v18  }
0xf6: {  	v18 =	vsel vm5, $0x1, v5;
	(xrf0) =	vadd.scan.msk.s32 $0xffff, v11;
	v11 =	vsel vm7, $0x1, v5  }
0xf7: {  	(xrf0) =	vadd.scan.msk.s32 $0xffff, v18  }
0xf8: {  	vm9 =	veq.s32 v15, v17;
	(xrf0) =	vadd.scan.msk.s32 $0xffff, v11  }
0xf9: {  	v13 =	vsel vm9, $0x1, v5;
	v11, _, _ =	vpop (xrf0)  }
0xfa: {  	v15, _, _ =	vpop (xrf0);
	(v2sf) =	vpush v11, $0xF  }
0xfb: {  	v11, _, _ =	vpop (xrf0);
	(v2sf) =	vpush v15, $0xF  }
0xfc: {  	(xrf0) =	vadd.scan.msk.s32 $0xffff, v13;
	v13, _, _ =	vpop (xrf0);
	(v2sf) =	vpush v11, $0xF  }
0xfd: {  	s28 =	simm.s32 $0x60;
	(v2sf) =	vpush v13, $0xF;
	v18, _, _ =	vpop (xrf0)  }
0xfe: {  	vm4 =	veq.s32 v16, v17;
	vm6 =	vmmov vm2;
	v15 =	vld [tilespmem:s28+$0x10];
	(v2sf) =	vpush v18, $0xF;
	v16, _, _ =	vpop (xrf0)  }
0xff: {  	vm2 =	vmmov vm7;
	v11 =	vld [tilespmem:s28+$0x0];
	(v2sf) =	vpush v16, $0xF;
	v16 =	vimm.s32 $0x0  }
0x100: {  	v13 =	vld [tilespmem:s28+$0xFFFFFFF0];
	v16 =	vsel vm2, $0xFFFFFFFF, v16  }
0x101: {  	v18 =	vld [tilespmem:s28+$0xFFFFFFE0];
	vm2 =	vmmov vm9;
	[tilespmem:$0x1FFE0] =	vst v16;
	v16 =	vimm.s32 $0x0  }
0x102: {  	v16 =	vsel vm2, $0xFFFFFFFF, v16;
	_ =	sdelay $0x1  }
0x103: {  	v21 =	vsel vm4, $0x1, v5;
	vm0 =	vmmov vm0  }
0x104: {  	s0 =	sadd.s32 $0x1, s0;
	vm8 =	vmmov vm3;
	vm4 =	vmmov vm4;
	vm13 =	vmmov vm0;
	[tilespmem:$0x1FFF0] =	vst v16;
	v16, _, _ =	vpop (xrf0)  }
0x105: {  	v20 =	vmov s0;
	(xrf0) =	vadd.scan.msk.s32 $0xffff, v21;
	(v2sf) =	vpush v16, $0xF;
	v16 =	vshrl.u32 v15, $0x15  }
0x106: {  	v22 =	vshrl.u32 v11, $0x15;
	vm2 =	vmmov vm1;
	v23 =	vand.u32 $0x3FF, v16  }
0x107: {  	v59 =	vshrl.u32 v13, $0x15;
	v22 =	vand.u32 $0x3FF, v22;
	vm3 =	vgt.s32 v23, v17  }
0x108: {  	v21 =	vand.u32 $0x3FF, v59;
	vm12 =	vgt.s32 v22, v17;
	v24 =	vsel vm3, $0x1, v5  }
0x109: {  	vm1 =	vgt.s32 v21, v17;
	v26 =	vsel vm12, $0x1, v5;
	v16 =	vshrl.u32 v18, $0x15;
	(xrf0) =	vadd.scan.msk.s32 $0xffff, v24  }
0x10a: {  	vm5 =	vmmov vm5;
	v60 =	vsel vm1, $0x1, v5;
	v16 =	vand.u32 $0x3FF, v16;
	(xrf0) =	vadd.scan.msk.s32 $0xffff, v26  }
0x10b: {  	s5 =	simm.s32 $0x0;
	vm9 =	veq.s32 v22, v17;
	vm7 =	veq.s32 v21, v17;
	v25, _, _ =	vpop (xrf0);
	vm10 =	vgt.s32 v16, v17;
	(xrf0) =	vadd.scan.msk.s32 $0xffff, v60  }
0x10c: {  	vm11 =	veq.s32 v16, v17;
	v16 =	vld.idx.msk [tilespmem:v20+s19+$0x0], $0xffff;
	v20 =	vor.u32 s5, v0;
	s0 =	spop (v2sf);
	[tilespmem:s5+$0xA000] =	vst.msk vm8, v19;
	v61 =	vsel vm10, $0x1, v5  }
0x10d: {  	v62 =	vsel vm11, $0x1, v5;
	s9 =	spop (v2sf);
	[tilespmem:s5+$0xA180] =	vst.msk vm8, v20;
	vm8 =	veq.s32 v23, v17;
	(xrf0) =	vadd.scan.msk.s32 $0xffff, v61  }
0x10e: {  	v21 =	vsel vm7, $0x1, v5;
	s10 =	spop (v2sf);
	[tilespmem:s5+$0x2000] =	vst.msk vm5, v19;
	v19 =	vsel vm8, $0x1, v5;
	(xrf0) =	vadd.scan.msk.s32 $0xffff, v62  }
0x10f: {  	s7 =	simm.s32 $0x4;
	s8 =	simm.s32 $0xA0;
	v22 =	vsel vm9, $0x1, v5;
	vm14 =	vmmov vm12;
	(v2sf) =	vpush v25, $0xF;
	s29 =	spop (v2sf);
	(xrf0) =	vadd.scan.msk.s32 $0xffff, v21;
	v63, _, _ =	vpop (xrf0)  }
0x110: {  	s12 =	simm.s32 $0x30;
	s1 =	simm.s32 $0x0;
	vm12 =	vmmov vm6;
	[tilespmem:s5+$0x4000] =	vst.msk vm5, v20;
	s30 =	spop (v2sf);
	(xrf0) =	vadd.scan.msk.s32 $0xffff, v22;
	v20, _, _ =	vpop (xrf0);
	(v2sf) =	vpush v63, $0xF  }
0x111: {  	vm6 =	vmmov vm1;
	vm10 =	vmmov vm10;
	s3 =	sadd.s32 $0x0, s29;
	s11 =	sadd.s32 $0x0, s30;
	s4 =	spop (v2sf);
	(xrf0) =	vadd.scan.msk.s32 $0xffff, v19;
	v19, _, _ =	vpop (xrf0);
	(v2sf) =	vpush v20, $0xF  }
.LBB2_11:
0x112: {  	_ =	sdelay $0x3  }
0x113: {  	v20 =	vimm.s32 $0x0  }
0x114: {  	[tilespmem:s3+$0xA000] =	vst.msk vm12, v10;
	s10 =	sadd.s32 s3, s10;
	v20 =	vsel vm14, $0xFFFFFFFF, v20  }
0x115: {  	(v2sf) =	vpush v19, $0xF;
	v19 =	vld [tilespmem:$0x1FFE0];
	s28 =	sadd.s32 $0x10, s5;
	s9 =	sadd.s32 s10, s9;
	[tilespmem:$0x1FFD0] =	vst v20  }
0x116: {  	v25 =	vor.u32 s28, v0;
	v20 =	vld [tilespmem:s8+$0x10];
	[tilespmem:s9+$0xA000] =	vst.msk vm2, v14  }
0x117: {  	v23 =	vor.u32 s12, v0;
	v49 =	vld [tilespmem:s8+$0xFFFFFFF0];
	[tilespmem:s3+$0xA180] =	vst.msk vm12, v25  }
0x118: {  	v48 =	vld [tilespmem:$0x1FFF0];
	s26 =	sadd.s32 $0x20, s5;
	s5 =	sadd.s32 $0x40, s5;
	s17 =	sadd.s32 s9, s0;
	[tilespmem:s9+$0xA180] =	vst.msk vm2, v23  }
0x119: {  	v22 =	vimm.s32 $0x0;
	v51 =	vld [tilespmem:s8+$0xFFFFFFE0];
	v21, _, _ =	vpop (xrf0);
	v55 =	vor.u32 s5, v0;
	[tilespmem:s17+$0xA000] =	vst.msk vm10, v18  }
0x11a: {  	v24 =	vimm.s32 $0x0;
	vm14 =	vmmov vm11;
	v47, _, _ =	vpop (xrf0);
	[tilespmem:s17+$0xA180] =	vst.msk vm10, v55;
	s16 =	spop (v2sf);
	(v2sf) =	vpush v21, $0xF  }
0x11b: {  	v54 =	vor.u32 s26, v0;
	v50, _, _ =	vpop (xrf0);
	vm0 =	vnez.u8 v19;
	v19 =	vld [tilespmem:s8+$0x0];
	[tilespmem:s10+$0xA000] =	vst.msk vm13, v12;
	s6 =	spop (v2sf);
	(v2sf) =	vpush v47, $0xF  }
0x11c: {  	s13 =	sadd.s32 s11, s4;
	vm12 =	vmmov vm6;
	vm15 =	vmmov vm0;
	[tilespmem:s10+$0xA180] =	vst.msk vm13, v54;
	(v2sf) =	vpush v50, $0xF  }
0x11d: {  	vm2 =	vmmov vm3;
	v62 =	vld [tilespmem:$0x1FFD0];
	vm1 =	vnez.u8 v48;
	vm0 =	vmmov vm7;
	[tilespmem:s11+$0x2000] =	vst.msk vm15, v10;
	s16 =	sadd.s32 s13, s16  }
0x11e: {  	v26 =	vshrl.u32 v49, $0x15;
	v22 =	vsel vm0, $0xFFFFFFFF, v22;
	vm0 =	vmmov vm1;
	[tilespmem:s16+$0x2000] =	vst.msk vm4, v14;
	v14 =	vmovc v15;
	v15 =	vmovc v20  }
0x11f: {  	vm1 =	vmmov vm9;
	v56 =	vand.u32 $0x3FF, v26;
	[tilespmem:$0x1FFE0] =	vst v22;
	v20 =	vshrl.u32 v15, $0x15  }
0x120: {  	v52, _, _ =	vpop (xrf0);
	v24 =	vsel vm1, $0xFFFFFFFF, v24;
	[tilespmem:s13+$0x2000] =	vst.msk vm0, v12;
	v27 =	vshrl.u32 v19, $0x15;
	v20 =	vand.u32 $0x3FF, v20  }
0x121: {  	v53, _, _ =	vpop (xrf0);
	[tilespmem:s11+$0x4000] =	vst.msk vm15, v25;
	vm7 =	veq.s32 v56, v17;
	v27 =	vand.u32 $0x3FF, v27;
	vm3 =	vgt.s32 v20, v17  }
0x122: {  	v12 =	vmovc v11;
	vm10 =	vnez.u8 v62;
	[tilespmem:s13+$0x4000] =	vst.msk vm0, v54;
	vm5 =	vgt.s32 v27, v17;
	v57 =	vsel vm3, $0x1, v5  }
0x123: {  	vm0 =	vgt.s32 v56, v17;
	v11 =	vmovc v19;
	v19 =	vshrl.u32 v51, $0x15;
	v28 =	vsel vm5, $0x1, v5;
	(xrf0) =	vadd.scan.msk.s32 $0xffff, v57  }
0x124: {  	vm13 =	vmmov vm10;
	v58 =	vsel vm0, $0x1, v5;
	v19 =	vand.u32 $0x3FF, v19;
	(xrf0) =	vadd.scan.msk.s32 $0xffff, v28  }
0x125: {  	s7 =	sadd.s32 $0x4, s7;
	vm6 =	vmmov vm0;
	vm1 =	vgt.s32 v19, v17;
	vm11 =	veq.s32 v19, v17;
	(xrf0) =	vadd.scan.msk.s32 $0xffff, v58  }
0x126: {  	p1 =	slt.u32 s7, $0x1FC;
	[tilespmem:$0x1FFF0] =	vst v24;
	vm9 =	veq.s32 v27, v17;
	v19 =	vsel vm1, $0x1, v5;
	v59 =	vsel vm11, $0x1, v5;
	s0 =	spop (v2sf)  }
.Ltmp7:
0x127: {  	v10 =	vmovc v13;
	v60 =	vsel vm9, $0x1, v5;
	vm10 =	vmmov vm1;
	(v2sf) =	vpush v52, $0xF;
	s9 =	spop (v2sf);
	(xrf0) =	vadd.scan.msk.s32 $0xffff, v19;
	(pc) =	sbr.rel @p1 .LBB2_11-.Ltmp7, $4  }
0x128: {  	v13 =	vmovc v49;
	s6 =	sadd.s32 s16, s6;
	[tilespmem:s16+$0x4000] =	vst.msk vm4, v23;
	vm4 =	vmmov vm8;
	s10 =	spop (v2sf);
	v19 =	vsel vm7, $0x1, v5;
	(xrf0) =	vadd.scan.msk.s32 $0xffff, v59  }
0x129: {  	[tilespmem:s6+$0x2000] =	vst.msk vm14, v18;
	(v2sf) =	vpush v53, $0xF;
	vm8 =	veq.s32 v20, v17;
	(xrf0) =	vadd.scan.msk.s32 $0xffff, v19;
	v20, _, _ =	vpop (xrf0);
	s29 =	spop (v2sf)  }
0x12a: {  	s12 =	sadd.s32 $0x30, s5;
	s8 =	sadd.s32 $0x40, s8;
	v18 =	vmov v51;
	v61 =	vsel vm8, $0x1, v5;
	(xrf0) =	vadd.scan.msk.s32 $0xffff, v60;
	v63, _, _ =	vpop (xrf0);
	(v2sf) =	vpush v20, $0xF;
	s30 =	spop (v2sf)  }
0x12b: {  	[tilespmem:s6+$0x4000] =	vst.msk vm14, v55;
	vm14 =	vmmov vm5;
	(xrf0) =	vadd.scan.msk.s32 $0xffff, v61;
	v19, _, _ =	vpop (xrf0);
	(v2sf) =	vpush v63, $0xF;
	s3 =	sadd.s32 s17, s29;
	s11 =	sadd.s32 s6, s30;
	s4 =	spop (v2sf)  }
0x12c: {  	_ =	sdelay $0x7  }
0x12d: {  	[tilespmem:s3+$0xA000] =	vst.msk vm12, v10;
	s6 =	sadd.s32 s3, s10  }
0x12e: {  	[tilespmem:s6+$0xA000] =	vst.msk vm13, v12;
	s7 =	sadd.s32 s6, s9  }
0x12f: {  	(v2sf) =	vpush v19, $0xF;
	s4 =	sadd.s32 s11, s4;
	v19 =	vor.u32 s12, v0;
	v17, _, _ =	vpop (xrf0);
	[tilespmem:s7+$0xA000] =	vst.msk vm2, v14;
	s8 =	spop (v2sf)  }
0x130: {  	(v2sf) =	vpush v17, $0xF;
	v17, _, _ =	vpop (xrf0);
	[tilespmem:s7+$0xA180] =	vst.msk vm2, v19;
	s8 =	sadd.s32 s4, s8  }
0x131: {  	(v2sf) =	vpush v17, $0xF;
	v17, _, _ =	vpop (xrf0);
	[tilespmem:s8+$0x2000] =	vst.msk vm4, v14  }
0x132: {  	(v2sf) =	vpush v17, $0xF;
	v17, _, _ =	vpop (xrf0);
	[tilespmem:s8+$0x4000] =	vst.msk vm4, v19  }
0x133: {  	(v2sf) =	vpush v17, $0xF;
	v17 =	vld [tilespmem:$0x1FFF0];
	_ =	sdelay $0x3  }
0x134: {  	s26 =	sadd.s32 $0x20, s5  }
0x135: {  	v60 =	vor.u32 s26, v0;
	vm0 =	vnez.u8 v17  }
0x136: {  	[tilespmem:s6+$0xA180] =	vst.msk vm13, v60;
	vm0 =	vmmov vm0  }
0x137: {  	[tilespmem:s4+$0x2000] =	vst.msk vm0, v12  }
0x138: {  	[tilespmem:s4+$0x4000] =	vst.msk vm0, v60  }
0x139: {  	v14 =	vld [tilespmem:$0x1FFE0];
	_ =	sdelay $0x2  }
0x13a: {  	s28 =	sadd.s32 $0x10, s5  }
0x13b: {  	v61 =	vor.u32 s28, v0  }
0x13c: {  	s0 =	sadd.s32 s7, s0;
	[tilespmem:s3+$0xA180] =	vst.msk vm12, v61;
	vm4 =	vnez.u8 v14  }
0x13d: {  	s29 =	spop (v2sf);
	[tilespmem:s0+$0xA000] =	vst.msk vm10, v18;
	vm0 =	vmmov vm4  }
0x13e: {  	s30 =	sadd.s32 $0x40, s5;
	s5 =	spop (v2sf);
	[tilespmem:s11+$0x2000] =	vst.msk vm0, v10  }
0x13f: {  	s10 =	spop (v2sf);
	v10 =	vor.u32 s30, v0;
	[tilespmem:s11+$0x4000] =	vst.msk vm0, v61  }
0x140: {  	vm5 =	vmmov vm11;
	v62, _, _ =	vpop (xrf0);
	s3 =	sadd.s32 s8, s29;
	[tilespmem:s0+$0xA180] =	vst.msk vm10, v10;
	s11 =	spop (v2sf)  }
0x141: {  	(v2sf) =	vpush v62, $0xF;
	[tilespmem:s3+$0x2000] =	vst.msk vm5, v18;
	s12 =	spop (v2sf)  }
0x142: {  	vm11 =	vmmov vm6;
	[tilespmem:s3+$0x4000] =	vst.msk vm5, v10;
	s0 =	sadd.s32 s0, s12  }
0x143: {  	vm1 =	vmmov vm14;
	[tilespmem:s0+$0xA000] =	vst.msk vm11, v13;
	s7 =	sadd.s32 s0, s11  }
0x144: {  	vm12 =	vmmov vm3;
	s29 =	sadd.s32 $0x20, s30;
	[tilespmem:s7+$0xA000] =	vst.msk vm1, v11;
	s6 =	sadd.s32 s7, s10  }
0x145: {  	s13 =	sadd.s32 $0x30, s30;
	v63 =	vor.u32 s29, v0;
	s16 =	spop (v2sf);
	[tilespmem:s6+$0xA000] =	vst.msk vm12, v15  }
0x146: {  	vm14 =	vmmov vm9;
	v10 =	vor.u32 s13, v0;
	s3 =	sadd.s32 s3, s16;
	s17 =	spop (v2sf);
	[tilespmem:s7+$0xA180] =	vst.msk vm1, v63  }
0x147: {  	vm2 =	vmmov vm14;
	s9 =	sadd.s32 s3, s17;
	s26 =	spop (v2sf);
	[tilespmem:s6+$0xA180] =	vst.msk vm12, v10  }
0x148: {  	vm13 =	vmmov vm8;
	s28 =	sadd.s32 s9, s26;
	[tilespmem:s9+$0x2000] =	vst.msk vm2, v11  }
0x149: {  	[tilespmem:s28+$0x2000] =	vst.msk vm13, v15  }
0x14a: {  	s4 =	sadd.s32 $0x10, s30;
	[tilespmem:s9+$0x4000] =	vst.msk vm2, v63  }
0x14b: {  	vm15 =	vmmov vm7;
	[tilespmem:s28+$0x4000] =	vst.msk vm13, v10;
	v10 =	vor.u32 s4, v0  }
0x14c: {  	vm1 =	vmmov vm15;
	[tilespmem:s0+$0xA180] =	vst.msk vm11, v10  }
0x14d: {  	[tilespmem:s3+$0x2000] =	vst.msk vm1, v13  }
0x14e: {  	s0 =	simm.s32 $0xA620;
	[tilespmem:s3+$0x4000] =	vst.msk vm1, v10  }
0x14f: {  	[tilespmem:s0+$0xFFFFFFE0] =	vst v5  }
0x150: {  	s30 =	spop (v2sf);
	[tilespmem:s0+$0x10] =	vst v5  }
0x151: {  	s7 =	sadd.s32 s6, s5;
	s11 =	sadd.s32 s28, s30;
	[tilespmem:s0+$0x0] =	vst v5  }
.LBB2_13:
0x152: {  	s1 =	sadd.s32 $0x4, s1  }
0x153: {  	[tilespmem:s0+$0xFFFFFFF0] =	vst v5;
	s0 =	sadd.s32 $0x40, s0;
	p1 =	slt.u32 s1, $0x3C  }
.Ltmp8:
0x154: {  	[tilespmem:s0+$0xFFFFFFE0] =	vst v5;
	(pc) =	sbr.rel @p1 .LBB2_13-.Ltmp8, $3  }
0x155: {  	_ =	sdelay $0x1  }
0x156: {  	[tilespmem:s0+$0x10] =	vst v5  }
0x157: {  	[tilespmem:s0+$0x0] =	vst v5  }
0x158: {  	v10 =	vxor.u32 $0x80000000, v16  }
0x159: {  	(xrf0) =	vmax.scan.msk.u32 $0xffff, v10;
	_ =	sdelay $0x5  }
0x15a: {  	v10, _, _ =	vpop (xrf0)  }
0x15b: {  	s1 =	sadd.s32 $0xF, s11;
	(v2sf) =	vpush v10, $0xF  }
0x15c: {  	s3 =	sand.u32 $0xF, s1  }
0x15d: {  	s30 =	sshra.s32 s1, $0x1F;
	p2 =	slt.s32 s1, $0x1;
	p1 =	sne.s32 s3, $0x0  }
0x15e: {  	s3 =	sshrl.u32 s30, $0x1C;
	p1 =	por !p2, !p1  }
0x15f: {  	s1 =	sadd.s32 s3, s1;
	s3 =	simm.s32 $0x1;
	p1 =	por !p1, !p1  }
0x160: {  	s1 =	sshra.s32 s1, $0x4;
	s3 =	simm.s32 @!p1 $0x0  }
0x161: {  	s5 =	ssub.s32 s1, s3  }
0x162: {  	s1 =	sshrl.u32 s5, $0x1F  }
0x163: {  	s1 =	sadd.s32 s1, s5  }
0x164: {  	s12 =	sand.u32 $0xFFFFFFFE, s1  }
0x165: {  	p1 =	slt.s32 s12, $0x1  }
.Ltmp9:
0x166: {  	_ = 	snop;
	(pc) =	sbr.rel @p1 .LBB2_26-.Ltmp9, $2  }
0x167: {  	_ =	sdelay $0x2  }
0x168: {  	[tilespmem:s0+$0xFFFFFFF0] =	vst v5;
	v10 =	vmov s11;
	s1 =	spop (v2sf)  }
0x169: {  	s4 =	simm.s32 $0x2010  }
0x16a: {  	p5 =	sgt.s32 s12, $0x2;
	v11 =	vld [tilespmem:s4+$0x0]  }
.Ltmp10:
0x16b: {  	_ = 	snop;
	(pc) =	sbr.rel @!p5 .LBB2_16-.Ltmp10, $3  }
0x16c: {  	_ =	sdelay $0x1  }
0x16d: {  	s3 =	simm.s32 $0x10;
	s8 =	simm.s32 $0x0;
	s0 =	simm.s32 $0x2030  }
0x16e: {  	p2 =	por $0x0, $0x0;
	p3 =	por $0x0, $0x0;
	p4 =	por $0x0, $0x0;
	v17 =	vld [tilespmem:s4+$0xFFFFFFF0];
	v21 =	vor.u32 s3, v0;
	v20 =	vshrl.u32 v11, $0xB  }
0x16f: {  	_ = 	snop  }
0x170: {  	v13 =	vld [tilespmem:s0+$0x0];
	p5 =	sgt.s32 s12, $0x4  }
.Ltmp11:
0x171: {  	_ = 	snop;
	(pc) =	sbr.rel @!p5 .LBB2_18-.Ltmp11, $4  }
0x172: {  	v11 =	vand.u32 $0x3FF, v20  }
0x173: {  	vm0 =	vlt.s32 v21, v10;
	v14 =	vor.u32 s8, v0;
	v12 =	vshrl.u32 v17, $0xB  }
0x174: {  	s3 =	simm.s32 $0x30;
	(xrf1) =	vunique.msk.u32 vm0, v11;
	vm1 =	vlt.s32 v14, v10;
	vm0 =	vmmov vm0;
	v12 =	vand.u32 $0x3FF, v12  }
0x175: {  	s8 =	simm.s32 $0x20;
	p2 =	por $0x1, $0x1;
	v21 =	vor.u32 s3, v0;
	v17 =	vld [tilespmem:s0+$0xFFFFFFF0];
	s0 =	simm.s32 $0x2050;
	v20 =	vshrl.u32 v13, $0xB;
	(xrf1) =	vunique.msk.u32 vm1, v12;
	vm1 =	vmmov vm1  }
0x176: {  	_ =	sdelay $0x2  }
0x177: {  	v14 =	vand.u32 $0x3FF, v20;
	vm2 =	vlt.s32 v21, v10  }
0x178: {  	v16 =	vor.u32 s8, v0;
	(xrf1) =	vunique.msk.u32 vm2, v14;
	v15 =	vshrl.u32 v17, $0xB  }
0x179: {  	vm5 =	vlt.s32 v16, v10;
	v15 =	vand.u32 $0x3FF, v15  }
0x17a: {  	(xrf1) =	vunique.msk.u32 vm5, v15;
	_ =	sdelay $0x4  }
0x17b: {  	v13 =	vld [tilespmem:s0+$0x0];
	p5 =	sgt.s32 s12, $0x6  }
.Ltmp12:
0x17c: {  	_ = 	snop;
	(pc) =	sbr.rel @!p5 .LBB2_20-.Ltmp12, $3  }
0x17d: {  	_ =	sdelay $0x1  }
0x17e: {  	vm3 =	vmmov vm0;
	s3 =	simm.s32 $0x50;
	vm4 =	vmmov vm1;
	vm0 =	vmmov vm2  }
0x17f: {  	s8 =	simm.s32 $0x40;
	s4 =	simm.s32 $0x2070;
	p3 =	por $0x1, $0x1;
	v21 =	vor.u32 s3, v0;
	vm1 =	vmmov vm5;
	v17 =	vld [tilespmem:s0+$0xFFFFFFF0];
	v20 =	vshrl.u32 v13, $0xB  }
0x180: {  	_ =	sdelay $0x2  }
0x181: {  	v23 =	vand.u32 $0x3FF, v20  }
0x182: {  	vm7 =	vlt.s32 v21, v10;
	v16 =	vor.u32 s8, v0;
	v13 =	vshrl.u32 v17, $0xB  }
0x183: {  	v18 =	vld [tilespmem:s4+$0x0];
	vm8 =	vlt.s32 v16, v10;
	(xrf1) =	vunique.msk.u32 vm7, v23;
	v22 =	vand.u32 $0x3FF, v13  }
0x184: {  	(xrf1) =	vunique.msk.u32 vm8, v22;
	_ =	sdelay $0x1  }
0x185: {  	p5 =	sgt.s32 s12, $0x8;
	_, v13, vm2 =	vpop (xrf1)  }
.Ltmp13:
0x186: {  	v17 =	vld [tilespmem:s4+$0xFFFFFFF0];
	vm2 =	vmand vm3, vm2;
	(pc) =	sbr.rel @!p5 .LBB2_22-.Ltmp13, $4  }
0x187: {  	v20 =	vshrl.u32 v18, $0xB;
	v18 =	vmov v11;
	_, v16, vm5 =	vpop (xrf1)  }
0x188: {  	vm5 =	vmand vm4, vm5  }
0x189: {  	vm6 =	vmmov vm0;
	s0 =	simm.s32 $0x8;
	s3 =	simm.s32 $0x70;
	v19 =	vmov v12;
	vm0 =	vmmov vm7  }
0x18a: {  	s8 =	simm.s32 $0x60;
	p4 =	por $0x1, $0x1;
	vm7 =	vmmov vm1;
	v21 =	vor.u32 s3, v0;
	vm1 =	vmmov vm8;
	s4 =	simm.s32 $0x2090  }
.LBB2_23:
0x18b: {  	v24 =	vld [tilespmem:s4+$0x0];
	v17 =	vshrl.u32 v17, $0xB;
	v20 =	vand.u32 $0x3FF, v20;
	vm8 =	vlt.s32 v21, v10;
	s0 =	sadd.s32 $0x2, s0  }
0x18c: {  	v25 =	vor.u32 s8, v0;
	v21 =	vand.u32 $0x3FF, v17;
	(xrf1) =	vunique.msk.u32 vm8, v20;
	[tilespmem:v18+s18+$0x0] =	vst.idx.add.s32.msk vm2, v13;
	_, v13, vm2 =	vpop (xrf1);
	p5 =	slt.s32 s0, s12  }
.Ltmp14:
0x18d: {  	vm9 =	vlt.s32 v25, v10;
	v18 =	vmovc v14;
	v14 =	vmovc v23;
	v23 =	vmov v20;
	v17 =	vld [tilespmem:s4+$0xFFFFFFF0];
	vm2 =	vmand vm6, vm2;
	(pc) =	sbr.rel @p5 .LBB2_23-.Ltmp14, $4  }
0x18e: {  	(xrf1) =	vunique.msk.u32 vm9, v21;
	[tilespmem:v19+s18+$0x0] =	vst.idx.add.s32.msk vm5, v16;
	_, v16, vm5 =	vpop (xrf1);
	v19 =	vmov v15;
	v15 =	vmov v22  }
0x18f: {  	vm6 =	vmmov vm0;
	vm0 =	vmmov vm8;
	v22 =	vmovc v21;
	vm5 =	vmand vm7, vm5  }
0x190: {  	s3 =	sadd.s32 $0x20, s3;
	vm7 =	vmmov vm1;
	vm1 =	vmmov vm9  }
0x191: {  	s8 =	sadd.s32 $0xFFFFFFF0, s3;
	s4 =	sadd.s32 $0x20, s4;
	v21 =	vor.u32 s3, v0;
	v20 =	vshrl.u32 v24, $0xB  }
0x192: {  	v24 =	vmovc v14;
	v25 =	vmov v15;
	v14 =	vmov v23;
	v15 =	vmov v22  }
.LBB2_25:
0x193: {  	v17 =	vshrl.u32 v17, $0xB  }
0x194: {  	v20 =	vand.u32 $0x3FF, v20;
	vm8 =	vlt.s32 v21, v10;
	v61 =	vor.u32 s8, v0  }
0x195: {  	v17 =	vand.u32 $0x3FF, v17;
	(xrf1) =	vunique.msk.u32 vm8, v20;
	vm9 =	vlt.s32 v61, v10  }
0x196: {  	(xrf1) =	vunique.msk.u32 vm9, v17;
	_ =	sdelay $0x6  }
0x197: {  	_, v21, vm10 =	vpop @p3 (xrf1);
	v23 =	vmov @p3 v24;
	vm0 =	vmmov @p2 vm0;
	vm1 =	vmmov @p2 vm1  }
0x198: {  	v11 =	vpsel p2, v14, v11;
	v12 =	vpsel p2, v15, v12;
	_, v22, vm11 =	vpop @p3 (xrf1);
	vm6 =	vmand @p3 vm6, vm10  }
0x199: {  	v24 =	vmovc @p3 v25;
	vm8 =	vmmov vm8;
	v23 =	vpsel p3, v23, v0;
	vm7 =	vmand @p3 vm7, vm11  }
0x19a: {  	vm3 =	vmmov @p2 vm0;
	vm6 =	vmmov @p3 vm6;
	vm0 =	vmmov @p3 vm7;
	_, v14, vm7 =	vpop @p2 (xrf1)  }
0x19b: {  	vm4 =	vmmov @p2 vm1;
	v24 =	vpsel p3, v24, v0;
	vm1 =	vmand @p2 vm3, vm7;
	_, v15, vm3 =	vpop @p2 (xrf1)  }
0x19c: {  	v11 =	vpsel p2, v11, v0;
	vm1 =	vmmov @p2 vm1;
	vm3 =	vmand @p2 vm4, vm3  }
0x19d: {  	vm9 =	vmmov vm9;
	vm12 =	vmmov vm8;
	vm3 =	vmmov @p2 vm3;
	_, v62, vm13 =	vpop (xrf1)  }
0x19e: {  	[tilespmem:v18+s18+$0x0] =	vst.idx.add.s32.msk @p4 vm2, v13;
	v12 =	vpsel p2, v12, v0;
	vm14 =	vmmov vm9;
	vm4 =	vmand vm12, vm13;
	_, v63, vm15 =	vpop (xrf1)  }
0x19f: {  	[tilespmem:v19+s18+$0x0] =	vst.idx.add.s32.msk @p4 vm5, v16;
	v16 =	vpsel p3, v21, v0;
	vm2 =	vmand vm14, vm15  }
0x1a0: {  	v18 =	vpsel p3, v22, v0;
	[tilespmem:v23+s18+$0x0] =	vst.idx.add.s32.msk @p3 vm6, v16  }
0x1a1: {  	v14 =	vpsel p2, v14, v0;
	[tilespmem:v24+s18+$0x0] =	vst.idx.add.s32.msk @p3 vm0, v18  }
0x1a2: {  	v15 =	vpsel p2, v15, v0;
	[tilespmem:v11+s18+$0x0] =	vst.idx.add.s32.msk @p2 vm1, v14  }
0x1a3: {  	[tilespmem:v12+s18+$0x0] =	vst.idx.add.s32.msk @p2 vm3, v15  }
0x1a4: {  	[tilespmem:v20+s18+$0x0] =	vst.idx.add.s32.msk vm4, v62  }
0x1a5: {  	[tilespmem:v17+s18+$0x0] =	vst.idx.add.s32.msk vm2, v63  }
.LBB2_26:
0x1a6: {  	s28 =	ssub.s32 s5, s12  }
0x1a7: {  	p2 =	sgt.s32 s28, $0x0  }
0x1a8: {  	s0 =	sshll.u32 @p2 s12, $0x4  }
0x1a9: {  	v11 =	vld @p2 [tilespmem:s0+$0x2000];
	_ =	sdelay $0x3  }
0x1aa: {  	v12 =	vlaneseq.u32 @p2  }
0x1ab: {  	v12 =	vor.u32 @p2 s0, v12;
	v11 =	vshrl.u32 @p2 v11, $0xB  }
0x1ac: {  	vm0 =	vlt.s32 @p2 v12, s11;
	v11 =	vand.u32 @p2 $0x3FF, v11  }
0x1ad: {  	(xrf1) =	vunique.msk.u32 @p2 vm0, v11;
	_ =	sdelay $0xd  }
0x1ae: {  	_, v12, vm1 =	vpop @p2 (xrf1)  }
0x1af: {  	vm0 =	vmand @p2 vm0, vm1;
	_ =	sdelay $0x4  }
0x1b0: {  	s0 =	simm.s32 @p2 $0xA600  }
0x1b1: {  	s3 =	simm.s32 $0xA9F0;
	[tilespmem:v11+s0+$0x0] =	vst.idx.add.s32.msk @p2 vm0, v12  }
0x1b2: {  	v11 =	vld [tilespmem:s3+$0x0];
	_ =	sdelay $0x4  }
0x1b3: {  	v11 =	vperm.xlane v11, v6;
	_ =	sdelay $0x1  }
0x1b4: {  	(xrf0) =	vadd.scan.msk.s32 $0xffff, v11;
	_ =	sdelay $0x5  }
0x1b5: {  	s4 =	simm.s32 $0x0;
	v11, _, _ =	vpop (xrf0)  }
0x1b6: {  	v11 =	vadd.s32 s4, v11  }
0x1b7: {  	v62 =	vxor.u32 $0x80000000, v11  }
0x1b8: {  	(xrf0) =	vmax.scan.msk.u32 $0xffff, v62;
	_ =	sdelay $0x5  }
0x1b9: {  	v12, _, _ =	vpop (xrf0)  }
0x1ba: {  	(v2sf) =	vpush v12, $0xF;
	_ =	sdelay $0x2  }
0x1bb: {  	v63 =	vld [tilespmem:s3+$0xFFFFFFF0];
	_ =	sdelay $0x4  }
0x1bc: {  	v12 =	vperm.xlane v63, v6;
	_ =	sdelay $0x1  }
0x1bd: {  	(xrf0) =	vadd.scan.msk.s32 $0xffff, v12;
	_ =	sdelay $0x4  }
0x1be: {  	s30 =	spop (v2sf)  }
0x1bf: {  	v12, _, _ =	vpop (xrf0);
	s3 =	sxor.u32 $0x80000000, s30  }
0x1c0: {  	v12 =	vadd.s32 s3, v12  }
0x1c1: {  	v13 =	vxor.u32 $0x80000000, v12  }
0x1c2: {  	(xrf0) =	vmax.scan.msk.u32 $0xffff, v13;
	_ =	sdelay $0x1  }
0x1c3: {  	v11 =	vperm.xlane v11, v6;
	_ =	sdelay $0x2  }
0x1c4: {  	s0 =	simm.s32 $0xADF0  }
0x1c5: {  	[tilespmem:s0+$0x0] =	vst v11;
	v11, _, _ =	vpop (xrf0)  }
0x1c6: {  	v12 =	vperm.xlane v12, v6;
	(v2sf) =	vpush v11, $0xF  }
0x1c7: {  	s29 =	sxor.u32 $0x80000000, s1  }
0x1c8: {  	s1 =	ssub.s32 $0x100, s29;
	s4 =	simm.s32 $0xA9D0;
	s3 =	simm.s32 $0x0;
	[tilespmem:s0+$0xFFFFFFF0] =	vst v12  }
.LBB2_27:
0x1c9: {  	v11 =	vld [tilespmem:s4+$0x0];
	s3 =	sadd.s32 $0x2, s3  }
0x1ca: {  	p2 =	slt.u32 s3, $0x3E;
	_ =	sdelay $0x3  }
0x1cb: {  	v11 =	vperm.xlane v11, v6;
	_ =	sdelay $0x1  }
0x1cc: {  	(xrf0) =	vadd.scan.msk.s32 $0xffff, v11;
	_ =	sdelay $0x4  }
0x1cd: {  	s5 =	spop (v2sf)  }
0x1ce: {  	v11, _, _ =	vpop (xrf0);
	s5 =	sxor.u32 $0x80000000, s5  }
0x1cf: {  	v11 =	vadd.s32 s5, v11  }
0x1d0: {  	v12 =	vperm.xlane v11, v6;
	v11 =	vxor.u32 $0x80000000, v11  }
0x1d1: {  	s0 =	sadd.s32 $0xFFFFFFE0, s0;
	(xrf0) =	vmax.scan.msk.u32 $0xffff, v11  }
0x1d2: {  	[tilespmem:s0+$0x0] =	vst v12;
	_ =	sdelay $0x4  }
0x1d3: {  	v11, _, _ =	vpop (xrf0)  }
0x1d4: {  	(v2sf) =	vpush v11, $0xF;
	_ =	sdelay $0x2  }
0x1d5: {  	v11 =	vld [tilespmem:s4+$0xFFFFFFF0];
	_ =	sdelay $0x4  }
0x1d6: {  	v11 =	vperm.xlane v11, v6;
	_ =	sdelay $0x1  }
0x1d7: {  	(xrf0) =	vadd.scan.msk.s32 $0xffff, v11;
	_ =	sdelay $0x4  }
0x1d8: {  	s5 =	spop (v2sf)  }
0x1d9: {  	s5 =	sxor.u32 $0x80000000, s5;
	v11, _, _ =	vpop (xrf0)  }
0x1da: {  	v11 =	vadd.s32 s5, v11  }
0x1db: {  	v12 =	vperm.xlane v11, v6;
	v11 =	vxor.u32 $0x80000000, v11  }
0x1dc: {  	(xrf0) =	vmax.scan.msk.u32 $0xffff, v11  }
0x1dd: {  	[tilespmem:s0+$0xFFFFFFF0] =	vst v12;
	_ =	sdelay $0x3  }
.Ltmp15:
0x1de: {  	(pc) =	sbr.rel @p2 .LBB2_27-.Ltmp15, $3  }
0x1df: {  	v11, _, _ =	vpop (xrf0)  }
0x1e0: {  	(v2sf) =	vpush v11, $0xF;
	_ =	sdelay $0x1  }
0x1e1: {  	s4 =	sadd.s32 $0xFFFFFFE0, s4  }
0x1e2: {  	_ =	sdelay $0xb  }
0x1e3: {  	s0 =	spop (v2sf)  }
0x1e4: {  	s0 =	simm.s32 $0xAA20  }
0x1e5: {  	v12 =	vld [tilespmem:s0+$0xFFFFFFE0]  }
0x1e6: {  	v13 =	vld [tilespmem:s0+$0xFFFFFFF0];
	_ =	sdelay $0x2  }
0x1e7: {  	v11 =	vmov s1;
	s3 =	simm.s32 $0x0  }
0x1e8: {  	s29 =	simm.s32 $0x10;
	vm0 =	vlt.s32 v12, v11;
	v12 =	vor.u32 s3, v7  }
0x1e9: {  	v12 =	vsel vm0, $0x7FFFFFFF, v12;
	vm0 =	vlt.s32 v13, v11;
	v13 =	vor.u32 s29, v7  }
0x1ea: {  	(xrf0) =	vmax.scan.msk.u32 $0xffff, v12;
	v12 =	vsel vm0, $0x7FFFFFFF, v13  }
0x1eb: {  	v13 =	vld [tilespmem:s0+$0x0];
	(xrf0) =	vmax.scan.msk.u32 $0xffff, v12;
	_ =	sdelay $0x1  }
0x1ec: {  	s30 =	simm.s32 $0xAA60;
	v12 =	vld [tilespmem:s0+$0x10]  }
0x1ed: {  	v14 =	vld [tilespmem:s30+$0xFFFFFFE0]  }
0x1ee: {  	s6 =	simm.s32 $0x20;
	v15 =	vld [tilespmem:s30+$0xFFFFFFF0]  }
0x1ef: {  	vm0 =	vlt.s32 v13, v11;
	v13 =	vor.u32 s6, v7;
	v16, _, _ =	vpop (xrf0)  }
0x1f0: {  	s8 =	simm.s32 $0x30;
	v17 =	vld [tilespmem:s30+$0x0];
	v13 =	vsel vm0, $0x7FFFFFFF, v13;
	(v2sf) =	vpush v16, $0xF;
	v16, _, _ =	vpop (xrf0)  }
0x1f1: {  	s9 =	simm.s32 $0x40;
	s4 =	simm.s32 $0xAAA0;
	vm0 =	vlt.s32 v12, v11;
	v12 =	vor.u32 s8, v7;
	(v2sf) =	vpush v16, $0xF;
	v16 =	vld [tilespmem:s30+$0x10]  }
0x1f2: {  	(xrf0) =	vmax.scan.msk.u32 $0xffff, v13;
	v12 =	vsel vm0, $0x7FFFFFFF, v12;
	vm0 =	vlt.s32 v14, v11;
	v13 =	vor.u32 s9, v7;
	v14 =	vld [tilespmem:s4+$0xFFFFFFE0]  }
0x1f3: {  	s10 =	simm.s32 $0x50;
	(xrf0) =	vmax.scan.msk.u32 $0xffff, v12;
	v12 =	vsel vm0, $0x7FFFFFFF, v13;
	vm0 =	vlt.s32 v15, v11;
	v15 =	vld [tilespmem:s4+$0xFFFFFFF0]  }
0x1f4: {  	s13 =	simm.s32 $0x60;
	v13 =	vor.u32 s10, v7  }
0x1f5: {  	s16 =	simm.s32 $0x70;
	(xrf0) =	vmax.scan.msk.u32 $0xffff, v12;
	v12 =	vsel vm0, $0x7FFFFFFF, v13;
	vm0 =	vlt.s32 v17, v11;
	v13 =	vor.u32 s13, v7  }
0x1f6: {  	s17 =	simm.s32 $0x80;
	(xrf0) =	vmax.scan.msk.u32 $0xffff, v12;
	v12 =	vsel vm0, $0x7FFFFFFF, v13;
	v13 =	vor.u32 s16, v7;
	vm0 =	vlt.s32 v16, v11  }
0x1f7: {  	s26 =	simm.s32 $0x90;
	(xrf0) =	vmax.scan.msk.u32 $0xffff, v12;
	v13 =	vsel vm0, $0x7FFFFFFF, v13;
	vm0 =	vlt.s32 v14, v11;
	v14 =	vor.u32 s17, v7  }
0x1f8: {  	(xrf0) =	vmax.scan.msk.u32 $0xffff, v13;
	v13 =	vsel vm0, $0x7FFFFFFF, v14;
	vm0 =	vlt.s32 v15, v11;
	v15 =	vor.u32 s26, v7  }
0x1f9: {  	v16, _, _ =	vpop (xrf0);
	(xrf0) =	vmax.scan.msk.u32 $0xffff, v13;
	v15 =	vsel vm0, $0x7FFFFFFF, v15  }
0x1fa: {  	(v2sf) =	vpush v16, $0xF;
	v16, _, _ =	vpop (xrf0)  }
0x1fb: {  	(v2sf) =	vpush v16, $0xF;
	v16, _, _ =	vpop (xrf0)  }
0x1fc: {  	v12 =	vld [tilespmem:s4+$0x0];
	(v2sf) =	vpush v16, $0xF;
	(xrf0) =	vmax.scan.msk.u32 $0xffff, v15;
	v15, _, _ =	vpop (xrf0)  }
0x1fd: {  	(v2sf) =	vpush v15, $0xF;
	v15, _, _ =	vpop (xrf0)  }
0x1fe: {  	s8 =	simm.s32 $0xAAE0;
	v14 =	vld [tilespmem:s4+$0x10];
	(v2sf) =	vpush v15, $0xF;
	v15, _, _ =	vpop (xrf0)  }
0x1ff: {  	v13 =	vld [tilespmem:s8+$0xFFFFFFE0];
	s6 =	spop (v2sf);
	(v2sf) =	vpush v15, $0xF;
	v15, _, _ =	vpop (xrf0)  }
0x200: {  	s29 =	simm.s32 $0xA0;
	(v2sf) =	vpush v15, $0xF  }
0x201: {  	vm0 =	vlt.s32 v12, v11;
	v12 =	vor.u32 s29, v7;
	v16 =	vld [tilespmem:s8+$0xFFFFFFF0]  }
0x202: {  	s30 =	simm.s32 $0xB0;
	v12 =	vsel vm0, $0x7FFFFFFF, v12  }
0x203: {  	s0 =	simm.s32 $0xC0;
	(xrf0) =	vmax.scan.msk.u32 $0xffff, v12;
	vm0 =	vlt.s32 v14, v11;
	v14 =	vor.u32 s30, v7  }
0x204: {  	s5 =	simm.s32 $0xFFFFFFFF;
	s3 =	simm.s32 $0xC;
	v12 =	vld [tilespmem:s8+$0x0];
	v14 =	vsel vm0, $0x7FFFFFFF, v14;
	vm0 =	vlt.s32 v13, v11;
	v13 =	vor.u32 s0, v7  }
0x205: {  	s9 =	simm.s32 $0xD0;
	s4 =	simm.s32 $0xAB20;
	(xrf0) =	vmax.scan.msk.u32 $0xffff, v14;
	v17 =	vsel vm0, $0x7FFFFFFF, v13;
	s6 =	sxor.u32 $0x80000000, s6  }
0x206: {  	v13 =	vld [tilespmem:s8+$0x10];
	vm0 =	vlt.s32 v16, v11;
	v14 =	vor.u32 s9, v7;
	s8 =	simm.s32 $0xE0;
	(xrf0) =	vmax.scan.msk.u32 $0xffff, v17;
	v15, _, _ =	vpop (xrf0);
	s9 =	spop (v2sf);
	p3 =	slt.s32 s6, $0xFFFFFFFF  }
.LBB2_29:
0x207: {  	s3 =	sadd.s32 $0x4, s3  }
0x208: {  	v16 =	vld [tilespmem:s4+$0xFFFFFFE0];
	v17 =	vsel vm0, $0x7FFFFFFF, v14;
	(v2sf) =	vpush v15, $0xF;
	s6 =	smov.u32 @p3 s5;
	s5 =	sxor.u32 $0x80000000, s9;
	s9 =	smov.u32 s4  }
0x209: {  	p2 =	slt.u32 s3, $0x3C;
	vm0 =	vlt.s32 v12, v11;
	v12 =	vor.u32 s8, v7;
	(xrf0) =	vmax.scan.msk.u32 $0xffff, v17;
	v14, _, _ =	vpop (xrf0);
	p3 =	sgt.s32 s6, s5;
	s8 =	spop (v2sf)  }
0x20a: {  	s10 =	sadd.s32 $0x30, s0;
	v15 =	vld [tilespmem:s4+$0xFFFFFFF0];
	v12 =	vsel vm0, $0x7FFFFFFF, v12;
	(v2sf) =	vpush v14, $0xF;
	s5 =	smov.u32 @p3 s6;
	s8 =	sxor.u32 $0x80000000, s8  }
.Ltmp16:
0x20b: {  	vm0 =	vlt.s32 v13, v11;
	v13 =	vor.u32 s10, v7;
	(xrf0) =	vmax.scan.msk.u32 $0xffff, v12;
	v14, _, _ =	vpop (xrf0);
	p3 =	sgt.s32 s5, s8;
	s6 =	spop (v2sf);
	(pc) =	sbr.rel @p2 .LBB2_29-.Ltmp16, $4  }
0x20c: {  	s0 =	sadd.s32 $0x40, s0;
	v12 =	vld [tilespmem:s4+$0x0];
	v13 =	vsel vm0, $0x7FFFFFFF, v13;
	(v2sf) =	vpush v14, $0xF;
	s8 =	smov.u32 @p3 s5;
	s5 =	sxor.u32 $0x80000000, s6  }
0x20d: {  	v14 =	vor.u32 s0, v7;
	s4 =	sadd.s32 $0x40, s4;
	vm0 =	vlt.s32 v16, v11;
	v16, _, _ =	vpop (xrf0);
	(xrf0) =	vmax.scan.msk.u32 $0xffff, v13;
	s6 =	spop (v2sf);
	p3 =	sgt.s32 s8, s5  }
0x20e: {  	s10 =	sadd.s32 $0x10, s0;
	v17 =	vsel vm0, $0x7FFFFFFF, v14;
	v13 =	vld [tilespmem:s9+$0x10];
	(v2sf) =	vpush v16, $0xF;
	s6 =	sxor.u32 $0x80000000, s6;
	s5 =	smov.u32 @p3 s8  }
0x20f: {  	v14 =	vor.u32 s10, v7;
	s8 =	sadd.s32 $0x20, s0;
	vm0 =	vlt.s32 v15, v11;
	(xrf0) =	vmax.scan.msk.u32 $0xffff, v17;
	v15, _, _ =	vpop (xrf0);
	p3 =	sgt.s32 s5, s6;
	s9 =	spop (v2sf)  }
0x210: {  	v14 =	vsel vm0, $0x7FFFFFFF, v14;
	(v2sf) =	vpush v15, $0xF;
	s6 =	smov.u32 @p3 s5;
	s3 =	sxor.u32 $0x80000000, s9  }
0x211: {  	v60 =	vor.u32 s8, v7;
	s4 =	spop (v2sf);
	vm14 =	vlt.s32 v12, v11;
	(xrf0) =	vmax.scan.msk.u32 $0xffff, v14;
	v61, _, _ =	vpop (xrf0);
	p2 =	sgt.s32 s6, s3  }
0x212: {  	s0 =	sadd.s32 $0x30, s0;
	s4 =	sxor.u32 $0x80000000, s4;
	v12 =	vsel vm14, $0x7FFFFFFF, v60;
	(v2sf) =	vpush v61, $0xF;
	s3 =	smov.u32 @p2 s6  }
0x213: {  	s16 =	spop (v2sf);
	vm15 =	vlt.s32 v13, v11;
	v11 =	vor.u32 s0, v7;
	(xrf0) =	vmax.scan.msk.u32 $0xffff, v12;
	v62, _, _ =	vpop (xrf0);
	p2 =	sgt.s32 s3, s4  }
0x214: {  	s0 =	sxor.u32 $0x80000000, s16;
	v11 =	vsel vm15, $0x7FFFFFFF, v11;
	(v2sf) =	vpush v62, $0xF;
	s4 =	smov.u32 @p2 s3  }
0x215: {  	s17 =	spop (v2sf);
	v63, _, _ =	vpop (xrf0);
	(xrf0) =	vmax.scan.msk.u32 $0xffff, v11;
	p2 =	sgt.s32 s4, s0  }
0x216: {  	s3 =	sxor.u32 $0x80000000, s17;
	(v2sf) =	vpush v63, $0xF;
	s0 =	smov.u32 @p2 s4  }
0x217: {  	v11, _, _ =	vpop (xrf0);
	p2 =	sgt.s32 s0, s3;
	s26 =	spop (v2sf)  }
0x218: {  	(v2sf) =	vpush v11, $0xF;
	s3 =	smov.u32 @p2 s0;
	s0 =	sxor.u32 $0x80000000, s26  }
0x219: {  	v11, _, _ =	vpop (xrf0);
	p2 =	sgt.s32 s3, s0;
	s30 =	spop (v2sf)  }
0x21a: {  	(v2sf) =	vpush v11, $0xF;
	s0 =	smov.u32 @p2 s3;
	s3 =	sxor.u32 $0x80000000, s30  }
0x21b: {  	v11, _, _ =	vpop (xrf0);
	p2 =	sgt.s32 s0, s3;
	s5 =	spop (v2sf)  }
0x21c: {  	(v2sf) =	vpush v11, $0xF;
	s3 =	smov.u32 @p2 s0;
	s0 =	sxor.u32 $0x80000000, s5  }
0x21d: {  	s6 =	spop (v2sf);
	p2 =	sgt.s32 s3, s0  }
0x21e: {  	s4 =	sxor.u32 $0x80000000, s6;
	s0 =	smov.u32 @p2 s3  }
0x21f: {  	p2 =	sgt.s32 s0, s4;
	s8 =	spop (v2sf)  }
0x220: {  	s4 =	smov.u32 @p2 s0;
	s0 =	sxor.u32 $0x80000000, s8  }
0x221: {  	p2 =	sgt.s32 s4, s0;
	s9 =	spop (v2sf)  }
0x222: {  	s0 =	smov.u32 @p2 s4;
	s3 =	sxor.u32 $0x80000000, s9  }
0x223: {  	p2 =	sgt.s32 s0, s3;
	s10 =	spop (v2sf)  }
0x224: {  	s3 =	smov.u32 @p2 s0;
	s0 =	sxor.u32 $0x80000000, s10  }
0x225: {  	s13 =	spop (v2sf);
	p2 =	sgt.s32 s3, s0  }
0x226: {  	s4 =	sxor.u32 $0x80000000, s13;
	s0 =	smov.u32 @p2 s3  }
0x227: {  	p2 =	sgt.s32 s0, s4;
	s16 =	spop (v2sf)  }
0x228: {  	s4 =	smov.u32 @p2 s0;
	s0 =	sxor.u32 $0x80000000, s16  }
0x229: {  	p2 =	sgt.s32 s4, s0;
	s17 =	spop (v2sf)  }
0x22a: {  	s0 =	smov.u32 @p2 s4;
	s3 =	sxor.u32 $0x80000000, s17  }
0x22b: {  	p2 =	sgt.s32 s0, s3;
	s26 =	spop (v2sf)  }
0x22c: {  	s3 =	smov.u32 @p2 s0;
	s29 =	sxor.u32 $0x80000000, s26  }
0x22d: {  	p2 =	sgt.s32 s3, s29  }
0x22e: {  	s29 =	smov.u32 @p2 s3  }
0x22f: {  	s30 =	sadd.s32 $0x1, s29  }
0x230: {  	v11 =	vmov s30;
	_ =	sdelay $0x4  }
0x231: {  	v11 =	vld.idx.msk [tilespmem:v11+s19+$0x0], $0xffff;
	_ =	sdelay $0x4  }
0x232: {  	v11 =	vxor.u32 $0x80000000, v11  }
0x233: {  	(xrf0) =	vmax.scan.msk.u32 $0xffff, v11;
	_ =	sdelay $0x5  }
0x234: {  	v11, _, _ =	vpop (xrf0)  }
0x235: {  	(v2sf) =	vpush v11, $0xF;
	_ =	sdelay $0xa  }
.Ltmp17:
0x236: {  	_ = 	snop;
	(pc) =	sbr.rel @p1 .LBB2_31-.Ltmp17, $2  }
0x237: {  	_ =	sdelay $0x2  }
0x238: {  	s5 =	spop (v2sf)  }
0x239: {  	s0 =	simm.s32 $0x2010  }
0x23a: {  	v11 =	vld [tilespmem:s0+$0x0]  }
0x23b: {  	v14 =	vld [tilespmem:s0+$0xFFFFFFF0];
	_ =	sdelay $0x2  }
0x23c: {  	s3 =	simm.s32 $0x10  }
0x23d: {  	v12 =	vmov s29;
	v13 =	vor.u32 s3, v0;
	v15 =	vshrl.u32 v11, $0xB  }
0x23e: {  	s30 =	simm.s32 $0x0;
	p3 =	sgt.s32 s12, $0x2;
	vm0 =	vlt.s32 v13, v10;
	v13 =	vshrl.u32 v14, $0xB;
	v15 =	vand.u32 $0x3FF, v15  }
.Ltmp18:
0x23f: {  	v16 =	vor.u32 s30, v0;
	v13 =	vand.u32 $0x3FF, v13;
	vm1 =	vgt.s32 v15, v12;
	(pc) =	sbr.rel @!p3 .LBB2_38-.Ltmp18, $4  }
0x240: {  	vm2 =	vlt.s32 v16, v10;
	vm4 =	vgt.s32 v13, v12;
	vm3 =	vmand vm0, vm1  }
0x241: {  	vm6 =	vmand vm2, vm4;
	vm1 =	veq.s32 v13, v12;
	v13 =	vsel vm3, $0x1, v5  }
0x242: {  	s13 =	simm.s32 $0x0;
	s8 =	simm.s32 $0x4010;
	vm4 =	vmand vm2, vm1;
	v63 =	vsel vm6, $0x1, v5;
	vm1 =	veq.s32 v15, v12;
	(xrf0) =	vadd.scan.msk.s32 $0xffff, v13  }
0x243: {  	p1 =	por $0x0, $0x0;
	p2 =	por $0x0, $0x0;
	s0 =	simm.s32 $0x2030;
	v20 =	vsel vm4, $0x1, v5;
	vm5 =	vmand vm0, vm1;
	(xrf0) =	vadd.scan.msk.s32 $0xffff, v63  }
0x244: {  	v13 =	vld [tilespmem:s0+$0x0];
	v16 =	vsel vm5, $0x1, v5;
	(xrf0) =	vadd.scan.msk.s32 $0xffff, v20;
	s30 =	simm.s32 $0x30  }
0x245: {  	v15 =	vld [tilespmem:s0+$0xFFFFFFF0];
	(xrf0) =	vadd.scan.msk.s32 $0xffff, v16;
	v16 =	vor.u32 s30, v0;
	_ =	sdelay $0x1  }
0x246: {  	vm7 =	vmmov vm6;
	vm1 =	vmmov vm3;
	vm2 =	vmmov vm4;
	s3 =	simm.s32 $0x20  }
0x247: {  	vm0 =	vmmov vm5;
	v17 =	vor.u32 s3, v0;
	vm5 =	vlt.s32 v16, v10;
	v16, _, _ =	vpop (xrf0)  }
0x248: {  	vm4 =	vlt.s32 v17, v10;
	v17 =	vshrl.u32 v13, $0xB;
	v18, _, _ =	vpop (xrf0);
	(v2sf) =	vpush v16, $0xF  }
0x249: {  	p3 =	sgt.s32 s12, $0x4;
	v16 =	vshrl.u32 v15, $0xB;
	v17 =	vand.u32 $0x3FF, v17;
	(v2sf) =	vpush v18, $0xF;
	v18, _, _ =	vpop (xrf0)  }
.Ltmp19:
0x24a: {  	v16 =	vand.u32 $0x3FF, v16;
	vm3 =	vgt.s32 v17, v12;
	(v2sf) =	vpush v18, $0xF;
	(pc) =	sbr.rel @!p3 .LBB2_40-.Ltmp19, $4  }
0x24b: {  	v18, _, _ =	vpop (xrf0);
	vm6 =	vgt.s32 v16, v12;
	vm8 =	veq.s32 v16, v12;
	vm3 =	vmand vm5, vm3  }
0x24c: {  	(v2sf) =	vpush v18, $0xF;
	vm6 =	vmand vm4, vm6;
	v16 =	vsel vm3, $0x1, v5  }
0x24d: {  	vm4 =	vmand vm4, vm8;
	vm8 =	veq.s32 v17, v12;
	v18 =	vsel vm6, $0x1, v5;
	(xrf0) =	vadd.scan.msk.s32 $0xffff, v16  }
0x24e: {  	s0 =	simm.s32 $0x2050;
	p1 =	por $0x1, $0x1;
	vm9 =	vmmov vm7;
	v20 =	vsel vm4, $0x1, v5;
	vm5 =	vmand vm5, vm8;
	v16 =	vld [tilespmem:s8+$0xFFFFFFF0];
	(xrf0) =	vadd.scan.msk.s32 $0xffff, v18  }
0x24f: {  	v19 =	vld [tilespmem:s0+$0x0]  }
0x250: {  	v18 =	vsel vm5, $0x1, v5;
	(xrf0) =	vadd.scan.msk.s32 $0xffff, v20;
	v17 =	vld [tilespmem:s0+$0xFFFFFFF0];
	s0 =	simm.s32 $0x50  }
0x251: {  	vm7 =	vmmov vm1;
	vm10 =	vmmov vm6;
	(xrf0) =	vadd.scan.msk.s32 $0xffff, v18;
	v18 =	vor.u32 s0, v0  }
0x252: {  	vm1 =	vmmov vm3;
	vm6 =	vmmov vm2;
	vm2 =	vmmov vm4;
	s3 =	simm.s32 $0x40  }
0x253: {  	vm8 =	vmmov vm0;
	vm0 =	vmmov vm5;
	v20 =	vor.u32 s3, v0  }
0x254: {  	vm5 =	vlt.s32 v18, v10;
	vm4 =	vlt.s32 v20, v10;
	v18, _, _ =	vpop (xrf0);
	v20 =	vshrl.u32 v19, $0xB  }
0x255: {  	[tilespmem:s7+$0xA000] =	vst.msk vm9, v14;
	v21, _, _ =	vpop (xrf0);
	(v2sf) =	vpush v18, $0xF;
	v18 =	vshrl.u32 v17, $0xB;
	v20 =	vand.u32 $0x3FF, v20  }
0x256: {  	p3 =	sgt.s32 s12, $0x6;
	[tilespmem:s7+$0xA180] =	vst.msk vm9, v16;
	(v2sf) =	vpush v21, $0xF;
	v21, _, _ =	vpop (xrf0);
	v18 =	vand.u32 $0x3FF, v18;
	vm3 =	vgt.s32 v20, v12  }
.Ltmp20:
0x257: {  	[tilespmem:s13+$0x6000] =	vst.msk vm6, v14;
	(v2sf) =	vpush v21, $0xF;
	v21, _, _ =	vpop (xrf0);
	vm9 =	vgt.s32 v18, v12;
	vm3 =	vmand vm5, vm3;
	(pc) =	sbr.rel @!p3 .LBB2_42-.Ltmp20, $4  }
0x258: {  	[tilespmem:s13+$0x8000] =	vst.msk vm6, v16;
	(v2sf) =	vpush v21, $0xF;
	s3 =	spop (v2sf);
	vm6 =	vmand vm4, vm9;
	vm9 =	veq.s32 v18, v12;
	v18 =	vld [tilespmem:s8+$0x0]  }
0x259: {  	s4 =	simm.s32 $0x6;
	s26 =	simm.s32 $0x2070;
	v14 =	vsel vm3, $0x1, v5;
	s6 =	spop (v2sf)  }
0x25a: {  	s30 =	simm.s32 $0x4030;
	p2 =	por $0x1, $0x1;
	vm4 =	vmand vm4, vm9;
	v16 =	vsel vm6, $0x1, v5;
	vm9 =	veq.s32 v20, v12;
	(xrf0) =	vadd.scan.msk.s32 $0xffff, v14;
	s10 =	spop (v2sf)  }
0x25b: {  	s9 =	sadd.s32 s7, s6;
	v20 =	vsel vm4, $0x1, v5;
	vm5 =	vmand vm5, vm9;
	vm9 =	vmmov vm10;
	(xrf0) =	vadd.scan.msk.s32 $0xffff, v16;
	v16 =	vld [tilespmem:s30+$0xFFFFFFF0];
	s6 =	sadd.s32 $0x0, s10;
	s10 =	spop (v2sf)  }
.LBB2_43:
0x25c: {  	v14 =	vld [tilespmem:s26+$0x0];
	v21 =	vsel vm5, $0x1, v5;
	(xrf0) =	vadd.scan.msk.s32 $0xffff, v20;
	[tilespmem:s9+$0xA000] =	vst.msk vm7, v11;
	s16 =	sadd.s32 s9, s3;
	s10 =	sadd.s32 s6, s10;
	vm10 =	vmmov vm6  }
0x25d: {  	v20 =	vld [tilespmem:s26+$0xFFFFFFF0];
	(xrf0) =	vadd.scan.msk.s32 $0xffff, v21;
	[tilespmem:s9+$0xA180] =	vst.msk vm7, v18;
	vm7 =	vmmov vm1;
	vm1 =	vmmov vm3  }
0x25e: {  	s4 =	sadd.s32 $0x2, s4;
	s0 =	sadd.s32 $0x20, s0;
	vm3 =	vmmov vm2;
	vm2 =	vmmov vm4;
	[tilespmem:s6+$0x6000] =	vst.msk vm8, v11;
	v11 =	vmovc v13;
	v13 =	vmov v19  }
0x25f: {  	s3 =	sadd.s32 $0xFFFFFFF0, s0;
	v22 =	vor.u32 s0, v0;
	p3 =	slt.s32 s4, s12;
	[tilespmem:s6+$0x8000] =	vst.msk vm8, v18;
	vm8 =	vmmov vm0;
	vm0 =	vmmov vm5  }
0x260: {  	v25 =	vor.u32 s3, v0;
	vm5 =	vlt.s32 v22, v10;
	v19, _, _ =	vpop (xrf0);
	[tilespmem:s16+$0xA000] =	vst.msk vm9, v15  }
0x261: {  	vm4 =	vlt.s32 v25, v10;
	v23 =	vshrl.u32 v14, $0xB;
	v21, _, _ =	vpop (xrf0);
	(v2sf) =	vpush v19, $0xF;
	[tilespmem:s16+$0xA180] =	vst.msk vm9, v16  }
0x262: {  	v24 =	vshrl.u32 v20, $0xB;
	v22 =	vand.u32 $0x3FF, v23;
	(v2sf) =	vpush v21, $0xF;
	v18, _, _ =	vpop (xrf0);
	[tilespmem:s10+$0x6000] =	vst.msk vm3, v15  }
.Ltmp21:
0x263: {  	v21 =	vand.u32 $0x3FF, v24;
	vm6 =	vgt.s32 v22, v12;
	(v2sf) =	vpush v18, $0xF;
	v15, _, _ =	vpop (xrf0);
	[tilespmem:s10+$0x8000] =	vst.msk vm3, v16;
	(pc) =	sbr.rel @p3 .LBB2_43-.Ltmp21, $4  }
0x264: {  	v19 =	vmovc v14;
	vm9 =	vgt.s32 v21, v12;
	vm3 =	vmand vm5, vm6;
	(v2sf) =	vpush v15, $0xF;
	v18 =	vld [tilespmem:s30+$0x0];
	s3 =	spop (v2sf);
	v15 =	vmovc v17  }
0x265: {  	v17 =	vmovc v20;
	vm6 =	vmand vm4, vm9;
	vm9 =	veq.s32 v21, v12;
	v14 =	vsel vm3, $0x1, v5;
	s6 =	spop (v2sf)  }
0x266: {  	s26 =	sadd.s32 $0x20, s26;
	s30 =	sadd.s32 $0x20, s30;
	vm4 =	vmand vm4, vm9;
	v16 =	vsel vm6, $0x1, v5;
	vm9 =	veq.s32 v22, v12;
	(xrf0) =	vadd.scan.msk.s32 $0xffff, v14;
	s17 =	spop (v2sf)  }
0x267: {  	s9 =	sadd.s32 s16, s6;
	v20 =	vsel vm4, $0x1, v5;
	vm5 =	vmand vm5, vm9;
	(xrf0) =	vadd.scan.msk.s32 $0xffff, v16;
	v16 =	vld [tilespmem:s30+$0xFFFFFFF0];
	s6 =	sadd.s32 s10, s17;
	s10 =	spop (v2sf);
	vm9 =	vmmov vm10  }
0x268: {  	v12 =	vmovc v11;
	v10 =	vmovc v13;
	v11 =	vmov v19;
	v19 =	vmov v15;
	v14 =	vmov v17  }
.LBB2_45:
0x269: {  	(xrf0) =	vadd.scan.msk.s32 $0xffff, v20  }
0x26a: {  	v13 =	vsel vm5, $0x1, v5  }
0x26b: {  	(xrf0) =	vadd.scan.msk.s32 $0xffff, v13  }
0x26c: {  	v60, _, _ =	vpop (xrf0)  }
0x26d: {  	v15, _, _ =	vpop (xrf0);
	(v2sf) =	vpush v60, $0xF  }
0x26e: {  	(v2sf) =	vpush v15, $0xF  }
0x26f: {  	[tilespmem:s9+$0xA000] =	vst.msk @p2 vm7, v12;
	v61, _, _ =	vpop (xrf0)  }
0x270: {  	s0 =	sadd.s32 @p2 s9, s3;
	s3 =	smov.u32 s7;
	[tilespmem:s9+$0xA180] =	vst.msk @p2 vm7, v18;
	(v2sf) =	vpush v61, $0xF  }
0x271: {  	s3 =	smov.u32 @p2 s0;
	[tilespmem:s6+$0x6000] =	vst.msk @p2 vm8, v12;
	v62, _, _ =	vpop (xrf0)  }
0x272: {  	v12 =	vld @p1 [tilespmem:s30+$0x0];
	[tilespmem:s3+$0xA000] =	vst.msk @p1 vm9, v19;
	(v2sf) =	vpush v62, $0xF  }
0x273: {  	s4 =	simm.s32 $0x0;
	s0 =	sadd.s32 @p2 s6, s10;
	[tilespmem:s6+$0x8000] =	vst.msk @p2 vm8, v18;
	s6 =	spop @p1 (v2sf)  }
0x274: {  	vm2 =	vmmov @p1 vm2;
	s4 =	smov.u32 @p2 s0;
	[tilespmem:s3+$0xA180] =	vst.msk @p1 vm9, v16;
	s0 =	spop @p1 (v2sf)  }
0x275: {  	vm1 =	vmmov @p1 vm1;
	s9 =	sadd.s32 @p1 $0x20, s30;
	[tilespmem:s4+$0x6000] =	vst.msk @p1 vm2, v19;
	s0 =	sadd.s32 @p1 s3, s0  }
0x276: {  	v10 =	vpsel p1, v10, v0;
	vm1 =	vmmov @p1 vm1;
	s8 =	smov.u32 @p1 s9;
	s10 =	spop @p1 (v2sf);
	[tilespmem:s4+$0x8000] =	vst.msk @p1 vm2, v16;
	s0 =	smov.u32 @p1 s0  }
0x277: {  	vm0 =	vmmov @p1 vm0;
	v63 =	vld [tilespmem:s8+$0xFFFFFFF0];
	s3 =	sadd.s32 @p1 s4, s10;
	v12 =	vpsel p1, v12, v0;
	[tilespmem:s0+$0xA000] =	vst.msk @p1 vm1, v10  }
0x278: {  	vm0 =	vmmov @p1 vm0;
	s4 =	smov.u32 @p1 s6;
	s3 =	smov.u32 @p1 s3;
	[tilespmem:s0+$0xA180] =	vst.msk @p1 vm1, v12  }
0x279: {  	vm12 =	vmmov vm6;
	s6 =	spop @p1 (v2sf);
	s0 =	sadd.s32 @p1 s0, s4;
	[tilespmem:s3+$0x6000] =	vst.msk @p1 vm0, v10  }
0x27a: {  	vm1 =	vmmov vm12;
	s4 =	smov.u32 @p1 s6;
	s7 =	smov.u32 @p1 s0;
	[tilespmem:s3+$0x8000] =	vst.msk @p1 vm0, v12  }
0x27b: {  	vm13 =	vmmov vm4;
	s0 =	sadd.s32 @p1 s3, s4;
	v10 =	vld [tilespmem:s8+$0x0];
	[tilespmem:s7+$0xA000] =	vst.msk vm1, v14  }
0x27c: {  	vm0 =	vmmov vm13;
	s13 =	smov.u32 @p1 s0;
	[tilespmem:s7+$0xA180] =	vst.msk vm1, v63;
	s16 =	spop (v2sf)  }
0x27d: {  	vm14 =	vmmov vm3;
	[tilespmem:s13+$0x6000] =	vst.msk vm0, v14;
	s17 =	spop (v2sf)  }
.Ltmp22:
0x27e: {  	vm1 =	vmmov vm14;
	[tilespmem:s13+$0x8000] =	vst.msk vm0, v63;
	s3 =	sadd.s32 s7, s17;
	(pc) =	sbr.rel .LBB2_32-.Ltmp22, $4  }
0x27f: {  	vm15 =	vmmov vm5;
	s26 =	spop (v2sf);
	[tilespmem:s3+$0xA000] =	vst.msk vm1, v11  }
0x280: {  	vm0 =	vmmov vm15;
	s4 =	sadd.s32 s13, s26;
	[tilespmem:s3+$0xA180] =	vst.msk vm1, v10  }
0x281: {  	s30 =	spop (v2sf);
	[tilespmem:s4+$0x6000] =	vst.msk vm0, v11  }
0x282: {  	s7 =	sadd.s32 s3, s16;
	s0 =	sadd.s32 s4, s30;
	[tilespmem:s4+$0x8000] =	vst.msk vm0, v10  }
.LBB2_31:
0x283: {  	s0 =	simm.s32 $0x0  }
.LBB2_32:
0x284: {  	p1 =	slt.s32 s28, $0x1  }
0x285: {  	s3 =	sshll.u32 @!p1 s12, $0x4  }
0x286: {  	v10 =	vld @!p1 [tilespmem:s3+$0x2000];
	_ =	sdelay $0x4  }
0x287: {  	v12 =	vlaneseq.u32 @!p1;
	v11 =	vshrl.u32 @!p1 v10, $0xB  }
0x288: {  	v12 =	vor.u32 @!p1 s3, v12;
	v11 =	vand.u32 @!p1 $0x3FF, v11  }
0x289: {  	vm0 =	vlt.s32 @!p1 v12, s11;
	vm1 =	veq.s32 @!p1 v11, s29  }
0x28a: {  	vm2 =	vgt.s32 @!p1 v11, s29;
	v11 =	vimm.s32 @!p1 $0x0;
	vm1 =	vmand @!p1 vm0, vm1  }
0x28b: {  	v12 =	vsel @!p1 vm1, $0x1, v11  }
0x28c: {  	(xrf0) =	vadd.scan.msk.s32 @!p1 $0xffff, v12  }
0x28d: {  	vm0 =	vmand @!p1 vm0, vm2  }
0x28e: {  	v11 =	vsel @!p1 vm0, $0x1, v11  }
0x28f: {  	(xrf0) =	vadd.scan.msk.s32 @!p1 $0xffff, v11;
	_ =	sdelay $0x2  }
0x290: {  	v11, _, _ =	vpop @!p1 (xrf0)  }
0x291: {  	(v2sf) =	vpush @!p1 v11, $0xF;
	_ =	sdelay $0x1  }
0x292: {  	v11, _, _ =	vpop @!p1 (xrf0)  }
0x293: {  	(v2sf) =	vpush @!p1 v11, $0xF;
	_ =	sdelay $0x6  }
0x294: {  	v11 =	vld @!p1 [tilespmem:s3+$0x4000];
	_ =	sdelay $0x3  }
0x295: {  	[tilespmem:s7+$0xA000] =	vst.msk @!p1 vm0, v10  }
0x296: {  	[tilespmem:s7+$0xA180] =	vst.msk @!p1 vm0, v11;
	s3 =	spop @!p1 (v2sf)  }
0x297: {  	[tilespmem:s0+$0x6000] =	vst.msk @!p1 vm1, v10;
	s11 =	sadd.s32 @!p1 s0, s3  }
0x298: {  	[tilespmem:s0+$0x8000] =	vst.msk @!p1 vm1, v11;
	s11 =	smov.u32 @p1 s0;
	s0 =	simm.s32 $0xA620  }
0x299: {  	s4 =	spop @!p1 (v2sf);
	[tilespmem:s0+$0xFFFFFFE0] =	vst v5  }
0x29a: {  	s28 =	sadd.s32 @!p1 s7, s4;
	[tilespmem:s0+$0x10] =	vst v5  }
0x29b: {  	s5 =	sxor.u32 $0x80000000, s5;
	s3 =	simm.s32 $0x0;
	s28 =	smov.u32 @p1 s7;
	[tilespmem:s0+$0x0] =	vst v5  }
.LBB2_33:
0x29c: {  	s3 =	sadd.s32 $0x4, s3  }
0x29d: {  	[tilespmem:s0+$0xFFFFFFF0] =	vst v5;
	s0 =	sadd.s32 $0x40, s0;
	p1 =	slt.u32 s3, $0x3C  }
.Ltmp23:
0x29e: {  	[tilespmem:s0+$0xFFFFFFE0] =	vst v5;
	(pc) =	sbr.rel @p1 .LBB2_33-.Ltmp23, $3  }
0x29f: {  	_ =	sdelay $0x1  }
0x2a0: {  	[tilespmem:s0+$0x10] =	vst v5  }
0x2a1: {  	[tilespmem:s0+$0x0] =	vst v5  }
0x2a2: {  	s3 =	sadd.s32 $0xF, s11  }
0x2a3: {  	s4 =	sand.u32 $0xF, s3  }
0x2a4: {  	s30 =	sshra.s32 s3, $0x1F;
	p2 =	slt.s32 s3, $0x1;
	p1 =	sne.s32 s4, $0x0  }
0x2a5: {  	s4 =	sshrl.u32 s30, $0x1C;
	p1 =	por !p2, !p1  }
0x2a6: {  	s3 =	sadd.s32 s4, s3;
	s4 =	simm.s32 $0x1;
	p1 =	por !p1, !p1  }
0x2a7: {  	s3 =	sshra.s32 s3, $0x4;
	s4 =	simm.s32 @!p1 $0x0  }
0x2a8: {  	s7 =	ssub.s32 s3, s4  }
0x2a9: {  	s3 =	sshrl.u32 s7, $0x1F  }
0x2aa: {  	s3 =	sadd.s32 s3, s7  }
0x2ab: {  	s12 =	sand.u32 $0xFFFFFFFE, s3  }
0x2ac: {  	p1 =	slt.s32 s12, $0x1  }
.Ltmp24:
0x2ad: {  	_ = 	snop;
	(pc) =	sbr.rel @p1 .LBB2_55-.Ltmp24, $2  }
0x2ae: {  	_ =	sdelay $0x2  }
0x2af: {  	[tilespmem:s0+$0xFFFFFFF0] =	vst v5;
	v10 =	vmov s11  }
0x2b0: {  	s4 =	simm.s32 $0x6010  }
0x2b1: {  	p5 =	sgt.s32 s12, $0x2;
	v11 =	vld [tilespmem:s4+$0x0]  }
.Ltmp25:
0x2b2: {  	_ = 	snop;
	(pc) =	sbr.rel @!p5 .LBB2_36-.Ltmp25, $3  }
0x2b3: {  	_ =	sdelay $0x1  }
0x2b4: {  	s3 =	simm.s32 $0x10;
	s8 =	simm.s32 $0x0;
	s0 =	simm.s32 $0x6030  }
0x2b5: {  	p2 =	por $0x0, $0x0;
	p3 =	por $0x0, $0x0;
	p4 =	por $0x0, $0x0;
	v17 =	vld [tilespmem:s4+$0xFFFFFFF0];
	v21 =	vor.u32 s3, v0;
	v20 =	vshrl.u32 v11, $0x1  }
0x2b6: {  	_ = 	snop  }
0x2b7: {  	v13 =	vld [tilespmem:s0+$0x0];
	p5 =	sgt.s32 s12, $0x4  }
.Ltmp26:
0x2b8: {  	_ = 	snop;
	(pc) =	sbr.rel @!p5 .LBB2_47-.Ltmp26, $4  }
0x2b9: {  	v11 =	vand.u32 $0x3FF, v20  }
0x2ba: {  	vm0 =	vlt.s32 v21, v10;
	v14 =	vor.u32 s8, v0;
	v12 =	vshrl.u32 v17, $0x1  }
0x2bb: {  	s3 =	simm.s32 $0x30;
	(xrf1) =	vunique.msk.u32 vm0, v11;
	vm1 =	vlt.s32 v14, v10;
	vm0 =	vmmov vm0;
	v12 =	vand.u32 $0x3FF, v12  }
0x2bc: {  	s8 =	simm.s32 $0x20;
	p2 =	por $0x1, $0x1;
	v21 =	vor.u32 s3, v0;
	v17 =	vld [tilespmem:s0+$0xFFFFFFF0];
	s0 =	simm.s32 $0x6050;
	v20 =	vshrl.u32 v13, $0x1;
	(xrf1) =	vunique.msk.u32 vm1, v12;
	vm1 =	vmmov vm1  }
0x2bd: {  	_ =	sdelay $0x2  }
0x2be: {  	v14 =	vand.u32 $0x3FF, v20;
	vm2 =	vlt.s32 v21, v10  }
0x2bf: {  	v16 =	vor.u32 s8, v0;
	(xrf1) =	vunique.msk.u32 vm2, v14;
	v15 =	vshrl.u32 v17, $0x1  }
0x2c0: {  	vm5 =	vlt.s32 v16, v10;
	v15 =	vand.u32 $0x3FF, v15  }
0x2c1: {  	(xrf1) =	vunique.msk.u32 vm5, v15;
	_ =	sdelay $0x4  }
0x2c2: {  	v13 =	vld [tilespmem:s0+$0x0];
	p5 =	sgt.s32 s12, $0x6  }
.Ltmp27:
0x2c3: {  	_ = 	snop;
	(pc) =	sbr.rel @!p5 .LBB2_49-.Ltmp27, $3  }
0x2c4: {  	_ =	sdelay $0x1  }
0x2c5: {  	vm3 =	vmmov vm0;
	s3 =	simm.s32 $0x50;
	vm4 =	vmmov vm1;
	vm0 =	vmmov vm2  }
0x2c6: {  	s8 =	simm.s32 $0x40;
	s4 =	simm.s32 $0x6070;
	p3 =	por $0x1, $0x1;
	v21 =	vor.u32 s3, v0;
	vm1 =	vmmov vm5;
	v17 =	vld [tilespmem:s0+$0xFFFFFFF0];
	v20 =	vshrl.u32 v13, $0x1  }
0x2c7: {  	_ =	sdelay $0x2  }
0x2c8: {  	v23 =	vand.u32 $0x3FF, v20  }
0x2c9: {  	vm7 =	vlt.s32 v21, v10;
	v16 =	vor.u32 s8, v0;
	v13 =	vshrl.u32 v17, $0x1  }
0x2ca: {  	v18 =	vld [tilespmem:s4+$0x0];
	vm8 =	vlt.s32 v16, v10;
	(xrf1) =	vunique.msk.u32 vm7, v23;
	v22 =	vand.u32 $0x3FF, v13  }
0x2cb: {  	(xrf1) =	vunique.msk.u32 vm8, v22;
	_ =	sdelay $0x1  }
0x2cc: {  	p5 =	sgt.s32 s12, $0x8;
	_, v13, vm2 =	vpop (xrf1)  }
.Ltmp28:
0x2cd: {  	v17 =	vld [tilespmem:s4+$0xFFFFFFF0];
	vm2 =	vmand vm3, vm2;
	(pc) =	sbr.rel @!p5 .LBB2_51-.Ltmp28, $4  }
0x2ce: {  	v20 =	vshrl.u32 v18, $0x1;
	v18 =	vmov v11;
	_, v16, vm5 =	vpop (xrf1)  }
0x2cf: {  	vm5 =	vmand vm4, vm5  }
0x2d0: {  	vm6 =	vmmov vm0;
	s0 =	simm.s32 $0x8;
	s3 =	simm.s32 $0x70;
	v19 =	vmov v12;
	vm0 =	vmmov vm7  }
0x2d1: {  	s8 =	simm.s32 $0x60;
	p4 =	por $0x1, $0x1;
	vm7 =	vmmov vm1;
	v21 =	vor.u32 s3, v0;
	vm1 =	vmmov vm8;
	s4 =	simm.s32 $0x6090  }
.LBB2_52:
0x2d2: {  	v24 =	vld [tilespmem:s4+$0x0];
	v17 =	vshrl.u32 v17, $0x1;
	v20 =	vand.u32 $0x3FF, v20;
	vm8 =	vlt.s32 v21, v10;
	s0 =	sadd.s32 $0x2, s0  }
0x2d3: {  	v25 =	vor.u32 s8, v0;
	v21 =	vand.u32 $0x3FF, v17;
	(xrf1) =	vunique.msk.u32 vm8, v20;
	[tilespmem:v18+s18+$0x0] =	vst.idx.add.s32.msk vm2, v13;
	_, v13, vm2 =	vpop (xrf1);
	p5 =	slt.s32 s0, s12  }
.Ltmp29:
0x2d4: {  	vm9 =	vlt.s32 v25, v10;
	v18 =	vmovc v14;
	v14 =	vmovc v23;
	v23 =	vmov v20;
	v17 =	vld [tilespmem:s4+$0xFFFFFFF0];
	vm2 =	vmand vm6, vm2;
	(pc) =	sbr.rel @p5 .LBB2_52-.Ltmp29, $4  }
0x2d5: {  	(xrf1) =	vunique.msk.u32 vm9, v21;
	[tilespmem:v19+s18+$0x0] =	vst.idx.add.s32.msk vm5, v16;
	_, v16, vm5 =	vpop (xrf1);
	v19 =	vmov v15;
	v15 =	vmov v22  }
0x2d6: {  	vm6 =	vmmov vm0;
	vm0 =	vmmov vm8;
	v22 =	vmovc v21;
	vm5 =	vmand vm7, vm5  }
0x2d7: {  	s3 =	sadd.s32 $0x20, s3;
	vm7 =	vmmov vm1;
	vm1 =	vmmov vm9  }
0x2d8: {  	s8 =	sadd.s32 $0xFFFFFFF0, s3;
	s4 =	sadd.s32 $0x20, s4;
	v21 =	vor.u32 s3, v0;
	v20 =	vshrl.u32 v24, $0x1  }
0x2d9: {  	v24 =	vmovc v14;
	v25 =	vmov v15;
	v14 =	vmov v23;
	v15 =	vmov v22  }
.LBB2_54:
0x2da: {  	v17 =	vshrl.u32 v17, $0x1  }
0x2db: {  	v20 =	vand.u32 $0x3FF, v20;
	vm8 =	vlt.s32 v21, v10;
	v61 =	vor.u32 s8, v0  }
0x2dc: {  	v17 =	vand.u32 $0x3FF, v17;
	(xrf1) =	vunique.msk.u32 vm8, v20;
	vm9 =	vlt.s32 v61, v10  }
0x2dd: {  	(xrf1) =	vunique.msk.u32 vm9, v17;
	_ =	sdelay $0x6  }
0x2de: {  	_, v21, vm10 =	vpop @p3 (xrf1);
	v23 =	vmov @p3 v24;
	vm0 =	vmmov @p2 vm0;
	vm1 =	vmmov @p2 vm1  }
0x2df: {  	v11 =	vpsel p2, v14, v11;
	v12 =	vpsel p2, v15, v12;
	_, v22, vm11 =	vpop @p3 (xrf1);
	vm6 =	vmand @p3 vm6, vm10  }
0x2e0: {  	v24 =	vmovc @p3 v25;
	vm8 =	vmmov vm8;
	v23 =	vpsel p3, v23, v0;
	vm7 =	vmand @p3 vm7, vm11  }
0x2e1: {  	vm3 =	vmmov @p2 vm0;
	vm6 =	vmmov @p3 vm6;
	vm0 =	vmmov @p3 vm7;
	_, v14, vm7 =	vpop @p2 (xrf1)  }
0x2e2: {  	vm4 =	vmmov @p2 vm1;
	v24 =	vpsel p3, v24, v0;
	vm1 =	vmand @p2 vm3, vm7;
	_, v15, vm3 =	vpop @p2 (xrf1)  }
0x2e3: {  	v11 =	vpsel p2, v11, v0;
	vm1 =	vmmov @p2 vm1;
	vm3 =	vmand @p2 vm4, vm3  }
0x2e4: {  	vm9 =	vmmov vm9;
	vm12 =	vmmov vm8;
	vm3 =	vmmov @p2 vm3;
	_, v62, vm13 =	vpop (xrf1)  }
0x2e5: {  	[tilespmem:v18+s18+$0x0] =	vst.idx.add.s32.msk @p4 vm2, v13;
	v12 =	vpsel p2, v12, v0;
	vm14 =	vmmov vm9;
	vm4 =	vmand vm12, vm13;
	_, v63, vm15 =	vpop (xrf1)  }
0x2e6: {  	[tilespmem:v19+s18+$0x0] =	vst.idx.add.s32.msk @p4 vm5, v16;
	v16 =	vpsel p3, v21, v0;
	vm2 =	vmand vm14, vm15  }
0x2e7: {  	v18 =	vpsel p3, v22, v0;
	[tilespmem:v23+s18+$0x0] =	vst.idx.add.s32.msk @p3 vm6, v16  }
0x2e8: {  	v14 =	vpsel p2, v14, v0;
	[tilespmem:v24+s18+$0x0] =	vst.idx.add.s32.msk @p3 vm0, v18  }
0x2e9: {  	v15 =	vpsel p2, v15, v0;
	[tilespmem:v11+s18+$0x0] =	vst.idx.add.s32.msk @p2 vm1, v14  }
0x2ea: {  	[tilespmem:v12+s18+$0x0] =	vst.idx.add.s32.msk @p2 vm3, v15  }
0x2eb: {  	[tilespmem:v20+s18+$0x0] =	vst.idx.add.s32.msk vm4, v62  }
0x2ec: {  	[tilespmem:v17+s18+$0x0] =	vst.idx.add.s32.msk vm2, v63  }
.LBB2_55:
0x2ed: {  	s29 =	ssub.s32 s7, s12  }
0x2ee: {  	p2 =	sgt.s32 s29, $0x0  }
0x2ef: {  	s0 =	sshll.u32 @p2 s12, $0x4  }
0x2f0: {  	v11 =	vld @p2 [tilespmem:s0+$0x6000];
	_ =	sdelay $0x3  }
0x2f1: {  	v12 =	vlaneseq.u32 @p2  }
0x2f2: {  	v12 =	vor.u32 @p2 s0, v12;
	v11 =	vshrl.u32 @p2 v11, $0x1  }
0x2f3: {  	vm0 =	vlt.s32 @p2 v12, s11;
	v11 =	vand.u32 @p2 $0x3FF, v11  }
0x2f4: {  	(xrf1) =	vunique.msk.u32 @p2 vm0, v11;
	_ =	sdelay $0xd  }
0x2f5: {  	_, v12, vm1 =	vpop @p2 (xrf1)  }
0x2f6: {  	vm0 =	vmand @p2 vm0, vm1;
	_ =	sdelay $0x4  }
0x2f7: {  	s0 =	simm.s32 @p2 $0xA600  }
0x2f8: {  	s26 =	simm.s32 $0xA9F0;
	[tilespmem:v11+s0+$0x0] =	vst.idx.add.s32.msk @p2 vm0, v12  }
0x2f9: {  	v11 =	vld [tilespmem:s26+$0x0];
	_ =	sdelay $0x4  }
0x2fa: {  	v11 =	vperm.xlane v11, v6;
	_ =	sdelay $0x1  }
0x2fb: {  	(xrf0) =	vadd.scan.msk.s32 $0xffff, v11;
	_ =	sdelay $0x5  }
0x2fc: {  	s3 =	simm.s32 $0x0;
	v11, _, _ =	vpop (xrf0)  }
0x2fd: {  	v11 =	vadd.s32 s3, v11  }
0x2fe: {  	v62 =	vxor.u32 $0x80000000, v11  }
0x2ff: {  	(xrf0) =	vmax.scan.msk.u32 $0xffff, v62;
	_ =	sdelay $0x5  }
0x300: {  	v12, _, _ =	vpop (xrf0)  }
0x301: {  	(v2sf) =	vpush v12, $0xF;
	_ =	sdelay $0x2  }
0x302: {  	v63 =	vld [tilespmem:s26+$0xFFFFFFF0];
	_ =	sdelay $0x4  }
0x303: {  	v12 =	vperm.xlane v63, v6;
	_ =	sdelay $0x1  }
0x304: {  	(xrf0) =	vadd.scan.msk.s32 $0xffff, v12;
	_ =	sdelay $0x4  }
0x305: {  	s30 =	spop (v2sf)  }
0x306: {  	s7 =	ssub.s32 s1, s5;
	v12, _, _ =	vpop (xrf0);
	s1 =	sxor.u32 $0x80000000, s30  }
0x307: {  	v12 =	vadd.s32 s1, v12  }
0x308: {  	v13 =	vxor.u32 $0x80000000, v12  }
0x309: {  	(xrf0) =	vmax.scan.msk.u32 $0xffff, v13;
	_ =	sdelay $0x1  }
0x30a: {  	v11 =	vperm.xlane v11, v6;
	_ =	sdelay $0x2  }
0x30b: {  	s0 =	simm.s32 $0xADF0  }
0x30c: {  	[tilespmem:s0+$0x0] =	vst v11;
	v11, _, _ =	vpop (xrf0)  }
0x30d: {  	v12 =	vperm.xlane v12, v6;
	(v2sf) =	vpush v11, $0xF;
	_ =	sdelay $0x1  }
0x30e: {  	s3 =	simm.s32 $0xA9D0;
	s1 =	simm.s32 $0x0;
	[tilespmem:s0+$0xFFFFFFF0] =	vst v12  }
.LBB2_56:
0x30f: {  	v11 =	vld [tilespmem:s3+$0x0];
	s1 =	sadd.s32 $0x2, s1  }
0x310: {  	p2 =	slt.u32 s1, $0x3E;
	_ =	sdelay $0x3  }
0x311: {  	v11 =	vperm.xlane v11, v6;
	_ =	sdelay $0x1  }
0x312: {  	(xrf0) =	vadd.scan.msk.s32 $0xffff, v11;
	_ =	sdelay $0x4  }
0x313: {  	s4 =	spop (v2sf)  }
0x314: {  	v11, _, _ =	vpop (xrf0);
	s4 =	sxor.u32 $0x80000000, s4  }
0x315: {  	v11 =	vadd.s32 s4, v11  }
0x316: {  	v12 =	vperm.xlane v11, v6;
	v11 =	vxor.u32 $0x80000000, v11  }
0x317: {  	s0 =	sadd.s32 $0xFFFFFFE0, s0;
	(xrf0) =	vmax.scan.msk.u32 $0xffff, v11  }
0x318: {  	[tilespmem:s0+$0x0] =	vst v12;
	_ =	sdelay $0x4  }
0x319: {  	v11, _, _ =	vpop (xrf0)  }
0x31a: {  	(v2sf) =	vpush v11, $0xF;
	_ =	sdelay $0x2  }
0x31b: {  	v11 =	vld [tilespmem:s3+$0xFFFFFFF0];
	_ =	sdelay $0x4  }
0x31c: {  	v11 =	vperm.xlane v11, v6;
	_ =	sdelay $0x1  }
0x31d: {  	(xrf0) =	vadd.scan.msk.s32 $0xffff, v11;
	_ =	sdelay $0x4  }
0x31e: {  	s4 =	spop (v2sf)  }
0x31f: {  	s4 =	sxor.u32 $0x80000000, s4;
	v11, _, _ =	vpop (xrf0)  }
0x320: {  	v11 =	vadd.s32 s4, v11  }
0x321: {  	v12 =	vperm.xlane v11, v6;
	v11 =	vxor.u32 $0x80000000, v11  }
0x322: {  	(xrf0) =	vmax.scan.msk.u32 $0xffff, v11  }
0x323: {  	[tilespmem:s0+$0xFFFFFFF0] =	vst v12;
	_ =	sdelay $0x3  }
.Ltmp30:
0x324: {  	(pc) =	sbr.rel @p2 .LBB2_56-.Ltmp30, $3  }
0x325: {  	v11, _, _ =	vpop (xrf0)  }
0x326: {  	(v2sf) =	vpush v11, $0xF;
	_ =	sdelay $0x1  }
0x327: {  	s3 =	sadd.s32 $0xFFFFFFE0, s3  }
0x328: {  	_ =	sdelay $0xb  }
0x329: {  	s0 =	spop (v2sf)  }
0x32a: {  	s0 =	simm.s32 $0xAA20  }
0x32b: {  	v12 =	vld [tilespmem:s0+$0xFFFFFFE0]  }
0x32c: {  	v13 =	vld [tilespmem:s0+$0xFFFFFFF0];
	_ =	sdelay $0x2  }
0x32d: {  	v11 =	vmov s7;
	s3 =	simm.s32 $0x0  }
0x32e: {  	s26 =	simm.s32 $0x10;
	vm0 =	vlt.s32 v12, v11;
	v12 =	vor.u32 s3, v7  }
0x32f: {  	v12 =	vsel vm0, $0x7FFFFFFF, v12;
	vm0 =	vlt.s32 v13, v11;
	v13 =	vor.u32 s26, v7  }
0x330: {  	(xrf0) =	vmax.scan.msk.u32 $0xffff, v12;
	v12 =	vsel vm0, $0x7FFFFFFF, v13  }
0x331: {  	v13 =	vld [tilespmem:s0+$0x0];
	(xrf0) =	vmax.scan.msk.u32 $0xffff, v12;
	_ =	sdelay $0x1  }
0x332: {  	s30 =	simm.s32 $0xAA60;
	v12 =	vld [tilespmem:s0+$0x10]  }
0x333: {  	v14 =	vld [tilespmem:s30+$0xFFFFFFE0]  }
0x334: {  	s5 =	simm.s32 $0x20;
	v15 =	vld [tilespmem:s30+$0xFFFFFFF0]  }
0x335: {  	vm0 =	vlt.s32 v13, v11;
	v13 =	vor.u32 s5, v7;
	v16, _, _ =	vpop (xrf0)  }
0x336: {  	s6 =	simm.s32 $0x30;
	v17 =	vld [tilespmem:s30+$0x0];
	v13 =	vsel vm0, $0x7FFFFFFF, v13;
	(v2sf) =	vpush v16, $0xF;
	v16, _, _ =	vpop (xrf0)  }
0x337: {  	s8 =	simm.s32 $0x40;
	s4 =	simm.s32 $0xAAA0;
	vm0 =	vlt.s32 v12, v11;
	v12 =	vor.u32 s6, v7;
	(v2sf) =	vpush v16, $0xF;
	v16 =	vld [tilespmem:s30+$0x10]  }
0x338: {  	(xrf0) =	vmax.scan.msk.u32 $0xffff, v13;
	v12 =	vsel vm0, $0x7FFFFFFF, v12;
	vm0 =	vlt.s32 v14, v11;
	v13 =	vor.u32 s8, v7;
	v14 =	vld [tilespmem:s4+$0xFFFFFFE0]  }
0x339: {  	s9 =	simm.s32 $0x50;
	(xrf0) =	vmax.scan.msk.u32 $0xffff, v12;
	v12 =	vsel vm0, $0x7FFFFFFF, v13;
	vm0 =	vlt.s32 v15, v11;
	v15 =	vld [tilespmem:s4+$0xFFFFFFF0]  }
0x33a: {  	s10 =	simm.s32 $0x60;
	v13 =	vor.u32 s9, v7  }
0x33b: {  	s13 =	simm.s32 $0x70;
	(xrf0) =	vmax.scan.msk.u32 $0xffff, v12;
	v12 =	vsel vm0, $0x7FFFFFFF, v13;
	vm0 =	vlt.s32 v17, v11;
	v13 =	vor.u32 s10, v7  }
0x33c: {  	s16 =	simm.s32 $0x80;
	(xrf0) =	vmax.scan.msk.u32 $0xffff, v12;
	v12 =	vsel vm0, $0x7FFFFFFF, v13;
	v13 =	vor.u32 s13, v7;
	vm0 =	vlt.s32 v16, v11  }
0x33d: {  	s17 =	simm.s32 $0x90;
	(xrf0) =	vmax.scan.msk.u32 $0xffff, v12;
	v13 =	vsel vm0, $0x7FFFFFFF, v13;
	vm0 =	vlt.s32 v14, v11;
	v14 =	vor.u32 s16, v7  }
0x33e: {  	(xrf0) =	vmax.scan.msk.u32 $0xffff, v13;
	v13 =	vsel vm0, $0x7FFFFFFF, v14;
	vm0 =	vlt.s32 v15, v11;
	v15 =	vor.u32 s17, v7  }
0x33f: {  	v16, _, _ =	vpop (xrf0);
	(xrf0) =	vmax.scan.msk.u32 $0xffff, v13;
	v15 =	vsel vm0, $0x7FFFFFFF, v15  }
0x340: {  	(v2sf) =	vpush v16, $0xF;
	v16, _, _ =	vpop (xrf0)  }
0x341: {  	(v2sf) =	vpush v16, $0xF;
	v16, _, _ =	vpop (xrf0)  }
0x342: {  	v12 =	vld [tilespmem:s4+$0x0];
	(v2sf) =	vpush v16, $0xF;
	(xrf0) =	vmax.scan.msk.u32 $0xffff, v15;
	v15, _, _ =	vpop (xrf0)  }
0x343: {  	(v2sf) =	vpush v15, $0xF;
	v15, _, _ =	vpop (xrf0)  }
0x344: {  	s6 =	simm.s32 $0xAAE0;
	v14 =	vld [tilespmem:s4+$0x10];
	(v2sf) =	vpush v15, $0xF;
	v15, _, _ =	vpop (xrf0)  }
0x345: {  	v13 =	vld [tilespmem:s6+$0xFFFFFFE0];
	s5 =	spop (v2sf);
	(v2sf) =	vpush v15, $0xF;
	v15, _, _ =	vpop (xrf0)  }
0x346: {  	s26 =	simm.s32 $0xA0;
	(v2sf) =	vpush v15, $0xF  }
0x347: {  	vm0 =	vlt.s32 v12, v11;
	v12 =	vor.u32 s26, v7;
	v16 =	vld [tilespmem:s6+$0xFFFFFFF0]  }
0x348: {  	s30 =	simm.s32 $0xB0;
	v12 =	vsel vm0, $0x7FFFFFFF, v12  }
0x349: {  	s0 =	simm.s32 $0xC0;
	(xrf0) =	vmax.scan.msk.u32 $0xffff, v12;
	vm0 =	vlt.s32 v14, v11;
	v14 =	vor.u32 s30, v7  }
0x34a: {  	s1 =	simm.s32 $0xFFFFFFFF;
	s3 =	simm.s32 $0xC;
	v12 =	vld [tilespmem:s6+$0x0];
	v14 =	vsel vm0, $0x7FFFFFFF, v14;
	vm0 =	vlt.s32 v13, v11;
	v13 =	vor.u32 s0, v7  }
0x34b: {  	s8 =	simm.s32 $0xD0;
	s4 =	simm.s32 $0xAB20;
	(xrf0) =	vmax.scan.msk.u32 $0xffff, v14;
	v17 =	vsel vm0, $0x7FFFFFFF, v13;
	s5 =	sxor.u32 $0x80000000, s5  }
0x34c: {  	v13 =	vld [tilespmem:s6+$0x10];
	vm0 =	vlt.s32 v16, v11;
	v14 =	vor.u32 s8, v7;
	s6 =	simm.s32 $0xE0;
	(xrf0) =	vmax.scan.msk.u32 $0xffff, v17;
	v15, _, _ =	vpop (xrf0);
	s8 =	spop (v2sf);
	p3 =	slt.s32 s5, $0xFFFFFFFF  }
.LBB2_58:
0x34d: {  	s3 =	sadd.s32 $0x4, s3  }
0x34e: {  	v16 =	vld [tilespmem:s4+$0xFFFFFFE0];
	v17 =	vsel vm0, $0x7FFFFFFF, v14;
	(v2sf) =	vpush v15, $0xF;
	s5 =	smov.u32 @p3 s1;
	s1 =	sxor.u32 $0x80000000, s8;
	s8 =	smov.u32 s4  }
0x34f: {  	p2 =	slt.u32 s3, $0x3C;
	vm0 =	vlt.s32 v12, v11;
	v12 =	vor.u32 s6, v7;
	(xrf0) =	vmax.scan.msk.u32 $0xffff, v17;
	v14, _, _ =	vpop (xrf0);
	p3 =	sgt.s32 s5, s1;
	s6 =	spop (v2sf)  }
0x350: {  	s9 =	sadd.s32 $0x30, s0;
	v15 =	vld [tilespmem:s4+$0xFFFFFFF0];
	v12 =	vsel vm0, $0x7FFFFFFF, v12;
	(v2sf) =	vpush v14, $0xF;
	s1 =	smov.u32 @p3 s5;
	s6 =	sxor.u32 $0x80000000, s6  }
.Ltmp31:
0x351: {  	vm0 =	vlt.s32 v13, v11;
	v13 =	vor.u32 s9, v7;
	(xrf0) =	vmax.scan.msk.u32 $0xffff, v12;
	v14, _, _ =	vpop (xrf0);
	p3 =	sgt.s32 s1, s6;
	s5 =	spop (v2sf);
	(pc) =	sbr.rel @p2 .LBB2_58-.Ltmp31, $4  }
0x352: {  	s0 =	sadd.s32 $0x40, s0;
	v12 =	vld [tilespmem:s4+$0x0];
	v13 =	vsel vm0, $0x7FFFFFFF, v13;
	(v2sf) =	vpush v14, $0xF;
	s6 =	smov.u32 @p3 s1;
	s1 =	sxor.u32 $0x80000000, s5  }
0x353: {  	v14 =	vor.u32 s0, v7;
	s4 =	sadd.s32 $0x40, s4;
	vm0 =	vlt.s32 v16, v11;
	v16, _, _ =	vpop (xrf0);
	(xrf0) =	vmax.scan.msk.u32 $0xffff, v13;
	s5 =	spop (v2sf);
	p3 =	sgt.s32 s6, s1  }
0x354: {  	s9 =	sadd.s32 $0x10, s0;
	v17 =	vsel vm0, $0x7FFFFFFF, v14;
	v13 =	vld [tilespmem:s8+$0x10];
	(v2sf) =	vpush v16, $0xF;
	s5 =	sxor.u32 $0x80000000, s5;
	s1 =	smov.u32 @p3 s6  }
0x355: {  	v14 =	vor.u32 s9, v7;
	s6 =	sadd.s32 $0x20, s0;
	vm0 =	vlt.s32 v15, v11;
	(xrf0) =	vmax.scan.msk.u32 $0xffff, v17;
	v15, _, _ =	vpop (xrf0);
	p3 =	sgt.s32 s1, s5;
	s8 =	spop (v2sf)  }
0x356: {  	v14 =	vsel vm0, $0x7FFFFFFF, v14;
	(v2sf) =	vpush v15, $0xF;
	s5 =	smov.u32 @p3 s1;
	s1 =	sxor.u32 $0x80000000, s8  }
0x357: {  	v60 =	vor.u32 s6, v7;
	s3 =	spop (v2sf);
	vm14 =	vlt.s32 v12, v11;
	(xrf0) =	vmax.scan.msk.u32 $0xffff, v14;
	v61, _, _ =	vpop (xrf0);
	p2 =	sgt.s32 s5, s1  }
0x358: {  	s0 =	sadd.s32 $0x30, s0;
	s3 =	sxor.u32 $0x80000000, s3;
	v12 =	vsel vm14, $0x7FFFFFFF, v60;
	(v2sf) =	vpush v61, $0xF;
	s1 =	smov.u32 @p2 s5  }
0x359: {  	s17 =	spop (v2sf);
	vm15 =	vlt.s32 v13, v11;
	v11 =	vor.u32 s0, v7;
	(xrf0) =	vmax.scan.msk.u32 $0xffff, v12;
	v62, _, _ =	vpop (xrf0);
	p2 =	sgt.s32 s1, s3  }
0x35a: {  	s0 =	sxor.u32 $0x80000000, s17;
	v11 =	vsel vm15, $0x7FFFFFFF, v11;
	(v2sf) =	vpush v62, $0xF;
	s3 =	smov.u32 @p2 s1  }
0x35b: {  	s26 =	spop (v2sf);
	v63, _, _ =	vpop (xrf0);
	(xrf0) =	vmax.scan.msk.u32 $0xffff, v11;
	p2 =	sgt.s32 s3, s0  }
0x35c: {  	s1 =	sxor.u32 $0x80000000, s26;
	(v2sf) =	vpush v63, $0xF;
	s0 =	smov.u32 @p2 s3  }
0x35d: {  	v11, _, _ =	vpop (xrf0);
	p2 =	sgt.s32 s0, s1;
	s30 =	spop (v2sf)  }
0x35e: {  	(v2sf) =	vpush v11, $0xF;
	s1 =	smov.u32 @p2 s0;
	s0 =	sxor.u32 $0x80000000, s30  }
0x35f: {  	v11, _, _ =	vpop (xrf0);
	p2 =	sgt.s32 s1, s0;
	s4 =	spop (v2sf)  }
0x360: {  	(v2sf) =	vpush v11, $0xF;
	s0 =	smov.u32 @p2 s1;
	s1 =	sxor.u32 $0x80000000, s4  }
0x361: {  	v11, _, _ =	vpop (xrf0);
	p2 =	sgt.s32 s0, s1;
	s5 =	spop (v2sf)  }
0x362: {  	(v2sf) =	vpush v11, $0xF;
	s1 =	smov.u32 @p2 s0;
	s0 =	sxor.u32 $0x80000000, s5  }
0x363: {  	s6 =	spop (v2sf);
	p2 =	sgt.s32 s1, s0  }
0x364: {  	s3 =	sxor.u32 $0x80000000, s6;
	s0 =	smov.u32 @p2 s1  }
0x365: {  	p2 =	sgt.s32 s0, s3;
	s8 =	spop (v2sf)  }
0x366: {  	s3 =	smov.u32 @p2 s0;
	s0 =	sxor.u32 $0x80000000, s8  }
0x367: {  	p2 =	sgt.s32 s3, s0;
	s9 =	spop (v2sf)  }
0x368: {  	s0 =	smov.u32 @p2 s3;
	s1 =	sxor.u32 $0x80000000, s9  }
0x369: {  	p2 =	sgt.s32 s0, s1;
	s10 =	spop (v2sf)  }
0x36a: {  	s1 =	smov.u32 @p2 s0;
	s0 =	sxor.u32 $0x80000000, s10  }
0x36b: {  	s13 =	spop (v2sf);
	p2 =	sgt.s32 s1, s0  }
0x36c: {  	s3 =	sxor.u32 $0x80000000, s13;
	s0 =	smov.u32 @p2 s1  }
0x36d: {  	p2 =	sgt.s32 s0, s3;
	s16 =	spop (v2sf)  }
0x36e: {  	s3 =	smov.u32 @p2 s0;
	s0 =	sxor.u32 $0x80000000, s16  }
0x36f: {  	p2 =	sgt.s32 s3, s0;
	s17 =	spop (v2sf)  }
0x370: {  	s0 =	smov.u32 @p2 s3;
	s1 =	sxor.u32 $0x80000000, s17  }
0x371: {  	p2 =	sgt.s32 s0, s1;
	s26 =	spop (v2sf)  }
0x372: {  	s1 =	smov.u32 @p2 s0;
	s5 =	sxor.u32 $0x80000000, s26  }
0x373: {  	p2 =	sgt.s32 s1, s5  }
0x374: {  	s5 =	smov.u32 @p2 s1  }
0x375: {  	s30 =	sadd.s32 $0x1, s5  }
0x376: {  	v11 =	vmov s30;
	_ =	sdelay $0x4  }
0x377: {  	v11 =	vld.idx.msk [tilespmem:v11+s19+$0x0], $0xffff;
	_ =	sdelay $0x4  }
0x378: {  	v11 =	vxor.u32 $0x80000000, v11  }
0x379: {  	(xrf0) =	vmax.scan.msk.u32 $0xffff, v11;
	_ =	sdelay $0x5  }
0x37a: {  	v11, _, _ =	vpop (xrf0)  }
0x37b: {  	(v2sf) =	vpush v11, $0xF;
	_ =	sdelay $0xa  }
.Ltmp32:
0x37c: {  	_ = 	snop;
	(pc) =	sbr.rel @p1 .LBB2_60-.Ltmp32, $2  }
0x37d: {  	_ =	sdelay $0x2  }
0x37e: {  	s1 =	spop (v2sf)  }
0x37f: {  	s0 =	simm.s32 $0x6010  }
0x380: {  	v11 =	vld [tilespmem:s0+$0x0]  }
0x381: {  	v14 =	vld [tilespmem:s0+$0xFFFFFFF0];
	_ =	sdelay $0x2  }
0x382: {  	s3 =	simm.s32 $0x10  }
0x383: {  	v12 =	vmov s5;
	v13 =	vor.u32 s3, v0;
	v15 =	vshrl.u32 v11, $0x1  }
0x384: {  	s30 =	simm.s32 $0x0;
	p3 =	sgt.s32 s12, $0x2;
	vm0 =	vlt.s32 v13, v10;
	v13 =	vshrl.u32 v14, $0x1;
	v15 =	vand.u32 $0x3FF, v15  }
.Ltmp33:
0x385: {  	v16 =	vor.u32 s30, v0;
	v13 =	vand.u32 $0x3FF, v13;
	vm1 =	vgt.s32 v15, v12;
	(pc) =	sbr.rel @!p3 .LBB2_67-.Ltmp33, $4  }
0x386: {  	vm2 =	vlt.s32 v16, v10;
	vm4 =	vgt.s32 v13, v12;
	vm3 =	vmand vm0, vm1  }
0x387: {  	vm6 =	vmand vm2, vm4;
	vm1 =	veq.s32 v13, v12;
	v13 =	vsel vm3, $0x1, v5  }
0x388: {  	s13 =	simm.s32 $0x0;
	s8 =	simm.s32 $0x8010;
	vm4 =	vmand vm2, vm1;
	v63 =	vsel vm6, $0x1, v5;
	vm1 =	veq.s32 v15, v12;
	(xrf0) =	vadd.scan.msk.s32 $0xffff, v13  }
0x389: {  	p1 =	por $0x0, $0x0;
	p2 =	por $0x0, $0x0;
	s0 =	simm.s32 $0x6030;
	v20 =	vsel vm4, $0x1, v5;
	vm5 =	vmand vm0, vm1;
	(xrf0) =	vadd.scan.msk.s32 $0xffff, v63  }
0x38a: {  	v13 =	vld [tilespmem:s0+$0x0];
	v16 =	vsel vm5, $0x1, v5;
	(xrf0) =	vadd.scan.msk.s32 $0xffff, v20;
	s30 =	simm.s32 $0x30  }
0x38b: {  	v15 =	vld [tilespmem:s0+$0xFFFFFFF0];
	(xrf0) =	vadd.scan.msk.s32 $0xffff, v16;
	v16 =	vor.u32 s30, v0;
	_ =	sdelay $0x1  }
0x38c: {  	vm7 =	vmmov vm6;
	vm1 =	vmmov vm3;
	vm2 =	vmmov vm4;
	s3 =	simm.s32 $0x20  }
0x38d: {  	vm0 =	vmmov vm5;
	v17 =	vor.u32 s3, v0;
	vm5 =	vlt.s32 v16, v10;
	v16, _, _ =	vpop (xrf0)  }
0x38e: {  	vm4 =	vlt.s32 v17, v10;
	v17 =	vshrl.u32 v13, $0x1;
	v18, _, _ =	vpop (xrf0);
	(v2sf) =	vpush v16, $0xF  }
0x38f: {  	p3 =	sgt.s32 s12, $0x4;
	v16 =	vshrl.u32 v15, $0x1;
	v17 =	vand.u32 $0x3FF, v17;
	(v2sf) =	vpush v18, $0xF;
	v18, _, _ =	vpop (xrf0)  }
.Ltmp34:
0x390: {  	v16 =	vand.u32 $0x3FF, v16;
	vm3 =	vgt.s32 v17, v12;
	(v2sf) =	vpush v18, $0xF;
	(pc) =	sbr.rel @!p3 .LBB2_69-.Ltmp34, $4  }
0x391: {  	v18, _, _ =	vpop (xrf0);
	vm6 =	vgt.s32 v16, v12;
	vm8 =	veq.s32 v16, v12;
	vm3 =	vmand vm5, vm3  }
0x392: {  	(v2sf) =	vpush v18, $0xF;
	vm6 =	vmand vm4, vm6;
	v16 =	vsel vm3, $0x1, v5  }
0x393: {  	vm4 =	vmand vm4, vm8;
	vm8 =	veq.s32 v17, v12;
	v18 =	vsel vm6, $0x1, v5;
	(xrf0) =	vadd.scan.msk.s32 $0xffff, v16  }
0x394: {  	s0 =	simm.s32 $0x6050;
	p1 =	por $0x1, $0x1;
	vm9 =	vmmov vm7;
	v20 =	vsel vm4, $0x1, v5;
	vm5 =	vmand vm5, vm8;
	v16 =	vld [tilespmem:s8+$0xFFFFFFF0];
	(xrf0) =	vadd.scan.msk.s32 $0xffff, v18  }
0x395: {  	v19 =	vld [tilespmem:s0+$0x0]  }
0x396: {  	v18 =	vsel vm5, $0x1, v5;
	(xrf0) =	vadd.scan.msk.s32 $0xffff, v20;
	v17 =	vld [tilespmem:s0+$0xFFFFFFF0];
	s0 =	simm.s32 $0x50  }
0x397: {  	vm7 =	vmmov vm1;
	vm10 =	vmmov vm6;
	(xrf0) =	vadd.scan.msk.s32 $0xffff, v18;
	v18 =	vor.u32 s0, v0  }
0x398: {  	vm1 =	vmmov vm3;
	vm6 =	vmmov vm2;
	vm2 =	vmmov vm4;
	s3 =	simm.s32 $0x40  }
0x399: {  	vm8 =	vmmov vm0;
	vm0 =	vmmov vm5;
	v20 =	vor.u32 s3, v0  }
0x39a: {  	vm5 =	vlt.s32 v18, v10;
	vm4 =	vlt.s32 v20, v10;
	v18, _, _ =	vpop (xrf0);
	v20 =	vshrl.u32 v19, $0x1  }
0x39b: {  	[tilespmem:s28+$0xA000] =	vst.msk vm9, v14;
	v21, _, _ =	vpop (xrf0);
	(v2sf) =	vpush v18, $0xF;
	v18 =	vshrl.u32 v17, $0x1;
	v20 =	vand.u32 $0x3FF, v20  }
0x39c: {  	p3 =	sgt.s32 s12, $0x6;
	[tilespmem:s28+$0xA180] =	vst.msk vm9, v16;
	(v2sf) =	vpush v21, $0xF;
	v21, _, _ =	vpop (xrf0);
	v18 =	vand.u32 $0x3FF, v18;
	vm3 =	vgt.s32 v20, v12  }
.Ltmp35:
0x39d: {  	[tilespmem:s13+$0x2000] =	vst.msk vm6, v14;
	(v2sf) =	vpush v21, $0xF;
	v21, _, _ =	vpop (xrf0);
	vm9 =	vgt.s32 v18, v12;
	vm3 =	vmand vm5, vm3;
	(pc) =	sbr.rel @!p3 .LBB2_71-.Ltmp35, $4  }
0x39e: {  	[tilespmem:s13+$0x4000] =	vst.msk vm6, v16;
	(v2sf) =	vpush v21, $0xF;
	s3 =	spop (v2sf);
	vm6 =	vmand vm4, vm9;
	vm9 =	veq.s32 v18, v12;
	v18 =	vld [tilespmem:s8+$0x0]  }
0x39f: {  	s4 =	simm.s32 $0x6;
	s26 =	simm.s32 $0x6070;
	v14 =	vsel vm3, $0x1, v5;
	s6 =	spop (v2sf)  }
0x3a0: {  	s30 =	simm.s32 $0x8030;
	p2 =	por $0x1, $0x1;
	vm4 =	vmand vm4, vm9;
	v16 =	vsel vm6, $0x1, v5;
	vm9 =	veq.s32 v20, v12;
	(xrf0) =	vadd.scan.msk.s32 $0xffff, v14;
	s10 =	spop (v2sf)  }
0x3a1: {  	s9 =	sadd.s32 s28, s6;
	v20 =	vsel vm4, $0x1, v5;
	vm5 =	vmand vm5, vm9;
	vm9 =	vmmov vm10;
	(xrf0) =	vadd.scan.msk.s32 $0xffff, v16;
	v16 =	vld [tilespmem:s30+$0xFFFFFFF0];
	s6 =	sadd.s32 $0x0, s10;
	s10 =	spop (v2sf)  }
.LBB2_72:
0x3a2: {  	v14 =	vld [tilespmem:s26+$0x0];
	v21 =	vsel vm5, $0x1, v5;
	(xrf0) =	vadd.scan.msk.s32 $0xffff, v20;
	[tilespmem:s9+$0xA000] =	vst.msk vm7, v11;
	s16 =	sadd.s32 s9, s3;
	s10 =	sadd.s32 s6, s10;
	vm10 =	vmmov vm6  }
0x3a3: {  	v20 =	vld [tilespmem:s26+$0xFFFFFFF0];
	(xrf0) =	vadd.scan.msk.s32 $0xffff, v21;
	[tilespmem:s9+$0xA180] =	vst.msk vm7, v18;
	vm7 =	vmmov vm1;
	vm1 =	vmmov vm3  }
0x3a4: {  	s4 =	sadd.s32 $0x2, s4;
	s0 =	sadd.s32 $0x20, s0;
	vm3 =	vmmov vm2;
	vm2 =	vmmov vm4;
	[tilespmem:s6+$0x2000] =	vst.msk vm8, v11;
	v11 =	vmovc v13;
	v13 =	vmov v19  }
0x3a5: {  	s3 =	sadd.s32 $0xFFFFFFF0, s0;
	v22 =	vor.u32 s0, v0;
	p3 =	slt.s32 s4, s12;
	[tilespmem:s6+$0x4000] =	vst.msk vm8, v18;
	vm8 =	vmmov vm0;
	vm0 =	vmmov vm5  }
0x3a6: {  	v25 =	vor.u32 s3, v0;
	vm5 =	vlt.s32 v22, v10;
	v19, _, _ =	vpop (xrf0);
	[tilespmem:s16+$0xA000] =	vst.msk vm9, v15  }
0x3a7: {  	vm4 =	vlt.s32 v25, v10;
	v23 =	vshrl.u32 v14, $0x1;
	v21, _, _ =	vpop (xrf0);
	(v2sf) =	vpush v19, $0xF;
	[tilespmem:s16+$0xA180] =	vst.msk vm9, v16  }
0x3a8: {  	v24 =	vshrl.u32 v20, $0x1;
	v22 =	vand.u32 $0x3FF, v23;
	(v2sf) =	vpush v21, $0xF;
	v18, _, _ =	vpop (xrf0);
	[tilespmem:s10+$0x2000] =	vst.msk vm3, v15  }
.Ltmp36:
0x3a9: {  	v21 =	vand.u32 $0x3FF, v24;
	vm6 =	vgt.s32 v22, v12;
	(v2sf) =	vpush v18, $0xF;
	v15, _, _ =	vpop (xrf0);
	[tilespmem:s10+$0x4000] =	vst.msk vm3, v16;
	(pc) =	sbr.rel @p3 .LBB2_72-.Ltmp36, $4  }
0x3aa: {  	v19 =	vmovc v14;
	vm9 =	vgt.s32 v21, v12;
	vm3 =	vmand vm5, vm6;
	(v2sf) =	vpush v15, $0xF;
	v18 =	vld [tilespmem:s30+$0x0];
	s3 =	spop (v2sf);
	v15 =	vmovc v17  }
0x3ab: {  	v17 =	vmovc v20;
	vm6 =	vmand vm4, vm9;
	vm9 =	veq.s32 v21, v12;
	v14 =	vsel vm3, $0x1, v5;
	s6 =	spop (v2sf)  }
0x3ac: {  	s26 =	sadd.s32 $0x20, s26;
	s30 =	sadd.s32 $0x20, s30;
	vm4 =	vmand vm4, vm9;
	v16 =	vsel vm6, $0x1, v5;
	vm9 =	veq.s32 v22, v12;
	(xrf0) =	vadd.scan.msk.s32 $0xffff, v14;
	s17 =	spop (v2sf)  }
0x3ad: {  	s9 =	sadd.s32 s16, s6;
	v20 =	vsel vm4, $0x1, v5;
	vm5 =	vmand vm5, vm9;
	(xrf0) =	vadd.scan.msk.s32 $0xffff, v16;
	v16 =	vld [tilespmem:s30+$0xFFFFFFF0];
	s6 =	sadd.s32 s10, s17;
	s10 =	spop (v2sf);
	vm9 =	vmmov vm10  }
0x3ae: {  	v12 =	vmovc v11;
	v10 =	vmovc v13;
	v11 =	vmov v19;
	v19 =	vmov v15;
	v14 =	vmov v17  }
.LBB2_74:
0x3af: {  	(xrf0) =	vadd.scan.msk.s32 $0xffff, v20  }
0x3b0: {  	v13 =	vsel vm5, $0x1, v5  }
0x3b1: {  	(xrf0) =	vadd.scan.msk.s32 $0xffff, v13  }
0x3b2: {  	v60, _, _ =	vpop (xrf0)  }
0x3b3: {  	v15, _, _ =	vpop (xrf0);
	(v2sf) =	vpush v60, $0xF  }
0x3b4: {  	(v2sf) =	vpush v15, $0xF  }
0x3b5: {  	[tilespmem:s9+$0xA000] =	vst.msk @p2 vm7, v12;
	v61, _, _ =	vpop (xrf0)  }
0x3b6: {  	s0 =	sadd.s32 @p2 s9, s3;
	s3 =	smov.u32 s28;
	[tilespmem:s9+$0xA180] =	vst.msk @p2 vm7, v18;
	(v2sf) =	vpush v61, $0xF  }
0x3b7: {  	s3 =	smov.u32 @p2 s0;
	[tilespmem:s6+$0x2000] =	vst.msk @p2 vm8, v12;
	v62, _, _ =	vpop (xrf0)  }
0x3b8: {  	v12 =	vld @p1 [tilespmem:s30+$0x0];
	[tilespmem:s3+$0xA000] =	vst.msk @p1 vm9, v19;
	(v2sf) =	vpush v62, $0xF  }
0x3b9: {  	s4 =	simm.s32 $0x0;
	s0 =	sadd.s32 @p2 s6, s10;
	[tilespmem:s6+$0x4000] =	vst.msk @p2 vm8, v18;
	s6 =	spop @p1 (v2sf)  }
0x3ba: {  	vm2 =	vmmov @p1 vm2;
	s4 =	smov.u32 @p2 s0;
	[tilespmem:s3+$0xA180] =	vst.msk @p1 vm9, v16;
	s0 =	spop @p1 (v2sf)  }
0x3bb: {  	vm1 =	vmmov @p1 vm1;
	s9 =	sadd.s32 @p1 $0x20, s30;
	[tilespmem:s4+$0x2000] =	vst.msk @p1 vm2, v19;
	s0 =	sadd.s32 @p1 s3, s0  }
0x3bc: {  	v10 =	vpsel p1, v10, v0;
	vm1 =	vmmov @p1 vm1;
	s8 =	smov.u32 @p1 s9;
	s10 =	spop @p1 (v2sf);
	[tilespmem:s4+$0x4000] =	vst.msk @p1 vm2, v16;
	s0 =	smov.u32 @p1 s0  }
0x3bd: {  	vm0 =	vmmov @p1 vm0;
	v63 =	vld [tilespmem:s8+$0xFFFFFFF0];
	s3 =	sadd.s32 @p1 s4, s10;
	v12 =	vpsel p1, v12, v0;
	[tilespmem:s0+$0xA000] =	vst.msk @p1 vm1, v10  }
0x3be: {  	vm0 =	vmmov @p1 vm0;
	s4 =	smov.u32 @p1 s6;
	s3 =	smov.u32 @p1 s3;
	[tilespmem:s0+$0xA180] =	vst.msk @p1 vm1, v12  }
0x3bf: {  	vm12 =	vmmov vm6;
	s6 =	spop @p1 (v2sf);
	s0 =	sadd.s32 @p1 s0, s4;
	[tilespmem:s3+$0x2000] =	vst.msk @p1 vm0, v10  }
0x3c0: {  	vm1 =	vmmov vm12;
	s4 =	smov.u32 @p1 s6;
	s28 =	smov.u32 @p1 s0;
	[tilespmem:s3+$0x4000] =	vst.msk @p1 vm0, v12  }
0x3c1: {  	vm13 =	vmmov vm4;
	s0 =	sadd.s32 @p1 s3, s4;
	v10 =	vld [tilespmem:s8+$0x0];
	[tilespmem:s28+$0xA000] =	vst.msk vm1, v14  }
0x3c2: {  	vm0 =	vmmov vm13;
	s13 =	smov.u32 @p1 s0;
	[tilespmem:s28+$0xA180] =	vst.msk vm1, v63;
	s16 =	spop (v2sf)  }
0x3c3: {  	vm14 =	vmmov vm3;
	[tilespmem:s13+$0x2000] =	vst.msk vm0, v14;
	s17 =	spop (v2sf)  }
.Ltmp37:
0x3c4: {  	vm1 =	vmmov vm14;
	[tilespmem:s13+$0x4000] =	vst.msk vm0, v63;
	s3 =	sadd.s32 s28, s17;
	(pc) =	sbr.rel .LBB2_61-.Ltmp37, $4  }
0x3c5: {  	vm15 =	vmmov vm5;
	s26 =	spop (v2sf);
	[tilespmem:s3+$0xA000] =	vst.msk vm1, v11  }
0x3c6: {  	vm0 =	vmmov vm15;
	s4 =	sadd.s32 s13, s26;
	[tilespmem:s3+$0xA180] =	vst.msk vm1, v10  }
0x3c7: {  	s30 =	spop (v2sf);
	[tilespmem:s4+$0x2000] =	vst.msk vm0, v11  }
0x3c8: {  	s28 =	sadd.s32 s3, s16;
	s0 =	sadd.s32 s4, s30;
	[tilespmem:s4+$0x4000] =	vst.msk vm0, v10  }
.LBB2_60:
0x3c9: {  	s0 =	simm.s32 $0x0  }
.LBB2_61:
0x3ca: {  	p1 =	slt.s32 s29, $0x1  }
0x3cb: {  	s3 =	sshll.u32 @!p1 s12, $0x4  }
0x3cc: {  	v10 =	vld @!p1 [tilespmem:s3+$0x6000];
	_ =	sdelay $0x4  }
0x3cd: {  	v12 =	vlaneseq.u32 @!p1;
	v11 =	vshrl.u32 @!p1 v10, $0x1  }
0x3ce: {  	v12 =	vor.u32 @!p1 s3, v12;
	v11 =	vand.u32 @!p1 $0x3FF, v11  }
0x3cf: {  	vm0 =	vlt.s32 @!p1 v12, s11;
	vm1 =	veq.s32 @!p1 v11, s5  }
0x3d0: {  	vm2 =	vgt.s32 @!p1 v11, s5;
	v11 =	vimm.s32 @!p1 $0x0;
	vm1 =	vmand @!p1 vm0, vm1  }
0x3d1: {  	v12 =	vsel @!p1 vm1, $0x1, v11  }
0x3d2: {  	(xrf0) =	vadd.scan.msk.s32 @!p1 $0xffff, v12  }
0x3d3: {  	vm0 =	vmand @!p1 vm0, vm2  }
0x3d4: {  	v11 =	vsel @!p1 vm0, $0x1, v11  }
0x3d5: {  	(xrf0) =	vadd.scan.msk.s32 @!p1 $0xffff, v11;
	_ =	sdelay $0x2  }
0x3d6: {  	v11, _, _ =	vpop @!p1 (xrf0)  }
0x3d7: {  	(v2sf) =	vpush @!p1 v11, $0xF;
	_ =	sdelay $0x1  }
0x3d8: {  	v11, _, _ =	vpop @!p1 (xrf0)  }
0x3d9: {  	(v2sf) =	vpush @!p1 v11, $0xF;
	_ =	sdelay $0x6  }
0x3da: {  	v11 =	vld @!p1 [tilespmem:s3+$0x8000];
	_ =	sdelay $0x3  }
0x3db: {  	[tilespmem:s28+$0xA000] =	vst.msk @!p1 vm0, v10  }
0x3dc: {  	[tilespmem:s28+$0xA180] =	vst.msk @!p1 vm0, v11;
	s3 =	spop @!p1 (v2sf)  }
0x3dd: {  	[tilespmem:s0+$0x2000] =	vst.msk @!p1 vm1, v10;
	s12 =	sadd.s32 @!p1 s0, s3  }
0x3de: {  	[tilespmem:s0+$0x4000] =	vst.msk @!p1 vm1, v11;
	s12 =	smov.u32 @p1 s0;
	s0 =	simm.s32 $0xA620  }
0x3df: {  	s4 =	spop @!p1 (v2sf);
	[tilespmem:s0+$0xFFFFFFE0] =	vst v5  }
0x3e0: {  	s4 =	sadd.s32 @!p1 s28, s4;
	[tilespmem:s0+$0x10] =	vst v5  }
0x3e1: {  	s29 =	sxor.u32 $0x80000000, s1;
	s1 =	simm.s32 $0x0;
	s4 =	smov.u32 @p1 s28;
	[tilespmem:s0+$0x0] =	vst v5  }
.LBB2_62:
0x3e2: {  	s1 =	sadd.s32 $0x4, s1  }
0x3e3: {  	[tilespmem:s0+$0xFFFFFFF0] =	vst v5;
	s0 =	sadd.s32 $0x40, s0;
	p1 =	slt.u32 s1, $0x3C  }
.Ltmp38:
0x3e4: {  	[tilespmem:s0+$0xFFFFFFE0] =	vst v5;
	(pc) =	sbr.rel @p1 .LBB2_62-.Ltmp38, $3  }
0x3e5: {  	_ =	sdelay $0x1  }
0x3e6: {  	[tilespmem:s0+$0x10] =	vst v5  }
0x3e7: {  	[tilespmem:s0+$0x0] =	vst v5  }
0x3e8: {  	s1 =	sadd.s32 $0xF, s12  }
0x3e9: {  	s3 =	sand.u32 $0xF, s1  }
0x3ea: {  	s30 =	sshra.s32 s1, $0x1F;
	p2 =	slt.s32 s1, $0x1;
	p1 =	sne.s32 s3, $0x0  }
0x3eb: {  	s3 =	sshrl.u32 s30, $0x1C;
	p1 =	por !p2, !p1  }
0x3ec: {  	s1 =	sadd.s32 s3, s1;
	s3 =	simm.s32 $0x1;
	p1 =	por !p1, !p1  }
0x3ed: {  	s1 =	sshra.s32 s1, $0x4;
	s3 =	simm.s32 @!p1 $0x0  }
0x3ee: {  	s5 =	ssub.s32 s1, s3  }
0x3ef: {  	s1 =	sshrl.u32 s5, $0x1F  }
0x3f0: {  	s1 =	sadd.s32 s1, s5  }
0x3f1: {  	s1 =	sand.u32 $0xFFFFFFFE, s1  }
0x3f2: {  	p1 =	slt.s32 s1, $0x1  }
.Ltmp39:
0x3f3: {  	_ = 	snop;
	(pc) =	sbr.rel @p1 .LBB2_86-.Ltmp39, $2  }
0x3f4: {  	_ =	sdelay $0x2  }
0x3f5: {  	[tilespmem:s0+$0xFFFFFFF0] =	vst v5;
	v10 =	vmov s12  }
0x3f6: {  	p6 =	sgt.s32 s1, $0x2  }
.Ltmp40:
0x3f7: {  	_ = 	snop;
	(pc) =	sbr.rel @!p6 .LBB2_65-.Ltmp40, $4  }
0x3f8: {  	_ = 	snop  }
0x3f9: {  	s0 =	simm.s32 $0x2010  }
0x3fa: {  	s8 =	simm.s32 $0x10;
	p2 =	por $0x0, $0x0;
	v11 =	vld [tilespmem:s0+$0x0]  }
0x3fb: {  	p3 =	por $0x0, $0x0;
	p4 =	por $0x0, $0x0;
	p5 =	por $0x0, $0x0;
	v12 =	vld [tilespmem:s0+$0xFFFFFFF0]  }
0x3fc: {  	p6 =	sgt.s32 s1, $0x4  }
.Ltmp41:
0x3fd: {  	_ = 	snop;
	(pc) =	sbr.rel @!p6 .LBB2_76-.Ltmp41, $4  }
0x3fe: {  	s0 =	simm.s32 $0x0;
	v14 =	vor.u32 s8, v0  }
0x3ff: {  	s30 =	simm.s32 $0x2030;
	v16 =	vor.u32 s0, v0;
	vm0 =	vlt.s32 v14, v10;
	v13 =	vand.u32 $0x3FF, v11  }
0x400: {  	vm2 =	vlt.s32 v16, v10;
	v11 =	vld [tilespmem:s30+$0x0];
	v15 =	vand.u32 $0x3FF, v12;
	(xrf1) =	vunique.msk.u32 vm0, v13  }
0x401: {  	s8 =	simm.s32 $0x30;
	p2 =	por $0x1, $0x1;
	vm1 =	vmmov vm0;
	v12 =	vld [tilespmem:s30+$0xFFFFFFF0];
	vm0 =	vmmov vm2;
	(xrf1) =	vunique.msk.u32 vm2, v15  }
0x402: {  	p6 =	sgt.s32 s1, $0x6  }
.Ltmp42:
0x403: {  	_ = 	snop;
	(pc) =	sbr.rel @!p6 .LBB2_78-.Ltmp42, $4  }
0x404: {  	s0 =	simm.s32 $0x20;
	v14 =	vor.u32 s8, v0  }
0x405: {  	s30 =	simm.s32 $0x2050;
	v16 =	vor.u32 s0, v0;
	vm2 =	vlt.s32 v14, v10;
	v18 =	vand.u32 $0x3FF, v11  }
0x406: {  	vm5 =	vmmov vm1;
	vm3 =	vlt.s32 v16, v10;
	v11 =	vld [tilespmem:s30+$0x0];
	v17 =	vand.u32 $0x3FF, v12;
	(xrf1) =	vunique.msk.u32 vm2, v18  }
0x407: {  	vm8 =	vmmov vm0;
	s8 =	simm.s32 $0x50;
	p3 =	por $0x1, $0x1;
	vm1 =	vmmov vm2;
	vm0 =	vmmov vm3;
	v12 =	vld [tilespmem:s30+$0xFFFFFFF0];
	(xrf1) =	vunique.msk.u32 vm3, v17  }
0x408: {  	_ =	sdelay $0x1  }
0x409: {  	s0 =	simm.s32 $0x40;
	v14 =	vor.u32 s8, v0  }
0x40a: {  	v16 =	vor.u32 s0, v0;
	vm2 =	vlt.s32 v14, v10;
	v20 =	vand.u32 $0x3FF, v11  }
0x40b: {  	vm3 =	vlt.s32 v16, v10;
	v14 =	vand.u32 $0x3FF, v12;
	(xrf1) =	vunique.msk.u32 vm2, v20  }
0x40c: {  	(xrf1) =	vunique.msk.u32 vm3, v14;
	_ =	sdelay $0x1  }
0x40d: {  	p6 =	sgt.s32 s1, $0x8  }
.Ltmp43:
0x40e: {  	_ = 	snop;
	(pc) =	sbr.rel @!p6 .LBB2_80-.Ltmp43, $4  }
0x40f: {  	_ = 	snop  }
0x410: {  	s30 =	simm.s32 $0x2070;
	vm7 =	vmmov vm1  }
0x411: {  	vm5 =	vmmov vm5;
	vm9 =	vmmov vm0;
	vm1 =	vmmov vm2;
	v11 =	vld [tilespmem:s30+$0x0];
	_, v23, vm2 =	vpop (xrf1)  }
0x412: {  	vm4 =	vmmov vm8;
	s8 =	simm.s32 $0x70;
	p4 =	por $0x1, $0x1;
	vm0 =	vmmov vm3;
	v12 =	vld [tilespmem:s30+$0xFFFFFFF0];
	vm3 =	vmand vm5, vm2;
	_, v24, vm6 =	vpop (xrf1)  }
0x413: {  	_ =	sdelay $0x1  }
0x414: {  	s0 =	simm.s32 $0x60;
	v19 =	vor.u32 s8, v0  }
0x415: {  	v21 =	vor.u32 s0, v0;
	vm8 =	vlt.s32 v19, v10;
	v16 =	vand.u32 $0x3FF, v11  }
0x416: {  	vm10 =	vlt.s32 v21, v10;
	v29 =	vand.u32 $0x3FF, v12;
	(xrf1) =	vunique.msk.u32 vm8, v16  }
0x417: {  	(xrf1) =	vunique.msk.u32 vm10, v29;
	_ =	sdelay $0x1  }
0x418: {  	p6 =	sgt.s32 s1, $0xA  }
.Ltmp44:
0x419: {  	vm2 =	vmand vm4, vm6;
	(pc) =	sbr.rel @!p6 .LBB2_82-.Ltmp44, $4  }
0x41a: {  	s0 =	simm.s32 $0x2090;
	v19 =	vmov v15  }
0x41b: {  	vm5 =	vmmov vm1;
	vm12 =	vmmov vm7;
	_, v22, vm13 =	vpop (xrf1);
	v11 =	vld [tilespmem:s0+$0x0]  }
0x41c: {  	vm11 =	vmmov vm9;
	v25 =	vmovc v17;
	v26 =	vmovc v18;
	vm1 =	vmmov vm8;
	v12 =	vld [tilespmem:s0+$0xFFFFFFF0];
	vm8 =	vmmov vm0  }
0x41d: {  	s3 =	simm.s32 $0xA;
	s8 =	simm.s32 $0x90;
	[tilespmem:v13+s18+$0x0] =	vst.idx.add.s32.msk vm3, v23;
	p5 =	por $0x1, $0x1;
	vm0 =	vmmov vm10;
	v21 =	vmov v24;
	vm10 =	vmand vm12, vm13;
	_, v27, vm12 =	vpop (xrf1)  }
.LBB2_83:
0x41e: {  	s3 =	sadd.s32 $0x2, s3  }
0x41f: {  	s6 =	sadd.s32 $0xFFFFFFF0, s8;
	v31 =	vor.u32 s8, v0;
	[tilespmem:v19+s18+$0x0] =	vst.idx.add.s32.msk vm2, v21;
	vm2 =	vmand vm11, vm12;
	v30 =	vmovc v16;
	v19 =	vmovc v25;
	v25 =	vmov v14;
	p6 =	slt.s32 s3, s1  }
.Ltmp45:
0x420: {  	s0 =	sadd.s32 $0x20, s0;
	v14 =	vmovc v29;
	v28 =	vmovc v22;
	v32 =	vor.u32 s6, v0;
	v16 =	vand.u32 $0x3FF, v11;
	vm11 =	vlt.s32 v31, v10;
	(pc) =	sbr.rel @p6 .LBB2_83-.Ltmp45, $4  }
0x421: {  	v21 =	vmovc v27;
	vm13 =	vmmov vm5;
	v11 =	vld [tilespmem:s0+$0x0];
	v29 =	vand.u32 $0x3FF, v12;
	vm12 =	vlt.s32 v32, v10;
	(xrf1) =	vunique.msk.u32 vm11, v16  }
0x422: {  	vm5 =	vmmov vm1;
	vm1 =	vmmov vm11;
	vm11 =	vmmov vm8;
	v12 =	vld [tilespmem:s0+$0xFFFFFFF0];
	(xrf1) =	vunique.msk.u32 vm12, v29  }
0x423: {  	vm8 =	vmmov vm0;
	vm0 =	vmmov vm12;
	_, v22, vm14 =	vpop (xrf1)  }
0x424: {  	s8 =	sadd.s32 $0x20, s8;
	_, v27, vm12 =	vpop (xrf1);
	[tilespmem:v26+s18+$0x0] =	vst.idx.add.s32.msk vm10, v28;
	vm10 =	vmand vm13, vm14;
	v26 =	vmov v20;
	v20 =	vmov v30  }
0x425: {  	v28 =	vmov v14;
	v14 =	vmov v29  }
.LBB2_85:
0x426: {  	s0 =	sadd.s32 $0xFFFFFFF0, s8;
	v29 =	vor.u32 s8, v0  }
0x427: {  	v11 =	vand.u32 $0x3FF, v11;
	vm13 =	vlt.s32 v29, v10;
	v61 =	vor.u32 s0, v0  }
0x428: {  	v12 =	vand.u32 $0x3FF, v12;
	vm14 =	vlt.s32 v61, v10;
	(xrf1) =	vunique.msk.u32 vm13, v11  }
0x429: {  	vm11 =	vmand @p4 vm11, vm12;
	(xrf1) =	vunique.msk.u32 vm14, v12  }
0x42a: {  	vm5 =	vmmov @p3 vm5;
	vm8 =	vmmov @p3 vm8;
	v15 =	vpsel p3, v28, v15  }
0x42b: {  	vm1 =	vmmov @p2 vm1;
	v27 =	vpsel p4, v27, v0;
	v25 =	vpsel p4, v25, v0  }
0x42c: {  	v14 =	vpsel p2, v14, v17;
	v17 =	vmovc @p3 v20;
	v16 =	vpsel p2, v16, v18;
	vm4 =	vmmov @p3 vm8  }
0x42d: {  	vm7 =	vmmov @p2 vm1;
	v13 =	vpsel p3, v17, v13;
	v14 =	vpsel p2, v14, v0  }
0x42e: {  	v15 =	vpsel p3, v15, v0;
	v16 =	vpsel p2, v16, v0;
	v14 =	vpsel p2, v14, v0;
	_, v29, vm12 =	vpop @p3 (xrf1)  }
0x42f: {  	vm5 =	vmand @p3 vm5, vm12;
	_, v28, vm8 =	vpop @p3 (xrf1);
	vm12 =	vmmov @p2 vm0;
	vm0 =	vmmov @p4 vm11  }
0x430: {  	v20 =	vpsel p3, v29, v23;
	vm6 =	vmmov @p3 vm8;
	vm8 =	vmmov vm13  }
0x431: {  	vm13 =	vmmov vm14;
	v23 =	vpsel p3, v28, v24;
	vm3 =	vmmov @p3 vm5  }
0x432: {  	vm9 =	vmmov @p2 vm12;
	vm1 =	vmand @p3 vm4, vm6;
	vm4 =	vmmov @p2 vm7;
	_, v17, vm5 =	vpop @p2 (xrf1)  }
0x433: {  	vm14 =	vmmov vm8;
	vm7 =	vmmov @p2 vm9;
	vm1 =	vmmov @p3 vm1;
	_, v18, vm9 =	vpop @p2 (xrf1)  }
0x434: {  	vm4 =	vmand @p2 vm4, vm5;
	vm5 =	vmmov @p2 vm7;
	vm7 =	vmmov @p2 vm9  }
0x435: {  	[tilespmem:v19+s18+$0x0] =	vst.idx.add.s32.msk @p5 vm2, v21;
	v19 =	vmovc @p4 v22;
	vm15 =	vmmov vm13;
	vm2 =	vmmov @p2 vm4;
	vm4 =	vmand @p2 vm5, vm7  }
0x436: {  	v22 =	vmov @p3 v23;
	vm12 =	vmmov vm14;
	vm4 =	vmmov @p2 vm4;
	_, v62, vm13 =	vpop (xrf1)  }
0x437: {  	vm14 =	vmmov vm15;
	[tilespmem:v13+s18+$0x0] =	vst.idx.add.s32.msk @p3 vm3, v20;
	v13 =	vpsel p3, v22, v0;
	vm5 =	vmand vm12, vm13;
	_, v63, vm15 =	vpop (xrf1)  }
0x438: {  	[tilespmem:v25+s18+$0x0] =	vst.idx.add.s32.msk @p4 vm0, v27;
	vm0 =	vmand vm14, vm15  }
0x439: {  	[tilespmem:v26+s18+$0x0] =	vst.idx.add.s32.msk @p4 vm10, v19;
	v17 =	vpsel p2, v17, v0;
	v18 =	vpsel p2, v18, v0  }
0x43a: {  	[tilespmem:v15+s18+$0x0] =	vst.idx.add.s32.msk @p3 vm1, v13;
	v15 =	vmov @p2 v18;
	v13 =	vmov @p2 v17  }
0x43b: {  	[tilespmem:v16+s18+$0x0] =	vst.idx.add.s32.msk @p2 vm2, v13;
	v13 =	vpsel p2, v15, v0  }
0x43c: {  	[tilespmem:v14+s18+$0x0] =	vst.idx.add.s32.msk @p2 vm4, v13  }
0x43d: {  	[tilespmem:v11+s18+$0x0] =	vst.idx.add.s32.msk vm5, v62  }
0x43e: {  	[tilespmem:v12+s18+$0x0] =	vst.idx.add.s32.msk vm0, v63  }
.LBB2_86:
0x43f: {  	s28 =	ssub.s32 s5, s1  }
0x440: {  	p2 =	sgt.s32 s28, $0x0  }
0x441: {  	s0 =	sshll.u32 @p2 s1, $0x4  }
0x442: {  	v11 =	vld @p2 [tilespmem:s0+$0x2000];
	_ =	sdelay $0x2  }
0x443: {  	v12 =	vlaneseq.u32 @p2  }
0x444: {  	v12 =	vor.u32 @p2 s0, v12  }
0x445: {  	vm0 =	vlt.s32 @p2 v12, s12;
	v11 =	vand.u32 @p2 $0x3FF, v11  }
0x446: {  	(xrf1) =	vunique.msk.u32 @p2 vm0, v11;
	_ =	sdelay $0xd  }
0x447: {  	_, v12, vm1 =	vpop @p2 (xrf1)  }
0x448: {  	vm0 =	vmand @p2 vm0, vm1;
	_ =	sdelay $0x4  }
0x449: {  	s0 =	simm.s32 @p2 $0xA600  }
0x44a: {  	s3 =	simm.s32 $0xA9F0;
	[tilespmem:v11+s0+$0x0] =	vst.idx.add.s32.msk @p2 vm0, v12  }
0x44b: {  	v11 =	vld [tilespmem:s3+$0x0];
	_ =	sdelay $0x4  }
0x44c: {  	v11 =	vperm.xlane v11, v6;
	_ =	sdelay $0x1  }
0x44d: {  	(xrf0) =	vadd.scan.msk.s32 $0xffff, v11;
	_ =	sdelay $0x5  }
0x44e: {  	s7 =	ssub.s32 s7, s29;
	s29 =	simm.s32 $0x0;
	v11, _, _ =	vpop (xrf0)  }
0x44f: {  	v11 =	vadd.s32 s29, v11  }
0x450: {  	v62 =	vxor.u32 $0x80000000, v11  }
0x451: {  	(xrf0) =	vmax.scan.msk.u32 $0xffff, v62;
	_ =	sdelay $0x5  }
0x452: {  	v12, _, _ =	vpop (xrf0)  }
0x453: {  	(v2sf) =	vpush v12, $0xF;
	_ =	sdelay $0x2  }
0x454: {  	v63 =	vld [tilespmem:s3+$0xFFFFFFF0];
	_ =	sdelay $0x4  }
0x455: {  	v12 =	vperm.xlane v63, v6;
	_ =	sdelay $0x1  }
0x456: {  	(xrf0) =	vadd.scan.msk.s32 $0xffff, v12;
	_ =	sdelay $0x4  }
0x457: {  	s30 =	spop (v2sf)  }
0x458: {  	v12, _, _ =	vpop (xrf0);
	s3 =	sxor.u32 $0x80000000, s30  }
0x459: {  	v12 =	vadd.s32 s3, v12  }
0x45a: {  	v13 =	vxor.u32 $0x80000000, v12  }
0x45b: {  	(xrf0) =	vmax.scan.msk.u32 $0xffff, v13;
	_ =	sdelay $0x1  }
0x45c: {  	v11 =	vperm.xlane v11, v6;
	_ =	sdelay $0x2  }
0x45d: {  	s0 =	simm.s32 $0xADF0  }
0x45e: {  	[tilespmem:s0+$0x0] =	vst v11;
	v11, _, _ =	vpop (xrf0)  }
0x45f: {  	v12 =	vperm.xlane v12, v6;
	(v2sf) =	vpush v11, $0xF;
	_ =	sdelay $0x1  }
0x460: {  	s5 =	simm.s32 $0xA9D0;
	s3 =	simm.s32 $0x0;
	[tilespmem:s0+$0xFFFFFFF0] =	vst v12  }
.LBB2_87:
0x461: {  	v11 =	vld [tilespmem:s5+$0x0];
	s3 =	sadd.s32 $0x2, s3  }
0x462: {  	p2 =	slt.u32 s3, $0x3E;
	_ =	sdelay $0x3  }
0x463: {  	v11 =	vperm.xlane v11, v6;
	_ =	sdelay $0x1  }
0x464: {  	(xrf0) =	vadd.scan.msk.s32 $0xffff, v11;
	_ =	sdelay $0x4  }
0x465: {  	s6 =	spop (v2sf)  }
0x466: {  	v11, _, _ =	vpop (xrf0);
	s6 =	sxor.u32 $0x80000000, s6  }
0x467: {  	v11 =	vadd.s32 s6, v11  }
0x468: {  	v12 =	vperm.xlane v11, v6;
	v11 =	vxor.u32 $0x80000000, v11  }
0x469: {  	s0 =	sadd.s32 $0xFFFFFFE0, s0;
	(xrf0) =	vmax.scan.msk.u32 $0xffff, v11  }
0x46a: {  	[tilespmem:s0+$0x0] =	vst v12;
	_ =	sdelay $0x4  }
0x46b: {  	v11, _, _ =	vpop (xrf0)  }
0x46c: {  	(v2sf) =	vpush v11, $0xF;
	_ =	sdelay $0x2  }
0x46d: {  	v11 =	vld [tilespmem:s5+$0xFFFFFFF0];
	_ =	sdelay $0x4  }
0x46e: {  	v11 =	vperm.xlane v11, v6;
	_ =	sdelay $0x1  }
0x46f: {  	(xrf0) =	vadd.scan.msk.s32 $0xffff, v11;
	_ =	sdelay $0x4  }
0x470: {  	s6 =	spop (v2sf)  }
0x471: {  	s6 =	sxor.u32 $0x80000000, s6;
	v11, _, _ =	vpop (xrf0)  }
0x472: {  	v11 =	vadd.s32 s6, v11  }
0x473: {  	v12 =	vperm.xlane v11, v6;
	v11 =	vxor.u32 $0x80000000, v11  }
0x474: {  	(xrf0) =	vmax.scan.msk.u32 $0xffff, v11  }
0x475: {  	[tilespmem:s0+$0xFFFFFFF0] =	vst v12;
	_ =	sdelay $0x3  }
.Ltmp46:
0x476: {  	(pc) =	sbr.rel @p2 .LBB2_87-.Ltmp46, $3  }
0x477: {  	v11, _, _ =	vpop (xrf0)  }
0x478: {  	(v2sf) =	vpush v11, $0xF;
	_ =	sdelay $0x1  }
0x479: {  	s5 =	sadd.s32 $0xFFFFFFE0, s5  }
0x47a: {  	_ =	sdelay $0xb  }
0x47b: {  	s0 =	spop (v2sf)  }
0x47c: {  	s0 =	simm.s32 $0xAA20  }
0x47d: {  	v12 =	vld [tilespmem:s0+$0xFFFFFFE0]  }
0x47e: {  	v13 =	vld [tilespmem:s0+$0xFFFFFFF0];
	_ =	sdelay $0x2  }
0x47f: {  	v11 =	vmov s7;
	s3 =	simm.s32 $0x0  }
0x480: {  	s29 =	simm.s32 $0x10;
	vm0 =	vlt.s32 v12, v11;
	v12 =	vor.u32 s3, v7  }
0x481: {  	v12 =	vsel vm0, $0x7FFFFFFF, v12;
	vm0 =	vlt.s32 v13, v11;
	v13 =	vor.u32 s29, v7  }
0x482: {  	(xrf0) =	vmax.scan.msk.u32 $0xffff, v12;
	v12 =	vsel vm0, $0x7FFFFFFF, v13  }
0x483: {  	v13 =	vld [tilespmem:s0+$0x0];
	(xrf0) =	vmax.scan.msk.u32 $0xffff, v12;
	_ =	sdelay $0x1  }
0x484: {  	s30 =	simm.s32 $0xAA60;
	v12 =	vld [tilespmem:s0+$0x10]  }
0x485: {  	v14 =	vld [tilespmem:s30+$0xFFFFFFE0]  }
0x486: {  	s8 =	simm.s32 $0x20;
	v15 =	vld [tilespmem:s30+$0xFFFFFFF0]  }
0x487: {  	vm0 =	vlt.s32 v13, v11;
	v13 =	vor.u32 s8, v7;
	v16, _, _ =	vpop (xrf0)  }
0x488: {  	s9 =	simm.s32 $0x30;
	v17 =	vld [tilespmem:s30+$0x0];
	v13 =	vsel vm0, $0x7FFFFFFF, v13;
	(v2sf) =	vpush v16, $0xF;
	v16, _, _ =	vpop (xrf0)  }
0x489: {  	s10 =	simm.s32 $0x40;
	s6 =	simm.s32 $0xAAA0;
	vm0 =	vlt.s32 v12, v11;
	v12 =	vor.u32 s9, v7;
	(v2sf) =	vpush v16, $0xF;
	v16 =	vld [tilespmem:s30+$0x10]  }
0x48a: {  	(xrf0) =	vmax.scan.msk.u32 $0xffff, v13;
	v12 =	vsel vm0, $0x7FFFFFFF, v12;
	vm0 =	vlt.s32 v14, v11;
	v13 =	vor.u32 s10, v7;
	v14 =	vld [tilespmem:s6+$0xFFFFFFE0]  }
0x48b: {  	s11 =	simm.s32 $0x50;
	(xrf0) =	vmax.scan.msk.u32 $0xffff, v12;
	v12 =	vsel vm0, $0x7FFFFFFF, v13;
	vm0 =	vlt.s32 v15, v11;
	v15 =	vld [tilespmem:s6+$0xFFFFFFF0]  }
0x48c: {  	s13 =	simm.s32 $0x60;
	v13 =	vor.u32 s11, v7  }
0x48d: {  	s16 =	simm.s32 $0x70;
	(xrf0) =	vmax.scan.msk.u32 $0xffff, v12;
	v12 =	vsel vm0, $0x7FFFFFFF, v13;
	vm0 =	vlt.s32 v17, v11;
	v13 =	vor.u32 s13, v7  }
0x48e: {  	s17 =	simm.s32 $0x80;
	(xrf0) =	vmax.scan.msk.u32 $0xffff, v12;
	v12 =	vsel vm0, $0x7FFFFFFF, v13;
	v13 =	vor.u32 s16, v7;
	vm0 =	vlt.s32 v16, v11  }
0x48f: {  	s26 =	simm.s32 $0x90;
	(xrf0) =	vmax.scan.msk.u32 $0xffff, v12;
	v13 =	vsel vm0, $0x7FFFFFFF, v13;
	vm0 =	vlt.s32 v14, v11;
	v14 =	vor.u32 s17, v7  }
0x490: {  	(xrf0) =	vmax.scan.msk.u32 $0xffff, v13;
	v13 =	vsel vm0, $0x7FFFFFFF, v14;
	vm0 =	vlt.s32 v15, v11;
	v15 =	vor.u32 s26, v7  }
0x491: {  	v16, _, _ =	vpop (xrf0);
	(xrf0) =	vmax.scan.msk.u32 $0xffff, v13;
	v15 =	vsel vm0, $0x7FFFFFFF, v15  }
0x492: {  	(v2sf) =	vpush v16, $0xF;
	v16, _, _ =	vpop (xrf0)  }
0x493: {  	(v2sf) =	vpush v16, $0xF;
	v16, _, _ =	vpop (xrf0)  }
0x494: {  	v12 =	vld [tilespmem:s6+$0x0];
	(v2sf) =	vpush v16, $0xF;
	(xrf0) =	vmax.scan.msk.u32 $0xffff, v15;
	v15, _, _ =	vpop (xrf0)  }
0x495: {  	(v2sf) =	vpush v15, $0xF;
	v15, _, _ =	vpop (xrf0)  }
0x496: {  	s9 =	simm.s32 $0xAAE0;
	v14 =	vld [tilespmem:s6+$0x10];
	(v2sf) =	vpush v15, $0xF;
	v15, _, _ =	vpop (xrf0)  }
0x497: {  	v13 =	vld [tilespmem:s9+$0xFFFFFFE0];
	s8 =	spop (v2sf);
	(v2sf) =	vpush v15, $0xF;
	v15, _, _ =	vpop (xrf0)  }
0x498: {  	s29 =	simm.s32 $0xA0;
	(v2sf) =	vpush v15, $0xF  }
0x499: {  	vm0 =	vlt.s32 v12, v11;
	v12 =	vor.u32 s29, v7;
	v16 =	vld [tilespmem:s9+$0xFFFFFFF0]  }
0x49a: {  	s30 =	simm.s32 $0xB0;
	v12 =	vsel vm0, $0x7FFFFFFF, v12  }
0x49b: {  	s0 =	simm.s32 $0xC0;
	(xrf0) =	vmax.scan.msk.u32 $0xffff, v12;
	vm0 =	vlt.s32 v14, v11;
	v14 =	vor.u32 s30, v7  }
0x49c: {  	s5 =	simm.s32 $0xFFFFFFFF;
	s3 =	simm.s32 $0xC;
	v12 =	vld [tilespmem:s9+$0x0];
	v14 =	vsel vm0, $0x7FFFFFFF, v14;
	vm0 =	vlt.s32 v13, v11;
	v13 =	vor.u32 s0, v7  }
0x49d: {  	s10 =	simm.s32 $0xD0;
	s6 =	simm.s32 $0xAB20;
	(xrf0) =	vmax.scan.msk.u32 $0xffff, v14;
	v17 =	vsel vm0, $0x7FFFFFFF, v13;
	s8 =	sxor.u32 $0x80000000, s8  }
0x49e: {  	v13 =	vld [tilespmem:s9+$0x10];
	vm0 =	vlt.s32 v16, v11;
	v14 =	vor.u32 s10, v7;
	s9 =	simm.s32 $0xE0;
	(xrf0) =	vmax.scan.msk.u32 $0xffff, v17;
	v15, _, _ =	vpop (xrf0);
	s10 =	spop (v2sf);
	p3 =	slt.s32 s8, $0xFFFFFFFF  }
.LBB2_89:
0x49f: {  	s3 =	sadd.s32 $0x4, s3  }
0x4a0: {  	v16 =	vld [tilespmem:s6+$0xFFFFFFE0];
	v17 =	vsel vm0, $0x7FFFFFFF, v14;
	(v2sf) =	vpush v15, $0xF;
	s8 =	smov.u32 @p3 s5;
	s5 =	sxor.u32 $0x80000000, s10;
	s10 =	smov.u32 s6  }
0x4a1: {  	p2 =	slt.u32 s3, $0x3C;
	vm0 =	vlt.s32 v12, v11;
	v12 =	vor.u32 s9, v7;
	(xrf0) =	vmax.scan.msk.u32 $0xffff, v17;
	v14, _, _ =	vpop (xrf0);
	p3 =	sgt.s32 s8, s5;
	s9 =	spop (v2sf)  }
0x4a2: {  	s11 =	sadd.s32 $0x30, s0;
	v15 =	vld [tilespmem:s6+$0xFFFFFFF0];
	v12 =	vsel vm0, $0x7FFFFFFF, v12;
	(v2sf) =	vpush v14, $0xF;
	s5 =	smov.u32 @p3 s8;
	s9 =	sxor.u32 $0x80000000, s9  }
.Ltmp47:
0x4a3: {  	vm0 =	vlt.s32 v13, v11;
	v13 =	vor.u32 s11, v7;
	(xrf0) =	vmax.scan.msk.u32 $0xffff, v12;
	v14, _, _ =	vpop (xrf0);
	p3 =	sgt.s32 s5, s9;
	s8 =	spop (v2sf);
	(pc) =	sbr.rel @p2 .LBB2_89-.Ltmp47, $4  }
0x4a4: {  	s0 =	sadd.s32 $0x40, s0;
	v12 =	vld [tilespmem:s6+$0x0];
	v13 =	vsel vm0, $0x7FFFFFFF, v13;
	(v2sf) =	vpush v14, $0xF;
	s9 =	smov.u32 @p3 s5;
	s5 =	sxor.u32 $0x80000000, s8  }
0x4a5: {  	v14 =	vor.u32 s0, v7;
	s6 =	sadd.s32 $0x40, s6;
	vm0 =	vlt.s32 v16, v11;
	v16, _, _ =	vpop (xrf0);
	(xrf0) =	vmax.scan.msk.u32 $0xffff, v13;
	s8 =	spop (v2sf);
	p3 =	sgt.s32 s9, s5  }
0x4a6: {  	s11 =	sadd.s32 $0x10, s0;
	v17 =	vsel vm0, $0x7FFFFFFF, v14;
	v13 =	vld [tilespmem:s10+$0x10];
	(v2sf) =	vpush v16, $0xF;
	s8 =	sxor.u32 $0x80000000, s8;
	s5 =	smov.u32 @p3 s9  }
0x4a7: {  	v14 =	vor.u32 s11, v7;
	s9 =	sadd.s32 $0x20, s0;
	vm0 =	vlt.s32 v15, v11;
	(xrf0) =	vmax.scan.msk.u32 $0xffff, v17;
	v15, _, _ =	vpop (xrf0);
	p3 =	sgt.s32 s5, s8;
	s10 =	spop (v2sf)  }
0x4a8: {  	v14 =	vsel vm0, $0x7FFFFFFF, v14;
	(v2sf) =	vpush v15, $0xF;
	s8 =	smov.u32 @p3 s5;
	s3 =	sxor.u32 $0x80000000, s10  }
0x4a9: {  	v60 =	vor.u32 s9, v7;
	s13 =	spop (v2sf);
	vm14 =	vlt.s32 v12, v11;
	(xrf0) =	vmax.scan.msk.u32 $0xffff, v14;
	v61, _, _ =	vpop (xrf0);
	p2 =	sgt.s32 s8, s3  }
0x4aa: {  	s0 =	sadd.s32 $0x30, s0;
	s5 =	sxor.u32 $0x80000000, s13;
	v12 =	vsel vm14, $0x7FFFFFFF, v60;
	(v2sf) =	vpush v61, $0xF;
	s3 =	smov.u32 @p2 s8  }
0x4ab: {  	s16 =	spop (v2sf);
	vm15 =	vlt.s32 v13, v11;
	v11 =	vor.u32 s0, v7;
	(xrf0) =	vmax.scan.msk.u32 $0xffff, v12;
	v62, _, _ =	vpop (xrf0);
	p2 =	sgt.s32 s3, s5  }
0x4ac: {  	s0 =	sxor.u32 $0x80000000, s16;
	v11 =	vsel vm15, $0x7FFFFFFF, v11;
	(v2sf) =	vpush v62, $0xF;
	s5 =	smov.u32 @p2 s3  }
0x4ad: {  	s17 =	spop (v2sf);
	v63, _, _ =	vpop (xrf0);
	(xrf0) =	vmax.scan.msk.u32 $0xffff, v11;
	p2 =	sgt.s32 s5, s0  }
0x4ae: {  	s3 =	sxor.u32 $0x80000000, s17;
	(v2sf) =	vpush v63, $0xF;
	s0 =	smov.u32 @p2 s5  }
0x4af: {  	v11, _, _ =	vpop (xrf0);
	p2 =	sgt.s32 s0, s3;
	s26 =	spop (v2sf)  }
0x4b0: {  	(v2sf) =	vpush v11, $0xF;
	s3 =	smov.u32 @p2 s0;
	s0 =	sxor.u32 $0x80000000, s26  }
0x4b1: {  	v11, _, _ =	vpop (xrf0);
	p2 =	sgt.s32 s3, s0;
	s30 =	spop (v2sf)  }
0x4b2: {  	(v2sf) =	vpush v11, $0xF;
	s0 =	smov.u32 @p2 s3;
	s3 =	sxor.u32 $0x80000000, s30  }
0x4b3: {  	v11, _, _ =	vpop (xrf0);
	p2 =	sgt.s32 s0, s3;
	s6 =	spop (v2sf)  }
0x4b4: {  	(v2sf) =	vpush v11, $0xF;
	s3 =	smov.u32 @p2 s0;
	s0 =	sxor.u32 $0x80000000, s6  }
0x4b5: {  	s8 =	spop (v2sf);
	p2 =	sgt.s32 s3, s0  }
0x4b6: {  	s5 =	sxor.u32 $0x80000000, s8;
	s0 =	smov.u32 @p2 s3  }
0x4b7: {  	p2 =	sgt.s32 s0, s5;
	s9 =	spop (v2sf)  }
0x4b8: {  	s5 =	smov.u32 @p2 s0;
	s0 =	sxor.u32 $0x80000000, s9  }
0x4b9: {  	p2 =	sgt.s32 s5, s0;
	s10 =	spop (v2sf)  }
0x4ba: {  	s0 =	smov.u32 @p2 s5;
	s3 =	sxor.u32 $0x80000000, s10  }
0x4bb: {  	p2 =	sgt.s32 s0, s3;
	s11 =	spop (v2sf)  }
0x4bc: {  	s3 =	smov.u32 @p2 s0;
	s0 =	sxor.u32 $0x80000000, s11  }
0x4bd: {  	s13 =	spop (v2sf);
	p2 =	sgt.s32 s3, s0  }
0x4be: {  	s5 =	sxor.u32 $0x80000000, s13;
	s0 =	smov.u32 @p2 s3  }
0x4bf: {  	p2 =	sgt.s32 s0, s5;
	s16 =	spop (v2sf)  }
0x4c0: {  	s5 =	smov.u32 @p2 s0;
	s0 =	sxor.u32 $0x80000000, s16  }
0x4c1: {  	p2 =	sgt.s32 s5, s0;
	s17 =	spop (v2sf)  }
0x4c2: {  	s0 =	smov.u32 @p2 s5;
	s3 =	sxor.u32 $0x80000000, s17  }
0x4c3: {  	p2 =	sgt.s32 s0, s3;
	s26 =	spop (v2sf)  }
0x4c4: {  	s3 =	smov.u32 @p2 s0;
	s29 =	sxor.u32 $0x80000000, s26  }
0x4c5: {  	p2 =	sgt.s32 s3, s29  }
0x4c6: {  	s29 =	smov.u32 @p2 s3  }
0x4c7: {  	s30 =	sadd.s32 $0x1, s29  }
0x4c8: {  	v11 =	vmov s30;
	_ =	sdelay $0x4  }
0x4c9: {  	v11 =	vld.idx.msk [tilespmem:v11+s19+$0x0], $0xffff;
	_ =	sdelay $0x4  }
0x4ca: {  	v11 =	vxor.u32 $0x80000000, v11  }
0x4cb: {  	(xrf0) =	vmax.scan.msk.u32 $0xffff, v11;
	_ =	sdelay $0x5  }
0x4cc: {  	v11, _, _ =	vpop (xrf0)  }
0x4cd: {  	(v2sf) =	vpush v11, $0xF;
	_ =	sdelay $0xa  }
.Ltmp48:
0x4ce: {  	_ = 	snop;
	(pc) =	sbr.rel @p1 .LBB2_91-.Ltmp48, $2  }
0x4cf: {  	_ =	sdelay $0x2  }
0x4d0: {  	s5 =	spop (v2sf)  }
0x4d1: {  	s3 =	simm.s32 $0x2010  }
0x4d2: {  	v11 =	vld [tilespmem:s3+$0x0]  }
0x4d3: {  	v16 =	vld [tilespmem:s3+$0xFFFFFFF0];
	_ =	sdelay $0x2  }
0x4d4: {  	v13 =	vmov s29;
	s0 =	simm.s32 $0x10;
	s30 =	simm.s32 $0x0;
	p3 =	sgt.s32 s1, $0x2  }
.Ltmp49:
0x4d5: {  	v12 =	vor.u32 s30, v0;
	v14 =	vor.u32 s0, v0;
	v15 =	vand.u32 $0x3FF, v11;
	(pc) =	sbr.rel @!p3 .LBB2_96-.Ltmp49, $4  }
0x4d6: {  	vm6 =	vlt.s32 v14, v10;
	v14 =	vand.u32 $0x3FF, v16;
	vm0 =	vgt.s32 v15, v13  }
0x4d7: {  	vm2 =	vlt.s32 v12, v10;
	vm3 =	vgt.s32 v14, v13;
	vm1 =	vmand vm6, vm0  }
0x4d8: {  	s13 =	simm.s32 $0x0;
	s8 =	simm.s32 $0x4010;
	vm0 =	veq.s32 v14, v13;
	vm5 =	vmand vm2, vm3;
	v12 =	vsel vm1, $0x1, v5  }
0x4d9: {  	p1 =	por $0x0, $0x0;
	p2 =	por $0x0, $0x0;
	s0 =	simm.s32 $0x2030;
	vm12 =	veq.s32 v15, v13;
	vm4 =	vmand vm2, vm0;
	v20 =	vsel vm5, $0x1, v5;
	(xrf0) =	vadd.scan.msk.s32 $0xffff, v12  }
0x4da: {  	v12 =	vsel vm4, $0x1, v5;
	vm10 =	vmand vm6, vm12;
	(xrf0) =	vadd.scan.msk.s32 $0xffff, v20  }
0x4db: {  	s3 =	simm.s32 $0x20;
	v17 =	vsel vm10, $0x1, v5;
	(xrf0) =	vadd.scan.msk.s32 $0xffff, v12  }
0x4dc: {  	v12 =	vor.u32 s3, v0;
	(xrf0) =	vadd.scan.msk.s32 $0xffff, v17;
	_ =	sdelay $0x2  }
0x4dd: {  	vm2 =	vmmov vm4;
	vm4 =	vlt.s32 v12, v10;
	v12, _, _ =	vpop (xrf0)  }
0x4de: {  	v19, _, _ =	vpop (xrf0);
	(v2sf) =	vpush v12, $0xF  }
0x4df: {  	(v2sf) =	vpush v19, $0xF;
	v12, _, _ =	vpop (xrf0)  }
0x4e0: {  	(v2sf) =	vpush v12, $0xF;
	v12, _, _ =	vpop (xrf0)  }
0x4e1: {  	(v2sf) =	vpush v12, $0xF;
	_ =	sdelay $0x1  }
0x4e2: {  	v15 =	vld [tilespmem:s0+$0x0]  }
0x4e3: {  	v14 =	vld [tilespmem:s0+$0xFFFFFFF0];
	_ =	sdelay $0x2  }
0x4e4: {  	s30 =	simm.s32 $0x30;
	p3 =	sgt.s32 s1, $0x4  }
.Ltmp50:
0x4e5: {  	vm0 =	vmmov vm1;
	v17 =	vor.u32 s30, v0;
	v18 =	vand.u32 $0x3FF, v15;
	(pc) =	sbr.rel @!p3 .LBB2_98-.Ltmp50, $4  }
0x4e6: {  	vm6 =	vlt.s32 v17, v10;
	v17 =	vand.u32 $0x3FF, v14;
	vm1 =	vgt.s32 v18, v13  }
0x4e7: {  	vm3 =	vmmov vm5;
	vm5 =	vgt.s32 v17, v13;
	vm1 =	vmand vm6, vm1  }
0x4e8: {  	vm7 =	veq.s32 v17, v13;
	vm5 =	vmand vm4, vm5;
	v17 =	vsel vm1, $0x1, v5  }
0x4e9: {  	s0 =	simm.s32 $0x2050;
	p1 =	por $0x1, $0x1;
	vm12 =	veq.s32 v18, v13;
	vm4 =	vmand vm4, vm7;
	v20 =	vsel vm5, $0x1, v5;
	(xrf0) =	vadd.scan.msk.s32 $0xffff, v17  }
0x4ea: {  	v17 =	vsel vm4, $0x1, v5;
	vm11 =	vmand vm6, vm12;
	(xrf0) =	vadd.scan.msk.s32 $0xffff, v20  }
0x4eb: {  	s26 =	simm.s32 $0x40;
	v19 =	vsel vm11, $0x1, v5;
	(xrf0) =	vadd.scan.msk.s32 $0xffff, v17  }
0x4ec: {  	(xrf0) =	vadd.scan.msk.s32 $0xffff, v19;
	v19 =	vor.u32 s26, v0  }
0x4ed: {  	v18 =	vld [tilespmem:s0+$0x0]  }
0x4ee: {  	v12 =	vld [tilespmem:s0+$0xFFFFFFF0];
	vm7 =	vmmov vm10;
	vm6 =	vmmov vm0  }
0x4ef: {  	vm8 =	vmmov vm2;
	vm2 =	vmmov vm4;
	v17 =	vld [tilespmem:s8+$0xFFFFFFF0];
	vm4 =	vlt.s32 v19, v10;
	v19, _, _ =	vpop (xrf0)  }
0x4f0: {  	vm10 =	vmmov vm3;
	s3 =	simm.s32 $0x50;
	vm0 =	vmmov vm1;
	v22, _, _ =	vpop (xrf0);
	(v2sf) =	vpush v19, $0xF  }
0x4f1: {  	p3 =	sgt.s32 s1, $0x6;
	v20 =	vor.u32 s3, v0;
	vm9 =	vmmov vm6;
	(v2sf) =	vpush v22, $0xF;
	v19, _, _ =	vpop (xrf0)  }
.Ltmp51:
0x4f2: {  	vm6 =	vlt.s32 v20, v10;
	v21 =	vand.u32 $0x3FF, v18;
	(v2sf) =	vpush v19, $0xF;
	v19, _, _ =	vpop (xrf0);
	(pc) =	sbr.rel @!p3 .LBB2_100-.Ltmp51, $4  }
0x4f3: {  	[tilespmem:s4+$0xA000] =	vst.msk vm10, v16;
	v20 =	vand.u32 $0x3FF, v12;
	vm1 =	vgt.s32 v21, v13;
	(v2sf) =	vpush v19, $0xF  }
0x4f4: {  	vm3 =	vmmov vm5;
	s9 =	simm.s32 $0x2070;
	vm5 =	vgt.s32 v20, v13;
	[tilespmem:s4+$0xA180] =	vst.msk vm10, v17;
	vm1 =	vmand vm6, vm1  }
0x4f5: {  	s6 =	spop (v2sf);
	p2 =	por $0x1, $0x1;
	s30 =	simm.s32 $0x0;
	vm12 =	veq.s32 v20, v13;
	vm5 =	vmand vm4, vm5;
	[tilespmem:s13+$0x6000] =	vst.msk vm8, v16;
	v22 =	vsel vm1, $0x1, v5  }
0x4f6: {  	s0 =	simm.s32 $0x4010;
	s11 =	smov.u32 s4;
	s26 =	simm.s32 $0x6;
	vm4 =	vmand vm4, vm12;
	vm12 =	veq.s32 v21, v13;
	v20 =	vsel vm5, $0x1, v5;
	(xrf0) =	vadd.scan.msk.s32 $0xffff, v22;
	v19 =	vld [tilespmem:s8+$0x0]  }
.LBB2_101:
0x4f7: {  	v21 =	vsel vm4, $0x1, v5;
	(xrf0) =	vadd.scan.msk.s32 $0xffff, v20  }
0x4f8: {  	v16 =	vld [tilespmem:s9+$0x0];
	s3 =	sadd.s32 $0x20, s3;
	[tilespmem:s30+$0x8000] =	vst.msk vm8, v17;
	s10 =	spop (v2sf);
	v22 =	vmovc v12;
	vm10 =	vmmov vm7;
	vm7 =	vmmov vm11;
	vm11 =	vmand vm6, vm12  }
0x4f9: {  	s0 =	sadd.s32 $0x20, s0;
	vm6 =	vmmov vm0;
	vm0 =	vmmov vm1;
	s16 =	sadd.s32 $0xFFFFFFF0, s3;
	v12 =	vld [tilespmem:s9+$0xFFFFFFF0];
	v17 =	vsel vm11, $0x1, v5;
	(xrf0) =	vadd.scan.msk.s32 $0xffff, v21;
	s17 =	spop (v2sf)  }
0x4fa: {  	vm12 =	vmmov vm3;
	vm3 =	vmmov vm5;
	vm8 =	vmmov vm2;
	s10 =	sadd.s32 s11, s10;
	(xrf0) =	vadd.scan.msk.s32 $0xffff, v17;
	s17 =	sadd.s32 s30, s17;
	s30 =	spop (v2sf)  }
0x4fb: {  	s26 =	sadd.s32 $0x2, s26;
	vm2 =	vmmov vm4;
	s11 =	sadd.s32 s10, s6;
	v17 =	vld [tilespmem:s0+$0xFFFFFFF0];
	[tilespmem:s10+$0xA000] =	vst.msk vm9, v11;
	s30 =	sadd.s32 s17, s30  }
0x4fc: {  	v21 =	vor.u32 s3, v0;
	p3 =	slt.s32 s26, s1;
	v25 =	vor.u32 s16, v0;
	[tilespmem:s10+$0xA180] =	vst.msk vm9, v19;
	vm9 =	vmmov vm6  }
0x4fd: {  	vm4 =	vlt.s32 v25, v10;
	vm6 =	vlt.s32 v21, v10;
	v20, _, _ =	vpop (xrf0);
	[tilespmem:s17+$0x6000] =	vst.msk vm10, v11;
	v11 =	vmov v15  }
.Ltmp52:
0x4fe: {  	v21 =	vand.u32 $0x3FF, v16;
	v24 =	vand.u32 $0x3FF, v12;
	v23, _, _ =	vpop (xrf0);
	(v2sf) =	vpush v20, $0xF;
	[tilespmem:s17+$0x8000] =	vst.msk vm10, v19;
	(pc) =	sbr.rel @p3 .LBB2_101-.Ltmp52, $4  }
0x4ff: {  	vm1 =	vgt.s32 v21, v13;
	vm5 =	vgt.s32 v24, v13;
	(v2sf) =	vpush v23, $0xF;
	v19, _, _ =	vpop (xrf0);
	[tilespmem:s11+$0xA000] =	vst.msk vm12, v14  }
0x500: {  	vm10 =	veq.s32 v24, v13;
	vm1 =	vmand vm6, vm1;
	(v2sf) =	vpush v19, $0xF;
	v15, _, _ =	vpop (xrf0);
	[tilespmem:s11+$0xA180] =	vst.msk vm12, v17  }
0x501: {  	vm5 =	vmand vm4, vm5;
	v19 =	vsel vm1, $0x1, v5;
	(v2sf) =	vpush v15, $0xF;
	[tilespmem:s30+$0x6000] =	vst.msk vm8, v14;
	v15 =	vmovc v18;
	v18 =	vmovc v16  }
0x502: {  	s9 =	sadd.s32 $0x20, s9;
	vm4 =	vmand vm4, vm10;
	vm12 =	veq.s32 v21, v13;
	v20 =	vsel vm5, $0x1, v5;
	v14 =	vmovc v22;
	(xrf0) =	vadd.scan.msk.s32 $0xffff, v19;
	v19 =	vld [tilespmem:s0+$0x0];
	s6 =	spop (v2sf)  }
0x503: {  	v13 =	vmovc v11;
	vm10 =	vmmov vm11;
	v10 =	vmovc v15;
	v16 =	vmov v14;
	v11 =	vmov v18  }
.LBB2_103:
0x504: {  	(xrf0) =	vadd.scan.msk.s32 $0xffff, v20  }
0x505: {  	v14 =	vsel vm4, $0x1, v5  }
0x506: {  	vm6 =	vmand vm6, vm12;
	(xrf0) =	vadd.scan.msk.s32 $0xffff, v14  }
0x507: {  	v59 =	vsel vm6, $0x1, v5  }
0x508: {  	(xrf0) =	vadd.scan.msk.s32 $0xffff, v59  }
0x509: {  	v60, _, _ =	vpop (xrf0)  }
0x50a: {  	s3 =	spop @p2 (v2sf);
	s0 =	sadd.s32 @p2 $0x20, s0;
	s9 =	simm.s32 $0x4010;
	(v2sf) =	vpush v60, $0xF;
	v15, _, _ =	vpop (xrf0)  }
0x50b: {  	[tilespmem:s30+$0x8000] =	vst.msk @p2 vm8, v17;
	s3 =	sadd.s32 @p2 s11, s3;
	s9 =	smov.u32 @p2 s0;
	(v2sf) =	vpush v15, $0xF  }
0x50c: {  	s0 =	spop @p2 (v2sf);
	v14 =	vld @p1 [tilespmem:s9+$0xFFFFFFF0];
	[tilespmem:s3+$0xA000] =	vst.msk @p2 vm9, v13;
	v61, _, _ =	vpop (xrf0)  }
0x50d: {  	vm7 =	vmmov @p2 vm7;
	s0 =	sadd.s32 @p2 s30, s0;
	[tilespmem:s3+$0xA180] =	vst.msk @p2 vm9, v19;
	(v2sf) =	vpush v61, $0xF  }
0x50e: {  	s3 =	sadd.s32 @p2 s3, s6;
	s6 =	smov.u32 s4;
	[tilespmem:s0+$0x6000] =	vst.msk @p2 vm7, v13;
	v62, _, _ =	vpop (xrf0)  }
0x50f: {  	vm3 =	vmmov @p1 vm3;
	s10 =	spop @p2 (v2sf);
	s6 =	smov.u32 @p2 s3;
	v13 =	vld @p1 [tilespmem:s9+$0x0];
	[tilespmem:s0+$0x8000] =	vst.msk @p2 vm7, v19;
	(v2sf) =	vpush v62, $0xF  }
0x510: {  	s3 =	simm.s32 $0x0;
	s0 =	sadd.s32 @p2 s0, s10;
	[tilespmem:s6+$0xA000] =	vst.msk @p1 vm3, v16  }
0x511: {  	vm0 =	vmmov @p1 vm0;
	vm2 =	vmmov @p1 vm2;
	s3 =	smov.u32 @p2 s0;
	s0 =	spop @p1 (v2sf);
	[tilespmem:s6+$0xA180] =	vst.msk @p1 vm3, v14  }
0x512: {  	vm0 =	vmmov @p1 vm0;
	s9 =	sadd.s32 @p1 $0x20, s9;
	v14 =	vpsel p1, v14, v0;
	[tilespmem:s3+$0x6000] =	vst.msk @p1 vm2, v16;
	vm2 =	vmmov @p1 vm2;
	s10 =	spop @p1 (v2sf)  }
0x513: {  	v10 =	vpsel p1, v10, v0;
	vm0 =	vmmov @p1 vm0;
	s8 =	smov.u32 @p1 s9;
	vm3 =	vmmov @p1 vm10;
	[tilespmem:s3+$0x8000] =	vst.msk @p1 vm2, v14;
	s6 =	sadd.s32 @p1 s6, s10  }
0x514: {  	v63 =	vld [tilespmem:s8+$0xFFFFFFF0];
	s0 =	smov.u32 @p1 s0;
	vm2 =	vmmov @p1 vm3;
	v13 =	vpsel p1, v13, v0;
	s9 =	spop @p1 (v2sf);
	[tilespmem:s6+$0xA000] =	vst.msk @p1 vm0, v10  }
0x515: {  	vm12 =	vmmov vm5;
	vm2 =	vmmov @p1 vm2;
	s3 =	sadd.s32 @p1 s3, s9;
	s0 =	sadd.s32 @p1 s6, s0;
	[tilespmem:s6+$0xA180] =	vst.msk @p1 vm0, v13  }
0x516: {  	vm0 =	vmmov vm12;
	s4 =	smov.u32 @p1 s0;
	[tilespmem:s3+$0x6000] =	vst.msk @p1 vm2, v10  }
0x517: {  	s6 =	spop @p1 (v2sf);
	[tilespmem:s4+$0xA000] =	vst.msk vm0, v12  }
0x518: {  	vm13 =	vmmov vm4;
	s0 =	sadd.s32 @p1 s3, s6;
	v10 =	vld [tilespmem:s8+$0x0];
	[tilespmem:s3+$0x8000] =	vst.msk @p1 vm2, v13  }
0x519: {  	vm1 =	vmmov vm1;
	vm2 =	vmmov vm13;
	[tilespmem:s4+$0xA180] =	vst.msk vm0, v63;
	s13 =	smov.u32 @p1 s0;
	s11 =	spop (v2sf)  }
0x51a: {  	vm14 =	vmmov vm1;
	[tilespmem:s13+$0x6000] =	vst.msk vm2, v12;
	s16 =	spop (v2sf)  }
.Ltmp53:
0x51b: {  	vm0 =	vmmov vm14;
	[tilespmem:s13+$0x8000] =	vst.msk vm2, v63;
	s3 =	sadd.s32 s4, s16;
	(pc) =	sbr.rel .LBB2_92-.Ltmp53, $4  }
0x51c: {  	vm15 =	vmmov vm6;
	s17 =	spop (v2sf);
	[tilespmem:s3+$0xA000] =	vst.msk vm0, v11  }
0x51d: {  	vm1 =	vmmov vm15;
	s26 =	sadd.s32 s13, s17;
	[tilespmem:s3+$0xA180] =	vst.msk vm0, v10  }
0x51e: {  	s30 =	spop (v2sf);
	[tilespmem:s26+$0x6000] =	vst.msk vm1, v11  }
0x51f: {  	s4 =	sadd.s32 s3, s11;
	s0 =	sadd.s32 s26, s30;
	[tilespmem:s26+$0x8000] =	vst.msk vm1, v10  }
.LBB2_91:
0x520: {  	s0 =	simm.s32 $0x0  }
.LBB2_92:
0x521: {  	p1 =	slt.s32 s28, $0x1  }
0x522: {  	s1 =	sshll.u32 @!p1 s1, $0x4  }
0x523: {  	v10 =	vld @!p1 [tilespmem:s1+$0x2000];
	_ =	sdelay $0x3  }
0x524: {  	v11 =	vlaneseq.u32 @!p1  }
0x525: {  	v11 =	vor.u32 @!p1 s1, v11;
	v12 =	vand.u32 @!p1 $0x3FF, v10  }
0x526: {  	vm0 =	vlt.s32 @!p1 v11, s12;
	vm1 =	vgt.s32 @!p1 v12, s29  }
0x527: {  	v11 =	vimm.s32 @!p1 $0x0;
	vm1 =	vmand @!p1 vm0, vm1  }
0x528: {  	v11 =	vsel @!p1 vm1, $0x1, v11  }
0x529: {  	(xrf0) =	vadd.scan.msk.s32 @!p1 $0xffff, v11;
	_ =	sdelay $0x5  }
0x52a: {  	v11, _, _ =	vpop @!p1 (xrf0)  }
0x52b: {  	(v2sf) =	vpush @!p1 v11, $0xF;
	_ =	sdelay $0x6  }
0x52c: {  	v11 =	vld @!p1 [tilespmem:s1+$0x4000];
	_ =	sdelay $0x3  }
0x52d: {  	vm2 =	veq.s32 @!p1 v12, s29;
	[tilespmem:s4+$0xA000] =	vst.msk @!p1 vm1, v10  }
0x52e: {  	s3 =	sxor.u32 $0x80000000, s5;
	vm0 =	vmand @!p1 vm0, vm2;
	[tilespmem:s4+$0xA180] =	vst.msk @!p1 vm1, v11  }
0x52f: {  	s26 =	ssub.s32 s7, s3;
	[tilespmem:s0+$0x6000] =	vst.msk @!p1 vm0, v10  }
0x530: {  	[tilespmem:s0+$0x8000] =	vst.msk @!p1 vm0, v11;
	s0 =	sadd.s32 $0xF, s26  }
0x531: {  	s28 =	sand.u32 $0xF, s0;
	s29 =	sshra.s32 s0, $0x1F;
	s1 =	spop @!p1 (v2sf)  }
0x532: {  	p6 =	slt.s32 s0, $0x1;
	p2 =	sne.s32 s28, $0x0;
	s1 =	sadd.s32 @!p1 s4, s1  }
0x533: {  	s30 =	sshrl.u32 s29, $0x1C;
	s1 =	smov.u32 @p1 s4;
	p1 =	por !p6, !p2  }
0x534: {  	s3 =	simm.s32 $0x1;
	s0 =	sadd.s32 s30, s0;
	p1 =	por !p1, !p1  }
0x535: {  	s0 =	sshra.s32 s0, $0x4;
	s3 =	simm.s32 @!p1 $0x0  }
0x536: {  	s4 =	ssub.s32 s0, s3  }
0x537: {  	p1 =	slt.s32 s4, $0x1  }
.Ltmp54:
0x538: {  	_ = 	snop;
	(pc) =	sbr.rel @p1 .LBB2_108-.Ltmp54, $1  }
0x539: {  	_ =	sdelay $0x3  }
0x53a: {  	p2 =	sne.s32 s4, $0x1  }
.Ltmp55:
0x53b: {  	_ = 	snop;
	(pc) =	sbr.rel @!p2 .LBB2_94-.Ltmp55, $4  }
0x53c: {  	_ = 	snop  }
0x53d: {  	s0 =	sshll.u32 s1, $0x2;
	s5 =	simm.s32 $0x6000  }
0x53e: {  	s3 =	simm.s32 $0x8000;
	s4 =	sadd.s32 $0xFFFFFFFF, s4;
	s1 =	sshra.s32 s0, $0x2  }
0x53f: {  	p1 =	por $0x0, $0x0;
	v10 =	vld [tilespmem:s5+$0x0];
	s0 =	sadd.s32 $0xA180, s1;
	s1 =	sadd.s32 $0xA000, s1  }
0x540: {  	_ =	sdelay $0x3  }
0x541: {  	[tilespmem:s1+$0x0] =	vst v10  }
0x542: {  	v10 =	vld [tilespmem:s3+$0x0]  }
0x543: {  	p2 =	sne.s32 s4, $0x1  }
.Ltmp56:
0x544: {  	_ = 	snop;
	(pc) =	sbr.rel @!p2 .LBB2_105-.Ltmp56, $3  }
0x545: {  	_ =	sdelay $0x1  }
0x546: {  	s7 =	simm.s32 $0x6010;
	s8 =	sadd.s32 $0xFFFFFFFF, s4;
	p1 =	por $0x1, $0x1;
	[tilespmem:s0+$0x0] =	vst v10  }
0x547: {  	s4 =	smov.u32 s1;
	s6 =	simm.s32 $0x8000;
	s5 =	smov.u32 s0;
	v10 =	vld [tilespmem:s7+$0x0]  }
.LBB2_106:
0x548: {  	p2 =	sne.s32 s8, $0x1;
	_ =	sdelay $0x2  }
0x549: {  	s4 =	sadd.s32 $0x10, s4  }
0x54a: {  	s6 =	sadd.s32 $0x10, s6;
	[tilespmem:s4+$0x0] =	vst v10  }
0x54b: {  	v10 =	vld [tilespmem:s6+$0x0];
	_ =	sdelay $0x1  }
.Ltmp57:
0x54c: {  	(pc) =	sbr.rel @p2 .LBB2_106-.Ltmp57, $4  }
0x54d: {  	_ = 	snop  }
0x54e: {  	s5 =	sadd.s32 $0x10, s5  }
0x54f: {  	s7 =	sadd.s32 $0x10, s7;
	[tilespmem:s5+$0x0] =	vst v10  }
0x550: {  	s8 =	sadd.s32 $0xFFFFFFFF, s8;
	v10 =	vld [tilespmem:s7+$0x0]  }
.LBB2_107:
0x551: {  	_ =	sdelay $0x1  }
0x552: {  	s4 =	sadd.s32 @p1 $0x10, s4  }
0x553: {  	s1 =	smov.u32 @p1 s4;
	s4 =	sadd.s32 @p1 $0x10, s6  }
0x554: {  	s3 =	smov.u32 @p1 s4;
	[tilespmem:s1+$0x0] =	vst v10  }
0x555: {  	v10 =	vld [tilespmem:s3+$0x0];
	_ =	sdelay $0x2  }
0x556: {  	s1 =	sadd.s32 @p1 $0x10, s5  }
0x557: {  	s0 =	smov.u32 @p1 s1  }
0x558: {  	[tilespmem:s0+$0x0] =	vst v10  }
.LBB2_108:
0x559: {  	[tilespmem:$0xAE80] =	vst v5  }
0x55a: {  	[tilespmem:$0xAE90] =	vst v5;
	s0 =	simm.s32 $0xA020  }
0x55b: {  	v10 =	vld [tilespmem:s0+$0x10]  }
0x55c: {  	v12 =	vld [tilespmem:s0+$0xFFFFFFF0];
	_ =	sdelay $0x1  }
0x55d: {  	v13 =	vld [tilespmem:s0+$0x0];
	_ =	sdelay $0x1  }
0x55e: {  	v11 =	vandn.u32 $0x1F, v10  }
0x55f: {  	v12 =	vandn.u32 $0x1F, v12;
	(xrf1) =	vunique.msk.u32 $0xffff, v11  }
0x560: {  	(xrf1) =	vunique.msk.u32 $0xffff, v12  }
0x561: {  	v10 =	vandn.u32 $0x1F, v13;
	v13 =	vld [tilespmem:s0+$0xFFFFFFE0]  }
0x562: {  	s30 =	simm.s32 $0xA060  }
0x563: {  	v14 =	vld [tilespmem:s30+$0x10]  }
0x564: {  	v16 =	vld [tilespmem:s30+$0xFFFFFFF0]  }
0x565: {  	v17 =	vld [tilespmem:s30+$0x0]  }
0x566: {  	s1 =	simm.s32 $0xA0A0;
	v18 =	vld [tilespmem:s30+$0xFFFFFFE0];
	(xrf1) =	vunique.msk.u32 $0xffff, v10;
	v15 =	vandn.u32 $0x1F, v13  }
0x567: {  	v19 =	vld [tilespmem:s1+$0x10];
	(xrf1) =	vunique.msk.u32 $0xffff, v15  }
0x568: {  	v21 =	vld [tilespmem:s1+$0xFFFFFFF0];
	v13 =	vandn.u32 $0x1F, v14  }
0x569: {  	v14 =	vandn.u32 $0x1F, v16;
	(xrf1) =	vunique.msk.u32 $0xffff, v13  }
0x56a: {  	v16 =	vandn.u32 $0x1F, v17;
	(xrf1) =	vunique.msk.u32 $0xffff, v14  }
0x56b: {  	v17 =	vandn.u32 $0x1F, v18;
	(xrf1) =	vunique.msk.u32 $0xffff, v16  }
0x56c: {  	v19 =	vandn.u32 $0x1F, v19;
	(xrf1) =	vunique.msk.u32 $0xffff, v17  }
0x56d: {  	v18 =	vandn.u32 $0x1F, v21;
	_, v22, vm2 =	vpop (xrf1);
	(xrf1) =	vunique.msk.u32 $0xffff, v19  }
0x56e: {  	_, v20, vm0 =	vpop (xrf1);
	(xrf1) =	vunique.msk.u32 $0xffff, v18;
	_ =	sdelay $0x1  }
0x56f: {  	v23 =	vld [tilespmem:s1+$0x0]  }
0x570: {  	v24 =	vld [tilespmem:s1+$0xFFFFFFE0];
	_ =	sdelay $0x2  }
0x571: {  	s1 =	simm.s32 $0xA0E0;
	s0 =	simm.s32 $0x8;
	_, v21, vm1 =	vpop (xrf1)  }
.LBB2_109:
0x572: {  	v25 =	vld [tilespmem:s1+$0x10];
	s0 =	sadd.s32 $0x4, s0;
	v26 =	vandn.u32 $0x1F, v23;
	_, v27, vm3 =	vpop (xrf1)  }
0x573: {  	v28 =	vld [tilespmem:s1+$0xFFFFFFF0];
	p1 =	slt.u32 s0, $0xC;
	v29 =	vandn.u32 $0x1F, v24;
	(xrf1) =	vunique.msk.u32 $0xffff, v26  }
0x574: {  	(xrf1) =	vunique.msk.u32 $0xffff, v29;
	[tilespmem:v11+s20+$0x0] =	vst.idx.add.s32.msk vm2, v22;
	v11 =	vmov v13;
	v13 =	vmov v19  }
.Ltmp58:
0x575: {  	v23 =	vld [tilespmem:s1+$0x0];
	(pc) =	sbr.rel @p1 .LBB2_109-.Ltmp58, $4  }
0x576: {  	v24 =	vld [tilespmem:s1+$0xFFFFFFE0];
	_, v22, vm2 =	vpop (xrf1)  }
0x577: {  	v19 =	vandn.u32 $0x1F, v25;
	[tilespmem:v12+s20+$0x0] =	vst.idx.add.s32.msk vm0, v20;
	_, v20, vm0 =	vpop (xrf1);
	v12 =	vmov v14;
	v14 =	vmov v18  }
0x578: {  	v18 =	vandn.u32 $0x1F, v28;
	(xrf1) =	vunique.msk.u32 $0xffff, v19;
	[tilespmem:v15+s20+$0x0] =	vst.idx.add.s32.msk vm3, v27;
	v15 =	vmovc v17;
	v17 =	vmov v29  }
0x579: {  	s1 =	sadd.s32 $0x40, s1;
	(xrf1) =	vunique.msk.u32 $0xffff, v18;
	[tilespmem:v10+s20+$0x0] =	vst.idx.add.s32.msk vm1, v21;
	_, v21, vm1 =	vpop (xrf1);
	v10 =	vmov v16;
	v16 =	vmov v26  }
0x57a: {  	v23 =	vandn.u32 $0x1F, v23  }
0x57b: {  	v24 =	vandn.u32 $0x1F, v24;
	(xrf1) =	vunique.msk.u32 $0xffff, v23  }
0x57c: {  	(xrf1) =	vunique.msk.u32 $0xffff, v24;
	_ =	sdelay $0x5  }
0x57d: {  	_, v25, vm3 =	vpop (xrf1)  }
0x57e: {  	_, v26, vm4 =	vpop (xrf1)  }
0x57f: {  	_, v27, vm5 =	vpop (xrf1)  }
0x580: {  	[tilespmem:v11+s20+$0x0] =	vst.idx.add.s32.msk vm2, v22;
	_, v28, vm6 =	vpop (xrf1)  }
0x581: {  	[tilespmem:v12+s20+$0x0] =	vst.idx.add.s32.msk vm0, v20;
	_, v11, vm2 =	vpop (xrf1)  }
0x582: {  	[tilespmem:v10+s20+$0x0] =	vst.idx.add.s32.msk vm1, v21;
	_, v12, vm0 =	vpop (xrf1)  }
0x583: {  	[tilespmem:v15+s20+$0x0] =	vst.idx.add.s32.msk vm3, v25;
	_, v15, vm3 =	vpop (xrf1)  }
0x584: {  	[tilespmem:v13+s20+$0x0] =	vst.idx.add.s32.msk vm4, v26;
	_, v10, vm1 =	vpop (xrf1)  }
0x585: {  	[tilespmem:v14+s20+$0x0] =	vst.idx.add.s32.msk vm5, v27;
	_, v13, vm4 =	vpop (xrf1)  }
0x586: {  	[tilespmem:v16+s20+$0x0] =	vst.idx.add.s32.msk vm6, v28  }
0x587: {  	[tilespmem:v17+s20+$0x0] =	vst.idx.add.s32.msk vm2, v11  }
0x588: {  	[tilespmem:v19+s20+$0x0] =	vst.idx.add.s32.msk vm0, v12  }
0x589: {  	[tilespmem:v18+s20+$0x0] =	vst.idx.add.s32.msk vm3, v15  }
0x58a: {  	[tilespmem:v23+s20+$0x0] =	vst.idx.add.s32.msk vm1, v10  }
0x58b: {  	[tilespmem:v24+s20+$0x0] =	vst.idx.add.s32.msk vm4, v13  }
0x58c: {  	v10 =	vld [tilespmem:$0xAE80];
	_ =	sdelay $0x4  }
0x58d: {  	(xrf0) =	vadd.scan.msk.s32 $0xffff, v10;
	_ =	sdelay $0x1  }
0x58e: {  	v11 =	vld [tilespmem:$0xAE90];
	_ =	sdelay $0x3  }
0x58f: {  	v60, _, _ =	vpop (xrf0)  }
0x590: {  	(xrf0) =	vadd.scan.msk.s32 $0xffff, v11;
	v61 =	vxor.u32 $0x80000000, v60  }
0x591: {  	(xrf0) =	vmax.scan.msk.u32 $0xffff, v61;
	_ =	sdelay $0x4  }
0x592: {  	v62, _, _ =	vpop (xrf0)  }
0x593: {  	v63, _, _ =	vpop (xrf0)  }
0x594: {  	(v2sf) =	vpush v63, $0xF;
	_ =	sdelay $0xe  }
0x595: {  	s0 =	spop (v2sf)  }
0x596: {  	v10 =	vsub.s32 v60, v10;
	v11 =	vsub.s32 v62, v11;
	s0 =	sxor.u32 $0x80000000, s0  }
0x597: {  	[tilespmem:$0xAF00] =	vst v10;
	v10 =	vadd.s32 s0, v11  }
0x598: {  	s30 =	simm.s32 $0x0;
	[tilespmem:$0xAF10] =	vst v10  }
0x599: {  	v10 =	vld [tilespmem:s30+$0xA000]  }
0x59a: {  	s5 =	simm.s32 $0x400;
	s0 =	simm.s32 $0x40;
	v11 =	vld [tilespmem:s30+$0xA180]  }
.LBB2_111:
0x59b: {  	p1 =	sne.s32 s0, $0x3C0;
	_ =	sdelay $0x2  }
0x59c: {  	v12 =	vandn.u32 $0x1F, v10  }
0x59d: {  	(xrf1) =	vunique.msk.u32 $0xffff, v12;
	_ =	sdelay $0x8  }
0x59e: {  	v13 =	vld.idx.msk [tilespmem:v12+s21+$0x0], $0xffff;
	_ =	sdelay $0x4  }
0x59f: {  	_, v14, vm0 =	vpop (xrf1)  }
0x5a0: {  	v13 =	vadd.s32 v13, v14  }
0x5a1: {  	v14 =	vadd.s32 $0xFFFFFFFF, v13;
	_ =	sdelay $0x4  }
.Ltmp59:
0x5a2: {  	[tilespmem:v14+s22+$0x0] =	vst.idx.msk $0xffff, v10;
	(pc) =	sbr.rel @p1 .LBB2_111-.Ltmp59, $4  }
0x5a3: {  	[tilespmem:v14+s23+$0x0] =	vst.idx.msk $0xffff, v11  }
0x5a4: {  	s1 =	sshra.s32 s0, $0x2;
	[tilespmem:v12+s21+$0x0] =	vst.idx.msk vm0, v13  }
0x5a5: {  	v10 =	vld [tilespmem:s1+$0xA000]  }
0x5a6: {  	s0 =	sadd.s32 $0x40, s0;
	v11 =	vld [tilespmem:s1+$0xA180]  }
0x5a7: {  	_ =	sdelay $0x2  }
0x5a8: {  	v12 =	vandn.u32 $0x1F, v10  }
0x5a9: {  	(xrf1) =	vunique.msk.u32 $0xffff, v12;
	_ =	sdelay $0x9  }
0x5aa: {  	v13 =	vld.idx.msk [tilespmem:v12+s21+$0x0], $0xffff;
	_ =	sdelay $0x3  }
0x5ab: {  	_, v14, vm0 =	vpop (xrf1)  }
0x5ac: {  	v13 =	vadd.s32 v13, v14  }
0x5ad: {  	v14 =	vadd.s32 $0xFFFFFFFF, v13;
	_ =	sdelay $0x4  }
0x5ae: {  	[tilespmem:v14+s22+$0x0] =	vst.idx.msk $0xffff, v10  }
0x5af: {  	[tilespmem:v14+s23+$0x0] =	vst.idx.msk $0xffff, v11  }
0x5b0: {  	[tilespmem:v12+s21+$0x0] =	vst.idx.msk vm0, v13  }
0x5b1: {  	[tilespmem:$0xAE80] =	vst v5  }
0x5b2: {  	s0 =	simm.s32 $0xA320;
	[tilespmem:$0xAE90] =	vst v5  }
0x5b3: {  	v10 =	vld [tilespmem:s0+$0x10]  }
0x5b4: {  	v11 =	vld [tilespmem:s0+$0xFFFFFFF0];
	_ =	sdelay $0x4  }
0x5b5: {  	v10 =	vxor.u32 $0xFFFFFFFF, v10;
	v11 =	vxor.u32 $0xFFFFFFFF, v11  }
0x5b6: {  	v10 =	vshrl.u32 v10, $0x5;
	v12 =	vshrl.u32 v11, $0x5  }
0x5b7: {  	v11 =	vand.u32 $0x1F, v10;
	v10 =	vand.u32 $0x1F, v12;
	v12 =	vld [tilespmem:s0+$0x0]  }
0x5b8: {  	v13 =	vld [tilespmem:s0+$0xFFFFFFE0];
	(xrf1) =	vunique.msk.u32 $0xffff, v11;
	_ =	sdelay $0x1  }
0x5b9: {  	s30 =	simm.s32 $0xA360  }
0x5ba: {  	v14 =	vld [tilespmem:s30+$0x10]  }
0x5bb: {  	v15 =	vld [tilespmem:s30+$0xFFFFFFF0];
	v12 =	vxor.u32 $0xFFFFFFFF, v12  }
0x5bc: {  	v16 =	vld [tilespmem:s30+$0x0];
	v13 =	vxor.u32 $0xFFFFFFFF, v13;
	v12 =	vshrl.u32 v12, $0x5  }
0x5bd: {  	v17 =	vld [tilespmem:s30+$0xFFFFFFE0];
	v13 =	vshrl.u32 v13, $0x5;
	(xrf1) =	vunique.msk.u32 $0xffff, v10;
	v12 =	vand.u32 $0x1F, v12  }
0x5be: {  	v13 =	vand.u32 $0x1F, v13;
	(xrf1) =	vunique.msk.u32 $0xffff, v12  }
0x5bf: {  	s1 =	simm.s32 $0xA3A0;
	v14 =	vxor.u32 $0xFFFFFFFF, v14;
	(xrf1) =	vunique.msk.u32 $0xffff, v13  }
0x5c0: {  	v19 =	vld [tilespmem:s1+$0xFFFFFFF0];
	v15 =	vxor.u32 $0xFFFFFFFF, v15;
	v14 =	vshrl.u32 v14, $0x5  }
0x5c1: {  	v16 =	vxor.u32 $0xFFFFFFFF, v16;
	v15 =	vshrl.u32 v15, $0x5;
	v14 =	vand.u32 $0x1F, v14  }
0x5c2: {  	v17 =	vxor.u32 $0xFFFFFFFF, v17;
	v16 =	vshrl.u32 v16, $0x5;
	v15 =	vand.u32 $0x1F, v15;
	(xrf1) =	vunique.msk.u32 $0xffff, v14  }
0x5c3: {  	v17 =	vshrl.u32 v17, $0x5;
	v16 =	vand.u32 $0x1F, v16;
	(xrf1) =	vunique.msk.u32 $0xffff, v15  }
0x5c4: {  	v18 =	vld [tilespmem:s1+$0x10];
	v17 =	vand.u32 $0x1F, v17;
	(xrf1) =	vunique.msk.u32 $0xffff, v16  }
0x5c5: {  	v22 =	vxor.u32 $0xFFFFFFFF, v19;
	_, v19, vm0 =	vpop (xrf1);
	(xrf1) =	vunique.msk.u32 $0xffff, v17  }
0x5c6: {  	v20 =	vld [tilespmem:s1+$0x0]  }
0x5c7: {  	v21 =	vld [tilespmem:s1+$0xFFFFFFE0];
	_ =	sdelay $0x1  }
0x5c8: {  	v18 =	vxor.u32 $0xFFFFFFFF, v18  }
0x5c9: {  	v18 =	vshrl.u32 v18, $0x5  }
0x5ca: {  	s1 =	simm.s32 $0xA3E0;
	v23 =	vxor.u32 $0xFFFFFFFF, v20;
	v22 =	vshrl.u32 v22, $0x5;
	s0 =	simm.s32 $0x8;
	v18 =	vand.u32 $0x1F, v18;
	_, v20, vm1 =	vpop (xrf1)  }
.LBB2_113:
0x5cb: {  	v24 =	vld [tilespmem:s1+$0x10];
	s0 =	sadd.s32 $0x4, s0;
	v21 =	vxor.u32 $0xFFFFFFFF, v21;
	v22 =	vand.u32 $0x1F, v22;
	v23 =	vshrl.u32 v23, $0x5;
	(xrf1) =	vunique.msk.u32 $0xffff, v18;
	_, v25, vm3 =	vpop (xrf1)  }
0x5cc: {  	v28 =	vmov v16;
	v26 =	vld [tilespmem:s1+$0xFFFFFFF0];
	p1 =	slt.u32 s0, $0xC;
	v21 =	vshrl.u32 v21, $0x5;
	(xrf1) =	vunique.msk.u32 $0xffff, v22;
	_, v27, vm2 =	vpop (xrf1);
	v16 =	vand.u32 $0x1F, v23  }
0x5cd: {  	v29 =	vmovc v13;
	v13 =	vmov v17;
	v23 =	vld [tilespmem:s1+$0x0];
	(xrf1) =	vunique.msk.u32 $0xffff, v16;
	v17 =	vand.u32 $0x1F, v21  }
.Ltmp60:
0x5ce: {  	v21 =	vld [tilespmem:s1+$0xFFFFFFE0];
	(xrf1) =	vunique.msk.u32 $0xffff, v17;
	(pc) =	sbr.rel @p1 .LBB2_113-.Ltmp60, $4  }
0x5cf: {  	[tilespmem:v11+s20+$0x0] =	vst.idx.add.s32.msk vm0, v19;
	v11 =	vmov v14;
	v14 =	vmov v18  }
0x5d0: {  	v18 =	vxor.u32 $0xFFFFFFFF, v24;
	[tilespmem:v10+s20+$0x0] =	vst.idx.add.s32.msk vm1, v20;
	v10 =	vmov v15;
	v15 =	vmov v22  }
0x5d1: {  	v24 =	vxor.u32 $0xFFFFFFFF, v26;
	v18 =	vshrl.u32 v18, $0x5;
	_, v19, vm0 =	vpop (xrf1);
	[tilespmem:v12+s20+$0x0] =	vst.idx.add.s32.msk vm3, v25;
	v12 =	vmov v28  }
0x5d2: {  	s1 =	sadd.s32 $0x40, s1;
	v22 =	vshrl.u32 v24, $0x5;
	v23 =	vxor.u32 $0xFFFFFFFF, v23;
	v18 =	vand.u32 $0x1F, v18;
	_, v20, vm1 =	vpop (xrf1);
	[tilespmem:v29+s20+$0x0] =	vst.idx.add.s32.msk vm2, v27  }
0x5d3: {  	v21 =	vxor.u32 $0xFFFFFFFF, v21;
	v22 =	vand.u32 $0x1F, v22;
	v23 =	vshrl.u32 v23, $0x5;
	(xrf1) =	vunique.msk.u32 $0xffff, v18  }
0x5d4: {  	v21 =	vshrl.u32 v21, $0x5;
	v23 =	vand.u32 $0x1F, v23;
	(xrf1) =	vunique.msk.u32 $0xffff, v22  }
0x5d5: {  	v21 =	vand.u32 $0x1F, v21;
	(xrf1) =	vunique.msk.u32 $0xffff, v23  }
0x5d6: {  	(xrf1) =	vunique.msk.u32 $0xffff, v21;
	_ =	sdelay $0x4  }
0x5d7: {  	_, v24, vm2 =	vpop (xrf1)  }
0x5d8: {  	_, v25, vm3 =	vpop (xrf1)  }
0x5d9: {  	_, v26, vm4 =	vpop (xrf1)  }
0x5da: {  	_, v27, vm5 =	vpop (xrf1)  }
0x5db: {  	[tilespmem:v11+s20+$0x0] =	vst.idx.add.s32.msk vm0, v19;
	_, v11, vm0 =	vpop (xrf1)  }
0x5dc: {  	[tilespmem:v10+s20+$0x0] =	vst.idx.add.s32.msk vm1, v20;
	_, v10, vm1 =	vpop (xrf1)  }
0x5dd: {  	[tilespmem:v12+s20+$0x0] =	vst.idx.add.s32.msk vm2, v24;
	_, v12, vm2 =	vpop (xrf1)  }
0x5de: {  	[tilespmem:v13+s20+$0x0] =	vst.idx.add.s32.msk vm3, v25;
	_, v13, vm3 =	vpop (xrf1)  }
0x5df: {  	[tilespmem:v14+s20+$0x0] =	vst.idx.add.s32.msk vm4, v26;
	_, v14, vm4 =	vpop (xrf1)  }
0x5e0: {  	[tilespmem:v15+s20+$0x0] =	vst.idx.add.s32.msk vm5, v27;
	_, v15, vm5 =	vpop (xrf1)  }
0x5e1: {  	[tilespmem:v16+s20+$0x0] =	vst.idx.add.s32.msk vm0, v11  }
0x5e2: {  	[tilespmem:v17+s20+$0x0] =	vst.idx.add.s32.msk vm1, v10  }
0x5e3: {  	[tilespmem:v18+s20+$0x0] =	vst.idx.add.s32.msk vm2, v12  }
0x5e4: {  	[tilespmem:v22+s20+$0x0] =	vst.idx.add.s32.msk vm3, v13  }
0x5e5: {  	[tilespmem:v23+s20+$0x0] =	vst.idx.add.s32.msk vm4, v14  }
0x5e6: {  	[tilespmem:v21+s20+$0x0] =	vst.idx.add.s32.msk vm5, v15  }
0x5e7: {  	v10 =	vld [tilespmem:$0xAE80];
	_ =	sdelay $0x4  }
0x5e8: {  	(xrf0) =	vadd.scan.msk.s32 $0xffff, v10;
	_ =	sdelay $0x1  }
0x5e9: {  	v11 =	vld [tilespmem:$0xAE90];
	_ =	sdelay $0x3  }
0x5ea: {  	v60, _, _ =	vpop (xrf0)  }
0x5eb: {  	(xrf0) =	vadd.scan.msk.s32 $0xffff, v11;
	v61 =	vxor.u32 $0x80000000, v60  }
0x5ec: {  	(xrf0) =	vmax.scan.msk.u32 $0xffff, v61;
	_ =	sdelay $0x4  }
0x5ed: {  	v62, _, _ =	vpop (xrf0)  }
0x5ee: {  	v63, _, _ =	vpop (xrf0)  }
0x5ef: {  	(v2sf) =	vpush v63, $0xF;
	_ =	sdelay $0xe  }
0x5f0: {  	s0 =	spop (v2sf)  }
0x5f1: {  	v10 =	vsub.s32 v60, v10;
	v11 =	vsub.s32 v62, v11;
	s0 =	sxor.u32 $0x80000000, s0  }
0x5f2: {  	[tilespmem:$0xAF00] =	vst v10;
	v10 =	vadd.s32 s0, v11  }
0x5f3: {  	s30 =	simm.s32 $0x0;
	[tilespmem:$0xAF10] =	vst v10  }
0x5f4: {  	v10 =	vld [tilespmem:s30+$0xA300]  }
0x5f5: {  	s0 =	simm.s32 $0x40;
	v11 =	vld [tilespmem:s30+$0xA480]  }
.LBB2_115:
0x5f6: {  	p1 =	sne.s32 s0, $0x3C0;
	_ =	sdelay $0x2  }
0x5f7: {  	v12 =	vxor.u32 $0xFFFFFFFF, v10  }
0x5f8: {  	v12 =	vshrl.u32 v12, $0x5  }
0x5f9: {  	v12 =	vand.u32 $0x1F, v12  }
0x5fa: {  	(xrf1) =	vunique.msk.u32 $0xffff, v12;
	_ =	sdelay $0x8  }
0x5fb: {  	v13 =	vld.idx.msk [tilespmem:v12+s21+$0x0], $0xffff;
	_ =	sdelay $0x4  }
0x5fc: {  	_, v14, vm0 =	vpop (xrf1)  }
0x5fd: {  	v13 =	vadd.s32 v13, v14  }
0x5fe: {  	v14 =	vadd.s32 $0xFFFFFFFF, v13;
	_ =	sdelay $0x4  }
.Ltmp61:
0x5ff: {  	[tilespmem:v14+s24+$0x0] =	vst.idx.msk $0xffff, v10;
	(pc) =	sbr.rel @p1 .LBB2_115-.Ltmp61, $4  }
0x600: {  	[tilespmem:v14+s25+$0x0] =	vst.idx.msk $0xffff, v11  }
0x601: {  	s1 =	sshra.s32 s0, $0x2;
	[tilespmem:v12+s21+$0x0] =	vst.idx.msk vm0, v13  }
0x602: {  	v10 =	vld [tilespmem:s1+$0xA300]  }
0x603: {  	s0 =	sadd.s32 $0x40, s0;
	v11 =	vld [tilespmem:s1+$0xA480]  }
0x604: {  	_ =	sdelay $0x2  }
0x605: {  	v12 =	vxor.u32 $0xFFFFFFFF, v10  }
0x606: {  	v12 =	vshrl.u32 v12, $0x5  }
0x607: {  	v12 =	vand.u32 $0x1F, v12  }
0x608: {  	(xrf1) =	vunique.msk.u32 $0xffff, v12;
	_ =	sdelay $0x9  }
0x609: {  	v13 =	vld.idx.msk [tilespmem:v12+s21+$0x0], $0xffff;
	_ =	sdelay $0x3  }
0x60a: {  	_, v14, vm0 =	vpop (xrf1)  }
0x60b: {  	v13 =	vadd.s32 v13, v14  }
0x60c: {  	v14 =	vadd.s32 $0xFFFFFFFF, v13;
	_ =	sdelay $0x4  }
0x60d: {  	[tilespmem:v14+s24+$0x0] =	vst.idx.msk $0xffff, v10  }
0x60e: {  	[tilespmem:v14+s25+$0x0] =	vst.idx.msk $0xffff, v11  }
0x60f: {  	[tilespmem:v12+s21+$0x0] =	vst.idx.msk vm0, v13  }
0x610: {  	[tilespmem:$0xAE80] =	vst v5  }
0x611: {  	s0 =	simm.s32 $0xA020;
	[tilespmem:$0xAE90] =	vst v5  }
0x612: {  	v10 =	vld [tilespmem:s0+$0x10]  }
0x613: {  	v11 =	vld [tilespmem:s0+$0xFFFFFFF0];
	_ =	sdelay $0x4  }
0x614: {  	v10 =	vxor.u32 $0xFFFFFFFF, v10;
	v11 =	vxor.u32 $0xFFFFFFFF, v11  }
0x615: {  	v10 =	vshrl.u32 v10, $0xA;
	v12 =	vshrl.u32 v11, $0xA  }
0x616: {  	v11 =	vand.u32 $0x1F, v10;
	v10 =	vand.u32 $0x1F, v12;
	v12 =	vld [tilespmem:s0+$0x0]  }
0x617: {  	v13 =	vld [tilespmem:s0+$0xFFFFFFE0];
	(xrf1) =	vunique.msk.u32 $0xffff, v11;
	_ =	sdelay $0x1  }
0x618: {  	s30 =	simm.s32 $0xA060  }
0x619: {  	v14 =	vld [tilespmem:s30+$0x10]  }
0x61a: {  	v15 =	vld [tilespmem:s30+$0xFFFFFFF0];
	v12 =	vxor.u32 $0xFFFFFFFF, v12  }
0x61b: {  	v16 =	vld [tilespmem:s30+$0x0];
	v13 =	vxor.u32 $0xFFFFFFFF, v13;
	v12 =	vshrl.u32 v12, $0xA  }
0x61c: {  	v17 =	vld [tilespmem:s30+$0xFFFFFFE0];
	v13 =	vshrl.u32 v13, $0xA;
	(xrf1) =	vunique.msk.u32 $0xffff, v10;
	v12 =	vand.u32 $0x1F, v12  }
0x61d: {  	v13 =	vand.u32 $0x1F, v13;
	(xrf1) =	vunique.msk.u32 $0xffff, v12  }
0x61e: {  	s1 =	simm.s32 $0xA0A0;
	v14 =	vxor.u32 $0xFFFFFFFF, v14;
	(xrf1) =	vunique.msk.u32 $0xffff, v13  }
0x61f: {  	v19 =	vld [tilespmem:s1+$0xFFFFFFF0];
	v15 =	vxor.u32 $0xFFFFFFFF, v15;
	v14 =	vshrl.u32 v14, $0xA  }
0x620: {  	v16 =	vxor.u32 $0xFFFFFFFF, v16;
	v15 =	vshrl.u32 v15, $0xA;
	v14 =	vand.u32 $0x1F, v14  }
0x621: {  	v17 =	vxor.u32 $0xFFFFFFFF, v17;
	v16 =	vshrl.u32 v16, $0xA;
	v15 =	vand.u32 $0x1F, v15;
	(xrf1) =	vunique.msk.u32 $0xffff, v14  }
0x622: {  	v17 =	vshrl.u32 v17, $0xA;
	v16 =	vand.u32 $0x1F, v16;
	(xrf1) =	vunique.msk.u32 $0xffff, v15  }
0x623: {  	v18 =	vld [tilespmem:s1+$0x10];
	v17 =	vand.u32 $0x1F, v17;
	(xrf1) =	vunique.msk.u32 $0xffff, v16  }
0x624: {  	v22 =	vxor.u32 $0xFFFFFFFF, v19;
	_, v19, vm0 =	vpop (xrf1);
	(xrf1) =	vunique.msk.u32 $0xffff, v17  }
0x625: {  	v20 =	vld [tilespmem:s1+$0x0]  }
0x626: {  	v21 =	vld [tilespmem:s1+$0xFFFFFFE0];
	_ =	sdelay $0x1  }
0x627: {  	v18 =	vxor.u32 $0xFFFFFFFF, v18  }
0x628: {  	v18 =	vshrl.u32 v18, $0xA  }
0x629: {  	s1 =	simm.s32 $0xA0E0;
	v23 =	vxor.u32 $0xFFFFFFFF, v20;
	v22 =	vshrl.u32 v22, $0xA;
	s0 =	simm.s32 $0x8;
	v18 =	vand.u32 $0x1F, v18;
	_, v20, vm1 =	vpop (xrf1)  }
.LBB2_117:
0x62a: {  	v24 =	vld [tilespmem:s1+$0x10];
	s0 =	sadd.s32 $0x4, s0;
	v21 =	vxor.u32 $0xFFFFFFFF, v21;
	v22 =	vand.u32 $0x1F, v22;
	v23 =	vshrl.u32 v23, $0xA;
	(xrf1) =	vunique.msk.u32 $0xffff, v18;
	_, v25, vm3 =	vpop (xrf1)  }
0x62b: {  	v28 =	vmov v16;
	v26 =	vld [tilespmem:s1+$0xFFFFFFF0];
	p1 =	slt.u32 s0, $0xC;
	v21 =	vshrl.u32 v21, $0xA;
	(xrf1) =	vunique.msk.u32 $0xffff, v22;
	_, v27, vm2 =	vpop (xrf1);
	v16 =	vand.u32 $0x1F, v23  }
0x62c: {  	v29 =	vmovc v13;
	v13 =	vmov v17;
	v23 =	vld [tilespmem:s1+$0x0];
	(xrf1) =	vunique.msk.u32 $0xffff, v16;
	v17 =	vand.u32 $0x1F, v21  }
.Ltmp62:
0x62d: {  	v21 =	vld [tilespmem:s1+$0xFFFFFFE0];
	(xrf1) =	vunique.msk.u32 $0xffff, v17;
	(pc) =	sbr.rel @p1 .LBB2_117-.Ltmp62, $4  }
0x62e: {  	[tilespmem:v11+s20+$0x0] =	vst.idx.add.s32.msk vm0, v19;
	v11 =	vmov v14;
	v14 =	vmov v18  }
0x62f: {  	v18 =	vxor.u32 $0xFFFFFFFF, v24;
	[tilespmem:v10+s20+$0x0] =	vst.idx.add.s32.msk vm1, v20;
	v10 =	vmov v15;
	v15 =	vmov v22  }
0x630: {  	v24 =	vxor.u32 $0xFFFFFFFF, v26;
	v18 =	vshrl.u32 v18, $0xA;
	_, v19, vm0 =	vpop (xrf1);
	[tilespmem:v12+s20+$0x0] =	vst.idx.add.s32.msk vm3, v25;
	v12 =	vmov v28  }
0x631: {  	s1 =	sadd.s32 $0x40, s1;
	v22 =	vshrl.u32 v24, $0xA;
	v23 =	vxor.u32 $0xFFFFFFFF, v23;
	v18 =	vand.u32 $0x1F, v18;
	_, v20, vm1 =	vpop (xrf1);
	[tilespmem:v29+s20+$0x0] =	vst.idx.add.s32.msk vm2, v27  }
0x632: {  	v21 =	vxor.u32 $0xFFFFFFFF, v21;
	v22 =	vand.u32 $0x1F, v22;
	v23 =	vshrl.u32 v23, $0xA;
	(xrf1) =	vunique.msk.u32 $0xffff, v18  }
0x633: {  	v21 =	vshrl.u32 v21, $0xA;
	v23 =	vand.u32 $0x1F, v23;
	(xrf1) =	vunique.msk.u32 $0xffff, v22  }
0x634: {  	v21 =	vand.u32 $0x1F, v21;
	(xrf1) =	vunique.msk.u32 $0xffff, v23  }
0x635: {  	(xrf1) =	vunique.msk.u32 $0xffff, v21;
	_ =	sdelay $0x4  }
0x636: {  	_, v24, vm2 =	vpop (xrf1)  }
0x637: {  	_, v25, vm3 =	vpop (xrf1)  }
0x638: {  	_, v26, vm4 =	vpop (xrf1)  }
0x639: {  	_, v27, vm5 =	vpop (xrf1)  }
0x63a: {  	[tilespmem:v11+s20+$0x0] =	vst.idx.add.s32.msk vm0, v19;
	_, v11, vm0 =	vpop (xrf1)  }
0x63b: {  	[tilespmem:v10+s20+$0x0] =	vst.idx.add.s32.msk vm1, v20;
	_, v10, vm1 =	vpop (xrf1)  }
0x63c: {  	[tilespmem:v12+s20+$0x0] =	vst.idx.add.s32.msk vm2, v24;
	_, v12, vm2 =	vpop (xrf1)  }
0x63d: {  	[tilespmem:v13+s20+$0x0] =	vst.idx.add.s32.msk vm3, v25;
	_, v13, vm3 =	vpop (xrf1)  }
0x63e: {  	[tilespmem:v14+s20+$0x0] =	vst.idx.add.s32.msk vm4, v26;
	_, v14, vm4 =	vpop (xrf1)  }
0x63f: {  	[tilespmem:v15+s20+$0x0] =	vst.idx.add.s32.msk vm5, v27;
	_, v15, vm5 =	vpop (xrf1)  }
0x640: {  	[tilespmem:v16+s20+$0x0] =	vst.idx.add.s32.msk vm0, v11  }
0x641: {  	[tilespmem:v17+s20+$0x0] =	vst.idx.add.s32.msk vm1, v10  }
0x642: {  	[tilespmem:v18+s20+$0x0] =	vst.idx.add.s32.msk vm2, v12  }
0x643: {  	[tilespmem:v22+s20+$0x0] =	vst.idx.add.s32.msk vm3, v13  }
0x644: {  	[tilespmem:v23+s20+$0x0] =	vst.idx.add.s32.msk vm4, v14  }
0x645: {  	[tilespmem:v21+s20+$0x0] =	vst.idx.add.s32.msk vm5, v15  }
0x646: {  	v10 =	vld [tilespmem:$0xAE80];
	_ =	sdelay $0x4  }
0x647: {  	(xrf0) =	vadd.scan.msk.s32 $0xffff, v10;
	_ =	sdelay $0x1  }
0x648: {  	v11 =	vld [tilespmem:$0xAE90];
	_ =	sdelay $0x3  }
0x649: {  	v60, _, _ =	vpop (xrf0)  }
0x64a: {  	(xrf0) =	vadd.scan.msk.s32 $0xffff, v11;
	v61 =	vxor.u32 $0x80000000, v60  }
0x64b: {  	(xrf0) =	vmax.scan.msk.u32 $0xffff, v61;
	_ =	sdelay $0x4  }
0x64c: {  	v62, _, _ =	vpop (xrf0)  }
0x64d: {  	v63, _, _ =	vpop (xrf0)  }
0x64e: {  	(v2sf) =	vpush v63, $0xF;
	_ =	sdelay $0xe  }
0x64f: {  	s0 =	spop (v2sf)  }
0x650: {  	v10 =	vsub.s32 v60, v10;
	v11 =	vsub.s32 v62, v11;
	s0 =	sxor.u32 $0x80000000, s0  }
0x651: {  	[tilespmem:$0xAF00] =	vst v10;
	v10 =	vadd.s32 s0, v11  }
0x652: {  	s30 =	simm.s32 $0x0;
	[tilespmem:$0xAF10] =	vst v10  }
0x653: {  	v10 =	vld [tilespmem:s30+$0xA000]  }
0x654: {  	s0 =	simm.s32 $0x40;
	v11 =	vld [tilespmem:s30+$0xA180]  }
.LBB2_119:
0x655: {  	p1 =	sne.s32 s0, $0x3C0;
	_ =	sdelay $0x2  }
0x656: {  	v12 =	vxor.u32 $0xFFFFFFFF, v10  }
0x657: {  	v12 =	vshrl.u32 v12, $0xA  }
0x658: {  	v12 =	vand.u32 $0x1F, v12  }
0x659: {  	(xrf1) =	vunique.msk.u32 $0xffff, v12;
	_ =	sdelay $0x8  }
0x65a: {  	v13 =	vld.idx.msk [tilespmem:v12+s21+$0x0], $0xffff;
	_ =	sdelay $0x4  }
0x65b: {  	_, v14, vm0 =	vpop (xrf1)  }
0x65c: {  	v13 =	vadd.s32 v13, v14  }
0x65d: {  	v14 =	vadd.s32 $0xFFFFFFFF, v13;
	_ =	sdelay $0x4  }
.Ltmp63:
0x65e: {  	[tilespmem:v14+s22+$0x0] =	vst.idx.msk $0xffff, v10;
	(pc) =	sbr.rel @p1 .LBB2_119-.Ltmp63, $4  }
0x65f: {  	[tilespmem:v14+s23+$0x0] =	vst.idx.msk $0xffff, v11  }
0x660: {  	s1 =	sshra.s32 s0, $0x2;
	[tilespmem:v12+s21+$0x0] =	vst.idx.msk vm0, v13  }
0x661: {  	v10 =	vld [tilespmem:s1+$0xA000]  }
0x662: {  	s0 =	sadd.s32 $0x40, s0;
	v11 =	vld [tilespmem:s1+$0xA180]  }
0x663: {  	_ =	sdelay $0x2  }
0x664: {  	v12 =	vxor.u32 $0xFFFFFFFF, v10  }
0x665: {  	v12 =	vshrl.u32 v12, $0xA  }
0x666: {  	v12 =	vand.u32 $0x1F, v12  }
0x667: {  	(xrf1) =	vunique.msk.u32 $0xffff, v12;
	_ =	sdelay $0x9  }
0x668: {  	v13 =	vld.idx.msk [tilespmem:v12+s21+$0x0], $0xffff;
	_ =	sdelay $0x3  }
0x669: {  	_, v14, vm0 =	vpop (xrf1)  }
0x66a: {  	v13 =	vadd.s32 v13, v14  }
0x66b: {  	v14 =	vadd.s32 $0xFFFFFFFF, v13;
	_ =	sdelay $0x4  }
0x66c: {  	[tilespmem:v14+s22+$0x0] =	vst.idx.msk $0xffff, v10  }
0x66d: {  	[tilespmem:v14+s23+$0x0] =	vst.idx.msk $0xffff, v11  }
0x66e: {  	[tilespmem:v12+s21+$0x0] =	vst.idx.msk vm0, v13  }
0x66f: {  	[tilespmem:$0xAE80] =	vst v5  }
0x670: {  	s0 =	simm.s32 $0xA320;
	[tilespmem:$0xAE90] =	vst v5  }
0x671: {  	v10 =	vld [tilespmem:s0+$0x10]  }
0x672: {  	v11 =	vld [tilespmem:s0+$0xFFFFFFF0];
	_ =	sdelay $0x4  }
0x673: {  	v10 =	vxor.u32 $0xFFFFFFFF, v10;
	v11 =	vxor.u32 $0xFFFFFFFF, v11  }
0x674: {  	v10 =	vshrl.u32 v10, $0xF;
	v12 =	vshrl.u32 v11, $0xF  }
0x675: {  	v11 =	vand.u32 $0x1F, v10;
	v10 =	vand.u32 $0x1F, v12;
	v12 =	vld [tilespmem:s0+$0x0]  }
0x676: {  	v13 =	vld [tilespmem:s0+$0xFFFFFFE0];
	(xrf1) =	vunique.msk.u32 $0xffff, v11;
	_ =	sdelay $0x1  }
0x677: {  	s30 =	simm.s32 $0xA360  }
0x678: {  	v14 =	vld [tilespmem:s30+$0x10]  }
0x679: {  	v15 =	vld [tilespmem:s30+$0xFFFFFFF0];
	v12 =	vxor.u32 $0xFFFFFFFF, v12  }
0x67a: {  	v16 =	vld [tilespmem:s30+$0x0];
	v13 =	vxor.u32 $0xFFFFFFFF, v13;
	v12 =	vshrl.u32 v12, $0xF  }
0x67b: {  	v17 =	vld [tilespmem:s30+$0xFFFFFFE0];
	v13 =	vshrl.u32 v13, $0xF;
	(xrf1) =	vunique.msk.u32 $0xffff, v10;
	v12 =	vand.u32 $0x1F, v12  }
0x67c: {  	v13 =	vand.u32 $0x1F, v13;
	(xrf1) =	vunique.msk.u32 $0xffff, v12  }
0x67d: {  	s1 =	simm.s32 $0xA3A0;
	v14 =	vxor.u32 $0xFFFFFFFF, v14;
	(xrf1) =	vunique.msk.u32 $0xffff, v13  }
0x67e: {  	v19 =	vld [tilespmem:s1+$0xFFFFFFF0];
	v15 =	vxor.u32 $0xFFFFFFFF, v15;
	v14 =	vshrl.u32 v14, $0xF  }
0x67f: {  	v16 =	vxor.u32 $0xFFFFFFFF, v16;
	v15 =	vshrl.u32 v15, $0xF;
	v14 =	vand.u32 $0x1F, v14  }
0x680: {  	v17 =	vxor.u32 $0xFFFFFFFF, v17;
	v16 =	vshrl.u32 v16, $0xF;
	v15 =	vand.u32 $0x1F, v15;
	(xrf1) =	vunique.msk.u32 $0xffff, v14  }
0x681: {  	v17 =	vshrl.u32 v17, $0xF;
	v16 =	vand.u32 $0x1F, v16;
	(xrf1) =	vunique.msk.u32 $0xffff, v15  }
0x682: {  	v18 =	vld [tilespmem:s1+$0x10];
	v17 =	vand.u32 $0x1F, v17;
	(xrf1) =	vunique.msk.u32 $0xffff, v16  }
0x683: {  	v22 =	vxor.u32 $0xFFFFFFFF, v19;
	_, v19, vm0 =	vpop (xrf1);
	(xrf1) =	vunique.msk.u32 $0xffff, v17  }
0x684: {  	v20 =	vld [tilespmem:s1+$0x0]  }
0x685: {  	v21 =	vld [tilespmem:s1+$0xFFFFFFE0];
	_ =	sdelay $0x1  }
0x686: {  	v18 =	vxor.u32 $0xFFFFFFFF, v18  }
0x687: {  	v18 =	vshrl.u32 v18, $0xF  }
0x688: {  	s1 =	simm.s32 $0xA3E0;
	v23 =	vxor.u32 $0xFFFFFFFF, v20;
	v22 =	vshrl.u32 v22, $0xF;
	s0 =	simm.s32 $0x8;
	v18 =	vand.u32 $0x1F, v18;
	_, v20, vm1 =	vpop (xrf1)  }
.LBB2_121:
0x689: {  	v24 =	vld [tilespmem:s1+$0x10];
	s0 =	sadd.s32 $0x4, s0;
	v21 =	vxor.u32 $0xFFFFFFFF, v21;
	v22 =	vand.u32 $0x1F, v22;
	v23 =	vshrl.u32 v23, $0xF;
	(xrf1) =	vunique.msk.u32 $0xffff, v18;
	_, v25, vm3 =	vpop (xrf1)  }
0x68a: {  	v28 =	vmov v16;
	v26 =	vld [tilespmem:s1+$0xFFFFFFF0];
	p1 =	slt.u32 s0, $0xC;
	v21 =	vshrl.u32 v21, $0xF;
	(xrf1) =	vunique.msk.u32 $0xffff, v22;
	_, v27, vm2 =	vpop (xrf1);
	v16 =	vand.u32 $0x1F, v23  }
0x68b: {  	v29 =	vmovc v13;
	v13 =	vmov v17;
	v23 =	vld [tilespmem:s1+$0x0];
	(xrf1) =	vunique.msk.u32 $0xffff, v16;
	v17 =	vand.u32 $0x1F, v21  }
.Ltmp64:
0x68c: {  	v21 =	vld [tilespmem:s1+$0xFFFFFFE0];
	(xrf1) =	vunique.msk.u32 $0xffff, v17;
	(pc) =	sbr.rel @p1 .LBB2_121-.Ltmp64, $4  }
0x68d: {  	[tilespmem:v11+s20+$0x0] =	vst.idx.add.s32.msk vm0, v19;
	v11 =	vmov v14;
	v14 =	vmov v18  }
0x68e: {  	v18 =	vxor.u32 $0xFFFFFFFF, v24;
	[tilespmem:v10+s20+$0x0] =	vst.idx.add.s32.msk vm1, v20;
	v10 =	vmov v15;
	v15 =	vmov v22  }
0x68f: {  	v24 =	vxor.u32 $0xFFFFFFFF, v26;
	v18 =	vshrl.u32 v18, $0xF;
	_, v19, vm0 =	vpop (xrf1);
	[tilespmem:v12+s20+$0x0] =	vst.idx.add.s32.msk vm3, v25;
	v12 =	vmov v28  }
0x690: {  	s1 =	sadd.s32 $0x40, s1;
	v22 =	vshrl.u32 v24, $0xF;
	v23 =	vxor.u32 $0xFFFFFFFF, v23;
	v18 =	vand.u32 $0x1F, v18;
	_, v20, vm1 =	vpop (xrf1);
	[tilespmem:v29+s20+$0x0] =	vst.idx.add.s32.msk vm2, v27  }
0x691: {  	v21 =	vxor.u32 $0xFFFFFFFF, v21;
	v22 =	vand.u32 $0x1F, v22;
	v23 =	vshrl.u32 v23, $0xF;
	(xrf1) =	vunique.msk.u32 $0xffff, v18  }
0x692: {  	v21 =	vshrl.u32 v21, $0xF;
	v23 =	vand.u32 $0x1F, v23;
	(xrf1) =	vunique.msk.u32 $0xffff, v22  }
0x693: {  	v21 =	vand.u32 $0x1F, v21;
	(xrf1) =	vunique.msk.u32 $0xffff, v23  }
0x694: {  	(xrf1) =	vunique.msk.u32 $0xffff, v21;
	_ =	sdelay $0x4  }
0x695: {  	_, v24, vm2 =	vpop (xrf1)  }
0x696: {  	_, v25, vm3 =	vpop (xrf1)  }
0x697: {  	_, v26, vm4 =	vpop (xrf1)  }
0x698: {  	_, v27, vm5 =	vpop (xrf1)  }
0x699: {  	[tilespmem:v11+s20+$0x0] =	vst.idx.add.s32.msk vm0, v19;
	_, v11, vm0 =	vpop (xrf1)  }
0x69a: {  	[tilespmem:v10+s20+$0x0] =	vst.idx.add.s32.msk vm1, v20;
	_, v10, vm1 =	vpop (xrf1)  }
0x69b: {  	[tilespmem:v12+s20+$0x0] =	vst.idx.add.s32.msk vm2, v24;
	_, v12, vm2 =	vpop (xrf1)  }
0x69c: {  	[tilespmem:v13+s20+$0x0] =	vst.idx.add.s32.msk vm3, v25;
	_, v13, vm3 =	vpop (xrf1)  }
0x69d: {  	[tilespmem:v14+s20+$0x0] =	vst.idx.add.s32.msk vm4, v26;
	_, v14, vm4 =	vpop (xrf1)  }
0x69e: {  	[tilespmem:v15+s20+$0x0] =	vst.idx.add.s32.msk vm5, v27;
	_, v15, vm5 =	vpop (xrf1)  }
0x69f: {  	[tilespmem:v16+s20+$0x0] =	vst.idx.add.s32.msk vm0, v11  }
0x6a0: {  	[tilespmem:v17+s20+$0x0] =	vst.idx.add.s32.msk vm1, v10  }
0x6a1: {  	[tilespmem:v18+s20+$0x0] =	vst.idx.add.s32.msk vm2, v12  }
0x6a2: {  	[tilespmem:v22+s20+$0x0] =	vst.idx.add.s32.msk vm3, v13  }
0x6a3: {  	[tilespmem:v23+s20+$0x0] =	vst.idx.add.s32.msk vm4, v14  }
0x6a4: {  	[tilespmem:v21+s20+$0x0] =	vst.idx.add.s32.msk vm5, v15  }
0x6a5: {  	v10 =	vld [tilespmem:$0xAE80];
	_ =	sdelay $0x4  }
0x6a6: {  	(xrf0) =	vadd.scan.msk.s32 $0xffff, v10;
	_ =	sdelay $0x1  }
0x6a7: {  	v11 =	vld [tilespmem:$0xAE90];
	_ =	sdelay $0x3  }
0x6a8: {  	v60, _, _ =	vpop (xrf0)  }
0x6a9: {  	(xrf0) =	vadd.scan.msk.s32 $0xffff, v11;
	v61 =	vxor.u32 $0x80000000, v60  }
0x6aa: {  	(xrf0) =	vmax.scan.msk.u32 $0xffff, v61;
	_ =	sdelay $0x4  }
0x6ab: {  	v62, _, _ =	vpop (xrf0)  }
0x6ac: {  	v63, _, _ =	vpop (xrf0)  }
0x6ad: {  	(v2sf) =	vpush v63, $0xF;
	_ =	sdelay $0xe  }
0x6ae: {  	s0 =	spop (v2sf)  }
0x6af: {  	v10 =	vsub.s32 v60, v10;
	v11 =	vsub.s32 v62, v11;
	s0 =	sxor.u32 $0x80000000, s0  }
0x6b0: {  	[tilespmem:$0xAF00] =	vst v10;
	v10 =	vadd.s32 s0, v11  }
0x6b1: {  	s30 =	simm.s32 $0x0;
	[tilespmem:$0xAF10] =	vst v10  }
0x6b2: {  	v10 =	vld [tilespmem:s30+$0xA300]  }
0x6b3: {  	s0 =	simm.s32 $0x40;
	v11 =	vld [tilespmem:s30+$0xA480]  }
.LBB2_123:
0x6b4: {  	p1 =	sne.s32 s0, $0x3C0;
	_ =	sdelay $0x2  }
0x6b5: {  	v12 =	vxor.u32 $0xFFFFFFFF, v10  }
0x6b6: {  	v12 =	vshrl.u32 v12, $0xF  }
0x6b7: {  	v12 =	vand.u32 $0x1F, v12  }
0x6b8: {  	(xrf1) =	vunique.msk.u32 $0xffff, v12;
	_ =	sdelay $0x8  }
0x6b9: {  	v13 =	vld.idx.msk [tilespmem:v12+s21+$0x0], $0xffff;
	_ =	sdelay $0x4  }
0x6ba: {  	_, v14, vm0 =	vpop (xrf1)  }
0x6bb: {  	v13 =	vadd.s32 v13, v14  }
0x6bc: {  	v14 =	vadd.s32 $0xFFFFFFFF, v13;
	_ =	sdelay $0x4  }
.Ltmp65:
0x6bd: {  	[tilespmem:v14+s24+$0x0] =	vst.idx.msk $0xffff, v10;
	(pc) =	sbr.rel @p1 .LBB2_123-.Ltmp65, $4  }
0x6be: {  	[tilespmem:v14+s25+$0x0] =	vst.idx.msk $0xffff, v11  }
0x6bf: {  	s1 =	sshra.s32 s0, $0x2;
	[tilespmem:v12+s21+$0x0] =	vst.idx.msk vm0, v13  }
0x6c0: {  	v10 =	vld [tilespmem:s1+$0xA300]  }
0x6c1: {  	s0 =	sadd.s32 $0x40, s0;
	v11 =	vld [tilespmem:s1+$0xA480]  }
0x6c2: {  	_ =	sdelay $0x2  }
0x6c3: {  	v12 =	vxor.u32 $0xFFFFFFFF, v10  }
0x6c4: {  	v12 =	vshrl.u32 v12, $0xF  }
0x6c5: {  	v12 =	vand.u32 $0x1F, v12  }
0x6c6: {  	(xrf1) =	vunique.msk.u32 $0xffff, v12;
	_ =	sdelay $0x9  }
0x6c7: {  	v13 =	vld.idx.msk [tilespmem:v12+s21+$0x0], $0xffff;
	_ =	sdelay $0x3  }
0x6c8: {  	_, v14, vm0 =	vpop (xrf1)  }
0x6c9: {  	v13 =	vadd.s32 v13, v14  }
0x6ca: {  	v14 =	vadd.s32 $0xFFFFFFFF, v13;
	_ =	sdelay $0x4  }
0x6cb: {  	[tilespmem:v14+s24+$0x0] =	vst.idx.msk $0xffff, v10  }
0x6cc: {  	[tilespmem:v14+s25+$0x0] =	vst.idx.msk $0xffff, v11  }
0x6cd: {  	[tilespmem:v12+s21+$0x0] =	vst.idx.msk vm0, v13  }
0x6ce: {  	[tilespmem:$0xAE80] =	vst v5  }
0x6cf: {  	s0 =	simm.s32 $0xA020;
	[tilespmem:$0xAE90] =	vst v5  }
0x6d0: {  	v10 =	vld [tilespmem:s0+$0x10]  }
0x6d1: {  	v11 =	vld [tilespmem:s0+$0xFFFFFFF0];
	_ =	sdelay $0x4  }
0x6d2: {  	v10 =	vxor.u32 $0xFFFFFFFF, v10;
	v11 =	vxor.u32 $0xFFFFFFFF, v11  }
0x6d3: {  	v10 =	vshrl.u32 v10, $0x14;
	v12 =	vshrl.u32 v11, $0x14  }
0x6d4: {  	v11 =	vand.u32 $0x1F, v10;
	v10 =	vand.u32 $0x1F, v12;
	v12 =	vld [tilespmem:s0+$0x0]  }
0x6d5: {  	v13 =	vld [tilespmem:s0+$0xFFFFFFE0];
	(xrf1) =	vunique.msk.u32 $0xffff, v11;
	_ =	sdelay $0x1  }
0x6d6: {  	s30 =	simm.s32 $0xA060  }
0x6d7: {  	v14 =	vld [tilespmem:s30+$0x10]  }
0x6d8: {  	v15 =	vld [tilespmem:s30+$0xFFFFFFF0];
	v12 =	vxor.u32 $0xFFFFFFFF, v12  }
0x6d9: {  	v16 =	vld [tilespmem:s30+$0x0];
	v13 =	vxor.u32 $0xFFFFFFFF, v13;
	v12 =	vshrl.u32 v12, $0x14  }
0x6da: {  	v17 =	vld [tilespmem:s30+$0xFFFFFFE0];
	v13 =	vshrl.u32 v13, $0x14;
	(xrf1) =	vunique.msk.u32 $0xffff, v10;
	v12 =	vand.u32 $0x1F, v12  }
0x6db: {  	v13 =	vand.u32 $0x1F, v13;
	(xrf1) =	vunique.msk.u32 $0xffff, v12  }
0x6dc: {  	s1 =	simm.s32 $0xA0A0;
	v14 =	vxor.u32 $0xFFFFFFFF, v14;
	(xrf1) =	vunique.msk.u32 $0xffff, v13  }
0x6dd: {  	v19 =	vld [tilespmem:s1+$0xFFFFFFF0];
	v15 =	vxor.u32 $0xFFFFFFFF, v15;
	v14 =	vshrl.u32 v14, $0x14  }
0x6de: {  	v16 =	vxor.u32 $0xFFFFFFFF, v16;
	v15 =	vshrl.u32 v15, $0x14;
	v14 =	vand.u32 $0x1F, v14  }
0x6df: {  	v17 =	vxor.u32 $0xFFFFFFFF, v17;
	v16 =	vshrl.u32 v16, $0x14;
	v15 =	vand.u32 $0x1F, v15;
	(xrf1) =	vunique.msk.u32 $0xffff, v14  }
0x6e0: {  	v17 =	vshrl.u32 v17, $0x14;
	v16 =	vand.u32 $0x1F, v16;
	(xrf1) =	vunique.msk.u32 $0xffff, v15  }
0x6e1: {  	v18 =	vld [tilespmem:s1+$0x10];
	v17 =	vand.u32 $0x1F, v17;
	(xrf1) =	vunique.msk.u32 $0xffff, v16  }
0x6e2: {  	v22 =	vxor.u32 $0xFFFFFFFF, v19;
	_, v19, vm0 =	vpop (xrf1);
	(xrf1) =	vunique.msk.u32 $0xffff, v17  }
0x6e3: {  	v20 =	vld [tilespmem:s1+$0x0]  }
0x6e4: {  	v21 =	vld [tilespmem:s1+$0xFFFFFFE0];
	_ =	sdelay $0x1  }
0x6e5: {  	v18 =	vxor.u32 $0xFFFFFFFF, v18  }
0x6e6: {  	v18 =	vshrl.u32 v18, $0x14  }
0x6e7: {  	s1 =	simm.s32 $0xA0E0;
	v23 =	vxor.u32 $0xFFFFFFFF, v20;
	v22 =	vshrl.u32 v22, $0x14;
	s0 =	simm.s32 $0x8;
	v18 =	vand.u32 $0x1F, v18;
	_, v20, vm1 =	vpop (xrf1)  }
.LBB2_125:
0x6e8: {  	v24 =	vld [tilespmem:s1+$0x10];
	s0 =	sadd.s32 $0x4, s0;
	v21 =	vxor.u32 $0xFFFFFFFF, v21;
	v22 =	vand.u32 $0x1F, v22;
	v23 =	vshrl.u32 v23, $0x14;
	(xrf1) =	vunique.msk.u32 $0xffff, v18;
	_, v25, vm3 =	vpop (xrf1)  }
0x6e9: {  	v28 =	vmov v16;
	v26 =	vld [tilespmem:s1+$0xFFFFFFF0];
	p1 =	slt.u32 s0, $0xC;
	v21 =	vshrl.u32 v21, $0x14;
	(xrf1) =	vunique.msk.u32 $0xffff, v22;
	_, v27, vm2 =	vpop (xrf1);
	v16 =	vand.u32 $0x1F, v23  }
0x6ea: {  	v29 =	vmovc v13;
	v13 =	vmov v17;
	v23 =	vld [tilespmem:s1+$0x0];
	(xrf1) =	vunique.msk.u32 $0xffff, v16;
	v17 =	vand.u32 $0x1F, v21  }
.Ltmp66:
0x6eb: {  	v21 =	vld [tilespmem:s1+$0xFFFFFFE0];
	(xrf1) =	vunique.msk.u32 $0xffff, v17;
	(pc) =	sbr.rel @p1 .LBB2_125-.Ltmp66, $4  }
0x6ec: {  	[tilespmem:v11+s20+$0x0] =	vst.idx.add.s32.msk vm0, v19;
	v11 =	vmov v14;
	v14 =	vmov v18  }
0x6ed: {  	v18 =	vxor.u32 $0xFFFFFFFF, v24;
	[tilespmem:v10+s20+$0x0] =	vst.idx.add.s32.msk vm1, v20;
	v10 =	vmov v15;
	v15 =	vmov v22  }
0x6ee: {  	v24 =	vxor.u32 $0xFFFFFFFF, v26;
	v18 =	vshrl.u32 v18, $0x14;
	_, v19, vm0 =	vpop (xrf1);
	[tilespmem:v12+s20+$0x0] =	vst.idx.add.s32.msk vm3, v25;
	v12 =	vmov v28  }
0x6ef: {  	s1 =	sadd.s32 $0x40, s1;
	v22 =	vshrl.u32 v24, $0x14;
	v23 =	vxor.u32 $0xFFFFFFFF, v23;
	v18 =	vand.u32 $0x1F, v18;
	_, v20, vm1 =	vpop (xrf1);
	[tilespmem:v29+s20+$0x0] =	vst.idx.add.s32.msk vm2, v27  }
0x6f0: {  	v21 =	vxor.u32 $0xFFFFFFFF, v21;
	v22 =	vand.u32 $0x1F, v22;
	v23 =	vshrl.u32 v23, $0x14;
	(xrf1) =	vunique.msk.u32 $0xffff, v18  }
0x6f1: {  	v21 =	vshrl.u32 v21, $0x14;
	v23 =	vand.u32 $0x1F, v23;
	(xrf1) =	vunique.msk.u32 $0xffff, v22  }
0x6f2: {  	v21 =	vand.u32 $0x1F, v21;
	(xrf1) =	vunique.msk.u32 $0xffff, v23  }
0x6f3: {  	(xrf1) =	vunique.msk.u32 $0xffff, v21;
	_ =	sdelay $0x4  }
0x6f4: {  	_, v24, vm2 =	vpop (xrf1)  }
0x6f5: {  	_, v25, vm3 =	vpop (xrf1)  }
0x6f6: {  	_, v26, vm4 =	vpop (xrf1)  }
0x6f7: {  	_, v27, vm5 =	vpop (xrf1)  }
0x6f8: {  	[tilespmem:v11+s20+$0x0] =	vst.idx.add.s32.msk vm0, v19;
	_, v11, vm0 =	vpop (xrf1)  }
0x6f9: {  	[tilespmem:v10+s20+$0x0] =	vst.idx.add.s32.msk vm1, v20;
	_, v10, vm1 =	vpop (xrf1)  }
0x6fa: {  	[tilespmem:v12+s20+$0x0] =	vst.idx.add.s32.msk vm2, v24;
	_, v12, vm2 =	vpop (xrf1)  }
0x6fb: {  	[tilespmem:v13+s20+$0x0] =	vst.idx.add.s32.msk vm3, v25;
	_, v13, vm3 =	vpop (xrf1)  }
0x6fc: {  	[tilespmem:v14+s20+$0x0] =	vst.idx.add.s32.msk vm4, v26;
	_, v14, vm4 =	vpop (xrf1)  }
0x6fd: {  	[tilespmem:v15+s20+$0x0] =	vst.idx.add.s32.msk vm5, v27;
	_, v15, vm5 =	vpop (xrf1)  }
0x6fe: {  	[tilespmem:v16+s20+$0x0] =	vst.idx.add.s32.msk vm0, v11  }
0x6ff: {  	[tilespmem:v17+s20+$0x0] =	vst.idx.add.s32.msk vm1, v10  }
0x700: {  	[tilespmem:v18+s20+$0x0] =	vst.idx.add.s32.msk vm2, v12  }
0x701: {  	[tilespmem:v22+s20+$0x0] =	vst.idx.add.s32.msk vm3, v13  }
0x702: {  	[tilespmem:v23+s20+$0x0] =	vst.idx.add.s32.msk vm4, v14  }
0x703: {  	[tilespmem:v21+s20+$0x0] =	vst.idx.add.s32.msk vm5, v15  }
0x704: {  	v10 =	vld [tilespmem:$0xAE80];
	_ =	sdelay $0x4  }
0x705: {  	(xrf0) =	vadd.scan.msk.s32 $0xffff, v10;
	_ =	sdelay $0x1  }
0x706: {  	v11 =	vld [tilespmem:$0xAE90];
	_ =	sdelay $0x3  }
0x707: {  	v60, _, _ =	vpop (xrf0)  }
0x708: {  	(xrf0) =	vadd.scan.msk.s32 $0xffff, v11;
	v61 =	vxor.u32 $0x80000000, v60  }
0x709: {  	(xrf0) =	vmax.scan.msk.u32 $0xffff, v61;
	_ =	sdelay $0x4  }
0x70a: {  	v62, _, _ =	vpop (xrf0)  }
0x70b: {  	v63, _, _ =	vpop (xrf0)  }
0x70c: {  	(v2sf) =	vpush v63, $0xF;
	_ =	sdelay $0xe  }
0x70d: {  	s0 =	spop (v2sf)  }
0x70e: {  	v10 =	vsub.s32 v60, v10;
	v11 =	vsub.s32 v62, v11;
	s0 =	sxor.u32 $0x80000000, s0  }
0x70f: {  	[tilespmem:$0xAF00] =	vst v10;
	v10 =	vadd.s32 s0, v11  }
0x710: {  	s30 =	simm.s32 $0x0;
	[tilespmem:$0xAF10] =	vst v10  }
0x711: {  	v10 =	vld [tilespmem:s30+$0xA000]  }
0x712: {  	s0 =	simm.s32 $0x40;
	v11 =	vld [tilespmem:s30+$0xA180]  }
.LBB2_127:
0x713: {  	p1 =	sne.s32 s0, $0x3C0;
	_ =	sdelay $0x2  }
0x714: {  	v12 =	vxor.u32 $0xFFFFFFFF, v10  }
0x715: {  	v12 =	vshrl.u32 v12, $0x14  }
0x716: {  	v12 =	vand.u32 $0x1F, v12  }
0x717: {  	(xrf1) =	vunique.msk.u32 $0xffff, v12;
	_ =	sdelay $0x8  }
0x718: {  	v13 =	vld.idx.msk [tilespmem:v12+s21+$0x0], $0xffff;
	_ =	sdelay $0x4  }
0x719: {  	_, v14, vm0 =	vpop (xrf1)  }
0x71a: {  	v13 =	vadd.s32 v13, v14  }
0x71b: {  	v14 =	vadd.s32 $0xFFFFFFFF, v13;
	_ =	sdelay $0x4  }
.Ltmp67:
0x71c: {  	[tilespmem:v14+s22+$0x0] =	vst.idx.msk $0xffff, v10;
	(pc) =	sbr.rel @p1 .LBB2_127-.Ltmp67, $4  }
0x71d: {  	[tilespmem:v14+s23+$0x0] =	vst.idx.msk $0xffff, v11  }
0x71e: {  	s1 =	sshra.s32 s0, $0x2;
	[tilespmem:v12+s21+$0x0] =	vst.idx.msk vm0, v13  }
0x71f: {  	v10 =	vld [tilespmem:s1+$0xA000]  }
0x720: {  	s0 =	sadd.s32 $0x40, s0;
	v11 =	vld [tilespmem:s1+$0xA180]  }
0x721: {  	_ =	sdelay $0x2  }
0x722: {  	v12 =	vxor.u32 $0xFFFFFFFF, v10  }
0x723: {  	v12 =	vshrl.u32 v12, $0x14  }
0x724: {  	v12 =	vand.u32 $0x1F, v12  }
0x725: {  	(xrf1) =	vunique.msk.u32 $0xffff, v12;
	_ =	sdelay $0x9  }
0x726: {  	v13 =	vld.idx.msk [tilespmem:v12+s21+$0x0], $0xffff;
	_ =	sdelay $0x3  }
0x727: {  	_, v14, vm0 =	vpop (xrf1)  }
0x728: {  	v13 =	vadd.s32 v13, v14  }
0x729: {  	v14 =	vadd.s32 $0xFFFFFFFF, v13;
	_ =	sdelay $0x4  }
0x72a: {  	[tilespmem:v14+s22+$0x0] =	vst.idx.msk $0xffff, v10  }
0x72b: {  	[tilespmem:v14+s23+$0x0] =	vst.idx.msk $0xffff, v11  }
0x72c: {  	[tilespmem:v12+s21+$0x0] =	vst.idx.msk vm0, v13  }
0x72d: {  	[tilespmem:$0xAE80] =	vst v5  }
0x72e: {  	s0 =	simm.s32 $0xA320;
	[tilespmem:$0xAE90] =	vst v5  }
0x72f: {  	v10 =	vld [tilespmem:s0+$0x10]  }
0x730: {  	v11 =	vld [tilespmem:s0+$0xFFFFFFF0];
	_ =	sdelay $0x4  }
0x731: {  	v10 =	vxor.u32 $0xFFFFFFFF, v10;
	v11 =	vxor.u32 $0xFFFFFFFF, v11  }
0x732: {  	v10 =	vshrl.u32 v10, $0x19;
	v12 =	vshrl.u32 v11, $0x19  }
0x733: {  	v11 =	vand.u32 $0x1F, v10;
	v10 =	vand.u32 $0x1F, v12;
	v12 =	vld [tilespmem:s0+$0x0]  }
0x734: {  	v13 =	vld [tilespmem:s0+$0xFFFFFFE0];
	(xrf1) =	vunique.msk.u32 $0xffff, v11;
	_ =	sdelay $0x1  }
0x735: {  	s30 =	simm.s32 $0xA360  }
0x736: {  	v14 =	vld [tilespmem:s30+$0x10]  }
0x737: {  	v15 =	vld [tilespmem:s30+$0xFFFFFFF0];
	v12 =	vxor.u32 $0xFFFFFFFF, v12  }
0x738: {  	v16 =	vld [tilespmem:s30+$0x0];
	v13 =	vxor.u32 $0xFFFFFFFF, v13;
	v12 =	vshrl.u32 v12, $0x19  }
0x739: {  	v17 =	vld [tilespmem:s30+$0xFFFFFFE0];
	v13 =	vshrl.u32 v13, $0x19;
	(xrf1) =	vunique.msk.u32 $0xffff, v10;
	v12 =	vand.u32 $0x1F, v12  }
0x73a: {  	v13 =	vand.u32 $0x1F, v13;
	(xrf1) =	vunique.msk.u32 $0xffff, v12  }
0x73b: {  	s1 =	simm.s32 $0xA3A0;
	v14 =	vxor.u32 $0xFFFFFFFF, v14;
	(xrf1) =	vunique.msk.u32 $0xffff, v13  }
0x73c: {  	v19 =	vld [tilespmem:s1+$0xFFFFFFF0];
	v15 =	vxor.u32 $0xFFFFFFFF, v15;
	v14 =	vshrl.u32 v14, $0x19  }
0x73d: {  	v16 =	vxor.u32 $0xFFFFFFFF, v16;
	v15 =	vshrl.u32 v15, $0x19;
	v14 =	vand.u32 $0x1F, v14  }
0x73e: {  	v17 =	vxor.u32 $0xFFFFFFFF, v17;
	v16 =	vshrl.u32 v16, $0x19;
	v15 =	vand.u32 $0x1F, v15;
	(xrf1) =	vunique.msk.u32 $0xffff, v14  }
0x73f: {  	v17 =	vshrl.u32 v17, $0x19;
	v16 =	vand.u32 $0x1F, v16;
	(xrf1) =	vunique.msk.u32 $0xffff, v15  }
0x740: {  	v18 =	vld [tilespmem:s1+$0x10];
	v17 =	vand.u32 $0x1F, v17;
	(xrf1) =	vunique.msk.u32 $0xffff, v16  }
0x741: {  	v22 =	vxor.u32 $0xFFFFFFFF, v19;
	_, v19, vm0 =	vpop (xrf1);
	(xrf1) =	vunique.msk.u32 $0xffff, v17  }
0x742: {  	v20 =	vld [tilespmem:s1+$0x0]  }
0x743: {  	v21 =	vld [tilespmem:s1+$0xFFFFFFE0];
	_ =	sdelay $0x1  }
0x744: {  	v18 =	vxor.u32 $0xFFFFFFFF, v18  }
0x745: {  	v18 =	vshrl.u32 v18, $0x19  }
0x746: {  	s1 =	simm.s32 $0xA3E0;
	v23 =	vxor.u32 $0xFFFFFFFF, v20;
	v22 =	vshrl.u32 v22, $0x19;
	s0 =	simm.s32 $0x8;
	v18 =	vand.u32 $0x1F, v18;
	_, v20, vm1 =	vpop (xrf1)  }
.LBB2_129:
0x747: {  	v24 =	vld [tilespmem:s1+$0x10];
	s0 =	sadd.s32 $0x4, s0;
	v21 =	vxor.u32 $0xFFFFFFFF, v21;
	v22 =	vand.u32 $0x1F, v22;
	v23 =	vshrl.u32 v23, $0x19;
	(xrf1) =	vunique.msk.u32 $0xffff, v18;
	_, v25, vm3 =	vpop (xrf1)  }
0x748: {  	v28 =	vmov v16;
	v26 =	vld [tilespmem:s1+$0xFFFFFFF0];
	p1 =	slt.u32 s0, $0xC;
	v21 =	vshrl.u32 v21, $0x19;
	(xrf1) =	vunique.msk.u32 $0xffff, v22;
	_, v27, vm2 =	vpop (xrf1);
	v16 =	vand.u32 $0x1F, v23  }
0x749: {  	v29 =	vmovc v13;
	v13 =	vmov v17;
	v23 =	vld [tilespmem:s1+$0x0];
	(xrf1) =	vunique.msk.u32 $0xffff, v16;
	v17 =	vand.u32 $0x1F, v21  }
.Ltmp68:
0x74a: {  	v21 =	vld [tilespmem:s1+$0xFFFFFFE0];
	(xrf1) =	vunique.msk.u32 $0xffff, v17;
	(pc) =	sbr.rel @p1 .LBB2_129-.Ltmp68, $4  }
0x74b: {  	[tilespmem:v11+s20+$0x0] =	vst.idx.add.s32.msk vm0, v19;
	v11 =	vmov v14;
	v14 =	vmov v18  }
0x74c: {  	v18 =	vxor.u32 $0xFFFFFFFF, v24;
	[tilespmem:v10+s20+$0x0] =	vst.idx.add.s32.msk vm1, v20;
	v10 =	vmov v15;
	v15 =	vmov v22  }
0x74d: {  	v24 =	vxor.u32 $0xFFFFFFFF, v26;
	v18 =	vshrl.u32 v18, $0x19;
	_, v19, vm0 =	vpop (xrf1);
	[tilespmem:v12+s20+$0x0] =	vst.idx.add.s32.msk vm3, v25;
	v12 =	vmov v28  }
0x74e: {  	s1 =	sadd.s32 $0x40, s1;
	v22 =	vshrl.u32 v24, $0x19;
	v23 =	vxor.u32 $0xFFFFFFFF, v23;
	v18 =	vand.u32 $0x1F, v18;
	_, v20, vm1 =	vpop (xrf1);
	[tilespmem:v29+s20+$0x0] =	vst.idx.add.s32.msk vm2, v27  }
0x74f: {  	v21 =	vxor.u32 $0xFFFFFFFF, v21;
	v22 =	vand.u32 $0x1F, v22;
	v23 =	vshrl.u32 v23, $0x19;
	(xrf1) =	vunique.msk.u32 $0xffff, v18  }
0x750: {  	v21 =	vshrl.u32 v21, $0x19;
	v23 =	vand.u32 $0x1F, v23;
	(xrf1) =	vunique.msk.u32 $0xffff, v22  }
0x751: {  	v21 =	vand.u32 $0x1F, v21;
	(xrf1) =	vunique.msk.u32 $0xffff, v23  }
0x752: {  	(xrf1) =	vunique.msk.u32 $0xffff, v21;
	_ =	sdelay $0x4  }
0x753: {  	_, v24, vm2 =	vpop (xrf1)  }
0x754: {  	_, v25, vm3 =	vpop (xrf1)  }
0x755: {  	_, v26, vm4 =	vpop (xrf1)  }
0x756: {  	_, v27, vm5 =	vpop (xrf1)  }
0x757: {  	[tilespmem:v11+s20+$0x0] =	vst.idx.add.s32.msk vm0, v19;
	_, v11, vm0 =	vpop (xrf1)  }
0x758: {  	[tilespmem:v10+s20+$0x0] =	vst.idx.add.s32.msk vm1, v20;
	_, v10, vm1 =	vpop (xrf1)  }
0x759: {  	[tilespmem:v12+s20+$0x0] =	vst.idx.add.s32.msk vm2, v24;
	_, v12, vm2 =	vpop (xrf1)  }
0x75a: {  	[tilespmem:v13+s20+$0x0] =	vst.idx.add.s32.msk vm3, v25;
	_, v13, vm3 =	vpop (xrf1)  }
0x75b: {  	[tilespmem:v14+s20+$0x0] =	vst.idx.add.s32.msk vm4, v26;
	_, v14, vm4 =	vpop (xrf1)  }
0x75c: {  	[tilespmem:v15+s20+$0x0] =	vst.idx.add.s32.msk vm5, v27;
	_, v15, vm5 =	vpop (xrf1)  }
0x75d: {  	[tilespmem:v16+s20+$0x0] =	vst.idx.add.s32.msk vm0, v11  }
0x75e: {  	[tilespmem:v17+s20+$0x0] =	vst.idx.add.s32.msk vm1, v10  }
0x75f: {  	[tilespmem:v18+s20+$0x0] =	vst.idx.add.s32.msk vm2, v12  }
0x760: {  	[tilespmem:v22+s20+$0x0] =	vst.idx.add.s32.msk vm3, v13  }
0x761: {  	[tilespmem:v23+s20+$0x0] =	vst.idx.add.s32.msk vm4, v14  }
0x762: {  	[tilespmem:v21+s20+$0x0] =	vst.idx.add.s32.msk vm5, v15  }
0x763: {  	v10 =	vld [tilespmem:$0xAE80];
	_ =	sdelay $0x4  }
0x764: {  	(xrf0) =	vadd.scan.msk.s32 $0xffff, v10;
	_ =	sdelay $0x1  }
0x765: {  	v11 =	vld [tilespmem:$0xAE90];
	_ =	sdelay $0x3  }
0x766: {  	v60, _, _ =	vpop (xrf0)  }
0x767: {  	(xrf0) =	vadd.scan.msk.s32 $0xffff, v11;
	v61 =	vxor.u32 $0x80000000, v60  }
0x768: {  	(xrf0) =	vmax.scan.msk.u32 $0xffff, v61;
	_ =	sdelay $0x4  }
0x769: {  	v62, _, _ =	vpop (xrf0)  }
0x76a: {  	v63, _, _ =	vpop (xrf0)  }
0x76b: {  	(v2sf) =	vpush v63, $0xF;
	_ =	sdelay $0xe  }
0x76c: {  	s0 =	spop (v2sf)  }
0x76d: {  	v10 =	vsub.s32 v60, v10;
	v11 =	vsub.s32 v62, v11;
	s0 =	sxor.u32 $0x80000000, s0  }
0x76e: {  	[tilespmem:$0xAF00] =	vst v10;
	v10 =	vadd.s32 s0, v11  }
0x76f: {  	s30 =	simm.s32 $0x0;
	[tilespmem:$0xAF10] =	vst v10  }
0x770: {  	v10 =	vld [tilespmem:s30+$0xA300]  }
0x771: {  	s0 =	simm.s32 $0x40;
	v11 =	vld [tilespmem:s30+$0xA480]  }
.LBB2_131:
0x772: {  	p1 =	sne.s32 s0, $0x3C0;
	_ =	sdelay $0x2  }
0x773: {  	v12 =	vxor.u32 $0xFFFFFFFF, v10  }
0x774: {  	v12 =	vshrl.u32 v12, $0x19  }
0x775: {  	v12 =	vand.u32 $0x1F, v12  }
0x776: {  	(xrf1) =	vunique.msk.u32 $0xffff, v12;
	_ =	sdelay $0x8  }
0x777: {  	v13 =	vld.idx.msk [tilespmem:v12+s21+$0x0], $0xffff;
	_ =	sdelay $0x4  }
0x778: {  	_, v14, vm0 =	vpop (xrf1)  }
0x779: {  	v13 =	vadd.s32 v13, v14  }
0x77a: {  	v14 =	vadd.s32 $0xFFFFFFFF, v13;
	_ =	sdelay $0x4  }
.Ltmp69:
0x77b: {  	[tilespmem:v14+s24+$0x0] =	vst.idx.msk $0xffff, v10;
	(pc) =	sbr.rel @p1 .LBB2_131-.Ltmp69, $4  }
0x77c: {  	[tilespmem:v14+s25+$0x0] =	vst.idx.msk $0xffff, v11  }
0x77d: {  	s1 =	sshra.s32 s0, $0x2;
	[tilespmem:v12+s21+$0x0] =	vst.idx.msk vm0, v13  }
0x77e: {  	v10 =	vld [tilespmem:s1+$0xA300]  }
0x77f: {  	s0 =	sadd.s32 $0x40, s0;
	v11 =	vld [tilespmem:s1+$0xA480]  }
0x780: {  	_ =	sdelay $0x2  }
0x781: {  	v12 =	vxor.u32 $0xFFFFFFFF, v10  }
0x782: {  	v12 =	vshrl.u32 v12, $0x19  }
0x783: {  	v12 =	vand.u32 $0x1F, v12  }
0x784: {  	(xrf1) =	vunique.msk.u32 $0xffff, v12;
	_ =	sdelay $0x9  }
0x785: {  	v13 =	vld.idx.msk [tilespmem:v12+s21+$0x0], $0xffff;
	_ =	sdelay $0x3  }
0x786: {  	_, v14, vm0 =	vpop (xrf1)  }
0x787: {  	v13 =	vadd.s32 v13, v14  }
0x788: {  	v14 =	vadd.s32 $0xFFFFFFFF, v13;
	_ =	sdelay $0x4  }
0x789: {  	[tilespmem:v14+s24+$0x0] =	vst.idx.msk $0xffff, v10  }
0x78a: {  	[tilespmem:v14+s25+$0x0] =	vst.idx.msk $0xffff, v11  }
0x78b: {  	[tilespmem:v12+s21+$0x0] =	vst.idx.msk vm0, v13  }
0x78c: {  	[tilespmem:$0xAE80] =	vst v5  }
0x78d: {  	s0 =	simm.s32 $0xA020;
	[tilespmem:$0xAE90] =	vst v5  }
0x78e: {  	v10 =	vld [tilespmem:s0+$0x10]  }
0x78f: {  	v11 =	vld [tilespmem:s0+$0xFFFFFFF0];
	_ =	sdelay $0x3  }
0x790: {  	v10 =	vshrl.u32 v10, $0x1E  }
0x791: {  	v13 =	vshrl.u32 v11, $0x1E;
	v11 =	vxor.u32 $0x1F, v10  }
0x792: {  	v12 =	vld [tilespmem:s0+$0x0];
	v10 =	vxor.u32 $0x1F, v13;
	(xrf1) =	vunique.msk.u32 $0xffff, v11  }
0x793: {  	(xrf1) =	vunique.msk.u32 $0xffff, v10  }
0x794: {  	v13 =	vld [tilespmem:s0+$0xFFFFFFE0]  }
0x795: {  	s30 =	simm.s32 $0xA060  }
0x796: {  	v14 =	vld [tilespmem:s30+$0x10]  }
0x797: {  	v15 =	vld [tilespmem:s30+$0xFFFFFFF0];
	v12 =	vshrl.u32 v12, $0x1E  }
0x798: {  	v16 =	vld [tilespmem:s30+$0x0];
	v12 =	vxor.u32 $0x1F, v12  }
0x799: {  	s1 =	simm.s32 $0xA0A0;
	v17 =	vld [tilespmem:s30+$0xFFFFFFE0];
	(xrf1) =	vunique.msk.u32 $0xffff, v12;
	v13 =	vshrl.u32 v13, $0x1E  }
0x79a: {  	v18 =	vld [tilespmem:s1+$0x10];
	v13 =	vxor.u32 $0x1F, v13  }
0x79b: {  	v19 =	vld [tilespmem:s1+$0xFFFFFFF0];
	v14 =	vshrl.u32 v14, $0x1E;
	(xrf1) =	vunique.msk.u32 $0xffff, v13  }
0x79c: {  	v15 =	vshrl.u32 v15, $0x1E;
	v14 =	vxor.u32 $0x1F, v14  }
0x79d: {  	v16 =	vshrl.u32 v16, $0x1E;
	v15 =	vxor.u32 $0x1F, v15;
	(xrf1) =	vunique.msk.u32 $0xffff, v14  }
0x79e: {  	v17 =	vshrl.u32 v17, $0x1E;
	v16 =	vxor.u32 $0x1F, v16;
	(xrf1) =	vunique.msk.u32 $0xffff, v15  }
0x79f: {  	v18 =	vshrl.u32 v18, $0x1E;
	v17 =	vxor.u32 $0x1F, v17;
	(xrf1) =	vunique.msk.u32 $0xffff, v16  }
0x7a0: {  	v24 =	vshrl.u32 v19, $0x1E;
	v19 =	vxor.u32 $0x1F, v18;
	_, v20, vm0 =	vpop (xrf1);
	(xrf1) =	vunique.msk.u32 $0xffff, v17  }
0x7a1: {  	_, v21, vm1 =	vpop (xrf1);
	(xrf1) =	vunique.msk.u32 $0xffff, v19  }
0x7a2: {  	v22 =	vld [tilespmem:s1+$0x0];
	_ =	sdelay $0x1  }
0x7a3: {  	v23 =	vld [tilespmem:s1+$0xFFFFFFE0];
	_ =	sdelay $0x2  }
0x7a4: {  	s1 =	simm.s32 $0xA0E0;
	s0 =	simm.s32 $0x8;
	v18 =	vxor.u32 $0x1F, v24;
	v24 =	vshrl.u32 v22, $0x1E;
	_, v22, vm2 =	vpop (xrf1)  }
.LBB2_133:
0x7a5: {  	v25 =	vld [tilespmem:s1+$0x10];
	s0 =	sadd.s32 $0x4, s0;
	(xrf1) =	vunique.msk.u32 $0xffff, v18;
	v26 =	vmovc v16;
	v16 =	vxor.u32 $0x1F, v24;
	v27 =	vmov v13;
	v13 =	vmov v17  }
0x7a6: {  	v24 =	vld [tilespmem:s1+$0xFFFFFFF0];
	p1 =	slt.u32 s0, $0xC;
	v17 =	vshrl.u32 v23, $0x1E;
	(xrf1) =	vunique.msk.u32 $0xffff, v16;
	_, v28, vm3 =	vpop (xrf1)  }
0x7a7: {  	v29 =	vld [tilespmem:s1+$0x0];
	v17 =	vxor.u32 $0x1F, v17  }
.Ltmp70:
0x7a8: {  	(xrf1) =	vunique.msk.u32 $0xffff, v17;
	[tilespmem:v11+s20+$0x0] =	vst.idx.add.s32.msk vm0, v20;
	v11 =	vmov v14;
	v14 =	vmov v19;
	(pc) =	sbr.rel @p1 .LBB2_133-.Ltmp70, $4  }
0x7a9: {  	v23 =	vld [tilespmem:s1+$0xFFFFFFE0]  }
0x7aa: {  	v19 =	vshrl.u32 v25, $0x1E;
	_, v20, vm0 =	vpop (xrf1);
	[tilespmem:v10+s20+$0x0] =	vst.idx.add.s32.msk vm1, v21;
	v10 =	vmov v15;
	v15 =	vmov v18  }
0x7ab: {  	v18 =	vshrl.u32 v24, $0x1E;
	v19 =	vxor.u32 $0x1F, v19;
	_, v21, vm1 =	vpop (xrf1);
	[tilespmem:v12+s20+$0x0] =	vst.idx.add.s32.msk vm2, v22;
	v12 =	vmov v26  }
0x7ac: {  	s1 =	sadd.s32 $0x40, s1;
	v18 =	vxor.u32 $0x1F, v18;
	v24 =	vshrl.u32 v29, $0x1E;
	(xrf1) =	vunique.msk.u32 $0xffff, v19;
	_, v22, vm2 =	vpop (xrf1);
	[tilespmem:v27+s20+$0x0] =	vst.idx.add.s32.msk vm3, v28  }
0x7ad: {  	_ = 	snop  }
0x7ae: {  	v24 =	vxor.u32 $0x1F, v24;
	(xrf1) =	vunique.msk.u32 $0xffff, v18;
	v23 =	vshrl.u32 v23, $0x1E  }
0x7af: {  	(xrf1) =	vunique.msk.u32 $0xffff, v24;
	v23 =	vxor.u32 $0x1F, v23  }
0x7b0: {  	(xrf1) =	vunique.msk.u32 $0xffff, v23;
	_ =	sdelay $0x5  }
0x7b1: {  	_, v25, vm3 =	vpop (xrf1)  }
0x7b2: {  	_, v26, vm4 =	vpop (xrf1)  }
0x7b3: {  	_, v27, vm5 =	vpop (xrf1)  }
0x7b4: {  	[tilespmem:v11+s20+$0x0] =	vst.idx.add.s32.msk vm0, v20;
	_, v11, vm0 =	vpop (xrf1)  }
0x7b5: {  	[tilespmem:v10+s20+$0x0] =	vst.idx.add.s32.msk vm1, v21;
	_, v10, vm1 =	vpop (xrf1)  }
0x7b6: {  	[tilespmem:v12+s20+$0x0] =	vst.idx.add.s32.msk vm2, v22;
	_, v12, vm2 =	vpop (xrf1)  }
0x7b7: {  	[tilespmem:v13+s20+$0x0] =	vst.idx.add.s32.msk vm3, v25;
	_, v13, vm3 =	vpop (xrf1)  }
0x7b8: {  	[tilespmem:v14+s20+$0x0] =	vst.idx.add.s32.msk vm4, v26;
	_, v14, vm4 =	vpop (xrf1)  }
0x7b9: {  	[tilespmem:v15+s20+$0x0] =	vst.idx.add.s32.msk vm5, v27;
	_, v15, vm5 =	vpop (xrf1)  }
0x7ba: {  	[tilespmem:v16+s20+$0x0] =	vst.idx.add.s32.msk vm0, v11  }
0x7bb: {  	[tilespmem:v17+s20+$0x0] =	vst.idx.add.s32.msk vm1, v10  }
0x7bc: {  	[tilespmem:v19+s20+$0x0] =	vst.idx.add.s32.msk vm2, v12  }
0x7bd: {  	[tilespmem:v18+s20+$0x0] =	vst.idx.add.s32.msk vm3, v13  }
0x7be: {  	[tilespmem:v24+s20+$0x0] =	vst.idx.add.s32.msk vm4, v14  }
0x7bf: {  	[tilespmem:v23+s20+$0x0] =	vst.idx.add.s32.msk vm5, v15  }
0x7c0: {  	v10 =	vld [tilespmem:$0xAE80];
	_ =	sdelay $0x4  }
0x7c1: {  	(xrf0) =	vadd.scan.msk.s32 $0xffff, v10;
	_ =	sdelay $0x1  }
0x7c2: {  	v11 =	vld [tilespmem:$0xAE90];
	_ =	sdelay $0x3  }
0x7c3: {  	v60, _, _ =	vpop (xrf0)  }
0x7c4: {  	(xrf0) =	vadd.scan.msk.s32 $0xffff, v11;
	v61 =	vxor.u32 $0x80000000, v60  }
0x7c5: {  	(xrf0) =	vmax.scan.msk.u32 $0xffff, v61;
	_ =	sdelay $0x4  }
0x7c6: {  	v62, _, _ =	vpop (xrf0)  }
0x7c7: {  	v63, _, _ =	vpop (xrf0)  }
0x7c8: {  	(v2sf) =	vpush v63, $0xF;
	_ =	sdelay $0xe  }
0x7c9: {  	s0 =	spop (v2sf)  }
0x7ca: {  	v10 =	vsub.s32 v60, v10;
	v11 =	vsub.s32 v62, v11;
	s0 =	sxor.u32 $0x80000000, s0  }
0x7cb: {  	[tilespmem:$0xAF00] =	vst v10;
	v10 =	vadd.s32 s0, v11  }
0x7cc: {  	s0 =	simm.s32 $0x0;
	[tilespmem:$0xAF10] =	vst v10  }
.LBB2_135:
0x7cd: {  	s1 =	sshra.s32 s0, $0x2  }
0x7ce: {  	v10 =	vld [tilespmem:s1+$0xA000];
	_ =	sdelay $0x4  }
0x7cf: {  	v11 =	vshrl.u32 v10, $0x1E  }
0x7d0: {  	v11 =	vxor.u32 $0x1F, v11  }
0x7d1: {  	(xrf1) =	vunique.msk.u32 $0xffff, v11;
	_ =	sdelay $0x9  }
0x7d2: {  	v12 =	vld.idx.msk [tilespmem:v11+s21+$0x0], $0xffff;
	_ =	sdelay $0x3  }
0x7d3: {  	_, v13, vm0 =	vpop (xrf1)  }
0x7d4: {  	v12 =	vadd.s32 v12, v13  }
0x7d5: {  	v13 =	vadd.s32 $0xFFFFFFFF, v12  }
0x7d6: {  	v14 =	vld [tilespmem:s1+$0xA180]  }
0x7d7: {  	p1 =	sne.s32 s0, $0x3C0  }
.Ltmp71:
0x7d8: {  	_ = 	snop;
	(pc) =	sbr.rel @p1 .LBB2_135-.Ltmp71, $4  }
0x7d9: {  	_ = 	snop  }
0x7da: {  	[tilespmem:v13+s22+$0x0] =	vst.idx.msk $0xffff, v10  }
0x7db: {  	[tilespmem:v13+s23+$0x0] =	vst.idx.msk $0xffff, v14  }
0x7dc: {  	s0 =	sadd.s32 $0x40, s0;
	[tilespmem:v11+s21+$0x0] =	vst.idx.msk vm0, v12  }
0x7dd: {  	s0 =	simm.s32 $0xA320  }
0x7de: {  	v10 =	vld [tilespmem:s0+$0x0];
	_ =	sdelay $0x3  }
0x7df: {  	s1 =	simm.s32 $0xAFA0;
	v11 =	vld [tilespmem:s0+$0x10]  }
0x7e0: {  	s3 =	simm.s32 $0xA4A0;
	v14 =	vld [tilespmem:s0+$0xFFFFFFE0];
	[tilespmem:s1+$0x0] =	vst v10  }
0x7e1: {  	v15 =	vld [tilespmem:s3+$0x0]  }
0x7e2: {  	v16 =	vld [tilespmem:s0+$0xFFFFFFF0];
	s0 =	simm.s32 $0xA360  }
0x7e3: {  	v13 =	vld [tilespmem:s0+$0xFFFFFFE0]  }
0x7e4: {  	v17 =	vld [tilespmem:s0+$0x0]  }
0x7e5: {  	v12 =	vld [tilespmem:s0+$0xFFFFFFF0]  }
0x7e6: {  	v10 =	vld [tilespmem:s0+$0x10];
	[tilespmem:s1+$0x10] =	vst v11  }
0x7e7: {  	[tilespmem:s1+$0xFFFFFFE0] =	vst v14;
	v11 =	vld [tilespmem:s3+$0x10]  }
0x7e8: {  	[tilespmem:s1+$0xFFFFFFF0] =	vst v16;
	v14 =	vld [tilespmem:s3+$0xFFFFFFE0]  }
0x7e9: {  	s1 =	simm.s32 $0xAFE0;
	[tilespmem:v15+s14+$0x0] =	vst.idx.add.f32.msk $0xffff, v8  }
0x7ea: {  	s4 =	simm.s32 $0x4;
	[tilespmem:s1+$0x0] =	vst v17;
	v15 =	vld [tilespmem:s3+$0xFFFFFFF0];
	s3 =	simm.s32 $0xA4E0  }
.LBB2_137:
0x7eb: {  	s4 =	sadd.s32 $0x4, s4;
	[tilespmem:s1+$0xFFFFFFE0] =	vst v13;
	v16 =	vld [tilespmem:s3+$0x0];
	s0 =	sadd.s32 $0x40, s0  }
0x7ec: {  	p1 =	slt.u32 s4, $0xC;
	[tilespmem:s1+$0x10] =	vst v10;
	v10 =	vld [tilespmem:s0+$0x10]  }
0x7ed: {  	v13 =	vld [tilespmem:s0+$0xFFFFFFE0];
	[tilespmem:s1+$0xFFFFFFF0] =	vst v12  }
0x7ee: {  	v17 =	vld [tilespmem:s0+$0x0]  }
0x7ef: {  	v12 =	vld [tilespmem:s0+$0xFFFFFFF0]  }
0x7f0: {  	[tilespmem:v14+s14+$0x0] =	vst.idx.add.f32.msk $0xffff, v8  }
0x7f1: {  	[tilespmem:v11+s14+$0x0] =	vst.idx.add.f32.msk $0xffff, v8  }
.Ltmp72:
0x7f2: {  	[tilespmem:v15+s14+$0x0] =	vst.idx.add.f32.msk $0xffff, v8;
	(pc) =	sbr.rel @p1 .LBB2_137-.Ltmp72, $4  }
0x7f3: {  	v11 =	vld [tilespmem:s3+$0x10]  }
0x7f4: {  	v14 =	vld [tilespmem:s3+$0xFFFFFFE0]  }
0x7f5: {  	s1 =	sadd.s32 $0x40, s1;
	[tilespmem:v16+s14+$0x0] =	vst.idx.add.f32.msk $0xffff, v8  }
0x7f6: {  	[tilespmem:s1+$0x0] =	vst v17;
	v15 =	vld [tilespmem:s3+$0xFFFFFFF0];
	s3 =	sadd.s32 $0x40, s3  }
0x7f7: {  	_ = 	snop  }
0x7f8: {  	[tilespmem:s1+$0xFFFFFFE0] =	vst v13;
	v62 =	vld [tilespmem:s3+$0x0]  }
0x7f9: {  	[tilespmem:s1+$0x10] =	vst v10;
	v10 =	vld [tilespmem:s3+$0xFFFFFFE0];
	_ =	sdelay $0x1  }
0x7fa: {  	[tilespmem:s1+$0xFFFFFFF0] =	vst v12;
	v63 =	vld [tilespmem:s3+$0x10]  }
0x7fb: {  	v16 =	vld [tilespmem:s3+$0xFFFFFFF0]  }
0x7fc: {  	[tilespmem:v11+s14+$0x0] =	vst.idx.add.f32.msk $0xffff, v8  }
0x7fd: {  	[tilespmem:v14+s14+$0x0] =	vst.idx.add.f32.msk $0xffff, v8  }
0x7fe: {  	[tilespmem:v15+s14+$0x0] =	vst.idx.add.f32.msk $0xffff, v8  }
0x7ff: {  	[tilespmem:v62+s14+$0x0] =	vst.idx.add.f32.msk $0xffff, v8  }
0x800: {  	[tilespmem:v10+s14+$0x0] =	vst.idx.add.f32.msk $0xffff, v8  }
0x801: {  	s0 =	rddreg [dreg:$0xa]  }
0x802: {  	s0 =	sadd.s32 s0, s2  }
0x803: {  	s28 =	rddreg [dreg:$0x2];
	[tilespmem:v63+s14+$0x0] =	vst.idx.add.f32.msk $0xffff, v8;
	s0 =	sshrl.u32 s0, $0x3  }
0x804: {  	s29 =	simm.s32 $0xAF80;
	s3 =	simm.s32 $0x80;
	[tilespmem:v16+s14+$0x0] =	vst.idx.add.f32.msk $0xffff, v8;
	s1 =	sadd.s32 s28, s0  }
0x805: {  	[hbm4b:s1+s3] =	stream.strided.scatter [tilespmem:s29], [sflag:$0x1], $0x100, s5, s3, $0x38;
	[tilespmem:$0xD500] =	vst v63  }
0x806: {  	_ =	swait.ge [sflag:s15], $0x100  }
0x807: {  	[sflag:s15] =	ssyncset.done $0x0  }
0x808: {  	[sflag:s15] =	ssyncadd.s32 $0xFFFFFF00  }
0x809: {  	s31 =	sadd.s32 $0x1, s31;
	s30 =	rddreg [dreg:$0x3]  }
0x80a: {  	p1 =	sne.s32 s31, $0x8;
	s0 =	sadd.s32 s30, s0  }
0x80b: {  	[hbm4b:s0+s3] =	stream.strided.scatter [tilespmem:s23], [sflag:$0x1], $0x100, s5, s3, $0x38;
	[tilespmem:$0xD500] =	vst v63  }
.Ltmp73:
0x80c: {  	_ = 	snop;
	(pc) =	sbr.rel @p1 .LBB2_2-.Ltmp73, $4  }
.Ltmp74:
0x80d: {  	_ = 	snop;
	(pc) =	sbr.rel @!p1 .LBB2_139-.Ltmp74, $4  }
0x80e: {  	_ =	swait.ge [sflag:s15], $0x100  }
0x80f: {  	[sflag:s15] =	ssyncset.done $0x0  }
0x810: {  	[sflag:s15] =	ssyncadd.s32 $0xFFFFFF00  }
0x811: {  	_ = 	snop  }
.LBB2_16:
.Ltmp75:
0x812: {  	(pc) =	sbr.rel .LBB2_25-.Ltmp75, $2  }
0x813: {  	_ =	sdelay $0x2  }
0x814: {  	_ = 	snop  }
.LBB2_38:
.Ltmp76:
0x815: {  	(pc) =	sbr.rel .LBB2_45-.Ltmp76, $2  }
0x816: {  	_ =	sdelay $0x2  }
0x817: {  	s30 =	simm.s32 $0x4010  }
.LBB2_36:
.Ltmp77:
0x818: {  	(pc) =	sbr.rel .LBB2_54-.Ltmp77, $2  }
0x819: {  	_ =	sdelay $0x2  }
0x81a: {  	_ = 	snop  }
.LBB2_67:
.Ltmp78:
0x81b: {  	(pc) =	sbr.rel .LBB2_74-.Ltmp78, $2  }
0x81c: {  	_ =	sdelay $0x2  }
0x81d: {  	s30 =	simm.s32 $0x8010  }
.LBB2_65:
.Ltmp79:
0x81e: {  	(pc) =	sbr.rel .LBB2_85-.Ltmp79, $2  }
0x81f: {  	_ =	sdelay $0x2  }
0x820: {  	_ = 	snop  }
.LBB2_96:
.Ltmp80:
0x821: {  	(pc) =	sbr.rel .LBB2_103-.Ltmp80, $2  }
0x822: {  	_ =	sdelay $0x2  }
0x823: {  	v12 =	vmov v16;
	s30 =	simm.s32 $0x0;
	s0 =	simm.s32 $0x4010;
	s11 =	smov.u32 s4  }
.LBB2_94:
.Ltmp81:
0x824: {  	(pc) =	sbr.rel .LBB2_107-.Ltmp81, $2  }
0x825: {  	_ =	sdelay $0x2  }
0x826: {  	s4 =	smov.u32 s1;
	s6 =	simm.s32 $0x8000;
	s5 =	smov.u32 s0  }
.LBB2_18:
.Ltmp82:
0x827: {  	(pc) =	sbr.rel .LBB2_25-.Ltmp82, $2  }
0x828: {  	_ =	sdelay $0x2  }
0x829: {  	v14 =	vmov v11;
	v15 =	vmov v12  }
.LBB2_40:
.Ltmp83:
0x82a: {  	(pc) =	sbr.rel .LBB2_45-.Ltmp83, $2  }
0x82b: {  	_ =	sdelay $0x2  }
0x82c: {  	v10 =	vmovc v11;
	v19 =	vmov v14;
	v11 =	vmov v13;
	s30 =	simm.s32 $0x4010;
	v14 =	vmov v15  }
.LBB2_47:
.Ltmp84:
0x82d: {  	(pc) =	sbr.rel .LBB2_54-.Ltmp84, $2  }
0x82e: {  	_ =	sdelay $0x2  }
0x82f: {  	v14 =	vmov v11;
	v15 =	vmov v12  }
.LBB2_69:
.Ltmp85:
0x830: {  	(pc) =	sbr.rel .LBB2_74-.Ltmp85, $2  }
0x831: {  	_ =	sdelay $0x2  }
0x832: {  	v10 =	vmovc v11;
	v19 =	vmov v14;
	v11 =	vmov v13;
	s30 =	simm.s32 $0x8010;
	v14 =	vmov v15  }
.LBB2_76:
.Ltmp86:
0x833: {  	(pc) =	sbr.rel .LBB2_85-.Ltmp86, $2  }
0x834: {  	_ =	sdelay $0x2  }
0x835: {  	v16 =	vmov v13;
	v14 =	vmov v15  }
.LBB2_98:
.Ltmp87:
0x836: {  	(pc) =	sbr.rel .LBB2_103-.Ltmp87, $2  }
0x837: {  	_ =	sdelay $0x2  }
0x838: {  	v10 =	vmov v11;
	s30 =	simm.s32 $0x0;
	v12 =	vmov v14;
	s0 =	simm.s32 $0x4010;
	s11 =	smov.u32 s4;
	v11 =	vmov v15  }
.LBB2_105:
.Ltmp88:
0x839: {  	(pc) =	sbr.rel .LBB2_107-.Ltmp88, $2  }
0x83a: {  	_ =	sdelay $0x2  }
0x83b: {  	s4 =	smov.u32 s1;
	s6 =	simm.s32 $0x8000;
	s5 =	smov.u32 s0  }
.LBB2_20:
.Ltmp89:
0x83c: {  	(pc) =	sbr.rel .LBB2_25-.Ltmp89, $2  }
0x83d: {  	_ =	sdelay $0x2  }
0x83e: {  	vm6 =	vmmov vm3;
	v24 =	vmovc v11;
	v25 =	vmov v12;
	vm7 =	vmmov vm4  }
.LBB2_42:
.Ltmp90:
0x83f: {  	(pc) =	sbr.rel .LBB2_45-.Ltmp90, $2  }
0x840: {  	_ =	sdelay $0x2  }
0x841: {  	v12 =	vmovc v11;
	v10 =	vmovc v13;
	v11 =	vmov v19;
	v19 =	vmov v15;
	v14 =	vmov v17  }
.LBB2_49:
.Ltmp91:
0x842: {  	(pc) =	sbr.rel .LBB2_54-.Ltmp91, $2  }
0x843: {  	_ =	sdelay $0x2  }
0x844: {  	vm6 =	vmmov vm3;
	v24 =	vmovc v11;
	v25 =	vmov v12;
	vm7 =	vmmov vm4  }
.LBB2_71:
.Ltmp92:
0x845: {  	(pc) =	sbr.rel .LBB2_74-.Ltmp92, $2  }
0x846: {  	_ =	sdelay $0x2  }
0x847: {  	v12 =	vmovc v11;
	v10 =	vmovc v13;
	v11 =	vmov v19;
	v19 =	vmov v15;
	v14 =	vmov v17  }
.LBB2_78:
.Ltmp93:
0x848: {  	(pc) =	sbr.rel .LBB2_85-.Ltmp93, $2  }
0x849: {  	_ =	sdelay $0x2  }
0x84a: {  	v16 =	vmovc v18;
	v28 =	vmov v15;
	v14 =	vmov v17;
	v20 =	vmov v13  }
.LBB2_100:
.Ltmp94:
0x84b: {  	(pc) =	sbr.rel .LBB2_103-.Ltmp94, $2  }
0x84c: {  	_ =	sdelay $0x2  }
0x84d: {  	v13 =	vmovc v11;
	s30 =	simm.s32 $0x0;
	vm10 =	vmmov vm11;
	s0 =	simm.s32 $0x4010;
	s11 =	smov.u32 s4;
	v10 =	vmovc v15;
	v16 =	vmov v14;
	v11 =	vmov v18  }
.LBB2_22:
.Ltmp95:
0x84e: {  	(pc) =	sbr.rel .LBB2_25-.Ltmp95, $3  }
0x84f: {  	_ =	sdelay $0x1  }
0x850: {  	v24 =	vmov v14  }
0x851: {  	v25 =	vmovc v15;
	v18 =	vmovc v11;
	v14 =	vmov v23;
	v19 =	vmov v12;
	v15 =	vmov v22  }
.LBB2_51:
.Ltmp96:
0x852: {  	(pc) =	sbr.rel .LBB2_54-.Ltmp96, $3  }
0x853: {  	_ =	sdelay $0x1  }
0x854: {  	v24 =	vmov v14  }
0x855: {  	v25 =	vmovc v15;
	v18 =	vmovc v11;
	v14 =	vmov v23;
	v19 =	vmov v12;
	v15 =	vmov v22  }
.LBB2_80:
.Ltmp97:
0x856: {  	(pc) =	sbr.rel .LBB2_85-.Ltmp97, $4  }
0x857: {  	_ = 	snop  }
0x858: {  	v16 =	vmov v20;
	vm11 =	vmmov vm4  }
0x859: {  	vm12 =	vmmov vm6;
	v25 =	vmovc v15;
	v28 =	vmovc v17;
	v22 =	vmov v23;
	v27 =	vmov v24  }
0x85a: {  	vm5 =	vmmov vm7;
	vm8 =	vmmov vm9;
	vm10 =	vmmov vm3;
	v26 =	vmovc v13;
	v20 =	vmovc v18  }
.LBB2_82:
.Ltmp98:
0x85b: {  	(pc) =	sbr.rel .LBB2_85-.Ltmp98, $3  }
0x85c: {  	_ =	sdelay $0x1  }
0x85d: {  	v28 =	vmov v14  }
0x85e: {  	v21 =	vmovc v24;
	v19 =	vmovc v15;
	v25 =	vmov v17;
	v14 =	vmov v29;
	v26 =	vmov v18  }
.LBB2_140:
0x85f: {  	s0 =	rddreg [dreg:$0x8]  }
0x860: {  	[tilespmem:s14], [sflag:$0x1] =	stream.linear.gather [spmem:s0], $0x2000, $0x38;
	[tilespmem:$0xD500] =	vst v63  }
0x861: {  	_ =	swait.ge [sflag:s15], $0x2000  }
0x862: {  	s31 =	simm.s32 $0x0;
	[sflag:s15] =	ssyncset.done $0x0  }
0x863: {  	s1 =	simm.s32 $0x0;
	v10 =	vor.u32 s31, v0;
	s2 =	rddreg [dreg:$0xb];
	[sflag:s15] =	ssyncadd.s32 $0xFFFFE000  }
0x864: {  	[hbm4b:s2+s1] =	stream.linear.scatter [tilespmem:s14], [sflag:$0x1], $0x2000, $0x38;
	[tilespmem:$0xD500] =	vst v63  }
0x865: {  	v16 =	vor.u32 $0x10, v0;
	_ =	swait.ge [sflag:s15], $0x2000  }
0x866: {  	v11 =	vor.u32 s31, v16;
	[sflag:s15] =	ssyncset.done $0x0  }
0x867: {  	v15 =	vor.u32 $0x20, v0;
	[sflag:s15] =	ssyncadd.s32 $0xFFFFE000  }
0x868: {  	v12 =	vor.u32 s31, v15;
	v17 =	vld.idx.msk [tilespmem:v10+s14+$0x0], $0xffff  }
0x869: {  	v14 =	vor.u32 $0x30, v0  }
0x86a: {  	v18 =	vor.u32 s31, v14  }
0x86b: {  	v13 =	vor.u32 $0x40, v0;
	v19 =	vld.idx.msk [tilespmem:v11+s14+$0x0], $0xffff  }
0x86c: {  	v20 =	vor.u32 s31, v13;
	v10 =	vor.u32 $0x50, v0  }
0x86d: {  	v23 =	vld.idx.msk [tilespmem:v12+s14+$0x0], $0xffff;
	v24 =	vor.u32 s31, v10;
	vm0 =	vgt.f32 v17, $0.0e+00  }
0x86e: {  	v12 =	vimm.f32 $0.0e+00;
	v11 =	vor.u32 $0x60, v0;
	v21 =	vsel vm0, $0x3F800000, v9  }
0x86f: {  	v17 =	vld.idx.msk [tilespmem:v18+s14+$0x0], $0xffff;
	v22 =	vadd.f32 v21, v12;
	v21 =	vor.u32 s31, v11  }
0x870: {  	vm0 =	vgt.f32 v19, $0.0e+00;
	v12 =	vor.u32 $0x70, v0  }
0x871: {  	v18 =	vld.idx.msk [tilespmem:v20+s14+$0x0], $0xffff;
	v20 =	vsel vm0, $0x3F800000, v9;
	v19 =	vor.u32 s31, v12  }
0x872: {  	s0 =	simm.s32 $0x80;
	s1 =	simm.s32 $0x2;
	vm0 =	vgt.f32 v23, $0.0e+00;
	v22 =	vadd.f32 v20, v22;
	v20 =	vld.idx.msk [tilespmem:v24+s14+$0x0], $0xffff  }
.LBB2_141:
0x873: {  	p1 =	sne.s32 s1, $0x3F;
	v23 =	vor.u32 s0, v0;
	v24 =	vsel vm0, $0x3F800000, v9  }
0x874: {  	vm0 =	vgt.f32 v17, $0.0e+00;
	v22 =	vadd.f32 v24, v22;
	v17 =	vld.idx.msk [tilespmem:v21+s14+$0x0], $0xffff  }
0x875: {  	v21 =	vor.u32 s0, v16;
	v24 =	vsel vm0, $0x3F800000, v9  }
0x876: {  	vm0 =	vgt.f32 v18, $0.0e+00;
	v22 =	vadd.f32 v24, v22;
	v18 =	vld.idx.msk [tilespmem:v19+s14+$0x0], $0xffff  }
0x877: {  	v19 =	vor.u32 s0, v15;
	v24 =	vsel vm0, $0x3F800000, v9  }
0x878: {  	vm0 =	vgt.f32 v20, $0.0e+00;
	v23 =	vld.idx.msk [tilespmem:v23+s14+$0x0], $0xffff;
	v22 =	vadd.f32 v24, v22  }
0x879: {  	v20 =	vor.u32 s0, v14;
	v24 =	vsel vm0, $0x3F800000, v9  }
0x87a: {  	vm0 =	vgt.f32 v17, $0.0e+00;
	v25 =	vld.idx.msk [tilespmem:v21+s14+$0x0], $0xffff;
	v21 =	vadd.f32 v24, v22  }
0x87b: {  	v22 =	vor.u32 s0, v13;
	v17 =	vsel vm0, $0x3F800000, v9  }
0x87c: {  	vm0 =	vgt.f32 v18, $0.0e+00;
	v24 =	vld.idx.msk [tilespmem:v19+s14+$0x0], $0xffff;
	v19 =	vadd.f32 v17, v21  }
0x87d: {  	v26 =	vor.u32 s0, v10;
	v18 =	vsel vm0, $0x3F800000, v9  }
.Ltmp99:
0x87e: {  	vm0 =	vgt.f32 v23, $0.0e+00;
	v17 =	vld.idx.msk [tilespmem:v20+s14+$0x0], $0xffff;
	v18 =	vadd.f32 v18, v19;
	(pc) =	sbr.rel @p1 .LBB2_141-.Ltmp99, $4  }
0x87f: {  	v21 =	vor.u32 s0, v11;
	v19 =	vsel vm0, $0x3F800000, v9  }
0x880: {  	vm0 =	vgt.f32 v25, $0.0e+00;
	v20 =	vadd.f32 v19, v18;
	v18 =	vld.idx.msk [tilespmem:v22+s14+$0x0], $0xffff  }
0x881: {  	v22 =	vsel vm0, $0x3F800000, v9;
	v19 =	vor.u32 s0, v12  }
0x882: {  	s0 =	sshll.u32 s1, $0x7;
	s1 =	sadd.s32 $0x1, s1;
	vm0 =	vgt.f32 v24, $0.0e+00;
	v22 =	vadd.f32 v22, v20;
	v20 =	vld.idx.msk [tilespmem:v26+s14+$0x0], $0xffff  }
0x883: {  	_ =	sdelay $0x1  }
0x884: {  	v23 =	vsel vm0, $0x3F800000, v9  }
0x885: {  	v24 =	vor.u32 s0, v0;
	vm15 =	vgt.f32 v17, $0.0e+00;
	v22 =	vadd.f32 v23, v22  }
0x886: {  	v57 =	vld.idx.msk [tilespmem:v21+s14+$0x0], $0xffff;
	v58 =	vsel vm15, $0x3F800000, v9  }
0x887: {  	v16 =	vor.u32 s0, v16;
	vm4 =	vgt.f32 v18, $0.0e+00;
	v21 =	vadd.f32 v58, v22  }
0x888: {  	v59 =	vld.idx.msk [tilespmem:v19+s14+$0x0], $0xffff;
	v60 =	vsel vm4, $0x3F800000, v9  }
0x889: {  	v15 =	vor.u32 s0, v15;
	vm5 =	vgt.f32 v20, $0.0e+00;
	v19 =	vadd.f32 v60, v21  }
0x88a: {  	v61 =	vld.idx.msk [tilespmem:v24+s14+$0x0], $0xffff;
	v62 =	vsel vm5, $0x3F800000, v9  }
0x88b: {  	v14 =	vor.u32 s0, v14;
	vm6 =	vgt.f32 v57, $0.0e+00;
	v19 =	vadd.f32 v62, v19  }
0x88c: {  	v16 =	vld.idx.msk [tilespmem:v16+s14+$0x0], $0xffff;
	v17 =	vsel vm6, $0x3F800000, v9  }
0x88d: {  	v13 =	vor.u32 s0, v13;
	vm7 =	vgt.f32 v59, $0.0e+00;
	v17 =	vadd.f32 v17, v19  }
0x88e: {  	v15 =	vld.idx.msk [tilespmem:v15+s14+$0x0], $0xffff;
	v18 =	vsel vm7, $0x3F800000, v9  }
0x88f: {  	v10 =	vor.u32 s0, v10;
	vm8 =	vgt.f32 v61, $0.0e+00;
	v17 =	vadd.f32 v18, v17  }
0x890: {  	v14 =	vld.idx.msk [tilespmem:v14+s14+$0x0], $0xffff;
	v63 =	vsel vm8, $0x3F800000, v9  }
0x891: {  	v11 =	vor.u32 s0, v11;
	vm9 =	vgt.f32 v16, $0.0e+00;
	v17 =	vadd.f32 v63, v17  }
0x892: {  	v13 =	vld.idx.msk [tilespmem:v13+s14+$0x0], $0xffff;
	v16 =	vsel vm9, $0x3F800000, v9  }
0x893: {  	v12 =	vor.u32 s0, v12;
	vm10 =	vgt.f32 v15, $0.0e+00;
	v16 =	vadd.f32 v16, v17  }
0x894: {  	v10 =	vld.idx.msk [tilespmem:v10+s14+$0x0], $0xffff;
	v15 =	vsel vm10, $0x3F800000, v9  }
0x895: {  	vm11 =	vgt.f32 v14, $0.0e+00;
	v15 =	vadd.f32 v15, v16  }
0x896: {  	v11 =	vld.idx.msk [tilespmem:v11+s14+$0x0], $0xffff;
	v14 =	vsel vm11, $0x3F800000, v9  }
0x897: {  	vm12 =	vgt.f32 v13, $0.0e+00;
	v14 =	vadd.f32 v14, v15  }
0x898: {  	v12 =	vld.idx.msk [tilespmem:v12+s14+$0x0], $0xffff;
	v13 =	vsel vm12, $0x3F800000, v9  }
0x899: {  	vm13 =	vgt.f32 v10, $0.0e+00;
	v13 =	vadd.f32 v13, v14  }
0x89a: {  	v10 =	vsel vm13, $0x3F800000, v9  }
0x89b: {  	vm14 =	vgt.f32 v11, $0.0e+00;
	v10 =	vadd.f32 v10, v13  }
0x89c: {  	v11 =	vsel vm14, $0x3F800000, v9  }
0x89d: {  	vm15 =	vgt.f32 v12, $0.0e+00;
	v10 =	vadd.f32 v11, v10  }
0x89e: {  	v11 =	vsel vm15, $0x3F800000, v9  }
0x89f: {  	v10 =	vadd.f32 v11, v10;
	_ =	sdelay $0x1  }
0x8a0: {  	(xrf2) =	vadd.scan.msk.f32 $0xffff, v10;
	_ =	sdelay $0x9  }
0x8a1: {  	v10, _, _ =	vpop (xrf2)  }
0x8a2: {  	(v2sf) =	vpush v10, $0xF;
	_ =	sdelay $0xe  }
0x8a3: {  	s30 =	spop (v2sf)  }
0x8a4: {  	s0 =	smul.f32 $1.220703130e-04, s30;
	_ =	sdelay $0x1  }
0x8a5: {  	v10 =	vmov s0  }
0x8a6: {  	[tilespmem:$0xAF80] =	vst v10  }
0x8a7: {  	[tilespmem:$0xAF90] =	vst v10  }
0x8a8: {  	[tilespmem:$0xAFA0] =	vst v10  }
0x8a9: {  	[tilespmem:$0xAFB0] =	vst v10  }
0x8aa: {  	[tilespmem:$0xAFC0] =	vst v10  }
0x8ab: {  	[tilespmem:$0xAFD0] =	vst v10  }
0x8ac: {  	s31 =	simm.s32 $0x0;
	[tilespmem:$0xAFE0] =	vst v10  }
.Ltmp100:
0x8ad: {  	s1 =	rddreg [dreg:$0xc];
	s2 =	simm.s32 $0xAF80;
	[tilespmem:$0xAFF0] =	vst v10;
	(pc) =	sbr.rel .LBB2_143-.Ltmp100, $4  }
0x8ae: {  	[hbm4b:s1+s31] =	stream.linear.scatter [tilespmem:s2], [sflag:$0x1], $0x80, $0x38;
	[tilespmem:$0xD500] =	vst v63  }
0x8af: {  	_ =	swait.ge [sflag:s15], $0x80  }
0x8b0: {  	[sflag:s15] =	ssyncset.done $0x0  }
0x8b1: {  	s1 =	rddreg [dreg:$0xe];
	[sflag:s15] =	ssyncadd.s32 $0xFFFFFF80  }
.LBB2_144:
0x8b2: {  	_ =	sfence.sel $0x180000  }
0x8b3: {  	[bflag:$0x0] =	sbarrier.arrive $0xFFFF  }
0x8b4: {  	_ =	strace $0x90000047  }
0x8b5: {  	s0 =	stileid.u32;
	[bflag:$0x2] =	sbarrier.arrive $0xFFFF  }
0x8b6: {  	p0 =	sne.s32 s0, $0x0;
	s0 =	rddreg [dreg:$0x7]  }
0x8b7: {  	s0 =	sadd.s32 @!p0 $0x100000, s0  }
0x8b8: {  	[sflag:s0] =	ssyncadd.tile.s32 @!p0 $0x1;
	_ =	shalt  }
.Lfunc_end2:
_tile_overlayer_lowered:
.L_overlay_start_2:
0x8b9: {  	(tag) =	ssettag $0x2  }
0x8ba: {  	s0 =	rddreg [dreg:$0x0];
	s2 =	stileid.u32  }
0x8bb: {  	s1 =	rddreg [dreg:$0x1];
	p0 =	sne.s32 s2, $0x0  }
0x8bc: {  	s3 =	rddreg [dreg:$0x2];
	[bflag:$0x3] =	sbarrier.arrive $0xFFFF;
	s2 =	simm.s32 @!p0 $0x1C01  }
0x8bd: {  	[timem:s3], [sflag:s2] =	dma.local @!p0 [hbm:s0], s1  }
0x8be: {  	s0 =	simm.s32 @!p0 $0x1  }
0x8bf: {  	_ =	swait.ge @!p0 [sflag:s0], s1  }
0x8c0: {  	s1 =	ssub.s32 @!p0 $0x0, s1;
	[sflag:s0] =	ssyncset.done @!p0 $0x0  }
0x8c1: {  	[sflag:s0] =	ssyncadd.s32 @!p0 s1  }
0x8c2: {  	[bflag:$0x3] =	sbarrier.arrive $0xFFFF  }
0x8c3: {  	_ =	shalt  }

</sc_bundles>
